<compile_context>
chip_gen: v7x
topology: tpu7x:2x2x1
jax: 0.10.2.dev20260603
libtpu: 0.0.44.dev20260713+nightly
codegen_flags: <defaults>
</compile_context>

<pallas_src>
import jax
import jax.numpy as jnp
from jax import lax
from jax.experimental import pallas as pl
from jax.experimental.pallas import tpu as pltpu
from jax.experimental.pallas import tpu_sc as plsc

B, P, T = 16, 4000, 32
LINED = 72
BIG = 100000000.0
NCHUNK = P // 16


def _cost_body(scal_ref, logits_ref, reg_ref, lines_ref, tlines_ref, tscv_ref,
               masksv_ref, cost_ref, kk_ref, ious_sc):
    wm1 = scal_ref[0, 0]
    wf = scal_ref[0, 1]
    kconst = scal_ref[0, 2]

    lg = logits_ref[0]
    x0 = lg[0:1, :]
    x1 = lg[1:2, :]
    m = jnp.maximum(x0, x1)
    e0 = jnp.exp(x0 - m)
    e1 = jnp.exp(x1 - m)
    p1 = e1 / (e0 + e1)
    c3 = 3.0 * (-jnp.log(jnp.maximum(p1, 1e-8)))

    p2 = reg_ref[0, 0:1, :]
    p3 = reg_ref[0, 1:2, :]
    p4 = reg_ref[0, 2:3, :]
    p2b = jnp.broadcast_to(p2, (8, P))
    p3b = jnp.broadcast_to(p3, (8, P))
    p4b = jnp.broadcast_to(p4, (8, P))
    c3b = jnp.broadcast_to(c3, (8, P))
    lb = lines_ref[0]

    num_gt = jnp.sum(masksv_ref[0])

    def g_body(gi, _):
        g8 = gi * 8
        s_rows = []
        nv_rows = []
        for j in range(8):
            gl = tlines_ref[0, g8 + j]
            gls = gl * wm1
            inv = (gls < 0.0) | (gls >= wf)
            v = jnp.where(inv, 0.0, 1.0)
            ad = jnp.abs(lb - gl.astype(jnp.bfloat16))
            sj = jax.lax.dot_general(
                v.astype(jnp.bfloat16), ad,
                (((0,), (0,)), ((), ())),
                preferred_element_type=jnp.float32)
            s_rows.append(sj)
            nv_rows.append(jnp.sum(v).reshape(1, 1))
        s8 = wm1 * jnp.concatenate(s_rows, axis=0)
        nv8 = jnp.concatenate(nv_rows, axis=0)
        a8 = 30.0 * nv8
        li8 = (a8 - s8) / ((a8 + s8) + 1e-9)
        m8 = tscv_ref[0, pl.ds(g8, 8), 3:4]
        valid8 = m8 > 0.0
        ious_sc[pl.ds(g8, 8), :] = jnp.where(valid8, li8, 0.0)
        x8 = jnp.maximum(li8, 1e-8)
        ic8 = jnp.where(x8 == 1e-8, kconst, -jnp.log(x8))
        i38 = 3.0 * jnp.where(valid8, ic8, 0.0)
        t3c = tscv_ref[0, pl.ds(g8, 8), 0:1]
        t2c = tscv_ref[0, pl.ds(g8, 8), 1:2]
        t4c = tscv_ref[0, pl.ds(g8, 8), 2:3]
        cx = jnp.abs(p3b - t3c)
        cy = jnp.abs(p2b - t2c)
        ct = jnp.abs(p4b - t4c)
        r38 = 3.0 * ((cx + cy) + ct)
        tot8 = ((c3b + r38) + i38) + (100000.0 * jnp.where(valid8, 0.0, 1.0))
        cost_ref[0, pl.ds(g8, 8), :] = tot8
        return 0

    jax.lax.fori_loop(0, T // 8, g_body, 0, unroll=False)

    lane_f = jax.lax.broadcasted_iota(jnp.int32, (T, P), 1).astype(jnp.float32)

    gm = jnp.max(ious_sc[:, :])

    def a_body(s_, acc):
        iv = ious_sc[:, :]
        rm = jnp.max(iv, axis=1, keepdims=True)
        cand = jnp.where(iv == rm, lane_f, 1.0e9)
        am = jnp.min(cand, axis=1, keepdims=True)
        sel = lane_f == am
        ious_sc[:, :] = jnp.where(sel, -jnp.inf, iv)
        return acc + rm

    asteps = jnp.where(gm < 0.2, 0, 10)
    acc = jax.lax.fori_loop(0, asteps, a_body,
                            jnp.zeros((T, 1), jnp.float32))
    ks = jnp.clip(acc.astype(jnp.int32), 1, P)
    gv = (jax.lax.broadcasted_iota(jnp.int32, (T, 1), 0).astype(jnp.float32)
          < num_gt)
    kk_ref[0] = jnp.where(gv, ks, 0)


def _gather16(x, idx):
    dnums = lax.GatherDimensionNumbers(
        offset_dims=(), collapsed_slice_dims=(0,), start_index_map=(0,))
    return lax.gather(x, idx[:, None], dnums, (1,),
                      mode=lax.GatherScatterMode.PROMISE_IN_BOUNDS)


def _allmin16(x, iota16):
    for st in (1, 2, 4, 8):
        x = jnp.minimum(x, _gather16(x, iota16 ^ st))
    return x


def _sc_select(cost_ref, kk_ref, matched_ref, assigned_ref,
               buf0, buf1, kkb, mcost, match, asgb,
               candc, candi, pcandc, pcandi, sharedc, sharedi, sem0, sem1):
    cidx = lax.axis_index("c")
    sidx = lax.axis_index("s")
    b = cidx * 8 + sidx // 2
    half = sidx % 2
    g0off = half * 16
    iota16 = lax.iota(jnp.int32, 16)

    pltpu.sync_copy(kk_ref.at[pl.ds(b * T, T)], kkb.at[pl.ds(0, T)])

    bufs = (buf0, buf1)
    sems = (sem0, sem1)
    pltpu.make_async_copy(
        cost_ref.at[pl.ds(b * T + g0off, 8)], buf0, sem0).start()
    for w in range(2):
        buf = bufs[w % 2]
        pltpu.make_async_copy(
            cost_ref.at[pl.ds(b * T + g0off + w * 8, 8)],
            buf, sems[w % 2]).wait()
        if w < 1:
            pltpu.make_async_copy(
                cost_ref.at[pl.ds(b * T + g0off + (w + 1) * 8, 8)],
                bufs[(w + 1) % 2], sems[(w + 1) % 2]).start()

        def col_body(j, _, w=w, buf=buf):
            g = g0off + w * 8 + j
            kg = kkb[pl.ds(g, 16)][0]
            cbase = (w * 8 + j) * 16

            def round_body(r, carry):
                pv, pi = carry

                def chunk(i, c):
                    bv, bi = c
                    cv = buf[j, pl.ds(i * 16, 16)]
                    iv = iota16 + i * 16
                    ok = (cv > pv) | ((cv == pv) & (iv > pi))
                    cva = jnp.where(ok, cv, jnp.inf)
                    mlt = cva < bv
                    return (jnp.where(mlt, cva, bv),
                            jnp.where(mlt, iv, bi))

                bv, bi = jax.lax.fori_loop(
                    0, NCHUNK, chunk,
                    (jnp.full((16,), jnp.inf, jnp.float32),
                     jnp.full((16,), P, jnp.int32)),
                    unroll=10)
                mval = _allmin16(bv, iota16)
                midx = _allmin16(jnp.where(bv == mval, bi, P), iota16)
                selr = iota16 == r
                cc16 = candc[pl.ds(cbase, 16)]
                candc[pl.ds(cbase, 16)] = jnp.where(selr, mval, cc16)
                ci16 = candi[pl.ds(cbase, 16)]
                candi[pl.ds(cbase, 16)] = jnp.where(selr, midx, ci16)
                return (mval[0], midx[0])

            jax.lax.fori_loop(
                0, kg, round_body,
                (jnp.float32(-jnp.inf), jnp.int32(-1)))
            return 0

        jax.lax.fori_loop(0, 8, col_body, 0)

    @pl.when(half == 1)
    def _publish():
        pltpu.sync_copy(candc.at[pl.ds(0, 256)],
                        sharedc.at[pl.ds(sidx * 256, 256)])
        pltpu.sync_copy(candi.at[pl.ds(0, 256)],
                        sharedi.at[pl.ds(sidx * 256, 256)])

    plsc.subcore_barrier()

    @pl.when(half == 0)
    def _merge():
        pltpu.sync_copy(sharedc.at[pl.ds((sidx + 1) * 256, 256)],
                        pcandc.at[pl.ds(0, 256)])
        pltpu.sync_copy(sharedi.at[pl.ds((sidx + 1) * 256, 256)],
                        pcandi.at[pl.ds(0, 256)])

        def init_body(i, _):
            mcost[pl.ds(i * 16, 16)] = jnp.full((16,), BIG, jnp.float32)
            match[pl.ds(i * 16, 16)] = jnp.full((16,), -1, jnp.int32)
            return 0

        jax.lax.fori_loop(0, NCHUNK + 2, init_body, 0, unroll=8)

        def merge_from(cc_arr, ci_arr, gbase):
            def mg_body(gl, _):
                g = gbase + gl
                kg = kkb[pl.ds(g, 16)][0]

                def r_body(r, _):
                    mval = cc_arr[pl.ds(gl * 16 + r, 16)][0]
                    mi = ci_arr[pl.ds(gl * 16 + r, 16)][0]
                    base = (mi // 16) * 16
                    lanepos = mi - base
                    cur16 = mcost[pl.ds(base, 16)]
                    updm = (iota16 == lanepos) & (mval < cur16)
                    mcost[pl.ds(base, 16)] = jnp.where(updm, mval, cur16)
                    mt16 = match[pl.ds(base, 16)]
                    match[pl.ds(base, 16)] = jnp.where(
                        updm, jnp.full((16,), g, jnp.int32), mt16)
                    return 0

                jax.lax.fori_loop(0, kg, r_body, 0)
                return 0

            jax.lax.fori_loop(0, 16, mg_body, 0)

        merge_from(candc, candi, 0)
        merge_from(pcandc, pcandi, 16)

        def out_body(i, _):
            mv = match[pl.ds(i * 16, 16)]
            asgb[pl.ds(i * 16, 16)] = jnp.where(
                mv >= 0, jnp.full((16,), 1, jnp.int32),
                jnp.full((16,), 0, jnp.int32))
            return 0

        jax.lax.fori_loop(0, NCHUNK, out_body, 0, unroll=8)
        pltpu.sync_copy(match.at[pl.ds(0, P)],
                        matched_ref.at[pl.ds(b * P, P)])
        pltpu.sync_copy(asgb, assigned_ref.at[pl.ds(b * P, P)])


@jax.jit
def _run(preds, targets, masks, img_w_f, wm1_f, kconst):
    logits_t = jnp.transpose(preds[:, :, 0:2], (0, 2, 1))
    reg_t = jnp.transpose(preds[:, :, 2:5], (0, 2, 1))
    lines_bf = jnp.transpose(preds[:, :, 6:], (0, 2, 1)).astype(jnp.bfloat16)
    tlines = targets[:, :, 6:].reshape(B, T, LINED, 1)
    tsc = jnp.stack(
        [targets[:, :, 3], targets[:, :, 2], targets[:, :, 4],
         masks.astype(jnp.float32)], axis=-1)
    masksv = masks.astype(jnp.float32).reshape(B, 1, T)
    scal = jnp.stack([wm1_f, img_w_f, kconst,
                      jnp.float32(0.0)]).reshape(1, 4)

    cost, kk3 = pl.pallas_call(
        _cost_body,
        grid=(B,),
        in_specs=[
            pl.BlockSpec((1, 4), lambda b: (0, 0), memory_space=pltpu.SMEM),
            pl.BlockSpec((1, 2, P), lambda b: (b, 0, 0)),
            pl.BlockSpec((1, 3, P), lambda b: (b, 0, 0)),
            pl.BlockSpec((1, LINED, P), lambda b: (b, 0, 0)),
            pl.BlockSpec((1, T, LINED, 1), lambda b: (b, 0, 0, 0)),
            pl.BlockSpec((1, T, 4), lambda b: (b, 0, 0)),
            pl.BlockSpec((1, 1, T), lambda b: (b, 0, 0)),
        ],
        out_specs=[
            pl.BlockSpec((1, T, P), lambda b: (b, 0, 0)),
            pl.BlockSpec((1, T, 1), lambda b: (b, 0, 0)),
        ],
        out_shape=[
            jax.ShapeDtypeStruct((B, T, P), jnp.float32),
            jax.ShapeDtypeStruct((B, T, 1), jnp.int32),
        ],
        scratch_shapes=[
            pltpu.VMEM((T, P), jnp.float32),
        ],
    )(scal, logits_t, reg_t, lines_bf, tlines, tsc, masksv)

    kk = kk3.reshape(B, T)

    mesh = plsc.VectorSubcoreMesh(core_axis_name="c", subcore_axis_name="s")
    sel = pl.kernel(
        _sc_select,
        mesh=mesh,
        out_type=[
            jax.ShapeDtypeStruct((B * P,), jnp.int32),
            jax.ShapeDtypeStruct((B * P,), jnp.int32),
        ],
        scratch_types=[
            pltpu.VMEM((8, P), jnp.float32),
            pltpu.VMEM((8, P), jnp.float32),
            pltpu.VMEM((T + 16,), jnp.int32),
            pltpu.VMEM((P + 32,), jnp.float32),
            pltpu.VMEM((P + 32,), jnp.int32),
            pltpu.VMEM((P,), jnp.int32),
            pltpu.VMEM((288,), jnp.float32),
            pltpu.VMEM((288,), jnp.int32),
            pltpu.VMEM((288,), jnp.float32),
            pltpu.VMEM((288,), jnp.int32),
            pltpu.VMEM_SHARED((4096,), jnp.float32),
            pltpu.VMEM_SHARED((4096,), jnp.int32),
            pltpu.SemaphoreType.DMA,
            pltpu.SemaphoreType.DMA,
        ],
    )
    matched, assigned = sel(cost.reshape(B * T, P), kk.reshape(-1))
    return assigned.reshape(B, P) != 0, matched.reshape(B, P)


def kernel(preds, targets, masks, img_w, img_h):
    img_w_f = jnp.asarray(img_w).astype(jnp.float32)
    wm1_f = (jnp.asarray(img_w) - 1).astype(jnp.float32)
    kconst = -jnp.log(jnp.clip(jnp.float32(1e-8), 1e-08, None))
    return _run(preds, targets, masks, img_w_f, wm1_f, kconst)

# --- scband reference (transcript-rebuilt; emitter-appended) ---
"""Pipeline reference for scband-dynamic-assign-65498251264574 (READ-ONLY COPY).

The authoritative reference and input builder live on the scoring server;
editing this copy changes nothing except your own understanding.
"""

import jax, jax.numpy as jnp
import numpy as np

W_CLS = 3.0
W_IOU = 3.0
W_REG = 3.0
SIMOTA_Q = 10


def line_iou(pred, target, img_w, length=15):
    px1 = pred - length
    px2 = pred + length
    tx1 = target - length
    tx2 = target + length
    ovr = jnp.minimum(px2, tx2) - jnp.maximum(px1, tx1)
    union = jnp.maximum(px2, tx2) - jnp.minimum(px1, tx1)
    invalid = (target < 0) | (target >= img_w)
    ovr = jnp.where(invalid, 0.0, ovr)
    union = jnp.where(invalid, 0.0, union)
    return ovr.sum(-1) / (union.sum(-1) + 1e-9)


def _pairwise_costs(preds, targets, masks, img_w):
    batch_size, num_priors, _ = preds.shape
    max_targets = targets.shape[1]
    pred_probs = jax.nn.softmax(preds[..., :2], axis=-1)
    pred_scores = pred_probs[..., 1]
    pair_wise_cls_cost = -jnp.log(jnp.clip(pred_scores[:, :, None], 1e-08, None))
    cost_x = jnp.abs(preds[..., 3][:, :, None] - targets[..., 3][:, None, :])
    cost_y = jnp.abs(preds[..., 2][:, :, None] - targets[..., 2][:, None, :])
    cost_t = jnp.abs(preds[..., 4][:, :, None] - targets[..., 4][:, None, :])
    pair_wise_reg_cost = cost_x + cost_y + cost_t
    pred_lines = preds[..., 6:] * (img_w - 1)
    gt_lines = targets[..., 6:] * (img_w - 1)
    l_iou = line_iou(pred_lines[:, :, None, :], gt_lines[:, None, :, :], img_w, length=15)
    l_iou = jnp.nan_to_num(l_iou, nan=0.0)
    valid = (masks > 0)[:, None, :]
    pair_wise_ious = jnp.where(valid, l_iou, 0.0).astype(jnp.float32)
    iou_cost = -jnp.log(jnp.clip(l_iou, 1e-08, None))
    pair_wise_iou_cost = jnp.where(valid, iou_cost, 0.0).astype(jnp.float32)
    mask_exp = jnp.broadcast_to(valid, (batch_size, num_priors, max_targets))
    total_cost = W_CLS * pair_wise_cls_cost + W_REG * pair_wise_reg_cost + W_IOU * pair_wise_iou_cost + 100000.0 * (~mask_exp).astype(jnp.float32)
    return total_cost, pair_wise_ious


def _match(total_cost, ious, masks, simota_q):
    batch_size, num_priors, max_targets = total_cost.shape
    n_candidate_k = min(simota_q, num_priors)
    topk_vals, _ = jax.lax.top_k(jnp.swapaxes(ious, 1, 2), n_candidate_k)
    dynamic_ks = jnp.clip(topk_vals.sum(axis=-1).astype(jnp.int32), 1, num_priors)
    int_dtype = jax.dtypes.canonicalize_dtype(jnp.int64)
    matched = jnp.full((batch_size, num_priors), -1, dtype=int_dtype)
    matched_costs = jnp.full((batch_size, num_priors), 100000000.0, dtype=jnp.float32)
    num_gt = masks.sum(axis=1)
    for gt_idx in range(max_targets):
        gt_valid = (gt_idx < num_gt)[:, None]
        k = jnp.clip(dynamic_ks[:, gt_idx], 1, num_priors)[:, None]
        cc = total_cost[:, :, gt_idx]
        order = jnp.argsort(cc, axis=-1, stable=True)
        rank = jnp.argsort(order, axis=-1)
        upd = (rank < k) & (cc < matched_costs) & gt_valid
        matched = jnp.where(upd, gt_idx, matched)
        matched_costs = jnp.where(upd, cc, matched_costs)
    return matched


def setup_inputs(seed: int = 0) -> dict:
    key = jax.random.key(seed)
    k1, k2 = jax.random.split(key)
    B, P, T, D = 16, 4000, 32, 78
    preds = jax.random.normal(k1, (B, P, D), dtype=jnp.float32)
    targets = jax.random.uniform(k2, (B, T, D), dtype=jnp.float32)
    masks = jnp.ones((B, T), dtype=jnp.float32)
    return {"preds": preds, "targets": targets, "masks": masks, "img_w": 800, "img_h": 320}


def reference(preds, targets, masks, img_w, img_h):
    total_cost, pair_wise_ious = _pairwise_costs(preds, targets, masks, img_w)
    matched = _match(total_cost, pair_wise_ious, masks, SIMOTA_Q)
    assigned_mask = matched >= 0
    matched_targets_matrix = matched
    return (assigned_mask, matched_targets_matrix)

if __name__ == "__main__":
    import jax
    _d = setup_inputs()
    print(jax.jit(kernel)(*tuple(_d.values())))

</pallas_src>

<mosaic_0001>
#map = affine_map<(d0, d1) -> (0, 0)>
#map1 = affine_map<(d0, d1) -> (0)>
module attributes {stable_mosaic.version = 14 : i64} {
  func.func @_sc_select(%arg0: i32, %arg1: i32, %arg2: memref<512x4000xf32, #tpu.memory_space<hbm>>, %arg3: memref<512xi32, #tpu.memory_space<hbm>>, %arg4: memref<64000xi32, #tpu.memory_space<hbm>>, %arg5: memref<64000xi32, #tpu.memory_space<hbm>>, %arg6: memref<8x4000xf32, #tpu.memory_space<vmem>>, %arg7: memref<8x4000xf32, #tpu.memory_space<vmem>>, %arg8: memref<48xi32, #tpu.memory_space<vmem>>, %arg9: memref<4032xf32, #tpu.memory_space<vmem>>, %arg10: memref<4032xi32, #tpu.memory_space<vmem>>, %arg11: memref<4000xi32, #tpu.memory_space<vmem>>, %arg12: memref<288xf32, #tpu.memory_space<vmem>>, %arg13: memref<288xi32, #tpu.memory_space<vmem>>, %arg14: memref<288xf32, #tpu.memory_space<vmem>>, %arg15: memref<288xi32, #tpu.memory_space<vmem>>, %arg16: memref<4096xf32, #tpu.memory_space<vmem_shared>>, %arg17: memref<4096xi32, #tpu.memory_space<vmem_shared>>, %arg18: memref<!tpu.dma_semaphore, #tpu.memory_space<semaphore_mem>>, %arg19: memref<!tpu.dma_semaphore, #tpu.memory_space<semaphore_mem>>) attributes {dimension_semantics = [#tpu.dimension_semantics<core_parallel>, #tpu.dimension_semantics<subcore_parallel>], iteration_bounds = array<i64: 2, 16>, scalar_prefetch = 0 : i64, scratch_operands = 14 : i64, tpu.core_type = #tpu.core_type<sc_vector_subcore>, window_params = [{transform_indices = #map}, {transform_indices = #map1}, {transform_indices = #map1}, {transform_indices = #map1}]} {
    %mul3A = arith.constant 8 : i32
    %mul3A_0 = arith.muli %arg0, %mul3A : i32
    %jit3A = arith.constant 2 : i32
    %div3A = arith.divsi %arg1, %jit3A : i32
    %sign3A = arith.constant 0 : i32
    %sign3A_1 = arith.cmpi sgt, %arg1, %sign3A : i32
    %sign3A_2 = arith.extui %sign3A_1 : i1 to i32
    %sign3A_3 = arith.constant 0 : i32
    %sign3A_4 = arith.cmpi slt, %arg1, %sign3A_3 : i32
    %sign3A_5 = arith.extui %sign3A_4 : i1 to i32
    %sign3A_6 = arith.subi %sign3A_2, %sign3A_5 : i32
    %sign3A_7 = arith.constant 0 : i32
    %sign3A_8 = arith.cmpi sgt, %jit3A, %sign3A_7 : i32
    %sign3A_9 = arith.extui %sign3A_8 : i1 to i32
    %sign3A_10 = arith.constant 0 : i32
    %sign3A_11 = arith.cmpi slt, %jit3A, %sign3A_10 : i32
    %sign3A_12 = arith.extui %sign3A_11 : i1 to i32
    %sign3A_13 = arith.subi %sign3A_9, %sign3A_12 : i32
    %ne3A = arith.cmpi ne, %sign3A_6, %sign3A_13 : i32
    %rem3A = arith.remsi %arg1, %jit3A : i32
    %ne3A_14 = arith.constant 0 : i32
    %ne3A_15 = arith.cmpi ne, %rem3A, %ne3A_14 : i32
    %and3A = arith.andi %ne3A, %ne3A_15 : i1
    %sub3A = arith.constant 1 : i32
    %sub3A_16 = arith.subi %div3A, %sub3A : i32
    %select_n3A = arith.select %and3A, %sub3A_16, %div3A : i32
    %add3A = arith.addi %mul3A_0, %select_n3A : i32
    %jit3A_17 = arith.constant 2 : i32
    %eq3A = arith.constant 0 : i32
    %eq3A_18 = arith.cmpi eq, %jit3A_17, %eq3A : i32
    %jit3A_19 = arith.constant 1 : i32
    %select_n3A_20 = arith.select %eq3A_18, %jit3A_19, %jit3A_17 : i32
    %rem3A_21 = arith.remsi %arg1, %select_n3A_20 : i32
    %ne3A_22 = arith.constant 0 : i32
    %ne3A_23 = arith.cmpi ne, %rem3A_21, %ne3A_22 : i32
    %lt3A = arith.constant 0 : i32
    %lt3A_24 = arith.cmpi slt, %rem3A_21, %lt3A : i32
    %lt3A_25 = arith.constant 0 : i32
    %lt3A_26 = arith.cmpi slt, %select_n3A_20, %lt3A_25 : i32
    %ne3A_27 = arith.xori %lt3A_24, %lt3A_26 : i1
    %and3A_28 = arith.andi %ne3A_27, %ne3A_23 : i1
    %add3A_29 = arith.addi %rem3A_21, %select_n3A_20 : i32
    %select_n3A_30 = arith.select %and3A_28, %add3A_29, %rem3A_21 : i32
    %mul3A_31 = arith.constant 16 : i32
    %mul3A_32 = arith.muli %select_n3A_30, %mul3A_31 : i32
    %iota3A = tpu.iota {dimensions = array<i32: 0>} : vector<16xi32>
    %mul3A_33 = arith.constant 32 : i32
    %mul3A_34 = arith.muli %add3A, %mul3A_33 : i32
    "tpu.region"() ({
      %run_scoped3A = tpu.sem_alloc : memref<!tpu.dma_semaphore, #tpu.memory_space<semaphore_mem>>
      %dma_start3A_88 = arith.constant 0 : i32
      %dma_start3A_89 = tpu.memref_slice %arg8[%dma_start3A_88] : memref<48xi32, #tpu.memory_space<vmem>> -> memref<32xi32, #tpu.memory_space<vmem>>
      %dma_start3A_90 = tpu.memref_slice %arg3[%mul3A_34] : memref<512xi32, #tpu.memory_space<hbm>> -> memref<32xi32, #tpu.memory_space<hbm>>
      %dma_start3A_91 = arith.constant 0 : i32
      %dma_start3A_92 = tpu.memref_slice %arg8[%dma_start3A_91] : memref<48xi32, #tpu.memory_space<vmem>> -> memref<32xi32, #tpu.memory_space<vmem>>
      %dma_start3A_93 = tpu.memref_slice %arg3[%mul3A_34] : memref<512xi32, #tpu.memory_space<hbm>> -> memref<32xi32, #tpu.memory_space<hbm>>
      tpu.enqueue_dma source(%dma_start3A_93 : memref<32xi32, #tpu.memory_space<hbm>>) target(%dma_start3A_92 : memref<32xi32, #tpu.memory_space<vmem>>) target_semaphore(%run_scoped3A : memref<!tpu.dma_semaphore, #tpu.memory_space<semaphore_mem>>)
      %dma_wait3A_94 = arith.constant 0 : i32
      %dma_wait3A_95 = tpu.memref_slice %arg8[%dma_wait3A_94] : memref<48xi32, #tpu.memory_space<vmem>> -> memref<32xi32, #tpu.memory_space<vmem>>
      %dma_wait3A_96 = tpu.memref_slice %arg3[%mul3A_34] : memref<512xi32, #tpu.memory_space<hbm>> -> memref<32xi32, #tpu.memory_space<hbm>>
      %dma_wait3A_97 = arith.constant 0 : i32
      %dma_wait3A_98 = tpu.memref_slice %arg8[%dma_wait3A_97] : memref<48xi32, #tpu.memory_space<vmem>> -> memref<32xi32, #tpu.memory_space<vmem>>
      %dma_wait3A_99 = tpu.memref_slice %arg3[%mul3A_34] : memref<512xi32, #tpu.memory_space<hbm>> -> memref<32xi32, #tpu.memory_space<hbm>>
      tpu.wait_dma2 semaphore(%run_scoped3A : memref<!tpu.dma_semaphore, #tpu.memory_space<semaphore_mem>>) src(%dma_wait3A_99 : memref<32xi32, #tpu.memory_space<hbm>>) dst(%dma_wait3A_98 : memref<32xi32, #tpu.memory_space<vmem>>)
      tpu.yield
    }) : () -> ()
    %mul3A_35 = arith.constant 32 : i32
    %mul3A_36 = arith.muli %add3A, %mul3A_35 : i32
    %add3A_37 = arith.addi %mul3A_36, %mul3A_32 : i32
    %dma_start3A = arith.constant 0 : i32
    %dma_start3A_38 = tpu.memref_slice %arg2[%add3A_37, %dma_start3A] : memref<512x4000xf32, #tpu.memory_space<hbm>> -> memref<8x4000xf32, #tpu.memory_space<hbm>>
    %dma_start3A_39 = arith.constant 0 : i32
    %dma_start3A_40 = tpu.memref_slice %arg2[%add3A_37, %dma_start3A_39] : memref<512x4000xf32, #tpu.memory_space<hbm>> -> memref<8x4000xf32, #tpu.memory_space<hbm>>
    tpu.enqueue_dma source(%dma_start3A_40 : memref<8x4000xf32, #tpu.memory_space<hbm>>) target(%arg6 : memref<8x4000xf32, #tpu.memory_space<vmem>>) target_semaphore(%arg18 : memref<!tpu.dma_semaphore, #tpu.memory_space<semaphore_mem>>)
    %mul3A_41 = arith.constant 32 : i32
    %mul3A_42 = arith.muli %add3A, %mul3A_41 : i32
    %add3A_43 = arith.addi %mul3A_42, %mul3A_32 : i32
    %add3A_44 = arith.constant 0 : i32
    %add3A_45 = arith.addi %add3A_43, %add3A_44 : i32
    %dma_wait3A = arith.constant 0 : i32
    %dma_wait3A_46 = tpu.memref_slice %arg2[%add3A_45, %dma_wait3A] : memref<512x4000xf32, #tpu.memory_space<hbm>> -> memref<8x4000xf32, #tpu.memory_space<hbm>>
    %dma_wait3A_47 = arith.constant 0 : i32
    %dma_wait3A_48 = tpu.memref_slice %arg2[%add3A_45, %dma_wait3A_47] : memref<512x4000xf32, #tpu.memory_space<hbm>> -> memref<8x4000xf32, #tpu.memory_space<hbm>>
    tpu.wait_dma2 semaphore(%arg18 : memref<!tpu.dma_semaphore, #tpu.memory_space<semaphore_mem>>) src(%dma_wait3A_48 : memref<8x4000xf32, #tpu.memory_space<hbm>>) dst(%arg6 : memref<8x4000xf32, #tpu.memory_space<vmem>>)
    %mul3A_49 = arith.constant 32 : i32
    %mul3A_50 = arith.muli %add3A, %mul3A_49 : i32
    %add3A_51 = arith.addi %mul3A_50, %mul3A_32 : i32
    %add3A_52 = arith.constant 8 : i32
    %add3A_53 = arith.addi %add3A_51, %add3A_52 : i32
    %dma_start3A_54 = arith.constant 0 : i32
    %dma_start3A_55 = tpu.memref_slice %arg2[%add3A_53, %dma_start3A_54] : memref<512x4000xf32, #tpu.memory_space<hbm>> -> memref<8x4000xf32, #tpu.memory_space<hbm>>
    %dma_start3A_56 = arith.constant 0 : i32
    %dma_start3A_57 = tpu.memref_slice %arg2[%add3A_53, %dma_start3A_56] : memref<512x4000xf32, #tpu.memory_space<hbm>> -> memref<8x4000xf32, #tpu.memory_space<hbm>>
    tpu.enqueue_dma source(%dma_start3A_57 : memref<8x4000xf32, #tpu.memory_space<hbm>>) target(%arg7 : memref<8x4000xf32, #tpu.memory_space<vmem>>) target_semaphore(%arg19 : memref<!tpu.dma_semaphore, #tpu.memory_space<semaphore_mem>>)
    %scan3A = arith.constant 0 : i32
    %scan3A_58 = arith.constant 0 : i32
    %scan3A_59 = arith.constant 8 : i32
    %scan3A_60 = arith.addi %scan3A_58, %scan3A_59 : i32
    %scan3A_61 = arith.constant 1 : i32
    %scan3A_62 = scf.for %scan3A_88 = %scan3A_58 to %scan3A_60 step %scan3A_61 iter_args(%scan3A_89 = %scan3A) -> (i32)  : i32 {
      %add3A_90 = arith.constant 0 : i32
      %add3A_91 = arith.addi %mul3A_32, %add3A_90 : i32
      %add3A_92 = arith.addi %add3A_91, %scan3A_88 : i32
      %get3A = arith.index_cast %add3A_92 : i32 to index
      %get3A_93 = tpu.vector_load %arg8[%get3A] {strides = array<i32>} : memref<48xi32, #tpu.memory_space<vmem>>, vector<16xi32>,
      %get3A_94 = vector.shape_cast %get3A_93 : vector<16xi32> to vector<16xi32>
      %slice3A = vector.extract_strided_slice %get3A_94 {offsets = [0], sizes = [1], strides = [1]} : vector<16xi32> to vector<1xi32>
      %squeeze3A = vector.extract %slice3A[0] : i32 from vector<1xi32>
      %add3A_95 = arith.constant 0 : i32
      %add3A_96 = arith.addi %add3A_95, %scan3A_88 : i32
      %mul3A_97 = arith.constant 16 : i32
      %mul3A_98 = arith.muli %add3A_96, %mul3A_97 : i32
      %while3A = arith.constant 0 : i32
      %while3A_99 = arith.constant 0xFF800000 : f32
      %while3A_100 = arith.constant -1 : i32
      %while3A_101 = arith.subi %squeeze3A, %while3A : i32
      %while3A_102 = arith.addi %while3A, %while3A_101 : i32
      %while3A_103 = arith.constant 1 : i32
      %while3A_104 = arith.divsi %while3A_101, %while3A_103 : i32
      %while3A_105 = arith.muli %while3A_104, %while3A_103 : i32
      %while3A_106 = arith.addi %while3A, %while3A_105 : i32
      %while3A_107 = arith.constant 1 : i32
      %while3A_108:2 = scf.for %while3A_112 = %while3A to %while3A_106 step %while3A_107 iter_args(%while3A_113 = %while3A_99, %while3A_114 = %while3A_100) -> (f32, i32)  : i32 {
        %broadcast_in_dim3A = arith.constant 0x7F800000 : f32
        %broadcast_in_dim3A_115 = vector.broadcast %broadcast_in_dim3A : f32 to vector<16xf32>
        %broadcast_in_dim3A_116 = arith.constant 4000 : i32
        %broadcast_in_dim3A_117 = vector.broadcast %broadcast_in_dim3A_116 : i32 to vector<16xi32>
        %scan3A_118 = arith.constant 0 : i32
        %scan3A_119 = arith.constant 250 : i32
        %scan3A_120 = arith.addi %scan3A_118, %scan3A_119 : i32
        %scan3A_121 = arith.constant 10 : i32
        %scan3A_122:2 = scf.for %scan3A_202 = %scan3A_118 to %scan3A_120 step %scan3A_121 iter_args(%scan3A_203 = %broadcast_in_dim3A_115, %scan3A_204 = %broadcast_in_dim3A_117) -> (vector<16xf32>, vector<16xi32>)  : i32 {
          %mul3A_205 = arith.constant 16 : i32
          %mul3A_206 = arith.muli %scan3A_202, %mul3A_205 : i32
          %get3A_207 = arith.index_cast %scan3A_88 : i32 to index
          %get3A_208 = arith.index_cast %mul3A_206 : i32 to index
          %get3A_209 = tpu.vector_load %arg6[%get3A_207, %get3A_208] {strides = array<i32>} : memref<8x4000xf32, #tpu.memory_space<vmem>>, vector<1x16xf32>,
          %get3A_210 = vector.shape_cast %get3A_209 : vector<1x16xf32> to vector<16xf32>
          %mul3A_211 = arith.constant 16 : i32
          %mul3A_212 = arith.muli %scan3A_202, %mul3A_211 : i32
          %add3A_213 = vector.broadcast %mul3A_212 : i32 to vector<16xi32>
          %add3A_214 = arith.addi %iota3A, %add3A_213 : vector<16xi32>
          %gt3A = vector.broadcast %while3A_113 : f32 to vector<16xf32>
          %gt3A_215 = arith.cmpf ogt, %get3A_210, %gt3A : vector<16xf32>
          %eq3A_216 = vector.broadcast %while3A_113 : f32 to vector<16xf32>
          %eq3A_217 = arith.cmpf oeq, %get3A_210, %eq3A_216 : vector<16xf32>
          %gt3A_218 = vector.broadcast %while3A_114 : i32 to vector<16xi32>
          %gt3A_219 = arith.cmpi sgt, %add3A_214, %gt3A_218 : vector<16xi32>
          %and3A_220 = arith.andi %eq3A_217, %gt3A_219 : vector<16xi1>
          %or3A = arith.ori %gt3A_215, %and3A_220 : vector<16xi1>
          %jit3A_221 = arith.constant 0x7F800000 : f32
          %broadcast_in_dim3A_222 = vector.broadcast %jit3A_221 : f32 to vector<16xf32>
          %select_n3A_223 = arith.select %or3A, %get3A_210, %broadcast_in_dim3A_222 : vector<16xi1>, vector<16xf32>
          %lt3A_224 = arith.cmpf olt, %select_n3A_223, %scan3A_203 : vector<16xf32>
          %select_n3A_225 = arith.select %lt3A_224, %select_n3A_223, %scan3A_203 : vector<16xi1>, vector<16xf32>
          %select_n3A_226 = arith.select %lt3A_224, %add3A_214, %scan3A_204 : vector<16xi1>, vector<16xi32>
          %scan3A_227 = arith.constant 1 : i32
          %scan3A_228 = arith.addi %scan3A_202, %scan3A_227 : i32
          %mul3A_229 = arith.constant 16 : i32
          %mul3A_230 = arith.muli %scan3A_228, %mul3A_229 : i32
          %get3A_231 = arith.index_cast %scan3A_88 : i32 to index
          %get3A_232 = arith.index_cast %mul3A_230 : i32 to index
          %get3A_233 = tpu.vector_load %arg6[%get3A_231, %get3A_232] {strides = array<i32>} : memref<8x4000xf32, #tpu.memory_space<vmem>>, vector<1x16xf32>,
          %get3A_234 = vector.shape_cast %get3A_233 : vector<1x16xf32> to vector<16xf32>
          %mul3A_235 = arith.constant 16 : i32
          %mul3A_236 = arith.muli %scan3A_228, %mul3A_235 : i32
          %add3A_237 = vector.broadcast %mul3A_236 : i32 to vector<16xi32>
          %add3A_238 = arith.addi %iota3A, %add3A_237 : vector<16xi32>
          %gt3A_239 = vector.broadcast %while3A_113 : f32 to vector<16xf32>
          %gt3A_240 = arith.cmpf ogt, %get3A_234, %gt3A_239 : vector<16xf32>
          %eq3A_241 = vector.broadcast %while3A_113 : f32 to vector<16xf32>
          %eq3A_242 = arith.cmpf oeq, %get3A_234, %eq3A_241 : vector<16xf32>
          %gt3A_243 = vector.broadcast %while3A_114 : i32 to vector<16xi32>
          %gt3A_244 = arith.cmpi sgt, %add3A_238, %gt3A_243 : vector<16xi32>
          %and3A_245 = arith.andi %eq3A_242, %gt3A_244 : vector<16xi1>
          %or3A_246 = arith.ori %gt3A_240, %and3A_245 : vector<16xi1>
          %jit3A_247 = arith.constant 0x7F800000 : f32
          %broadcast_in_dim3A_248 = vector.broadcast %jit3A_247 : f32 to vector<16xf32>
          %select_n3A_249 = arith.select %or3A_246, %get3A_234, %broadcast_in_dim3A_248 : vector<16xi1>, vector<16xf32>
          %lt3A_250 = arith.cmpf olt, %select_n3A_249, %select_n3A_225 : vector<16xf32>
          %select_n3A_251 = arith.select %lt3A_250, %select_n3A_249, %select_n3A_225 : vector<16xi1>, vector<16xf32>
          %select_n3A_252 = arith.select %lt3A_250, %add3A_238, %select_n3A_226 : vector<16xi1>, vector<16xi32>
          %scan3A_253 = arith.constant 2 : i32
          %scan3A_254 = arith.addi %scan3A_202, %scan3A_253 : i32
          %mul3A_255 = arith.constant 16 : i32
          %mul3A_256 = arith.muli %scan3A_254, %mul3A_255 : i32
          %get3A_257 = arith.index_cast %scan3A_88 : i32 to index
          %get3A_258 = arith.index_cast %mul3A_256 : i32 to index
          %get3A_259 = tpu.vector_load %arg6[%get3A_257, %get3A_258] {strides = array<i32>} : memref<8x4000xf32, #tpu.memory_space<vmem>>, vector<1x16xf32>,
          %get3A_260 = vector.shape_cast %get3A_259 : vector<1x16xf32> to vector<16xf32>
          %mul3A_261 = arith.constant 16 : i32
          %mul3A_262 = arith.muli %scan3A_254, %mul3A_261 : i32
          %add3A_263 = vector.broadcast %mul3A_262 : i32 to vector<16xi32>
          %add3A_264 = arith.addi %iota3A, %add3A_263 : vector<16xi32>
          %gt3A_265 = vector.broadcast %while3A_113 : f32 to vector<16xf32>
          %gt3A_266 = arith.cmpf ogt, %get3A_260, %gt3A_265 : vector<16xf32>
          %eq3A_267 = vector.broadcast %while3A_113 : f32 to vector<16xf32>
          %eq3A_268 = arith.cmpf oeq, %get3A_260, %eq3A_267 : vector<16xf32>
          %gt3A_269 = vector.broadcast %while3A_114 : i32 to vector<16xi32>
          %gt3A_270 = arith.cmpi sgt, %add3A_264, %gt3A_269 : vector<16xi32>
          %and3A_271 = arith.andi %eq3A_268, %gt3A_270 : vector<16xi1>
          %or3A_272 = arith.ori %gt3A_266, %and3A_271 : vector<16xi1>
          %jit3A_273 = arith.constant 0x7F800000 : f32
          %broadcast_in_dim3A_274 = vector.broadcast %jit3A_273 : f32 to vector<16xf32>
          %select_n3A_275 = arith.select %or3A_272, %get3A_260, %broadcast_in_dim3A_274 : vector<16xi1>, vector<16xf32>
          %lt3A_276 = arith.cmpf olt, %select_n3A_275, %select_n3A_251 : vector<16xf32>
          %select_n3A_277 = arith.select %lt3A_276, %select_n3A_275, %select_n3A_251 : vector<16xi1>, vector<16xf32>
          %select_n3A_278 = arith.select %lt3A_276, %add3A_264, %select_n3A_252 : vector<16xi1>, vector<16xi32>
          %scan3A_279 = arith.constant 3 : i32
          %scan3A_280 = arith.addi %scan3A_202, %scan3A_279 : i32
          %mul3A_281 = arith.constant 16 : i32
          %mul3A_282 = arith.muli %scan3A_280, %mul3A_281 : i32
          %get3A_283 = arith.index_cast %scan3A_88 : i32 to index
          %get3A_284 = arith.index_cast %mul3A_282 : i32 to index
          %get3A_285 = tpu.vector_load %arg6[%get3A_283, %get3A_284] {strides = array<i32>} : memref<8x4000xf32, #tpu.memory_space<vmem>>, vector<1x16xf32>,
          %get3A_286 = vector.shape_cast %get3A_285 : vector<1x16xf32> to vector<16xf32>
          %mul3A_287 = arith.constant 16 : i32
          %mul3A_288 = arith.muli %scan3A_280, %mul3A_287 : i32
          %add3A_289 = vector.broadcast %mul3A_288 : i32 to vector<16xi32>
          %add3A_290 = arith.addi %iota3A, %add3A_289 : vector<16xi32>
          %gt3A_291 = vector.broadcast %while3A_113 : f32 to vector<16xf32>
          %gt3A_292 = arith.cmpf ogt, %get3A_286, %gt3A_291 : vector<16xf32>
          %eq3A_293 = vector.broadcast %while3A_113 : f32 to vector<16xf32>
          %eq3A_294 = arith.cmpf oeq, %get3A_286, %eq3A_293 : vector<16xf32>
          %gt3A_295 = vector.broadcast %while3A_114 : i32 to vector<16xi32>
          %gt3A_296 = arith.cmpi sgt, %add3A_290, %gt3A_295 : vector<16xi32>
          %and3A_297 = arith.andi %eq3A_294, %gt3A_296 : vector<16xi1>
          %or3A_298 = arith.ori %gt3A_292, %and3A_297 : vector<16xi1>
          %jit3A_299 = arith.constant 0x7F800000 : f32
          %broadcast_in_dim3A_300 = vector.broadcast %jit3A_299 : f32 to vector<16xf32>
          %select_n3A_301 = arith.select %or3A_298, %get3A_286, %broadcast_in_dim3A_300 : vector<16xi1>, vector<16xf32>
          %lt3A_302 = arith.cmpf olt, %select_n3A_301, %select_n3A_277 : vector<16xf32>
          %select_n3A_303 = arith.select %lt3A_302, %select_n3A_301, %select_n3A_277 : vector<16xi1>, vector<16xf32>
          %select_n3A_304 = arith.select %lt3A_302, %add3A_290, %select_n3A_278 : vector<16xi1>, vector<16xi32>
          %scan3A_305 = arith.constant 4 : i32
          %scan3A_306 = arith.addi %scan3A_202, %scan3A_305 : i32
          %mul3A_307 = arith.constant 16 : i32
          %mul3A_308 = arith.muli %scan3A_306, %mul3A_307 : i32
          %get3A_309 = arith.index_cast %scan3A_88 : i32 to index
          %get3A_310 = arith.index_cast %mul3A_308 : i32 to index
          %get3A_311 = tpu.vector_load %arg6[%get3A_309, %get3A_310] {strides = array<i32>} : memref<8x4000xf32, #tpu.memory_space<vmem>>, vector<1x16xf32>,
          %get3A_312 = vector.shape_cast %get3A_311 : vector<1x16xf32> to vector<16xf32>
          %mul3A_313 = arith.constant 16 : i32
          %mul3A_314 = arith.muli %scan3A_306, %mul3A_313 : i32
          %add3A_315 = vector.broadcast %mul3A_314 : i32 to vector<16xi32>
          %add3A_316 = arith.addi %iota3A, %add3A_315 : vector<16xi32>
          %gt3A_317 = vector.broadcast %while3A_113 : f32 to vector<16xf32>
          %gt3A_318 = arith.cmpf ogt, %get3A_312, %gt3A_317 : vector<16xf32>
          %eq3A_319 = vector.broadcast %while3A_113 : f32 to vector<16xf32>
          %eq3A_320 = arith.cmpf oeq, %get3A_312, %eq3A_319 : vector<16xf32>
          %gt3A_321 = vector.broadcast %while3A_114 : i32 to vector<16xi32>
          %gt3A_322 = arith.cmpi sgt, %add3A_316, %gt3A_321 : vector<16xi32>
          %and3A_323 = arith.andi %eq3A_320, %gt3A_322 : vector<16xi1>
          %or3A_324 = arith.ori %gt3A_318, %and3A_323 : vector<16xi1>
          %jit3A_325 = arith.constant 0x7F800000 : f32
          %broadcast_in_dim3A_326 = vector.broadcast %jit3A_325 : f32 to vector<16xf32>
          %select_n3A_327 = arith.select %or3A_324, %get3A_312, %broadcast_in_dim3A_326 : vector<16xi1>, vector<16xf32>
          %lt3A_328 = arith.cmpf olt, %select_n3A_327, %select_n3A_303 : vector<16xf32>
          %select_n3A_329 = arith.select %lt3A_328, %select_n3A_327, %select_n3A_303 : vector<16xi1>, vector<16xf32>
          %select_n3A_330 = arith.select %lt3A_328, %add3A_316, %select_n3A_304 : vector<16xi1>, vector<16xi32>
          %scan3A_331 = arith.constant 5 : i32
          %scan3A_332 = arith.addi %scan3A_202, %scan3A_331 : i32
          %mul3A_333 = arith.constant 16 : i32
          %mul3A_334 = arith.muli %scan3A_332, %mul3A_333 : i32
          %get3A_335 = arith.index_cast %scan3A_88 : i32 to index
          %get3A_336 = arith.index_cast %mul3A_334 : i32 to index
          %get3A_337 = tpu.vector_load %arg6[%get3A_335, %get3A_336] {strides = array<i32>} : memref<8x4000xf32, #tpu.memory_space<vmem>>, vector<1x16xf32>,
          %get3A_338 = vector.shape_cast %get3A_337 : vector<1x16xf32> to vector<16xf32>
          %mul3A_339 = arith.constant 16 : i32
          %mul3A_340 = arith.muli %scan3A_332, %mul3A_339 : i32
          %add3A_341 = vector.broadcast %mul3A_340 : i32 to vector<16xi32>
          %add3A_342 = arith.addi %iota3A, %add3A_341 : vector<16xi32>
          %gt3A_343 = vector.broadcast %while3A_113 : f32 to vector<16xf32>
          %gt3A_344 = arith.cmpf ogt, %get3A_338, %gt3A_343 : vector<16xf32>
          %eq3A_345 = vector.broadcast %while3A_113 : f32 to vector<16xf32>
          %eq3A_346 = arith.cmpf oeq, %get3A_338, %eq3A_345 : vector<16xf32>
          %gt3A_347 = vector.broadcast %while3A_114 : i32 to vector<16xi32>
          %gt3A_348 = arith.cmpi sgt, %add3A_342, %gt3A_347 : vector<16xi32>
          %and3A_349 = arith.andi %eq3A_346, %gt3A_348 : vector<16xi1>
          %or3A_350 = arith.ori %gt3A_344, %and3A_349 : vector<16xi1>
          %jit3A_351 = arith.constant 0x7F800000 : f32
          %broadcast_in_dim3A_352 = vector.broadcast %jit3A_351 : f32 to vector<16xf32>
          %select_n3A_353 = arith.select %or3A_350, %get3A_338, %broadcast_in_dim3A_352 : vector<16xi1>, vector<16xf32>
          %lt3A_354 = arith.cmpf olt, %select_n3A_353, %select_n3A_329 : vector<16xf32>
          %select_n3A_355 = arith.select %lt3A_354, %select_n3A_353, %select_n3A_329 : vector<16xi1>, vector<16xf32>
          %select_n3A_356 = arith.select %lt3A_354, %add3A_342, %select_n3A_330 : vector<16xi1>, vector<16xi32>
          %scan3A_357 = arith.constant 6 : i32
          %scan3A_358 = arith.addi %scan3A_202, %scan3A_357 : i32
          %mul3A_359 = arith.constant 16 : i32
          %mul3A_360 = arith.muli %scan3A_358, %mul3A_359 : i32
          %get3A_361 = arith.index_cast %scan3A_88 : i32 to index
          %get3A_362 = arith.index_cast %mul3A_360 : i32 to index
          %get3A_363 = tpu.vector_load %arg6[%get3A_361, %get3A_362] {strides = array<i32>} : memref<8x4000xf32, #tpu.memory_space<vmem>>, vector<1x16xf32>,
          %get3A_364 = vector.shape_cast %get3A_363 : vector<1x16xf32> to vector<16xf32>
          %mul3A_365 = arith.constant 16 : i32
          %mul3A_366 = arith.muli %scan3A_358, %mul3A_365 : i32
          %add3A_367 = vector.broadcast %mul3A_366 : i32 to vector<16xi32>
          %add3A_368 = arith.addi %iota3A, %add3A_367 : vector<16xi32>
          %gt3A_369 = vector.broadcast %while3A_113 : f32 to vector<16xf32>
          %gt3A_370 = arith.cmpf ogt, %get3A_364, %gt3A_369 : vector<16xf32>
          %eq3A_371 = vector.broadcast %while3A_113 : f32 to vector<16xf32>
          %eq3A_372 = arith.cmpf oeq, %get3A_364, %eq3A_371 : vector<16xf32>
          %gt3A_373 = vector.broadcast %while3A_114 : i32 to vector<16xi32>
          %gt3A_374 = arith.cmpi sgt, %add3A_368, %gt3A_373 : vector<16xi32>
          %and3A_375 = arith.andi %eq3A_372, %gt3A_374 : vector<16xi1>
          %or3A_376 = arith.ori %gt3A_370, %and3A_375 : vector<16xi1>
          %jit3A_377 = arith.constant 0x7F800000 : f32
          %broadcast_in_dim3A_378 = vector.broadcast %jit3A_377 : f32 to vector<16xf32>
          %select_n3A_379 = arith.select %or3A_376, %get3A_364, %broadcast_in_dim3A_378 : vector<16xi1>, vector<16xf32>
          %lt3A_380 = arith.cmpf olt, %select_n3A_379, %select_n3A_355 : vector<16xf32>
          %select_n3A_381 = arith.select %lt3A_380, %select_n3A_379, %select_n3A_355 : vector<16xi1>, vector<16xf32>
          %select_n3A_382 = arith.select %lt3A_380, %add3A_368, %select_n3A_356 : vector<16xi1>, vector<16xi32>
          %scan3A_383 = arith.constant 7 : i32
          %scan3A_384 = arith.addi %scan3A_202, %scan3A_383 : i32
          %mul3A_385 = arith.constant 16 : i32
          %mul3A_386 = arith.muli %scan3A_384, %mul3A_385 : i32
          %get3A_387 = arith.index_cast %scan3A_88 : i32 to index
          %get3A_388 = arith.index_cast %mul3A_386 : i32 to index
          %get3A_389 = tpu.vector_load %arg6[%get3A_387, %get3A_388] {strides = array<i32>} : memref<8x4000xf32, #tpu.memory_space<vmem>>, vector<1x16xf32>,
          %get3A_390 = vector.shape_cast %get3A_389 : vector<1x16xf32> to vector<16xf32>
          %mul3A_391 = arith.constant 16 : i32
          %mul3A_392 = arith.muli %scan3A_384, %mul3A_391 : i32
          %add3A_393 = vector.broadcast %mul3A_392 : i32 to vector<16xi32>
          %add3A_394 = arith.addi %iota3A, %add3A_393 : vector<16xi32>
          %gt3A_395 = vector.broadcast %while3A_113 : f32 to vector<16xf32>
          %gt3A_396 = arith.cmpf ogt, %get3A_390, %gt3A_395 : vector<16xf32>
          %eq3A_397 = vector.broadcast %while3A_113 : f32 to vector<16xf32>
          %eq3A_398 = arith.cmpf oeq, %get3A_390, %eq3A_397 : vector<16xf32>
          %gt3A_399 = vector.broadcast %while3A_114 : i32 to vector<16xi32>
          %gt3A_400 = arith.cmpi sgt, %add3A_394, %gt3A_399 : vector<16xi32>
          %and3A_401 = arith.andi %eq3A_398, %gt3A_400 : vector<16xi1>
          %or3A_402 = arith.ori %gt3A_396, %and3A_401 : vector<16xi1>
          %jit3A_403 = arith.constant 0x7F800000 : f32
          %broadcast_in_dim3A_404 = vector.broadcast %jit3A_403 : f32 to vector<16xf32>
          %select_n3A_405 = arith.select %or3A_402, %get3A_390, %broadcast_in_dim3A_404 : vector<16xi1>, vector<16xf32>
          %lt3A_406 = arith.cmpf olt, %select_n3A_405, %select_n3A_381 : vector<16xf32>
          %select_n3A_407 = arith.select %lt3A_406, %select_n3A_405, %select_n3A_381 : vector<16xi1>, vector<16xf32>
          %select_n3A_408 = arith.select %lt3A_406, %add3A_394, %select_n3A_382 : vector<16xi1>, vector<16xi32>
          %scan3A_409 = arith.constant 8 : i32
          %scan3A_410 = arith.addi %scan3A_202, %scan3A_409 : i32
          %mul3A_411 = arith.constant 16 : i32
          %mul3A_412 = arith.muli %scan3A_410, %mul3A_411 : i32
          %get3A_413 = arith.index_cast %scan3A_88 : i32 to index
          %get3A_414 = arith.index_cast %mul3A_412 : i32 to index
          %get3A_415 = tpu.vector_load %arg6[%get3A_413, %get3A_414] {strides = array<i32>} : memref<8x4000xf32, #tpu.memory_space<vmem>>, vector<1x16xf32>,
          %get3A_416 = vector.shape_cast %get3A_415 : vector<1x16xf32> to vector<16xf32>
          %mul3A_417 = arith.constant 16 : i32
          %mul3A_418 = arith.muli %scan3A_410, %mul3A_417 : i32
          %add3A_419 = vector.broadcast %mul3A_418 : i32 to vector<16xi32>
          %add3A_420 = arith.addi %iota3A, %add3A_419 : vector<16xi32>
          %gt3A_421 = vector.broadcast %while3A_113 : f32 to vector<16xf32>
          %gt3A_422 = arith.cmpf ogt, %get3A_416, %gt3A_421 : vector<16xf32>
          %eq3A_423 = vector.broadcast %while3A_113 : f32 to vector<16xf32>
          %eq3A_424 = arith.cmpf oeq, %get3A_416, %eq3A_423 : vector<16xf32>
          %gt3A_425 = vector.broadcast %while3A_114 : i32 to vector<16xi32>
          %gt3A_426 = arith.cmpi sgt, %add3A_420, %gt3A_425 : vector<16xi32>
          %and3A_427 = arith.andi %eq3A_424, %gt3A_426 : vector<16xi1>
          %or3A_428 = arith.ori %gt3A_422, %and3A_427 : vector<16xi1>
          %jit3A_429 = arith.constant 0x7F800000 : f32
          %broadcast_in_dim3A_430 = vector.broadcast %jit3A_429 : f32 to vector<16xf32>
          %select_n3A_431 = arith.select %or3A_428, %get3A_416, %broadcast_in_dim3A_430 : vector<16xi1>, vector<16xf32>
          %lt3A_432 = arith.cmpf olt, %select_n3A_431, %select_n3A_407 : vector<16xf32>
          %select_n3A_433 = arith.select %lt3A_432, %select_n3A_431, %select_n3A_407 : vector<16xi1>, vector<16xf32>
          %select_n3A_434 = arith.select %lt3A_432, %add3A_420, %select_n3A_408 : vector<16xi1>, vector<16xi32>
          %scan3A_435 = arith.constant 9 : i32
          %scan3A_436 = arith.addi %scan3A_202, %scan3A_435 : i32
          %mul3A_437 = arith.constant 16 : i32
          %mul3A_438 = arith.muli %scan3A_436, %mul3A_437 : i32
          %get3A_439 = arith.index_cast %scan3A_88 : i32 to index
          %get3A_440 = arith.index_cast %mul3A_438 : i32 to index
          %get3A_441 = tpu.vector_load %arg6[%get3A_439, %get3A_440] {strides = array<i32>} : memref<8x4000xf32, #tpu.memory_space<vmem>>, vector<1x16xf32>,
          %get3A_442 = vector.shape_cast %get3A_441 : vector<1x16xf32> to vector<16xf32>
          %mul3A_443 = arith.constant 16 : i32
          %mul3A_444 = arith.muli %scan3A_436, %mul3A_443 : i32
          %add3A_445 = vector.broadcast %mul3A_444 : i32 to vector<16xi32>
          %add3A_446 = arith.addi %iota3A, %add3A_445 : vector<16xi32>
          %gt3A_447 = vector.broadcast %while3A_113 : f32 to vector<16xf32>
          %gt3A_448 = arith.cmpf ogt, %get3A_442, %gt3A_447 : vector<16xf32>
          %eq3A_449 = vector.broadcast %while3A_113 : f32 to vector<16xf32>
          %eq3A_450 = arith.cmpf oeq, %get3A_442, %eq3A_449 : vector<16xf32>
          %gt3A_451 = vector.broadcast %while3A_114 : i32 to vector<16xi32>
          %gt3A_452 = arith.cmpi sgt, %add3A_446, %gt3A_451 : vector<16xi32>
          %and3A_453 = arith.andi %eq3A_450, %gt3A_452 : vector<16xi1>
          %or3A_454 = arith.ori %gt3A_448, %and3A_453 : vector<16xi1>
          %jit3A_455 = arith.constant 0x7F800000 : f32
          %broadcast_in_dim3A_456 = vector.broadcast %jit3A_455 : f32 to vector<16xf32>
          %select_n3A_457 = arith.select %or3A_454, %get3A_442, %broadcast_in_dim3A_456 : vector<16xi1>, vector<16xf32>
          %lt3A_458 = arith.cmpf olt, %select_n3A_457, %select_n3A_433 : vector<16xf32>
          %select_n3A_459 = arith.select %lt3A_458, %select_n3A_457, %select_n3A_433 : vector<16xi1>, vector<16xf32>
          %select_n3A_460 = arith.select %lt3A_458, %add3A_446, %select_n3A_434 : vector<16xi1>, vector<16xi32>
          scf.yield %select_n3A_459, %select_n3A_460 : vector<16xf32>, vector<16xi32>
        }
        %scan3A_123 = arith.constant 250 : i32
        %xor3A = arith.constant 1 : i32
        %xor3A_124 = vector.broadcast %xor3A : i32 to vector<16xi32>
        %xor3A_125 = arith.xori %iota3A, %xor3A_124 : vector<16xi32>
        %broadcast_in_dim3A_126 = vector.shape_cast %xor3A_125 : vector<16xi32> to vector<16x1xi32>
        %gather3A = vector.shape_cast %broadcast_in_dim3A_126 : vector<16x1xi32> to vector<16xi32>
        %gather3A_127 = tpu.dynamic_gather %scan3A_122#0[%gather3A] in [0] : vector<16xf32>, vector<16xi32> -> vector<16xf32>
        %min3A = arith.minimumf %scan3A_122#0, %gather3A_127 : vector<16xf32>
        %xor3A_128 = arith.constant 2 : i32
        %xor3A_129 = vector.broadcast %xor3A_128 : i32 to vector<16xi32>
        %xor3A_130 = arith.xori %iota3A, %xor3A_129 : vector<16xi32>
        %broadcast_in_dim3A_131 = vector.shape_cast %xor3A_130 : vector<16xi32> to vector<16x1xi32>
        %gather3A_132 = vector.shape_cast %broadcast_in_dim3A_131 : vector<16x1xi32> to vector<16xi32>
        %gather3A_133 = tpu.dynamic_gather %min3A[%gather3A_132] in [0] : vector<16xf32>, vector<16xi32> -> vector<16xf32>
        %min3A_134 = arith.minimumf %min3A, %gather3A_133 : vector<16xf32>
        %xor3A_135 = arith.constant 4 : i32
        %xor3A_136 = vector.broadcast %xor3A_135 : i32 to vector<16xi32>
        %xor3A_137 = arith.xori %iota3A, %xor3A_136 : vector<16xi32>
        %broadcast_in_dim3A_138 = vector.shape_cast %xor3A_137 : vector<16xi32> to vector<16x1xi32>
        %gather3A_139 = vector.shape_cast %broadcast_in_dim3A_138 : vector<16x1xi32> to vector<16xi32>
        %gather3A_140 = tpu.dynamic_gather %min3A_134[%gather3A_139] in [0] : vector<16xf32>, vector<16xi32> -> vector<16xf32>
        %min3A_141 = arith.minimumf %min3A_134, %gather3A_140 : vector<16xf32>
        %xor3A_142 = arith.constant 8 : i32
        %xor3A_143 = vector.broadcast %xor3A_142 : i32 to vector<16xi32>
        %xor3A_144 = arith.xori %iota3A, %xor3A_143 : vector<16xi32>
        %broadcast_in_dim3A_145 = vector.shape_cast %xor3A_144 : vector<16xi32> to vector<16x1xi32>
        %gather3A_146 = vector.shape_cast %broadcast_in_dim3A_145 : vector<16x1xi32> to vector<16xi32>
        %gather3A_147 = tpu.dynamic_gather %min3A_141[%gather3A_146] in [0] : vector<16xf32>, vector<16xi32> -> vector<16xf32>
        %min3A_148 = arith.minimumf %min3A_141, %gather3A_147 : vector<16xf32>
        %eq3A_149 = arith.cmpf oeq, %scan3A_122#0, %min3A_148 : vector<16xf32>
        %jit3A_150 = arith.constant 4000 : i32
        %broadcast_in_dim3A_151 = vector.broadcast %jit3A_150 : i32 to vector<16xi32>
        %select_n3A_152 = arith.select %eq3A_149, %scan3A_122#1, %broadcast_in_dim3A_151 : vector<16xi1>, vector<16xi32>
        %xor3A_153 = arith.constant 1 : i32
        %xor3A_154 = vector.broadcast %xor3A_153 : i32 to vector<16xi32>
        %xor3A_155 = arith.xori %iota3A, %xor3A_154 : vector<16xi32>
        %broadcast_in_dim3A_156 = vector.shape_cast %xor3A_155 : vector<16xi32> to vector<16x1xi32>
        %gather3A_157 = vector.shape_cast %broadcast_in_dim3A_156 : vector<16x1xi32> to vector<16xi32>
        %gather3A_158 = tpu.dynamic_gather %select_n3A_152[%gather3A_157] in [0] : vector<16xi32>, vector<16xi32> -> vector<16xi32>
        %min3A_159 = arith.minsi %select_n3A_152, %gather3A_158 : vector<16xi32>
        %xor3A_160 = arith.constant 2 : i32
        %xor3A_161 = vector.broadcast %xor3A_160 : i32 to vector<16xi32>
        %xor3A_162 = arith.xori %iota3A, %xor3A_161 : vector<16xi32>
        %broadcast_in_dim3A_163 = vector.shape_cast %xor3A_162 : vector<16xi32> to vector<16x1xi32>
        %gather3A_164 = vector.shape_cast %broadcast_in_dim3A_163 : vector<16x1xi32> to vector<16xi32>
        %gather3A_165 = tpu.dynamic_gather %min3A_159[%gather3A_164] in [0] : vector<16xi32>, vector<16xi32> -> vector<16xi32>
        %min3A_166 = arith.minsi %min3A_159, %gather3A_165 : vector<16xi32>
        %xor3A_167 = arith.constant 4 : i32
        %xor3A_168 = vector.broadcast %xor3A_167 : i32 to vector<16xi32>
        %xor3A_169 = arith.xori %iota3A, %xor3A_168 : vector<16xi32>
        %broadcast_in_dim3A_170 = vector.shape_cast %xor3A_169 : vector<16xi32> to vector<16x1xi32>
        %gather3A_171 = vector.shape_cast %broadcast_in_dim3A_170 : vector<16x1xi32> to vector<16xi32>
        %gather3A_172 = tpu.dynamic_gather %min3A_166[%gather3A_171] in [0] : vector<16xi32>, vector<16xi32> -> vector<16xi32>
        %min3A_173 = arith.minsi %min3A_166, %gather3A_172 : vector<16xi32>
        %xor3A_174 = arith.constant 8 : i32
        %xor3A_175 = vector.broadcast %xor3A_174 : i32 to vector<16xi32>
        %xor3A_176 = arith.xori %iota3A, %xor3A_175 : vector<16xi32>
        %broadcast_in_dim3A_177 = vector.shape_cast %xor3A_176 : vector<16xi32> to vector<16x1xi32>
        %gather3A_178 = vector.shape_cast %broadcast_in_dim3A_177 : vector<16x1xi32> to vector<16xi32>
        %gather3A_179 = tpu.dynamic_gather %min3A_173[%gather3A_178] in [0] : vector<16xi32>, vector<16xi32> -> vector<16xi32>
        %min3A_180 = arith.minsi %min3A_173, %gather3A_179 : vector<16xi32>
        %eq3A_181 = vector.broadcast %while3A_112 : i32 to vector<16xi32>
        %eq3A_182 = arith.cmpi eq, %iota3A, %eq3A_181 : vector<16xi32>
        %get3A_183 = arith.index_cast %mul3A_98 : i32 to index
        %get3A_184 = tpu.vector_load %arg12[%get3A_183] {strides = array<i32>} : memref<288xf32, #tpu.memory_space<vmem>>, vector<16xf32>,
        %get3A_185 = vector.shape_cast %get3A_184 : vector<16xf32> to vector<16xf32>
        %select_n3A_186 = arith.select %eq3A_182, %min3A_148, %get3A_185 : vector<16xi1>, vector<16xf32>
        %swap3A = arith.index_cast %mul3A_98 : i32 to index
        %swap3A_187 = tpu.vector_load %arg12[%swap3A] {strides = array<i32>} : memref<288xf32, #tpu.memory_space<vmem>>, vector<16xf32>,
        %swap3A_188 = vector.shape_cast %swap3A_187 : vector<16xf32> to vector<16xf32>
        %swap3A_189 = vector.shape_cast %select_n3A_186 : vector<16xf32> to vector<16xf32>
        tpu.vector_store %arg12[%swap3A], %swap3A_189 {strides = array<i32>} : memref<288xf32, #tpu.memory_space<vmem>>, vector<16xf32>,
        %get3A_190 = arith.index_cast %mul3A_98 : i32 to index
        %get3A_191 = tpu.vector_load %arg13[%get3A_190] {strides = array<i32>} : memref<288xi32, #tpu.memory_space<vmem>>, vector<16xi32>,
        %get3A_192 = vector.shape_cast %get3A_191 : vector<16xi32> to vector<16xi32>
        %select_n3A_193 = arith.select %eq3A_182, %min3A_180, %get3A_192 : vector<16xi1>, vector<16xi32>
        %swap3A_194 = arith.index_cast %mul3A_98 : i32 to index
        %swap3A_195 = tpu.vector_load %arg13[%swap3A_194] {strides = array<i32>} : memref<288xi32, #tpu.memory_space<vmem>>, vector<16xi32>,
        %swap3A_196 = vector.shape_cast %swap3A_195 : vector<16xi32> to vector<16xi32>
        %swap3A_197 = vector.shape_cast %select_n3A_193 : vector<16xi32> to vector<16xi32>
        tpu.vector_store %arg13[%swap3A_194], %swap3A_197 {strides = array<i32>} : memref<288xi32, #tpu.memory_space<vmem>>, vector<16xi32>,
        %slice3A_198 = vector.extract_strided_slice %min3A_148 {offsets = [0], sizes = [1], strides = [1]} : vector<16xf32> to vector<1xf32>
        %squeeze3A_199 = vector.extract %slice3A_198[0] : f32 from vector<1xf32>
        %slice3A_200 = vector.extract_strided_slice %min3A_180 {offsets = [0], sizes = [1], strides = [1]} : vector<16xi32> to vector<1xi32>
        %squeeze3A_201 = vector.extract %slice3A_200[0] : i32 from vector<1xi32>
        scf.yield %squeeze3A_199, %squeeze3A_201 : f32, i32
      }
      %while3A_109 = arith.constant 1 : i32
      %while3A_110:2 = scf.for %while3A_112 = %while3A_106 to %while3A_102 step %while3A_109 iter_args(%while3A_113 = %while3A_108#0, %while3A_114 = %while3A_108#1) -> (f32, i32)  : i32 {
        %broadcast_in_dim3A = arith.constant 0x7F800000 : f32
        %broadcast_in_dim3A_115 = vector.broadcast %broadcast_in_dim3A : f32 to vector<16xf32>
        %broadcast_in_dim3A_116 = arith.constant 4000 : i32
        %broadcast_in_dim3A_117 = vector.broadcast %broadcast_in_dim3A_116 : i32 to vector<16xi32>
        %scan3A_118 = arith.constant 0 : i32
        %scan3A_119 = arith.constant 250 : i32
        %scan3A_120 = arith.addi %scan3A_118, %scan3A_119 : i32
        %scan3A_121 = arith.constant 10 : i32
        %scan3A_122:2 = scf.for %scan3A_202 = %scan3A_118 to %scan3A_120 step %scan3A_121 iter_args(%scan3A_203 = %broadcast_in_dim3A_115, %scan3A_204 = %broadcast_in_dim3A_117) -> (vector<16xf32>, vector<16xi32>)  : i32 {
          %mul3A_205 = arith.constant 16 : i32
          %mul3A_206 = arith.muli %scan3A_202, %mul3A_205 : i32
          %get3A_207 = arith.index_cast %scan3A_88 : i32 to index
          %get3A_208 = arith.index_cast %mul3A_206 : i32 to index
          %get3A_209 = tpu.vector_load %arg6[%get3A_207, %get3A_208] {strides = array<i32>} : memref<8x4000xf32, #tpu.memory_space<vmem>>, vector<1x16xf32>,
          %get3A_210 = vector.shape_cast %get3A_209 : vector<1x16xf32> to vector<16xf32>
          %mul3A_211 = arith.constant 16 : i32
          %mul3A_212 = arith.muli %scan3A_202, %mul3A_211 : i32
          %add3A_213 = vector.broadcast %mul3A_212 : i32 to vector<16xi32>
          %add3A_214 = arith.addi %iota3A, %add3A_213 : vector<16xi32>
          %gt3A = vector.broadcast %while3A_113 : f32 to vector<16xf32>
          %gt3A_215 = arith.cmpf ogt, %get3A_210, %gt3A : vector<16xf32>
          %eq3A_216 = vector.broadcast %while3A_113 : f32 to vector<16xf32>
          %eq3A_217 = arith.cmpf oeq, %get3A_210, %eq3A_216 : vector<16xf32>
          %gt3A_218 = vector.broadcast %while3A_114 : i32 to vector<16xi32>
          %gt3A_219 = arith.cmpi sgt, %add3A_214, %gt3A_218 : vector<16xi32>
          %and3A_220 = arith.andi %eq3A_217, %gt3A_219 : vector<16xi1>
          %or3A = arith.ori %gt3A_215, %and3A_220 : vector<16xi1>
          %jit3A_221 = arith.constant 0x7F800000 : f32
          %broadcast_in_dim3A_222 = vector.broadcast %jit3A_221 : f32 to vector<16xf32>
          %select_n3A_223 = arith.select %or3A, %get3A_210, %broadcast_in_dim3A_222 : vector<16xi1>, vector<16xf32>
          %lt3A_224 = arith.cmpf olt, %select_n3A_223, %scan3A_203 : vector<16xf32>
          %select_n3A_225 = arith.select %lt3A_224, %select_n3A_223, %scan3A_203 : vector<16xi1>, vector<16xf32>
          %select_n3A_226 = arith.select %lt3A_224, %add3A_214, %scan3A_204 : vector<16xi1>, vector<16xi32>
          %scan3A_227 = arith.constant 1 : i32
          %scan3A_228 = arith.addi %scan3A_202, %scan3A_227 : i32
          %mul3A_229 = arith.constant 16 : i32
          %mul3A_230 = arith.muli %scan3A_228, %mul3A_229 : i32
          %get3A_231 = arith.index_cast %scan3A_88 : i32 to index
          %get3A_232 = arith.index_cast %mul3A_230 : i32 to index
          %get3A_233 = tpu.vector_load %arg6[%get3A_231, %get3A_232] {strides = array<i32>} : memref<8x4000xf32, #tpu.memory_space<vmem>>, vector<1x16xf32>,
          %get3A_234 = vector.shape_cast %get3A_233 : vector<1x16xf32> to vector<16xf32>
          %mul3A_235 = arith.constant 16 : i32
          %mul3A_236 = arith.muli %scan3A_228, %mul3A_235 : i32
          %add3A_237 = vector.broadcast %mul3A_236 : i32 to vector<16xi32>
          %add3A_238 = arith.addi %iota3A, %add3A_237 : vector<16xi32>
          %gt3A_239 = vector.broadcast %while3A_113 : f32 to vector<16xf32>
          %gt3A_240 = arith.cmpf ogt, %get3A_234, %gt3A_239 : vector<16xf32>
          %eq3A_241 = vector.broadcast %while3A_113 : f32 to vector<16xf32>
          %eq3A_242 = arith.cmpf oeq, %get3A_234, %eq3A_241 : vector<16xf32>
          %gt3A_243 = vector.broadcast %while3A_114 : i32 to vector<16xi32>
          %gt3A_244 = arith.cmpi sgt, %add3A_238, %gt3A_243 : vector<16xi32>
          %and3A_245 = arith.andi %eq3A_242, %gt3A_244 : vector<16xi1>
          %or3A_246 = arith.ori %gt3A_240, %and3A_245 : vector<16xi1>
          %jit3A_247 = arith.constant 0x7F800000 : f32
          %broadcast_in_dim3A_248 = vector.broadcast %jit3A_247 : f32 to vector<16xf32>
          %select_n3A_249 = arith.select %or3A_246, %get3A_234, %broadcast_in_dim3A_248 : vector<16xi1>, vector<16xf32>
          %lt3A_250 = arith.cmpf olt, %select_n3A_249, %select_n3A_225 : vector<16xf32>
          %select_n3A_251 = arith.select %lt3A_250, %select_n3A_249, %select_n3A_225 : vector<16xi1>, vector<16xf32>
          %select_n3A_252 = arith.select %lt3A_250, %add3A_238, %select_n3A_226 : vector<16xi1>, vector<16xi32>
          %scan3A_253 = arith.constant 2 : i32
          %scan3A_254 = arith.addi %scan3A_202, %scan3A_253 : i32
          %mul3A_255 = arith.constant 16 : i32
          %mul3A_256 = arith.muli %scan3A_254, %mul3A_255 : i32
          %get3A_257 = arith.index_cast %scan3A_88 : i32 to index
          %get3A_258 = arith.index_cast %mul3A_256 : i32 to index
          %get3A_259 = tpu.vector_load %arg6[%get3A_257, %get3A_258] {strides = array<i32>} : memref<8x4000xf32, #tpu.memory_space<vmem>>, vector<1x16xf32>,
          %get3A_260 = vector.shape_cast %get3A_259 : vector<1x16xf32> to vector<16xf32>
          %mul3A_261 = arith.constant 16 : i32
          %mul3A_262 = arith.muli %scan3A_254, %mul3A_261 : i32
          %add3A_263 = vector.broadcast %mul3A_262 : i32 to vector<16xi32>
          %add3A_264 = arith.addi %iota3A, %add3A_263 : vector<16xi32>
          %gt3A_265 = vector.broadcast %while3A_113 : f32 to vector<16xf32>
          %gt3A_266 = arith.cmpf ogt, %get3A_260, %gt3A_265 : vector<16xf32>
          %eq3A_267 = vector.broadcast %while3A_113 : f32 to vector<16xf32>
          %eq3A_268 = arith.cmpf oeq, %get3A_260, %eq3A_267 : vector<16xf32>
          %gt3A_269 = vector.broadcast %while3A_114 : i32 to vector<16xi32>
          %gt3A_270 = arith.cmpi sgt, %add3A_264, %gt3A_269 : vector<16xi32>
          %and3A_271 = arith.andi %eq3A_268, %gt3A_270 : vector<16xi1>
          %or3A_272 = arith.ori %gt3A_266, %and3A_271 : vector<16xi1>
          %jit3A_273 = arith.constant 0x7F800000 : f32
          %broadcast_in_dim3A_274 = vector.broadcast %jit3A_273 : f32 to vector<16xf32>
          %select_n3A_275 = arith.select %or3A_272, %get3A_260, %broadcast_in_dim3A_274 : vector<16xi1>, vector<16xf32>
          %lt3A_276 = arith.cmpf olt, %select_n3A_275, %select_n3A_251 : vector<16xf32>
          %select_n3A_277 = arith.select %lt3A_276, %select_n3A_275, %select_n3A_251 : vector<16xi1>, vector<16xf32>
          %select_n3A_278 = arith.select %lt3A_276, %add3A_264, %select_n3A_252 : vector<16xi1>, vector<16xi32>
          %scan3A_279 = arith.constant 3 : i32
          %scan3A_280 = arith.addi %scan3A_202, %scan3A_279 : i32
          %mul3A_281 = arith.constant 16 : i32
          %mul3A_282 = arith.muli %scan3A_280, %mul3A_281 : i32
          %get3A_283 = arith.index_cast %scan3A_88 : i32 to index
          %get3A_284 = arith.index_cast %mul3A_282 : i32 to index
          %get3A_285 = tpu.vector_load %arg6[%get3A_283, %get3A_284] {strides = array<i32>} : memref<8x4000xf32, #tpu.memory_space<vmem>>, vector<1x16xf32>,
          %get3A_286 = vector.shape_cast %get3A_285 : vector<1x16xf32> to vector<16xf32>
          %mul3A_287 = arith.constant 16 : i32
          %mul3A_288 = arith.muli %scan3A_280, %mul3A_287 : i32
          %add3A_289 = vector.broadcast %mul3A_288 : i32 to vector<16xi32>
          %add3A_290 = arith.addi %iota3A, %add3A_289 : vector<16xi32>
          %gt3A_291 = vector.broadcast %while3A_113 : f32 to vector<16xf32>
          %gt3A_292 = arith.cmpf ogt, %get3A_286, %gt3A_291 : vector<16xf32>
          %eq3A_293 = vector.broadcast %while3A_113 : f32 to vector<16xf32>
          %eq3A_294 = arith.cmpf oeq, %get3A_286, %eq3A_293 : vector<16xf32>
          %gt3A_295 = vector.broadcast %while3A_114 : i32 to vector<16xi32>
          %gt3A_296 = arith.cmpi sgt, %add3A_290, %gt3A_295 : vector<16xi32>
          %and3A_297 = arith.andi %eq3A_294, %gt3A_296 : vector<16xi1>
          %or3A_298 = arith.ori %gt3A_292, %and3A_297 : vector<16xi1>
          %jit3A_299 = arith.constant 0x7F800000 : f32
          %broadcast_in_dim3A_300 = vector.broadcast %jit3A_299 : f32 to vector<16xf32>
          %select_n3A_301 = arith.select %or3A_298, %get3A_286, %broadcast_in_dim3A_300 : vector<16xi1>, vector<16xf32>
          %lt3A_302 = arith.cmpf olt, %select_n3A_301, %select_n3A_277 : vector<16xf32>
          %select_n3A_303 = arith.select %lt3A_302, %select_n3A_301, %select_n3A_277 : vector<16xi1>, vector<16xf32>
          %select_n3A_304 = arith.select %lt3A_302, %add3A_290, %select_n3A_278 : vector<16xi1>, vector<16xi32>
          %scan3A_305 = arith.constant 4 : i32
          %scan3A_306 = arith.addi %scan3A_202, %scan3A_305 : i32
          %mul3A_307 = arith.constant 16 : i32
          %mul3A_308 = arith.muli %scan3A_306, %mul3A_307 : i32
          %get3A_309 = arith.index_cast %scan3A_88 : i32 to index
          %get3A_310 = arith.index_cast %mul3A_308 : i32 to index
          %get3A_311 = tpu.vector_load %arg6[%get3A_309, %get3A_310] {strides = array<i32>} : memref<8x4000xf32, #tpu.memory_space<vmem>>, vector<1x16xf32>,
          %get3A_312 = vector.shape_cast %get3A_311 : vector<1x16xf32> to vector<16xf32>
          %mul3A_313 = arith.constant 16 : i32
          %mul3A_314 = arith.muli %scan3A_306, %mul3A_313 : i32
          %add3A_315 = vector.broadcast %mul3A_314 : i32 to vector<16xi32>
          %add3A_316 = arith.addi %iota3A, %add3A_315 : vector<16xi32>
          %gt3A_317 = vector.broadcast %while3A_113 : f32 to vector<16xf32>
          %gt3A_318 = arith.cmpf ogt, %get3A_312, %gt3A_317 : vector<16xf32>
          %eq3A_319 = vector.broadcast %while3A_113 : f32 to vector<16xf32>
          %eq3A_320 = arith.cmpf oeq, %get3A_312, %eq3A_319 : vector<16xf32>
          %gt3A_321 = vector.broadcast %while3A_114 : i32 to vector<16xi32>
          %gt3A_322 = arith.cmpi sgt, %add3A_316, %gt3A_321 : vector<16xi32>
          %and3A_323 = arith.andi %eq3A_320, %gt3A_322 : vector<16xi1>
          %or3A_324 = arith.ori %gt3A_318, %and3A_323 : vector<16xi1>
          %jit3A_325 = arith.constant 0x7F800000 : f32
          %broadcast_in_dim3A_326 = vector.broadcast %jit3A_325 : f32 to vector<16xf32>
          %select_n3A_327 = arith.select %or3A_324, %get3A_312, %broadcast_in_dim3A_326 : vector<16xi1>, vector<16xf32>
          %lt3A_328 = arith.cmpf olt, %select_n3A_327, %select_n3A_303 : vector<16xf32>
          %select_n3A_329 = arith.select %lt3A_328, %select_n3A_327, %select_n3A_303 : vector<16xi1>, vector<16xf32>
          %select_n3A_330 = arith.select %lt3A_328, %add3A_316, %select_n3A_304 : vector<16xi1>, vector<16xi32>
          %scan3A_331 = arith.constant 5 : i32
          %scan3A_332 = arith.addi %scan3A_202, %scan3A_331 : i32
          %mul3A_333 = arith.constant 16 : i32
          %mul3A_334 = arith.muli %scan3A_332, %mul3A_333 : i32
          %get3A_335 = arith.index_cast %scan3A_88 : i32 to index
          %get3A_336 = arith.index_cast %mul3A_334 : i32 to index
          %get3A_337 = tpu.vector_load %arg6[%get3A_335, %get3A_336] {strides = array<i32>} : memref<8x4000xf32, #tpu.memory_space<vmem>>, vector<1x16xf32>,
          %get3A_338 = vector.shape_cast %get3A_337 : vector<1x16xf32> to vector<16xf32>
          %mul3A_339 = arith.constant 16 : i32
          %mul3A_340 = arith.muli %scan3A_332, %mul3A_339 : i32
          %add3A_341 = vector.broadcast %mul3A_340 : i32 to vector<16xi32>
          %add3A_342 = arith.addi %iota3A, %add3A_341 : vector<16xi32>
          %gt3A_343 = vector.broadcast %while3A_113 : f32 to vector<16xf32>
          %gt3A_344 = arith.cmpf ogt, %get3A_338, %gt3A_343 : vector<16xf32>
          %eq3A_345 = vector.broadcast %while3A_113 : f32 to vector<16xf32>
          %eq3A_346 = arith.cmpf oeq, %get3A_338, %eq3A_345 : vector<16xf32>
          %gt3A_347 = vector.broadcast %while3A_114 : i32 to vector<16xi32>
          %gt3A_348 = arith.cmpi sgt, %add3A_342, %gt3A_347 : vector<16xi32>
          %and3A_349 = arith.andi %eq3A_346, %gt3A_348 : vector<16xi1>
          %or3A_350 = arith.ori %gt3A_344, %and3A_349 : vector<16xi1>
          %jit3A_351 = arith.constant 0x7F800000 : f32
          %broadcast_in_dim3A_352 = vector.broadcast %jit3A_351 : f32 to vector<16xf32>
          %select_n3A_353 = arith.select %or3A_350, %get3A_338, %broadcast_in_dim3A_352 : vector<16xi1>, vector<16xf32>
          %lt3A_354 = arith.cmpf olt, %select_n3A_353, %select_n3A_329 : vector<16xf32>
          %select_n3A_355 = arith.select %lt3A_354, %select_n3A_353, %select_n3A_329 : vector<16xi1>, vector<16xf32>
          %select_n3A_356 = arith.select %lt3A_354, %add3A_342, %select_n3A_330 : vector<16xi1>, vector<16xi32>
          %scan3A_357 = arith.constant 6 : i32
          %scan3A_358 = arith.addi %scan3A_202, %scan3A_357 : i32
          %mul3A_359 = arith.constant 16 : i32
          %mul3A_360 = arith.muli %scan3A_358, %mul3A_359 : i32
          %get3A_361 = arith.index_cast %scan3A_88 : i32 to index
          %get3A_362 = arith.index_cast %mul3A_360 : i32 to index
          %get3A_363 = tpu.vector_load %arg6[%get3A_361, %get3A_362] {strides = array<i32>} : memref<8x4000xf32, #tpu.memory_space<vmem>>, vector<1x16xf32>,
          %get3A_364 = vector.shape_cast %get3A_363 : vector<1x16xf32> to vector<16xf32>
          %mul3A_365 = arith.constant 16 : i32
          %mul3A_366 = arith.muli %scan3A_358, %mul3A_365 : i32
          %add3A_367 = vector.broadcast %mul3A_366 : i32 to vector<16xi32>
          %add3A_368 = arith.addi %iota3A, %add3A_367 : vector<16xi32>
          %gt3A_369 = vector.broadcast %while3A_113 : f32 to vector<16xf32>
          %gt3A_370 = arith.cmpf ogt, %get3A_364, %gt3A_369 : vector<16xf32>
          %eq3A_371 = vector.broadcast %while3A_113 : f32 to vector<16xf32>
          %eq3A_372 = arith.cmpf oeq, %get3A_364, %eq3A_371 : vector<16xf32>
          %gt3A_373 = vector.broadcast %while3A_114 : i32 to vector<16xi32>
          %gt3A_374 = arith.cmpi sgt, %add3A_368, %gt3A_373 : vector<16xi32>
          %and3A_375 = arith.andi %eq3A_372, %gt3A_374 : vector<16xi1>
          %or3A_376 = arith.ori %gt3A_370, %and3A_375 : vector<16xi1>
          %jit3A_377 = arith.constant 0x7F800000 : f32
          %broadcast_in_dim3A_378 = vector.broadcast %jit3A_377 : f32 to vector<16xf32>
          %select_n3A_379 = arith.select %or3A_376, %get3A_364, %broadcast_in_dim3A_378 : vector<16xi1>, vector<16xf32>
          %lt3A_380 = arith.cmpf olt, %select_n3A_379, %select_n3A_355 : vector<16xf32>
          %select_n3A_381 = arith.select %lt3A_380, %select_n3A_379, %select_n3A_355 : vector<16xi1>, vector<16xf32>
          %select_n3A_382 = arith.select %lt3A_380, %add3A_368, %select_n3A_356 : vector<16xi1>, vector<16xi32>
          %scan3A_383 = arith.constant 7 : i32
          %scan3A_384 = arith.addi %scan3A_202, %scan3A_383 : i32
          %mul3A_385 = arith.constant 16 : i32
          %mul3A_386 = arith.muli %scan3A_384, %mul3A_385 : i32
          %get3A_387 = arith.index_cast %scan3A_88 : i32 to index
          %get3A_388 = arith.index_cast %mul3A_386 : i32 to index
          %get3A_389 = tpu.vector_load %arg6[%get3A_387, %get3A_388] {strides = array<i32>} : memref<8x4000xf32, #tpu.memory_space<vmem>>, vector<1x16xf32>,
          %get3A_390 = vector.shape_cast %get3A_389 : vector<1x16xf32> to vector<16xf32>
          %mul3A_391 = arith.constant 16 : i32
          %mul3A_392 = arith.muli %scan3A_384, %mul3A_391 : i32
          %add3A_393 = vector.broadcast %mul3A_392 : i32 to vector<16xi32>
          %add3A_394 = arith.addi %iota3A, %add3A_393 : vector<16xi32>
          %gt3A_395 = vector.broadcast %while3A_113 : f32 to vector<16xf32>
          %gt3A_396 = arith.cmpf ogt, %get3A_390, %gt3A_395 : vector<16xf32>
          %eq3A_397 = vector.broadcast %while3A_113 : f32 to vector<16xf32>
          %eq3A_398 = arith.cmpf oeq, %get3A_390, %eq3A_397 : vector<16xf32>
          %gt3A_399 = vector.broadcast %while3A_114 : i32 to vector<16xi32>
          %gt3A_400 = arith.cmpi sgt, %add3A_394, %gt3A_399 : vector<16xi32>
          %and3A_401 = arith.andi %eq3A_398, %gt3A_400 : vector<16xi1>
          %or3A_402 = arith.ori %gt3A_396, %and3A_401 : vector<16xi1>
          %jit3A_403 = arith.constant 0x7F800000 : f32
          %broadcast_in_dim3A_404 = vector.broadcast %jit3A_403 : f32 to vector<16xf32>
          %select_n3A_405 = arith.select %or3A_402, %get3A_390, %broadcast_in_dim3A_404 : vector<16xi1>, vector<16xf32>
          %lt3A_406 = arith.cmpf olt, %select_n3A_405, %select_n3A_381 : vector<16xf32>
          %select_n3A_407 = arith.select %lt3A_406, %select_n3A_405, %select_n3A_381 : vector<16xi1>, vector<16xf32>
          %select_n3A_408 = arith.select %lt3A_406, %add3A_394, %select_n3A_382 : vector<16xi1>, vector<16xi32>
          %scan3A_409 = arith.constant 8 : i32
          %scan3A_410 = arith.addi %scan3A_202, %scan3A_409 : i32
          %mul3A_411 = arith.constant 16 : i32
          %mul3A_412 = arith.muli %scan3A_410, %mul3A_411 : i32
          %get3A_413 = arith.index_cast %scan3A_88 : i32 to index
          %get3A_414 = arith.index_cast %mul3A_412 : i32 to index
          %get3A_415 = tpu.vector_load %arg6[%get3A_413, %get3A_414] {strides = array<i32>} : memref<8x4000xf32, #tpu.memory_space<vmem>>, vector<1x16xf32>,
          %get3A_416 = vector.shape_cast %get3A_415 : vector<1x16xf32> to vector<16xf32>
          %mul3A_417 = arith.constant 16 : i32
          %mul3A_418 = arith.muli %scan3A_410, %mul3A_417 : i32
          %add3A_419 = vector.broadcast %mul3A_418 : i32 to vector<16xi32>
          %add3A_420 = arith.addi %iota3A, %add3A_419 : vector<16xi32>
          %gt3A_421 = vector.broadcast %while3A_113 : f32 to vector<16xf32>
          %gt3A_422 = arith.cmpf ogt, %get3A_416, %gt3A_421 : vector<16xf32>
          %eq3A_423 = vector.broadcast %while3A_113 : f32 to vector<16xf32>
          %eq3A_424 = arith.cmpf oeq, %get3A_416, %eq3A_423 : vector<16xf32>
          %gt3A_425 = vector.broadcast %while3A_114 : i32 to vector<16xi32>
          %gt3A_426 = arith.cmpi sgt, %add3A_420, %gt3A_425 : vector<16xi32>
          %and3A_427 = arith.andi %eq3A_424, %gt3A_426 : vector<16xi1>
          %or3A_428 = arith.ori %gt3A_422, %and3A_427 : vector<16xi1>
          %jit3A_429 = arith.constant 0x7F800000 : f32
          %broadcast_in_dim3A_430 = vector.broadcast %jit3A_429 : f32 to vector<16xf32>
          %select_n3A_431 = arith.select %or3A_428, %get3A_416, %broadcast_in_dim3A_430 : vector<16xi1>, vector<16xf32>
          %lt3A_432 = arith.cmpf olt, %select_n3A_431, %select_n3A_407 : vector<16xf32>
          %select_n3A_433 = arith.select %lt3A_432, %select_n3A_431, %select_n3A_407 : vector<16xi1>, vector<16xf32>
          %select_n3A_434 = arith.select %lt3A_432, %add3A_420, %select_n3A_408 : vector<16xi1>, vector<16xi32>
          %scan3A_435 = arith.constant 9 : i32
          %scan3A_436 = arith.addi %scan3A_202, %scan3A_435 : i32
          %mul3A_437 = arith.constant 16 : i32
          %mul3A_438 = arith.muli %scan3A_436, %mul3A_437 : i32
          %get3A_439 = arith.index_cast %scan3A_88 : i32 to index
          %get3A_440 = arith.index_cast %mul3A_438 : i32 to index
          %get3A_441 = tpu.vector_load %arg6[%get3A_439, %get3A_440] {strides = array<i32>} : memref<8x4000xf32, #tpu.memory_space<vmem>>, vector<1x16xf32>,
          %get3A_442 = vector.shape_cast %get3A_441 : vector<1x16xf32> to vector<16xf32>
          %mul3A_443 = arith.constant 16 : i32
          %mul3A_444 = arith.muli %scan3A_436, %mul3A_443 : i32
          %add3A_445 = vector.broadcast %mul3A_444 : i32 to vector<16xi32>
          %add3A_446 = arith.addi %iota3A, %add3A_445 : vector<16xi32>
          %gt3A_447 = vector.broadcast %while3A_113 : f32 to vector<16xf32>
          %gt3A_448 = arith.cmpf ogt, %get3A_442, %gt3A_447 : vector<16xf32>
          %eq3A_449 = vector.broadcast %while3A_113 : f32 to vector<16xf32>
          %eq3A_450 = arith.cmpf oeq, %get3A_442, %eq3A_449 : vector<16xf32>
          %gt3A_451 = vector.broadcast %while3A_114 : i32 to vector<16xi32>
          %gt3A_452 = arith.cmpi sgt, %add3A_446, %gt3A_451 : vector<16xi32>
          %and3A_453 = arith.andi %eq3A_450, %gt3A_452 : vector<16xi1>
          %or3A_454 = arith.ori %gt3A_448, %and3A_453 : vector<16xi1>
          %jit3A_455 = arith.constant 0x7F800000 : f32
          %broadcast_in_dim3A_456 = vector.broadcast %jit3A_455 : f32 to vector<16xf32>
          %select_n3A_457 = arith.select %or3A_454, %get3A_442, %broadcast_in_dim3A_456 : vector<16xi1>, vector<16xf32>
          %lt3A_458 = arith.cmpf olt, %select_n3A_457, %select_n3A_433 : vector<16xf32>
          %select_n3A_459 = arith.select %lt3A_458, %select_n3A_457, %select_n3A_433 : vector<16xi1>, vector<16xf32>
          %select_n3A_460 = arith.select %lt3A_458, %add3A_446, %select_n3A_434 : vector<16xi1>, vector<16xi32>
          scf.yield %select_n3A_459, %select_n3A_460 : vector<16xf32>, vector<16xi32>
        }
        %scan3A_123 = arith.constant 250 : i32
        %xor3A = arith.constant 1 : i32
        %xor3A_124 = vector.broadcast %xor3A : i32 to vector<16xi32>
        %xor3A_125 = arith.xori %iota3A, %xor3A_124 : vector<16xi32>
        %broadcast_in_dim3A_126 = vector.shape_cast %xor3A_125 : vector<16xi32> to vector<16x1xi32>
        %gather3A = vector.shape_cast %broadcast_in_dim3A_126 : vector<16x1xi32> to vector<16xi32>
        %gather3A_127 = tpu.dynamic_gather %scan3A_122#0[%gather3A] in [0] : vector<16xf32>, vector<16xi32> -> vector<16xf32>
        %min3A = arith.minimumf %scan3A_122#0, %gather3A_127 : vector<16xf32>
        %xor3A_128 = arith.constant 2 : i32
        %xor3A_129 = vector.broadcast %xor3A_128 : i32 to vector<16xi32>
        %xor3A_130 = arith.xori %iota3A, %xor3A_129 : vector<16xi32>
        %broadcast_in_dim3A_131 = vector.shape_cast %xor3A_130 : vector<16xi32> to vector<16x1xi32>
        %gather3A_132 = vector.shape_cast %broadcast_in_dim3A_131 : vector<16x1xi32> to vector<16xi32>
        %gather3A_133 = tpu.dynamic_gather %min3A[%gather3A_132] in [0] : vector<16xf32>, vector<16xi32> -> vector<16xf32>
        %min3A_134 = arith.minimumf %min3A, %gather3A_133 : vector<16xf32>
        %xor3A_135 = arith.constant 4 : i32
        %xor3A_136 = vector.broadcast %xor3A_135 : i32 to vector<16xi32>
        %xor3A_137 = arith.xori %iota3A, %xor3A_136 : vector<16xi32>
        %broadcast_in_dim3A_138 = vector.shape_cast %xor3A_137 : vector<16xi32> to vector<16x1xi32>
        %gather3A_139 = vector.shape_cast %broadcast_in_dim3A_138 : vector<16x1xi32> to vector<16xi32>
        %gather3A_140 = tpu.dynamic_gather %min3A_134[%gather3A_139] in [0] : vector<16xf32>, vector<16xi32> -> vector<16xf32>
        %min3A_141 = arith.minimumf %min3A_134, %gather3A_140 : vector<16xf32>
        %xor3A_142 = arith.constant 8 : i32
        %xor3A_143 = vector.broadcast %xor3A_142 : i32 to vector<16xi32>
        %xor3A_144 = arith.xori %iota3A, %xor3A_143 : vector<16xi32>
        %broadcast_in_dim3A_145 = vector.shape_cast %xor3A_144 : vector<16xi32> to vector<16x1xi32>
        %gather3A_146 = vector.shape_cast %broadcast_in_dim3A_145 : vector<16x1xi32> to vector<16xi32>
        %gather3A_147 = tpu.dynamic_gather %min3A_141[%gather3A_146] in [0] : vector<16xf32>, vector<16xi32> -> vector<16xf32>
        %min3A_148 = arith.minimumf %min3A_141, %gather3A_147 : vector<16xf32>
        %eq3A_149 = arith.cmpf oeq, %scan3A_122#0, %min3A_148 : vector<16xf32>
        %jit3A_150 = arith.constant 4000 : i32
        %broadcast_in_dim3A_151 = vector.broadcast %jit3A_150 : i32 to vector<16xi32>
        %select_n3A_152 = arith.select %eq3A_149, %scan3A_122#1, %broadcast_in_dim3A_151 : vector<16xi1>, vector<16xi32>
        %xor3A_153 = arith.constant 1 : i32
        %xor3A_154 = vector.broadcast %xor3A_153 : i32 to vector<16xi32>
        %xor3A_155 = arith.xori %iota3A, %xor3A_154 : vector<16xi32>
        %broadcast_in_dim3A_156 = vector.shape_cast %xor3A_155 : vector<16xi32> to vector<16x1xi32>
        %gather3A_157 = vector.shape_cast %broadcast_in_dim3A_156 : vector<16x1xi32> to vector<16xi32>
        %gather3A_158 = tpu.dynamic_gather %select_n3A_152[%gather3A_157] in [0] : vector<16xi32>, vector<16xi32> -> vector<16xi32>
        %min3A_159 = arith.minsi %select_n3A_152, %gather3A_158 : vector<16xi32>
        %xor3A_160 = arith.constant 2 : i32
        %xor3A_161 = vector.broadcast %xor3A_160 : i32 to vector<16xi32>
        %xor3A_162 = arith.xori %iota3A, %xor3A_161 : vector<16xi32>
        %broadcast_in_dim3A_163 = vector.shape_cast %xor3A_162 : vector<16xi32> to vector<16x1xi32>
        %gather3A_164 = vector.shape_cast %broadcast_in_dim3A_163 : vector<16x1xi32> to vector<16xi32>
        %gather3A_165 = tpu.dynamic_gather %min3A_159[%gather3A_164] in [0] : vector<16xi32>, vector<16xi32> -> vector<16xi32>
        %min3A_166 = arith.minsi %min3A_159, %gather3A_165 : vector<16xi32>
        %xor3A_167 = arith.constant 4 : i32
        %xor3A_168 = vector.broadcast %xor3A_167 : i32 to vector<16xi32>
        %xor3A_169 = arith.xori %iota3A, %xor3A_168 : vector<16xi32>
        %broadcast_in_dim3A_170 = vector.shape_cast %xor3A_169 : vector<16xi32> to vector<16x1xi32>
        %gather3A_171 = vector.shape_cast %broadcast_in_dim3A_170 : vector<16x1xi32> to vector<16xi32>
        %gather3A_172 = tpu.dynamic_gather %min3A_166[%gather3A_171] in [0] : vector<16xi32>, vector<16xi32> -> vector<16xi32>
        %min3A_173 = arith.minsi %min3A_166, %gather3A_172 : vector<16xi32>
        %xor3A_174 = arith.constant 8 : i32
        %xor3A_175 = vector.broadcast %xor3A_174 : i32 to vector<16xi32>
        %xor3A_176 = arith.xori %iota3A, %xor3A_175 : vector<16xi32>
        %broadcast_in_dim3A_177 = vector.shape_cast %xor3A_176 : vector<16xi32> to vector<16x1xi32>
        %gather3A_178 = vector.shape_cast %broadcast_in_dim3A_177 : vector<16x1xi32> to vector<16xi32>
        %gather3A_179 = tpu.dynamic_gather %min3A_173[%gather3A_178] in [0] : vector<16xi32>, vector<16xi32> -> vector<16xi32>
        %min3A_180 = arith.minsi %min3A_173, %gather3A_179 : vector<16xi32>
        %eq3A_181 = vector.broadcast %while3A_112 : i32 to vector<16xi32>
        %eq3A_182 = arith.cmpi eq, %iota3A, %eq3A_181 : vector<16xi32>
        %get3A_183 = arith.index_cast %mul3A_98 : i32 to index
        %get3A_184 = tpu.vector_load %arg12[%get3A_183] {strides = array<i32>} : memref<288xf32, #tpu.memory_space<vmem>>, vector<16xf32>,
        %get3A_185 = vector.shape_cast %get3A_184 : vector<16xf32> to vector<16xf32>
        %select_n3A_186 = arith.select %eq3A_182, %min3A_148, %get3A_185 : vector<16xi1>, vector<16xf32>
        %swap3A = arith.index_cast %mul3A_98 : i32 to index
        %swap3A_187 = tpu.vector_load %arg12[%swap3A] {strides = array<i32>} : memref<288xf32, #tpu.memory_space<vmem>>, vector<16xf32>,
        %swap3A_188 = vector.shape_cast %swap3A_187 : vector<16xf32> to vector<16xf32>
        %swap3A_189 = vector.shape_cast %select_n3A_186 : vector<16xf32> to vector<16xf32>
        tpu.vector_store %arg12[%swap3A], %swap3A_189 {strides = array<i32>} : memref<288xf32, #tpu.memory_space<vmem>>, vector<16xf32>,
        %get3A_190 = arith.index_cast %mul3A_98 : i32 to index
        %get3A_191 = tpu.vector_load %arg13[%get3A_190] {strides = array<i32>} : memref<288xi32, #tpu.memory_space<vmem>>, vector<16xi32>,
        %get3A_192 = vector.shape_cast %get3A_191 : vector<16xi32> to vector<16xi32>
        %select_n3A_193 = arith.select %eq3A_182, %min3A_180, %get3A_192 : vector<16xi1>, vector<16xi32>
        %swap3A_194 = arith.index_cast %mul3A_98 : i32 to index
        %swap3A_195 = tpu.vector_load %arg13[%swap3A_194] {strides = array<i32>} : memref<288xi32, #tpu.memory_space<vmem>>, vector<16xi32>,
        %swap3A_196 = vector.shape_cast %swap3A_195 : vector<16xi32> to vector<16xi32>
        %swap3A_197 = vector.shape_cast %select_n3A_193 : vector<16xi32> to vector<16xi32>
        tpu.vector_store %arg13[%swap3A_194], %swap3A_197 {strides = array<i32>} : memref<288xi32, #tpu.memory_space<vmem>>, vector<16xi32>,
        %slice3A_198 = vector.extract_strided_slice %min3A_148 {offsets = [0], sizes = [1], strides = [1]} : vector<16xf32> to vector<1xf32>
        %squeeze3A_199 = vector.extract %slice3A_198[0] : f32 from vector<1xf32>
        %slice3A_200 = vector.extract_strided_slice %min3A_180 {offsets = [0], sizes = [1], strides = [1]} : vector<16xi32> to vector<1xi32>
        %squeeze3A_201 = vector.extract %slice3A_200[0] : i32 from vector<1xi32>
        scf.yield %squeeze3A_199, %squeeze3A_201 : f32, i32
      }
      %scan3A_111 = arith.constant 0 : i32
      scf.yield %scan3A_111 : i32
    }
    %scan3A_63 = arith.constant 8 : i32
    %mul3A_64 = arith.constant 32 : i32
    %mul3A_65 = arith.muli %add3A, %mul3A_64 : i32
    %add3A_66 = arith.addi %mul3A_65, %mul3A_32 : i32
    %add3A_67 = arith.constant 8 : i32
    %add3A_68 = arith.addi %add3A_66, %add3A_67 : i32
    %dma_wait3A_69 = arith.constant 0 : i32
    %dma_wait3A_70 = tpu.memref_slice %arg2[%add3A_68, %dma_wait3A_69] : memref<512x4000xf32, #tpu.memory_space<hbm>> -> memref<8x4000xf32, #tpu.memory_space<hbm>>
    %dma_wait3A_71 = arith.constant 0 : i32
    %dma_wait3A_72 = tpu.memref_slice %arg2[%add3A_68, %dma_wait3A_71] : memref<512x4000xf32, #tpu.memory_space<hbm>> -> memref<8x4000xf32, #tpu.memory_space<hbm>>
    tpu.wait_dma2 semaphore(%arg19 : memref<!tpu.dma_semaphore, #tpu.memory_space<semaphore_mem>>) src(%dma_wait3A_72 : memref<8x4000xf32, #tpu.memory_space<hbm>>) dst(%arg7 : memref<8x4000xf32, #tpu.memory_space<vmem>>)
    %scan3A_73 = arith.constant 0 : i32
    %scan3A_74 = arith.constant 0 : i32
    %scan3A_75 = arith.constant 8 : i32
    %scan3A_76 = arith.addi %scan3A_74, %scan3A_75 : i32
    %scan3A_77 = arith.constant 1 : i32
    %scan3A_78 = scf.for %scan3A_88 = %scan3A_74 to %scan3A_76 step %scan3A_77 iter_args(%scan3A_89 = %scan3A_73) -> (i32)  : i32 {
      %add3A_90 = arith.constant 8 : i32
      %add3A_91 = arith.addi %mul3A_32, %add3A_90 : i32
      %add3A_92 = arith.addi %add3A_91, %scan3A_88 : i32
      %get3A = arith.index_cast %add3A_92 : i32 to index
      %get3A_93 = tpu.vector_load %arg8[%get3A] {strides = array<i32>} : memref<48xi32, #tpu.memory_space<vmem>>, vector<16xi32>,
      %get3A_94 = vector.shape_cast %get3A_93 : vector<16xi32> to vector<16xi32>
      %slice3A = vector.extract_strided_slice %get3A_94 {offsets = [0], sizes = [1], strides = [1]} : vector<16xi32> to vector<1xi32>
      %squeeze3A = vector.extract %slice3A[0] : i32 from vector<1xi32>
      %add3A_95 = arith.constant 8 : i32
      %add3A_96 = arith.addi %add3A_95, %scan3A_88 : i32
      %mul3A_97 = arith.constant 16 : i32
      %mul3A_98 = arith.muli %add3A_96, %mul3A_97 : i32
      %while3A = arith.constant 0 : i32
      %while3A_99 = arith.constant 0xFF800000 : f32
      %while3A_100 = arith.constant -1 : i32
      %while3A_101 = arith.subi %squeeze3A, %while3A : i32
      %while3A_102 = arith.addi %while3A, %while3A_101 : i32
      %while3A_103 = arith.constant 1 : i32
      %while3A_104 = arith.divsi %while3A_101, %while3A_103 : i32
      %while3A_105 = arith.muli %while3A_104, %while3A_103 : i32
      %while3A_106 = arith.addi %while3A, %while3A_105 : i32
      %while3A_107 = arith.constant 1 : i32
      %while3A_108:2 = scf.for %while3A_112 = %while3A to %while3A_106 step %while3A_107 iter_args(%while3A_113 = %while3A_99, %while3A_114 = %while3A_100) -> (f32, i32)  : i32 {
        %broadcast_in_dim3A = arith.constant 0x7F800000 : f32
        %broadcast_in_dim3A_115 = vector.broadcast %broadcast_in_dim3A : f32 to vector<16xf32>
        %broadcast_in_dim3A_116 = arith.constant 4000 : i32
        %broadcast_in_dim3A_117 = vector.broadcast %broadcast_in_dim3A_116 : i32 to vector<16xi32>
        %scan3A_118 = arith.constant 0 : i32
        %scan3A_119 = arith.constant 250 : i32
        %scan3A_120 = arith.addi %scan3A_118, %scan3A_119 : i32
        %scan3A_121 = arith.constant 10 : i32
        %scan3A_122:2 = scf.for %scan3A_202 = %scan3A_118 to %scan3A_120 step %scan3A_121 iter_args(%scan3A_203 = %broadcast_in_dim3A_115, %scan3A_204 = %broadcast_in_dim3A_117) -> (vector<16xf32>, vector<16xi32>)  : i32 {
          %mul3A_205 = arith.constant 16 : i32
          %mul3A_206 = arith.muli %scan3A_202, %mul3A_205 : i32
          %get3A_207 = arith.index_cast %scan3A_88 : i32 to index
          %get3A_208 = arith.index_cast %mul3A_206 : i32 to index
          %get3A_209 = tpu.vector_load %arg7[%get3A_207, %get3A_208] {strides = array<i32>} : memref<8x4000xf32, #tpu.memory_space<vmem>>, vector<1x16xf32>,
          %get3A_210 = vector.shape_cast %get3A_209 : vector<1x16xf32> to vector<16xf32>
          %mul3A_211 = arith.constant 16 : i32
          %mul3A_212 = arith.muli %scan3A_202, %mul3A_211 : i32
          %add3A_213 = vector.broadcast %mul3A_212 : i32 to vector<16xi32>
          %add3A_214 = arith.addi %iota3A, %add3A_213 : vector<16xi32>
          %gt3A = vector.broadcast %while3A_113 : f32 to vector<16xf32>
          %gt3A_215 = arith.cmpf ogt, %get3A_210, %gt3A : vector<16xf32>
          %eq3A_216 = vector.broadcast %while3A_113 : f32 to vector<16xf32>
          %eq3A_217 = arith.cmpf oeq, %get3A_210, %eq3A_216 : vector<16xf32>
          %gt3A_218 = vector.broadcast %while3A_114 : i32 to vector<16xi32>
          %gt3A_219 = arith.cmpi sgt, %add3A_214, %gt3A_218 : vector<16xi32>
          %and3A_220 = arith.andi %eq3A_217, %gt3A_219 : vector<16xi1>
          %or3A = arith.ori %gt3A_215, %and3A_220 : vector<16xi1>
          %jit3A_221 = arith.constant 0x7F800000 : f32
          %broadcast_in_dim3A_222 = vector.broadcast %jit3A_221 : f32 to vector<16xf32>
          %select_n3A_223 = arith.select %or3A, %get3A_210, %broadcast_in_dim3A_222 : vector<16xi1>, vector<16xf32>
          %lt3A_224 = arith.cmpf olt, %select_n3A_223, %scan3A_203 : vector<16xf32>
          %select_n3A_225 = arith.select %lt3A_224, %select_n3A_223, %scan3A_203 : vector<16xi1>, vector<16xf32>
          %select_n3A_226 = arith.select %lt3A_224, %add3A_214, %scan3A_204 : vector<16xi1>, vector<16xi32>
          %scan3A_227 = arith.constant 1 : i32
          %scan3A_228 = arith.addi %scan3A_202, %scan3A_227 : i32
          %mul3A_229 = arith.constant 16 : i32
          %mul3A_230 = arith.muli %scan3A_228, %mul3A_229 : i32
          %get3A_231 = arith.index_cast %scan3A_88 : i32 to index
          %get3A_232 = arith.index_cast %mul3A_230 : i32 to index
          %get3A_233 = tpu.vector_load %arg7[%get3A_231, %get3A_232] {strides = array<i32>} : memref<8x4000xf32, #tpu.memory_space<vmem>>, vector<1x16xf32>,
          %get3A_234 = vector.shape_cast %get3A_233 : vector<1x16xf32> to vector<16xf32>
          %mul3A_235 = arith.constant 16 : i32
          %mul3A_236 = arith.muli %scan3A_228, %mul3A_235 : i32
          %add3A_237 = vector.broadcast %mul3A_236 : i32 to vector<16xi32>
          %add3A_238 = arith.addi %iota3A, %add3A_237 : vector<16xi32>
          %gt3A_239 = vector.broadcast %while3A_113 : f32 to vector<16xf32>
          %gt3A_240 = arith.cmpf ogt, %get3A_234, %gt3A_239 : vector<16xf32>
          %eq3A_241 = vector.broadcast %while3A_113 : f32 to vector<16xf32>
          %eq3A_242 = arith.cmpf oeq, %get3A_234, %eq3A_241 : vector<16xf32>
          %gt3A_243 = vector.broadcast %while3A_114 : i32 to vector<16xi32>
          %gt3A_244 = arith.cmpi sgt, %add3A_238, %gt3A_243 : vector<16xi32>
          %and3A_245 = arith.andi %eq3A_242, %gt3A_244 : vector<16xi1>
          %or3A_246 = arith.ori %gt3A_240, %and3A_245 : vector<16xi1>
          %jit3A_247 = arith.constant 0x7F800000 : f32
          %broadcast_in_dim3A_248 = vector.broadcast %jit3A_247 : f32 to vector<16xf32>
          %select_n3A_249 = arith.select %or3A_246, %get3A_234, %broadcast_in_dim3A_248 : vector<16xi1>, vector<16xf32>
          %lt3A_250 = arith.cmpf olt, %select_n3A_249, %select_n3A_225 : vector<16xf32>
          %select_n3A_251 = arith.select %lt3A_250, %select_n3A_249, %select_n3A_225 : vector<16xi1>, vector<16xf32>
          %select_n3A_252 = arith.select %lt3A_250, %add3A_238, %select_n3A_226 : vector<16xi1>, vector<16xi32>
          %scan3A_253 = arith.constant 2 : i32
          %scan3A_254 = arith.addi %scan3A_202, %scan3A_253 : i32
          %mul3A_255 = arith.constant 16 : i32
          %mul3A_256 = arith.muli %scan3A_254, %mul3A_255 : i32
          %get3A_257 = arith.index_cast %scan3A_88 : i32 to index
          %get3A_258 = arith.index_cast %mul3A_256 : i32 to index
          %get3A_259 = tpu.vector_load %arg7[%get3A_257, %get3A_258] {strides = array<i32>} : memref<8x4000xf32, #tpu.memory_space<vmem>>, vector<1x16xf32>,
          %get3A_260 = vector.shape_cast %get3A_259 : vector<1x16xf32> to vector<16xf32>
          %mul3A_261 = arith.constant 16 : i32
          %mul3A_262 = arith.muli %scan3A_254, %mul3A_261 : i32
          %add3A_263 = vector.broadcast %mul3A_262 : i32 to vector<16xi32>
          %add3A_264 = arith.addi %iota3A, %add3A_263 : vector<16xi32>
          %gt3A_265 = vector.broadcast %while3A_113 : f32 to vector<16xf32>
          %gt3A_266 = arith.cmpf ogt, %get3A_260, %gt3A_265 : vector<16xf32>
          %eq3A_267 = vector.broadcast %while3A_113 : f32 to vector<16xf32>
          %eq3A_268 = arith.cmpf oeq, %get3A_260, %eq3A_267 : vector<16xf32>
          %gt3A_269 = vector.broadcast %while3A_114 : i32 to vector<16xi32>
          %gt3A_270 = arith.cmpi sgt, %add3A_264, %gt3A_269 : vector<16xi32>
          %and3A_271 = arith.andi %eq3A_268, %gt3A_270 : vector<16xi1>
          %or3A_272 = arith.ori %gt3A_266, %and3A_271 : vector<16xi1>
          %jit3A_273 = arith.constant 0x7F800000 : f32
          %broadcast_in_dim3A_274 = vector.broadcast %jit3A_273 : f32 to vector<16xf32>
          %select_n3A_275 = arith.select %or3A_272, %get3A_260, %broadcast_in_dim3A_274 : vector<16xi1>, vector<16xf32>
          %lt3A_276 = arith.cmpf olt, %select_n3A_275, %select_n3A_251 : vector<16xf32>
          %select_n3A_277 = arith.select %lt3A_276, %select_n3A_275, %select_n3A_251 : vector<16xi1>, vector<16xf32>
          %select_n3A_278 = arith.select %lt3A_276, %add3A_264, %select_n3A_252 : vector<16xi1>, vector<16xi32>
          %scan3A_279 = arith.constant 3 : i32
          %scan3A_280 = arith.addi %scan3A_202, %scan3A_279 : i32
          %mul3A_281 = arith.constant 16 : i32
          %mul3A_282 = arith.muli %scan3A_280, %mul3A_281 : i32
          %get3A_283 = arith.index_cast %scan3A_88 : i32 to index
          %get3A_284 = arith.index_cast %mul3A_282 : i32 to index
          %get3A_285 = tpu.vector_load %arg7[%get3A_283, %get3A_284] {strides = array<i32>} : memref<8x4000xf32, #tpu.memory_space<vmem>>, vector<1x16xf32>,
          %get3A_286 = vector.shape_cast %get3A_285 : vector<1x16xf32> to vector<16xf32>
          %mul3A_287 = arith.constant 16 : i32
          %mul3A_288 = arith.muli %scan3A_280, %mul3A_287 : i32
          %add3A_289 = vector.broadcast %mul3A_288 : i32 to vector<16xi32>
          %add3A_290 = arith.addi %iota3A, %add3A_289 : vector<16xi32>
          %gt3A_291 = vector.broadcast %while3A_113 : f32 to vector<16xf32>
          %gt3A_292 = arith.cmpf ogt, %get3A_286, %gt3A_291 : vector<16xf32>
          %eq3A_293 = vector.broadcast %while3A_113 : f32 to vector<16xf32>
          %eq3A_294 = arith.cmpf oeq, %get3A_286, %eq3A_293 : vector<16xf32>
          %gt3A_295 = vector.broadcast %while3A_114 : i32 to vector<16xi32>
          %gt3A_296 = arith.cmpi sgt, %add3A_290, %gt3A_295 : vector<16xi32>
          %and3A_297 = arith.andi %eq3A_294, %gt3A_296 : vector<16xi1>
          %or3A_298 = arith.ori %gt3A_292, %and3A_297 : vector<16xi1>
          %jit3A_299 = arith.constant 0x7F800000 : f32
          %broadcast_in_dim3A_300 = vector.broadcast %jit3A_299 : f32 to vector<16xf32>
          %select_n3A_301 = arith.select %or3A_298, %get3A_286, %broadcast_in_dim3A_300 : vector<16xi1>, vector<16xf32>
          %lt3A_302 = arith.cmpf olt, %select_n3A_301, %select_n3A_277 : vector<16xf32>
          %select_n3A_303 = arith.select %lt3A_302, %select_n3A_301, %select_n3A_277 : vector<16xi1>, vector<16xf32>
          %select_n3A_304 = arith.select %lt3A_302, %add3A_290, %select_n3A_278 : vector<16xi1>, vector<16xi32>
          %scan3A_305 = arith.constant 4 : i32
          %scan3A_306 = arith.addi %scan3A_202, %scan3A_305 : i32
          %mul3A_307 = arith.constant 16 : i32
          %mul3A_308 = arith.muli %scan3A_306, %mul3A_307 : i32
          %get3A_309 = arith.index_cast %scan3A_88 : i32 to index
          %get3A_310 = arith.index_cast %mul3A_308 : i32 to index
          %get3A_311 = tpu.vector_load %arg7[%get3A_309, %get3A_310] {strides = array<i32>} : memref<8x4000xf32, #tpu.memory_space<vmem>>, vector<1x16xf32>,
          %get3A_312 = vector.shape_cast %get3A_311 : vector<1x16xf32> to vector<16xf32>
          %mul3A_313 = arith.constant 16 : i32
          %mul3A_314 = arith.muli %scan3A_306, %mul3A_313 : i32
          %add3A_315 = vector.broadcast %mul3A_314 : i32 to vector<16xi32>
          %add3A_316 = arith.addi %iota3A, %add3A_315 : vector<16xi32>
          %gt3A_317 = vector.broadcast %while3A_113 : f32 to vector<16xf32>
          %gt3A_318 = arith.cmpf ogt, %get3A_312, %gt3A_317 : vector<16xf32>
          %eq3A_319 = vector.broadcast %while3A_113 : f32 to vector<16xf32>
          %eq3A_320 = arith.cmpf oeq, %get3A_312, %eq3A_319 : vector<16xf32>
          %gt3A_321 = vector.broadcast %while3A_114 : i32 to vector<16xi32>
          %gt3A_322 = arith.cmpi sgt, %add3A_316, %gt3A_321 : vector<16xi32>
          %and3A_323 = arith.andi %eq3A_320, %gt3A_322 : vector<16xi1>
          %or3A_324 = arith.ori %gt3A_318, %and3A_323 : vector<16xi1>
          %jit3A_325 = arith.constant 0x7F800000 : f32
          %broadcast_in_dim3A_326 = vector.broadcast %jit3A_325 : f32 to vector<16xf32>
          %select_n3A_327 = arith.select %or3A_324, %get3A_312, %broadcast_in_dim3A_326 : vector<16xi1>, vector<16xf32>
          %lt3A_328 = arith.cmpf olt, %select_n3A_327, %select_n3A_303 : vector<16xf32>
          %select_n3A_329 = arith.select %lt3A_328, %select_n3A_327, %select_n3A_303 : vector<16xi1>, vector<16xf32>
          %select_n3A_330 = arith.select %lt3A_328, %add3A_316, %select_n3A_304 : vector<16xi1>, vector<16xi32>
          %scan3A_331 = arith.constant 5 : i32
          %scan3A_332 = arith.addi %scan3A_202, %scan3A_331 : i32
          %mul3A_333 = arith.constant 16 : i32
          %mul3A_334 = arith.muli %scan3A_332, %mul3A_333 : i32
          %get3A_335 = arith.index_cast %scan3A_88 : i32 to index
          %get3A_336 = arith.index_cast %mul3A_334 : i32 to index
          %get3A_337 = tpu.vector_load %arg7[%get3A_335, %get3A_336] {strides = array<i32>} : memref<8x4000xf32, #tpu.memory_space<vmem>>, vector<1x16xf32>,
          %get3A_338 = vector.shape_cast %get3A_337 : vector<1x16xf32> to vector<16xf32>
          %mul3A_339 = arith.constant 16 : i32
          %mul3A_340 = arith.muli %scan3A_332, %mul3A_339 : i32
          %add3A_341 = vector.broadcast %mul3A_340 : i32 to vector<16xi32>
          %add3A_342 = arith.addi %iota3A, %add3A_341 : vector<16xi32>
          %gt3A_343 = vector.broadcast %while3A_113 : f32 to vector<16xf32>
          %gt3A_344 = arith.cmpf ogt, %get3A_338, %gt3A_343 : vector<16xf32>
          %eq3A_345 = vector.broadcast %while3A_113 : f32 to vector<16xf32>
          %eq3A_346 = arith.cmpf oeq, %get3A_338, %eq3A_345 : vector<16xf32>
          %gt3A_347 = vector.broadcast %while3A_114 : i32 to vector<16xi32>
          %gt3A_348 = arith.cmpi sgt, %add3A_342, %gt3A_347 : vector<16xi32>
          %and3A_349 = arith.andi %eq3A_346, %gt3A_348 : vector<16xi1>
          %or3A_350 = arith.ori %gt3A_344, %and3A_349 : vector<16xi1>
          %jit3A_351 = arith.constant 0x7F800000 : f32
          %broadcast_in_dim3A_352 = vector.broadcast %jit3A_351 : f32 to vector<16xf32>
          %select_n3A_353 = arith.select %or3A_350, %get3A_338, %broadcast_in_dim3A_352 : vector<16xi1>, vector<16xf32>
          %lt3A_354 = arith.cmpf olt, %select_n3A_353, %select_n3A_329 : vector<16xf32>
          %select_n3A_355 = arith.select %lt3A_354, %select_n3A_353, %select_n3A_329 : vector<16xi1>, vector<16xf32>
          %select_n3A_356 = arith.select %lt3A_354, %add3A_342, %select_n3A_330 : vector<16xi1>, vector<16xi32>
          %scan3A_357 = arith.constant 6 : i32
          %scan3A_358 = arith.addi %scan3A_202, %scan3A_357 : i32
          %mul3A_359 = arith.constant 16 : i32
          %mul3A_360 = arith.muli %scan3A_358, %mul3A_359 : i32
          %get3A_361 = arith.index_cast %scan3A_88 : i32 to index
          %get3A_362 = arith.index_cast %mul3A_360 : i32 to index
          %get3A_363 = tpu.vector_load %arg7[%get3A_361, %get3A_362] {strides = array<i32>} : memref<8x4000xf32, #tpu.memory_space<vmem>>, vector<1x16xf32>,
          %get3A_364 = vector.shape_cast %get3A_363 : vector<1x16xf32> to vector<16xf32>
          %mul3A_365 = arith.constant 16 : i32
          %mul3A_366 = arith.muli %scan3A_358, %mul3A_365 : i32
          %add3A_367 = vector.broadcast %mul3A_366 : i32 to vector<16xi32>
          %add3A_368 = arith.addi %iota3A, %add3A_367 : vector<16xi32>
          %gt3A_369 = vector.broadcast %while3A_113 : f32 to vector<16xf32>
          %gt3A_370 = arith.cmpf ogt, %get3A_364, %gt3A_369 : vector<16xf32>
          %eq3A_371 = vector.broadcast %while3A_113 : f32 to vector<16xf32>
          %eq3A_372 = arith.cmpf oeq, %get3A_364, %eq3A_371 : vector<16xf32>
          %gt3A_373 = vector.broadcast %while3A_114 : i32 to vector<16xi32>
          %gt3A_374 = arith.cmpi sgt, %add3A_368, %gt3A_373 : vector<16xi32>
          %and3A_375 = arith.andi %eq3A_372, %gt3A_374 : vector<16xi1>
          %or3A_376 = arith.ori %gt3A_370, %and3A_375 : vector<16xi1>
          %jit3A_377 = arith.constant 0x7F800000 : f32
          %broadcast_in_dim3A_378 = vector.broadcast %jit3A_377 : f32 to vector<16xf32>
          %select_n3A_379 = arith.select %or3A_376, %get3A_364, %broadcast_in_dim3A_378 : vector<16xi1>, vector<16xf32>
          %lt3A_380 = arith.cmpf olt, %select_n3A_379, %select_n3A_355 : vector<16xf32>
          %select_n3A_381 = arith.select %lt3A_380, %select_n3A_379, %select_n3A_355 : vector<16xi1>, vector<16xf32>
          %select_n3A_382 = arith.select %lt3A_380, %add3A_368, %select_n3A_356 : vector<16xi1>, vector<16xi32>
          %scan3A_383 = arith.constant 7 : i32
          %scan3A_384 = arith.addi %scan3A_202, %scan3A_383 : i32
          %mul3A_385 = arith.constant 16 : i32
          %mul3A_386 = arith.muli %scan3A_384, %mul3A_385 : i32
          %get3A_387 = arith.index_cast %scan3A_88 : i32 to index
          %get3A_388 = arith.index_cast %mul3A_386 : i32 to index
          %get3A_389 = tpu.vector_load %arg7[%get3A_387, %get3A_388] {strides = array<i32>} : memref<8x4000xf32, #tpu.memory_space<vmem>>, vector<1x16xf32>,
          %get3A_390 = vector.shape_cast %get3A_389 : vector<1x16xf32> to vector<16xf32>
          %mul3A_391 = arith.constant 16 : i32
          %mul3A_392 = arith.muli %scan3A_384, %mul3A_391 : i32
          %add3A_393 = vector.broadcast %mul3A_392 : i32 to vector<16xi32>
          %add3A_394 = arith.addi %iota3A, %add3A_393 : vector<16xi32>
          %gt3A_395 = vector.broadcast %while3A_113 : f32 to vector<16xf32>
          %gt3A_396 = arith.cmpf ogt, %get3A_390, %gt3A_395 : vector<16xf32>
          %eq3A_397 = vector.broadcast %while3A_113 : f32 to vector<16xf32>
          %eq3A_398 = arith.cmpf oeq, %get3A_390, %eq3A_397 : vector<16xf32>
          %gt3A_399 = vector.broadcast %while3A_114 : i32 to vector<16xi32>
          %gt3A_400 = arith.cmpi sgt, %add3A_394, %gt3A_399 : vector<16xi32>
          %and3A_401 = arith.andi %eq3A_398, %gt3A_400 : vector<16xi1>
          %or3A_402 = arith.ori %gt3A_396, %and3A_401 : vector<16xi1>
          %jit3A_403 = arith.constant 0x7F800000 : f32
          %broadcast_in_dim3A_404 = vector.broadcast %jit3A_403 : f32 to vector<16xf32>
          %select_n3A_405 = arith.select %or3A_402, %get3A_390, %broadcast_in_dim3A_404 : vector<16xi1>, vector<16xf32>
          %lt3A_406 = arith.cmpf olt, %select_n3A_405, %select_n3A_381 : vector<16xf32>
          %select_n3A_407 = arith.select %lt3A_406, %select_n3A_405, %select_n3A_381 : vector<16xi1>, vector<16xf32>
          %select_n3A_408 = arith.select %lt3A_406, %add3A_394, %select_n3A_382 : vector<16xi1>, vector<16xi32>
          %scan3A_409 = arith.constant 8 : i32
          %scan3A_410 = arith.addi %scan3A_202, %scan3A_409 : i32
          %mul3A_411 = arith.constant 16 : i32
          %mul3A_412 = arith.muli %scan3A_410, %mul3A_411 : i32
          %get3A_413 = arith.index_cast %scan3A_88 : i32 to index
          %get3A_414 = arith.index_cast %mul3A_412 : i32 to index
          %get3A_415 = tpu.vector_load %arg7[%get3A_413, %get3A_414] {strides = array<i32>} : memref<8x4000xf32, #tpu.memory_space<vmem>>, vector<1x16xf32>,
          %get3A_416 = vector.shape_cast %get3A_415 : vector<1x16xf32> to vector<16xf32>
          %mul3A_417 = arith.constant 16 : i32
          %mul3A_418 = arith.muli %scan3A_410, %mul3A_417 : i32
          %add3A_419 = vector.broadcast %mul3A_418 : i32 to vector<16xi32>
          %add3A_420 = arith.addi %iota3A, %add3A_419 : vector<16xi32>
          %gt3A_421 = vector.broadcast %while3A_113 : f32 to vector<16xf32>
          %gt3A_422 = arith.cmpf ogt, %get3A_416, %gt3A_421 : vector<16xf32>
          %eq3A_423 = vector.broadcast %while3A_113 : f32 to vector<16xf32>
          %eq3A_424 = arith.cmpf oeq, %get3A_416, %eq3A_423 : vector<16xf32>
          %gt3A_425 = vector.broadcast %while3A_114 : i32 to vector<16xi32>
          %gt3A_426 = arith.cmpi sgt, %add3A_420, %gt3A_425 : vector<16xi32>
          %and3A_427 = arith.andi %eq3A_424, %gt3A_426 : vector<16xi1>
          %or3A_428 = arith.ori %gt3A_422, %and3A_427 : vector<16xi1>
          %jit3A_429 = arith.constant 0x7F800000 : f32
          %broadcast_in_dim3A_430 = vector.broadcast %jit3A_429 : f32 to vector<16xf32>
          %select_n3A_431 = arith.select %or3A_428, %get3A_416, %broadcast_in_dim3A_430 : vector<16xi1>, vector<16xf32>
          %lt3A_432 = arith.cmpf olt, %select_n3A_431, %select_n3A_407 : vector<16xf32>
          %select_n3A_433 = arith.select %lt3A_432, %select_n3A_431, %select_n3A_407 : vector<16xi1>, vector<16xf32>
          %select_n3A_434 = arith.select %lt3A_432, %add3A_420, %select_n3A_408 : vector<16xi1>, vector<16xi32>
          %scan3A_435 = arith.constant 9 : i32
          %scan3A_436 = arith.addi %scan3A_202, %scan3A_435 : i32
          %mul3A_437 = arith.constant 16 : i32
          %mul3A_438 = arith.muli %scan3A_436, %mul3A_437 : i32
          %get3A_439 = arith.index_cast %scan3A_88 : i32 to index
          %get3A_440 = arith.index_cast %mul3A_438 : i32 to index
          %get3A_441 = tpu.vector_load %arg7[%get3A_439, %get3A_440] {strides = array<i32>} : memref<8x4000xf32, #tpu.memory_space<vmem>>, vector<1x16xf32>,
          %get3A_442 = vector.shape_cast %get3A_441 : vector<1x16xf32> to vector<16xf32>
          %mul3A_443 = arith.constant 16 : i32
          %mul3A_444 = arith.muli %scan3A_436, %mul3A_443 : i32
          %add3A_445 = vector.broadcast %mul3A_444 : i32 to vector<16xi32>
          %add3A_446 = arith.addi %iota3A, %add3A_445 : vector<16xi32>
          %gt3A_447 = vector.broadcast %while3A_113 : f32 to vector<16xf32>
          %gt3A_448 = arith.cmpf ogt, %get3A_442, %gt3A_447 : vector<16xf32>
          %eq3A_449 = vector.broadcast %while3A_113 : f32 to vector<16xf32>
          %eq3A_450 = arith.cmpf oeq, %get3A_442, %eq3A_449 : vector<16xf32>
          %gt3A_451 = vector.broadcast %while3A_114 : i32 to vector<16xi32>
          %gt3A_452 = arith.cmpi sgt, %add3A_446, %gt3A_451 : vector<16xi32>
          %and3A_453 = arith.andi %eq3A_450, %gt3A_452 : vector<16xi1>
          %or3A_454 = arith.ori %gt3A_448, %and3A_453 : vector<16xi1>
          %jit3A_455 = arith.constant 0x7F800000 : f32
          %broadcast_in_dim3A_456 = vector.broadcast %jit3A_455 : f32 to vector<16xf32>
          %select_n3A_457 = arith.select %or3A_454, %get3A_442, %broadcast_in_dim3A_456 : vector<16xi1>, vector<16xf32>
          %lt3A_458 = arith.cmpf olt, %select_n3A_457, %select_n3A_433 : vector<16xf32>
          %select_n3A_459 = arith.select %lt3A_458, %select_n3A_457, %select_n3A_433 : vector<16xi1>, vector<16xf32>
          %select_n3A_460 = arith.select %lt3A_458, %add3A_446, %select_n3A_434 : vector<16xi1>, vector<16xi32>
          scf.yield %select_n3A_459, %select_n3A_460 : vector<16xf32>, vector<16xi32>
        }
        %scan3A_123 = arith.constant 250 : i32
        %xor3A = arith.constant 1 : i32
        %xor3A_124 = vector.broadcast %xor3A : i32 to vector<16xi32>
        %xor3A_125 = arith.xori %iota3A, %xor3A_124 : vector<16xi32>
        %broadcast_in_dim3A_126 = vector.shape_cast %xor3A_125 : vector<16xi32> to vector<16x1xi32>
        %gather3A = vector.shape_cast %broadcast_in_dim3A_126 : vector<16x1xi32> to vector<16xi32>
        %gather3A_127 = tpu.dynamic_gather %scan3A_122#0[%gather3A] in [0] : vector<16xf32>, vector<16xi32> -> vector<16xf32>
        %min3A = arith.minimumf %scan3A_122#0, %gather3A_127 : vector<16xf32>
        %xor3A_128 = arith.constant 2 : i32
        %xor3A_129 = vector.broadcast %xor3A_128 : i32 to vector<16xi32>
        %xor3A_130 = arith.xori %iota3A, %xor3A_129 : vector<16xi32>
        %broadcast_in_dim3A_131 = vector.shape_cast %xor3A_130 : vector<16xi32> to vector<16x1xi32>
        %gather3A_132 = vector.shape_cast %broadcast_in_dim3A_131 : vector<16x1xi32> to vector<16xi32>
        %gather3A_133 = tpu.dynamic_gather %min3A[%gather3A_132] in [0] : vector<16xf32>, vector<16xi32> -> vector<16xf32>
        %min3A_134 = arith.minimumf %min3A, %gather3A_133 : vector<16xf32>
        %xor3A_135 = arith.constant 4 : i32
        %xor3A_136 = vector.broadcast %xor3A_135 : i32 to vector<16xi32>
        %xor3A_137 = arith.xori %iota3A, %xor3A_136 : vector<16xi32>
        %broadcast_in_dim3A_138 = vector.shape_cast %xor3A_137 : vector<16xi32> to vector<16x1xi32>
        %gather3A_139 = vector.shape_cast %broadcast_in_dim3A_138 : vector<16x1xi32> to vector<16xi32>
        %gather3A_140 = tpu.dynamic_gather %min3A_134[%gather3A_139] in [0] : vector<16xf32>, vector<16xi32> -> vector<16xf32>
        %min3A_141 = arith.minimumf %min3A_134, %gather3A_140 : vector<16xf32>
        %xor3A_142 = arith.constant 8 : i32
        %xor3A_143 = vector.broadcast %xor3A_142 : i32 to vector<16xi32>
        %xor3A_144 = arith.xori %iota3A, %xor3A_143 : vector<16xi32>
        %broadcast_in_dim3A_145 = vector.shape_cast %xor3A_144 : vector<16xi32> to vector<16x1xi32>
        %gather3A_146 = vector.shape_cast %broadcast_in_dim3A_145 : vector<16x1xi32> to vector<16xi32>
        %gather3A_147 = tpu.dynamic_gather %min3A_141[%gather3A_146] in [0] : vector<16xf32>, vector<16xi32> -> vector<16xf32>
        %min3A_148 = arith.minimumf %min3A_141, %gather3A_147 : vector<16xf32>
        %eq3A_149 = arith.cmpf oeq, %scan3A_122#0, %min3A_148 : vector<16xf32>
        %jit3A_150 = arith.constant 4000 : i32
        %broadcast_in_dim3A_151 = vector.broadcast %jit3A_150 : i32 to vector<16xi32>
        %select_n3A_152 = arith.select %eq3A_149, %scan3A_122#1, %broadcast_in_dim3A_151 : vector<16xi1>, vector<16xi32>
        %xor3A_153 = arith.constant 1 : i32
        %xor3A_154 = vector.broadcast %xor3A_153 : i32 to vector<16xi32>
        %xor3A_155 = arith.xori %iota3A, %xor3A_154 : vector<16xi32>
        %broadcast_in_dim3A_156 = vector.shape_cast %xor3A_155 : vector<16xi32> to vector<16x1xi32>
        %gather3A_157 = vector.shape_cast %broadcast_in_dim3A_156 : vector<16x1xi32> to vector<16xi32>
        %gather3A_158 = tpu.dynamic_gather %select_n3A_152[%gather3A_157] in [0] : vector<16xi32>, vector<16xi32> -> vector<16xi32>
        %min3A_159 = arith.minsi %select_n3A_152, %gather3A_158 : vector<16xi32>
        %xor3A_160 = arith.constant 2 : i32
        %xor3A_161 = vector.broadcast %xor3A_160 : i32 to vector<16xi32>
        %xor3A_162 = arith.xori %iota3A, %xor3A_161 : vector<16xi32>
        %broadcast_in_dim3A_163 = vector.shape_cast %xor3A_162 : vector<16xi32> to vector<16x1xi32>
        %gather3A_164 = vector.shape_cast %broadcast_in_dim3A_163 : vector<16x1xi32> to vector<16xi32>
        %gather3A_165 = tpu.dynamic_gather %min3A_159[%gather3A_164] in [0] : vector<16xi32>, vector<16xi32> -> vector<16xi32>
        %min3A_166 = arith.minsi %min3A_159, %gather3A_165 : vector<16xi32>
        %xor3A_167 = arith.constant 4 : i32
        %xor3A_168 = vector.broadcast %xor3A_167 : i32 to vector<16xi32>
        %xor3A_169 = arith.xori %iota3A, %xor3A_168 : vector<16xi32>
        %broadcast_in_dim3A_170 = vector.shape_cast %xor3A_169 : vector<16xi32> to vector<16x1xi32>
        %gather3A_171 = vector.shape_cast %broadcast_in_dim3A_170 : vector<16x1xi32> to vector<16xi32>
        %gather3A_172 = tpu.dynamic_gather %min3A_166[%gather3A_171] in [0] : vector<16xi32>, vector<16xi32> -> vector<16xi32>
        %min3A_173 = arith.minsi %min3A_166, %gather3A_172 : vector<16xi32>
        %xor3A_174 = arith.constant 8 : i32
        %xor3A_175 = vector.broadcast %xor3A_174 : i32 to vector<16xi32>
        %xor3A_176 = arith.xori %iota3A, %xor3A_175 : vector<16xi32>
        %broadcast_in_dim3A_177 = vector.shape_cast %xor3A_176 : vector<16xi32> to vector<16x1xi32>
        %gather3A_178 = vector.shape_cast %broadcast_in_dim3A_177 : vector<16x1xi32> to vector<16xi32>
        %gather3A_179 = tpu.dynamic_gather %min3A_173[%gather3A_178] in [0] : vector<16xi32>, vector<16xi32> -> vector<16xi32>
        %min3A_180 = arith.minsi %min3A_173, %gather3A_179 : vector<16xi32>
        %eq3A_181 = vector.broadcast %while3A_112 : i32 to vector<16xi32>
        %eq3A_182 = arith.cmpi eq, %iota3A, %eq3A_181 : vector<16xi32>
        %get3A_183 = arith.index_cast %mul3A_98 : i32 to index
        %get3A_184 = tpu.vector_load %arg12[%get3A_183] {strides = array<i32>} : memref<288xf32, #tpu.memory_space<vmem>>, vector<16xf32>,
        %get3A_185 = vector.shape_cast %get3A_184 : vector<16xf32> to vector<16xf32>
        %select_n3A_186 = arith.select %eq3A_182, %min3A_148, %get3A_185 : vector<16xi1>, vector<16xf32>
        %swap3A = arith.index_cast %mul3A_98 : i32 to index
        %swap3A_187 = tpu.vector_load %arg12[%swap3A] {strides = array<i32>} : memref<288xf32, #tpu.memory_space<vmem>>, vector<16xf32>,
        %swap3A_188 = vector.shape_cast %swap3A_187 : vector<16xf32> to vector<16xf32>
        %swap3A_189 = vector.shape_cast %select_n3A_186 : vector<16xf32> to vector<16xf32>
        tpu.vector_store %arg12[%swap3A], %swap3A_189 {strides = array<i32>} : memref<288xf32, #tpu.memory_space<vmem>>, vector<16xf32>,
        %get3A_190 = arith.index_cast %mul3A_98 : i32 to index
        %get3A_191 = tpu.vector_load %arg13[%get3A_190] {strides = array<i32>} : memref<288xi32, #tpu.memory_space<vmem>>, vector<16xi32>,
        %get3A_192 = vector.shape_cast %get3A_191 : vector<16xi32> to vector<16xi32>
        %select_n3A_193 = arith.select %eq3A_182, %min3A_180, %get3A_192 : vector<16xi1>, vector<16xi32>
        %swap3A_194 = arith.index_cast %mul3A_98 : i32 to index
        %swap3A_195 = tpu.vector_load %arg13[%swap3A_194] {strides = array<i32>} : memref<288xi32, #tpu.memory_space<vmem>>, vector<16xi32>,
        %swap3A_196 = vector.shape_cast %swap3A_195 : vector<16xi32> to vector<16xi32>
        %swap3A_197 = vector.shape_cast %select_n3A_193 : vector<16xi32> to vector<16xi32>
        tpu.vector_store %arg13[%swap3A_194], %swap3A_197 {strides = array<i32>} : memref<288xi32, #tpu.memory_space<vmem>>, vector<16xi32>,
        %slice3A_198 = vector.extract_strided_slice %min3A_148 {offsets = [0], sizes = [1], strides = [1]} : vector<16xf32> to vector<1xf32>
        %squeeze3A_199 = vector.extract %slice3A_198[0] : f32 from vector<1xf32>
        %slice3A_200 = vector.extract_strided_slice %min3A_180 {offsets = [0], sizes = [1], strides = [1]} : vector<16xi32> to vector<1xi32>
        %squeeze3A_201 = vector.extract %slice3A_200[0] : i32 from vector<1xi32>
        scf.yield %squeeze3A_199, %squeeze3A_201 : f32, i32
      }
      %while3A_109 = arith.constant 1 : i32
      %while3A_110:2 = scf.for %while3A_112 = %while3A_106 to %while3A_102 step %while3A_109 iter_args(%while3A_113 = %while3A_108#0, %while3A_114 = %while3A_108#1) -> (f32, i32)  : i32 {
        %broadcast_in_dim3A = arith.constant 0x7F800000 : f32
        %broadcast_in_dim3A_115 = vector.broadcast %broadcast_in_dim3A : f32 to vector<16xf32>
        %broadcast_in_dim3A_116 = arith.constant 4000 : i32
        %broadcast_in_dim3A_117 = vector.broadcast %broadcast_in_dim3A_116 : i32 to vector<16xi32>
        %scan3A_118 = arith.constant 0 : i32
        %scan3A_119 = arith.constant 250 : i32
        %scan3A_120 = arith.addi %scan3A_118, %scan3A_119 : i32
        %scan3A_121 = arith.constant 10 : i32
        %scan3A_122:2 = scf.for %scan3A_202 = %scan3A_118 to %scan3A_120 step %scan3A_121 iter_args(%scan3A_203 = %broadcast_in_dim3A_115, %scan3A_204 = %broadcast_in_dim3A_117) -> (vector<16xf32>, vector<16xi32>)  : i32 {
          %mul3A_205 = arith.constant 16 : i32
          %mul3A_206 = arith.muli %scan3A_202, %mul3A_205 : i32
          %get3A_207 = arith.index_cast %scan3A_88 : i32 to index
          %get3A_208 = arith.index_cast %mul3A_206 : i32 to index
          %get3A_209 = tpu.vector_load %arg7[%get3A_207, %get3A_208] {strides = array<i32>} : memref<8x4000xf32, #tpu.memory_space<vmem>>, vector<1x16xf32>,
          %get3A_210 = vector.shape_cast %get3A_209 : vector<1x16xf32> to vector<16xf32>
          %mul3A_211 = arith.constant 16 : i32
          %mul3A_212 = arith.muli %scan3A_202, %mul3A_211 : i32
          %add3A_213 = vector.broadcast %mul3A_212 : i32 to vector<16xi32>
          %add3A_214 = arith.addi %iota3A, %add3A_213 : vector<16xi32>
          %gt3A = vector.broadcast %while3A_113 : f32 to vector<16xf32>
          %gt3A_215 = arith.cmpf ogt, %get3A_210, %gt3A : vector<16xf32>
          %eq3A_216 = vector.broadcast %while3A_113 : f32 to vector<16xf32>
          %eq3A_217 = arith.cmpf oeq, %get3A_210, %eq3A_216 : vector<16xf32>
          %gt3A_218 = vector.broadcast %while3A_114 : i32 to vector<16xi32>
          %gt3A_219 = arith.cmpi sgt, %add3A_214, %gt3A_218 : vector<16xi32>
          %and3A_220 = arith.andi %eq3A_217, %gt3A_219 : vector<16xi1>
          %or3A = arith.ori %gt3A_215, %and3A_220 : vector<16xi1>
          %jit3A_221 = arith.constant 0x7F800000 : f32
          %broadcast_in_dim3A_222 = vector.broadcast %jit3A_221 : f32 to vector<16xf32>
          %select_n3A_223 = arith.select %or3A, %get3A_210, %broadcast_in_dim3A_222 : vector<16xi1>, vector<16xf32>
          %lt3A_224 = arith.cmpf olt, %select_n3A_223, %scan3A_203 : vector<16xf32>
          %select_n3A_225 = arith.select %lt3A_224, %select_n3A_223, %scan3A_203 : vector<16xi1>, vector<16xf32>
          %select_n3A_226 = arith.select %lt3A_224, %add3A_214, %scan3A_204 : vector<16xi1>, vector<16xi32>
          %scan3A_227 = arith.constant 1 : i32
          %scan3A_228 = arith.addi %scan3A_202, %scan3A_227 : i32
          %mul3A_229 = arith.constant 16 : i32
          %mul3A_230 = arith.muli %scan3A_228, %mul3A_229 : i32
          %get3A_231 = arith.index_cast %scan3A_88 : i32 to index
          %get3A_232 = arith.index_cast %mul3A_230 : i32 to index
          %get3A_233 = tpu.vector_load %arg7[%get3A_231, %get3A_232] {strides = array<i32>} : memref<8x4000xf32, #tpu.memory_space<vmem>>, vector<1x16xf32>,
          %get3A_234 = vector.shape_cast %get3A_233 : vector<1x16xf32> to vector<16xf32>
          %mul3A_235 = arith.constant 16 : i32
          %mul3A_236 = arith.muli %scan3A_228, %mul3A_235 : i32
          %add3A_237 = vector.broadcast %mul3A_236 : i32 to vector<16xi32>
          %add3A_238 = arith.addi %iota3A, %add3A_237 : vector<16xi32>
          %gt3A_239 = vector.broadcast %while3A_113 : f32 to vector<16xf32>
          %gt3A_240 = arith.cmpf ogt, %get3A_234, %gt3A_239 : vector<16xf32>
          %eq3A_241 = vector.broadcast %while3A_113 : f32 to vector<16xf32>
          %eq3A_242 = arith.cmpf oeq, %get3A_234, %eq3A_241 : vector<16xf32>
          %gt3A_243 = vector.broadcast %while3A_114 : i32 to vector<16xi32>
          %gt3A_244 = arith.cmpi sgt, %add3A_238, %gt3A_243 : vector<16xi32>
          %and3A_245 = arith.andi %eq3A_242, %gt3A_244 : vector<16xi1>
          %or3A_246 = arith.ori %gt3A_240, %and3A_245 : vector<16xi1>
          %jit3A_247 = arith.constant 0x7F800000 : f32
          %broadcast_in_dim3A_248 = vector.broadcast %jit3A_247 : f32 to vector<16xf32>
          %select_n3A_249 = arith.select %or3A_246, %get3A_234, %broadcast_in_dim3A_248 : vector<16xi1>, vector<16xf32>
          %lt3A_250 = arith.cmpf olt, %select_n3A_249, %select_n3A_225 : vector<16xf32>
          %select_n3A_251 = arith.select %lt3A_250, %select_n3A_249, %select_n3A_225 : vector<16xi1>, vector<16xf32>
          %select_n3A_252 = arith.select %lt3A_250, %add3A_238, %select_n3A_226 : vector<16xi1>, vector<16xi32>
          %scan3A_253 = arith.constant 2 : i32
          %scan3A_254 = arith.addi %scan3A_202, %scan3A_253 : i32
          %mul3A_255 = arith.constant 16 : i32
          %mul3A_256 = arith.muli %scan3A_254, %mul3A_255 : i32
          %get3A_257 = arith.index_cast %scan3A_88 : i32 to index
          %get3A_258 = arith.index_cast %mul3A_256 : i32 to index
          %get3A_259 = tpu.vector_load %arg7[%get3A_257, %get3A_258] {strides = array<i32>} : memref<8x4000xf32, #tpu.memory_space<vmem>>, vector<1x16xf32>,
          %get3A_260 = vector.shape_cast %get3A_259 : vector<1x16xf32> to vector<16xf32>
          %mul3A_261 = arith.constant 16 : i32
          %mul3A_262 = arith.muli %scan3A_254, %mul3A_261 : i32
          %add3A_263 = vector.broadcast %mul3A_262 : i32 to vector<16xi32>
          %add3A_264 = arith.addi %iota3A, %add3A_263 : vector<16xi32>
          %gt3A_265 = vector.broadcast %while3A_113 : f32 to vector<16xf32>
          %gt3A_266 = arith.cmpf ogt, %get3A_260, %gt3A_265 : vector<16xf32>
          %eq3A_267 = vector.broadcast %while3A_113 : f32 to vector<16xf32>
          %eq3A_268 = arith.cmpf oeq, %get3A_260, %eq3A_267 : vector<16xf32>
          %gt3A_269 = vector.broadcast %while3A_114 : i32 to vector<16xi32>
          %gt3A_270 = arith.cmpi sgt, %add3A_264, %gt3A_269 : vector<16xi32>
          %and3A_271 = arith.andi %eq3A_268, %gt3A_270 : vector<16xi1>
          %or3A_272 = arith.ori %gt3A_266, %and3A_271 : vector<16xi1>
          %jit3A_273 = arith.constant 0x7F800000 : f32
          %broadcast_in_dim3A_274 = vector.broadcast %jit3A_273 : f32 to vector<16xf32>
          %select_n3A_275 = arith.select %or3A_272, %get3A_260, %broadcast_in_dim3A_274 : vector<16xi1>, vector<16xf32>
          %lt3A_276 = arith.cmpf olt, %select_n3A_275, %select_n3A_251 : vector<16xf32>
          %select_n3A_277 = arith.select %lt3A_276, %select_n3A_275, %select_n3A_251 : vector<16xi1>, vector<16xf32>
          %select_n3A_278 = arith.select %lt3A_276, %add3A_264, %select_n3A_252 : vector<16xi1>, vector<16xi32>
          %scan3A_279 = arith.constant 3 : i32
          %scan3A_280 = arith.addi %scan3A_202, %scan3A_279 : i32
          %mul3A_281 = arith.constant 16 : i32
          %mul3A_282 = arith.muli %scan3A_280, %mul3A_281 : i32
          %get3A_283 = arith.index_cast %scan3A_88 : i32 to index
          %get3A_284 = arith.index_cast %mul3A_282 : i32 to index
          %get3A_285 = tpu.vector_load %arg7[%get3A_283, %get3A_284] {strides = array<i32>} : memref<8x4000xf32, #tpu.memory_space<vmem>>, vector<1x16xf32>,
          %get3A_286 = vector.shape_cast %get3A_285 : vector<1x16xf32> to vector<16xf32>
          %mul3A_287 = arith.constant 16 : i32
          %mul3A_288 = arith.muli %scan3A_280, %mul3A_287 : i32
          %add3A_289 = vector.broadcast %mul3A_288 : i32 to vector<16xi32>
          %add3A_290 = arith.addi %iota3A, %add3A_289 : vector<16xi32>
          %gt3A_291 = vector.broadcast %while3A_113 : f32 to vector<16xf32>
          %gt3A_292 = arith.cmpf ogt, %get3A_286, %gt3A_291 : vector<16xf32>
          %eq3A_293 = vector.broadcast %while3A_113 : f32 to vector<16xf32>
          %eq3A_294 = arith.cmpf oeq, %get3A_286, %eq3A_293 : vector<16xf32>
          %gt3A_295 = vector.broadcast %while3A_114 : i32 to vector<16xi32>
          %gt3A_296 = arith.cmpi sgt, %add3A_290, %gt3A_295 : vector<16xi32>
          %and3A_297 = arith.andi %eq3A_294, %gt3A_296 : vector<16xi1>
          %or3A_298 = arith.ori %gt3A_292, %and3A_297 : vector<16xi1>
          %jit3A_299 = arith.constant 0x7F800000 : f32
          %broadcast_in_dim3A_300 = vector.broadcast %jit3A_299 : f32 to vector<16xf32>
          %select_n3A_301 = arith.select %or3A_298, %get3A_286, %broadcast_in_dim3A_300 : vector<16xi1>, vector<16xf32>
          %lt3A_302 = arith.cmpf olt, %select_n3A_301, %select_n3A_277 : vector<16xf32>
          %select_n3A_303 = arith.select %lt3A_302, %select_n3A_301, %select_n3A_277 : vector<16xi1>, vector<16xf32>
          %select_n3A_304 = arith.select %lt3A_302, %add3A_290, %select_n3A_278 : vector<16xi1>, vector<16xi32>
          %scan3A_305 = arith.constant 4 : i32
          %scan3A_306 = arith.addi %scan3A_202, %scan3A_305 : i32
          %mul3A_307 = arith.constant 16 : i32
          %mul3A_308 = arith.muli %scan3A_306, %mul3A_307 : i32
          %get3A_309 = arith.index_cast %scan3A_88 : i32 to index
          %get3A_310 = arith.index_cast %mul3A_308 : i32 to index
          %get3A_311 = tpu.vector_load %arg7[%get3A_309, %get3A_310] {strides = array<i32>} : memref<8x4000xf32, #tpu.memory_space<vmem>>, vector<1x16xf32>,
          %get3A_312 = vector.shape_cast %get3A_311 : vector<1x16xf32> to vector<16xf32>
          %mul3A_313 = arith.constant 16 : i32
          %mul3A_314 = arith.muli %scan3A_306, %mul3A_313 : i32
          %add3A_315 = vector.broadcast %mul3A_314 : i32 to vector<16xi32>
          %add3A_316 = arith.addi %iota3A, %add3A_315 : vector<16xi32>
          %gt3A_317 = vector.broadcast %while3A_113 : f32 to vector<16xf32>
          %gt3A_318 = arith.cmpf ogt, %get3A_312, %gt3A_317 : vector<16xf32>
          %eq3A_319 = vector.broadcast %while3A_113 : f32 to vector<16xf32>
          %eq3A_320 = arith.cmpf oeq, %get3A_312, %eq3A_319 : vector<16xf32>
          %gt3A_321 = vector.broadcast %while3A_114 : i32 to vector<16xi32>
          %gt3A_322 = arith.cmpi sgt, %add3A_316, %gt3A_321 : vector<16xi32>
          %and3A_323 = arith.andi %eq3A_320, %gt3A_322 : vector<16xi1>
          %or3A_324 = arith.ori %gt3A_318, %and3A_323 : vector<16xi1>
          %jit3A_325 = arith.constant 0x7F800000 : f32
          %broadcast_in_dim3A_326 = vector.broadcast %jit3A_325 : f32 to vector<16xf32>
          %select_n3A_327 = arith.select %or3A_324, %get3A_312, %broadcast_in_dim3A_326 : vector<16xi1>, vector<16xf32>
          %lt3A_328 = arith.cmpf olt, %select_n3A_327, %select_n3A_303 : vector<16xf32>
          %select_n3A_329 = arith.select %lt3A_328, %select_n3A_327, %select_n3A_303 : vector<16xi1>, vector<16xf32>
          %select_n3A_330 = arith.select %lt3A_328, %add3A_316, %select_n3A_304 : vector<16xi1>, vector<16xi32>
          %scan3A_331 = arith.constant 5 : i32
          %scan3A_332 = arith.addi %scan3A_202, %scan3A_331 : i32
          %mul3A_333 = arith.constant 16 : i32
          %mul3A_334 = arith.muli %scan3A_332, %mul3A_333 : i32
          %get3A_335 = arith.index_cast %scan3A_88 : i32 to index
          %get3A_336 = arith.index_cast %mul3A_334 : i32 to index
          %get3A_337 = tpu.vector_load %arg7[%get3A_335, %get3A_336] {strides = array<i32>} : memref<8x4000xf32, #tpu.memory_space<vmem>>, vector<1x16xf32>,
          %get3A_338 = vector.shape_cast %get3A_337 : vector<1x16xf32> to vector<16xf32>
          %mul3A_339 = arith.constant 16 : i32
          %mul3A_340 = arith.muli %scan3A_332, %mul3A_339 : i32
          %add3A_341 = vector.broadcast %mul3A_340 : i32 to vector<16xi32>
          %add3A_342 = arith.addi %iota3A, %add3A_341 : vector<16xi32>
          %gt3A_343 = vector.broadcast %while3A_113 : f32 to vector<16xf32>
          %gt3A_344 = arith.cmpf ogt, %get3A_338, %gt3A_343 : vector<16xf32>
          %eq3A_345 = vector.broadcast %while3A_113 : f32 to vector<16xf32>
          %eq3A_346 = arith.cmpf oeq, %get3A_338, %eq3A_345 : vector<16xf32>
          %gt3A_347 = vector.broadcast %while3A_114 : i32 to vector<16xi32>
          %gt3A_348 = arith.cmpi sgt, %add3A_342, %gt3A_347 : vector<16xi32>
          %and3A_349 = arith.andi %eq3A_346, %gt3A_348 : vector<16xi1>
          %or3A_350 = arith.ori %gt3A_344, %and3A_349 : vector<16xi1>
          %jit3A_351 = arith.constant 0x7F800000 : f32
          %broadcast_in_dim3A_352 = vector.broadcast %jit3A_351 : f32 to vector<16xf32>
          %select_n3A_353 = arith.select %or3A_350, %get3A_338, %broadcast_in_dim3A_352 : vector<16xi1>, vector<16xf32>
          %lt3A_354 = arith.cmpf olt, %select_n3A_353, %select_n3A_329 : vector<16xf32>
          %select_n3A_355 = arith.select %lt3A_354, %select_n3A_353, %select_n3A_329 : vector<16xi1>, vector<16xf32>
          %select_n3A_356 = arith.select %lt3A_354, %add3A_342, %select_n3A_330 : vector<16xi1>, vector<16xi32>
          %scan3A_357 = arith.constant 6 : i32
          %scan3A_358 = arith.addi %scan3A_202, %scan3A_357 : i32
          %mul3A_359 = arith.constant 16 : i32
          %mul3A_360 = arith.muli %scan3A_358, %mul3A_359 : i32
          %get3A_361 = arith.index_cast %scan3A_88 : i32 to index
          %get3A_362 = arith.index_cast %mul3A_360 : i32 to index
          %get3A_363 = tpu.vector_load %arg7[%get3A_361, %get3A_362] {strides = array<i32>} : memref<8x4000xf32, #tpu.memory_space<vmem>>, vector<1x16xf32>,
          %get3A_364 = vector.shape_cast %get3A_363 : vector<1x16xf32> to vector<16xf32>
          %mul3A_365 = arith.constant 16 : i32
          %mul3A_366 = arith.muli %scan3A_358, %mul3A_365 : i32
          %add3A_367 = vector.broadcast %mul3A_366 : i32 to vector<16xi32>
          %add3A_368 = arith.addi %iota3A, %add3A_367 : vector<16xi32>
          %gt3A_369 = vector.broadcast %while3A_113 : f32 to vector<16xf32>
          %gt3A_370 = arith.cmpf ogt, %get3A_364, %gt3A_369 : vector<16xf32>
          %eq3A_371 = vector.broadcast %while3A_113 : f32 to vector<16xf32>
          %eq3A_372 = arith.cmpf oeq, %get3A_364, %eq3A_371 : vector<16xf32>
          %gt3A_373 = vector.broadcast %while3A_114 : i32 to vector<16xi32>
          %gt3A_374 = arith.cmpi sgt, %add3A_368, %gt3A_373 : vector<16xi32>
          %and3A_375 = arith.andi %eq3A_372, %gt3A_374 : vector<16xi1>
          %or3A_376 = arith.ori %gt3A_370, %and3A_375 : vector<16xi1>
          %jit3A_377 = arith.constant 0x7F800000 : f32
          %broadcast_in_dim3A_378 = vector.broadcast %jit3A_377 : f32 to vector<16xf32>
          %select_n3A_379 = arith.select %or3A_376, %get3A_364, %broadcast_in_dim3A_378 : vector<16xi1>, vector<16xf32>
          %lt3A_380 = arith.cmpf olt, %select_n3A_379, %select_n3A_355 : vector<16xf32>
          %select_n3A_381 = arith.select %lt3A_380, %select_n3A_379, %select_n3A_355 : vector<16xi1>, vector<16xf32>
          %select_n3A_382 = arith.select %lt3A_380, %add3A_368, %select_n3A_356 : vector<16xi1>, vector<16xi32>
          %scan3A_383 = arith.constant 7 : i32
          %scan3A_384 = arith.addi %scan3A_202, %scan3A_383 : i32
          %mul3A_385 = arith.constant 16 : i32
          %mul3A_386 = arith.muli %scan3A_384, %mul3A_385 : i32
          %get3A_387 = arith.index_cast %scan3A_88 : i32 to index
          %get3A_388 = arith.index_cast %mul3A_386 : i32 to index
          %get3A_389 = tpu.vector_load %arg7[%get3A_387, %get3A_388] {strides = array<i32>} : memref<8x4000xf32, #tpu.memory_space<vmem>>, vector<1x16xf32>,
          %get3A_390 = vector.shape_cast %get3A_389 : vector<1x16xf32> to vector<16xf32>
          %mul3A_391 = arith.constant 16 : i32
          %mul3A_392 = arith.muli %scan3A_384, %mul3A_391 : i32
          %add3A_393 = vector.broadcast %mul3A_392 : i32 to vector<16xi32>
          %add3A_394 = arith.addi %iota3A, %add3A_393 : vector<16xi32>
          %gt3A_395 = vector.broadcast %while3A_113 : f32 to vector<16xf32>
          %gt3A_396 = arith.cmpf ogt, %get3A_390, %gt3A_395 : vector<16xf32>
          %eq3A_397 = vector.broadcast %while3A_113 : f32 to vector<16xf32>
          %eq3A_398 = arith.cmpf oeq, %get3A_390, %eq3A_397 : vector<16xf32>
          %gt3A_399 = vector.broadcast %while3A_114 : i32 to vector<16xi32>
          %gt3A_400 = arith.cmpi sgt, %add3A_394, %gt3A_399 : vector<16xi32>
          %and3A_401 = arith.andi %eq3A_398, %gt3A_400 : vector<16xi1>
          %or3A_402 = arith.ori %gt3A_396, %and3A_401 : vector<16xi1>
          %jit3A_403 = arith.constant 0x7F800000 : f32
          %broadcast_in_dim3A_404 = vector.broadcast %jit3A_403 : f32 to vector<16xf32>
          %select_n3A_405 = arith.select %or3A_402, %get3A_390, %broadcast_in_dim3A_404 : vector<16xi1>, vector<16xf32>
          %lt3A_406 = arith.cmpf olt, %select_n3A_405, %select_n3A_381 : vector<16xf32>
          %select_n3A_407 = arith.select %lt3A_406, %select_n3A_405, %select_n3A_381 : vector<16xi1>, vector<16xf32>
          %select_n3A_408 = arith.select %lt3A_406, %add3A_394, %select_n3A_382 : vector<16xi1>, vector<16xi32>
          %scan3A_409 = arith.constant 8 : i32
          %scan3A_410 = arith.addi %scan3A_202, %scan3A_409 : i32
          %mul3A_411 = arith.constant 16 : i32
          %mul3A_412 = arith.muli %scan3A_410, %mul3A_411 : i32
          %get3A_413 = arith.index_cast %scan3A_88 : i32 to index
          %get3A_414 = arith.index_cast %mul3A_412 : i32 to index
          %get3A_415 = tpu.vector_load %arg7[%get3A_413, %get3A_414] {strides = array<i32>} : memref<8x4000xf32, #tpu.memory_space<vmem>>, vector<1x16xf32>,
          %get3A_416 = vector.shape_cast %get3A_415 : vector<1x16xf32> to vector<16xf32>
          %mul3A_417 = arith.constant 16 : i32
          %mul3A_418 = arith.muli %scan3A_410, %mul3A_417 : i32
          %add3A_419 = vector.broadcast %mul3A_418 : i32 to vector<16xi32>
          %add3A_420 = arith.addi %iota3A, %add3A_419 : vector<16xi32>
          %gt3A_421 = vector.broadcast %while3A_113 : f32 to vector<16xf32>
          %gt3A_422 = arith.cmpf ogt, %get3A_416, %gt3A_421 : vector<16xf32>
          %eq3A_423 = vector.broadcast %while3A_113 : f32 to vector<16xf32>
          %eq3A_424 = arith.cmpf oeq, %get3A_416, %eq3A_423 : vector<16xf32>
          %gt3A_425 = vector.broadcast %while3A_114 : i32 to vector<16xi32>
          %gt3A_426 = arith.cmpi sgt, %add3A_420, %gt3A_425 : vector<16xi32>
          %and3A_427 = arith.andi %eq3A_424, %gt3A_426 : vector<16xi1>
          %or3A_428 = arith.ori %gt3A_422, %and3A_427 : vector<16xi1>
          %jit3A_429 = arith.constant 0x7F800000 : f32
          %broadcast_in_dim3A_430 = vector.broadcast %jit3A_429 : f32 to vector<16xf32>
          %select_n3A_431 = arith.select %or3A_428, %get3A_416, %broadcast_in_dim3A_430 : vector<16xi1>, vector<16xf32>
          %lt3A_432 = arith.cmpf olt, %select_n3A_431, %select_n3A_407 : vector<16xf32>
          %select_n3A_433 = arith.select %lt3A_432, %select_n3A_431, %select_n3A_407 : vector<16xi1>, vector<16xf32>
          %select_n3A_434 = arith.select %lt3A_432, %add3A_420, %select_n3A_408 : vector<16xi1>, vector<16xi32>
          %scan3A_435 = arith.constant 9 : i32
          %scan3A_436 = arith.addi %scan3A_202, %scan3A_435 : i32
          %mul3A_437 = arith.constant 16 : i32
          %mul3A_438 = arith.muli %scan3A_436, %mul3A_437 : i32
          %get3A_439 = arith.index_cast %scan3A_88 : i32 to index
          %get3A_440 = arith.index_cast %mul3A_438 : i32 to index
          %get3A_441 = tpu.vector_load %arg7[%get3A_439, %get3A_440] {strides = array<i32>} : memref<8x4000xf32, #tpu.memory_space<vmem>>, vector<1x16xf32>,
          %get3A_442 = vector.shape_cast %get3A_441 : vector<1x16xf32> to vector<16xf32>
          %mul3A_443 = arith.constant 16 : i32
          %mul3A_444 = arith.muli %scan3A_436, %mul3A_443 : i32
          %add3A_445 = vector.broadcast %mul3A_444 : i32 to vector<16xi32>
          %add3A_446 = arith.addi %iota3A, %add3A_445 : vector<16xi32>
          %gt3A_447 = vector.broadcast %while3A_113 : f32 to vector<16xf32>
          %gt3A_448 = arith.cmpf ogt, %get3A_442, %gt3A_447 : vector<16xf32>
          %eq3A_449 = vector.broadcast %while3A_113 : f32 to vector<16xf32>
          %eq3A_450 = arith.cmpf oeq, %get3A_442, %eq3A_449 : vector<16xf32>
          %gt3A_451 = vector.broadcast %while3A_114 : i32 to vector<16xi32>
          %gt3A_452 = arith.cmpi sgt, %add3A_446, %gt3A_451 : vector<16xi32>
          %and3A_453 = arith.andi %eq3A_450, %gt3A_452 : vector<16xi1>
          %or3A_454 = arith.ori %gt3A_448, %and3A_453 : vector<16xi1>
          %jit3A_455 = arith.constant 0x7F800000 : f32
          %broadcast_in_dim3A_456 = vector.broadcast %jit3A_455 : f32 to vector<16xf32>
          %select_n3A_457 = arith.select %or3A_454, %get3A_442, %broadcast_in_dim3A_456 : vector<16xi1>, vector<16xf32>
          %lt3A_458 = arith.cmpf olt, %select_n3A_457, %select_n3A_433 : vector<16xf32>
          %select_n3A_459 = arith.select %lt3A_458, %select_n3A_457, %select_n3A_433 : vector<16xi1>, vector<16xf32>
          %select_n3A_460 = arith.select %lt3A_458, %add3A_446, %select_n3A_434 : vector<16xi1>, vector<16xi32>
          scf.yield %select_n3A_459, %select_n3A_460 : vector<16xf32>, vector<16xi32>
        }
        %scan3A_123 = arith.constant 250 : i32
        %xor3A = arith.constant 1 : i32
        %xor3A_124 = vector.broadcast %xor3A : i32 to vector<16xi32>
        %xor3A_125 = arith.xori %iota3A, %xor3A_124 : vector<16xi32>
        %broadcast_in_dim3A_126 = vector.shape_cast %xor3A_125 : vector<16xi32> to vector<16x1xi32>
        %gather3A = vector.shape_cast %broadcast_in_dim3A_126 : vector<16x1xi32> to vector<16xi32>
        %gather3A_127 = tpu.dynamic_gather %scan3A_122#0[%gather3A] in [0] : vector<16xf32>, vector<16xi32> -> vector<16xf32>
        %min3A = arith.minimumf %scan3A_122#0, %gather3A_127 : vector<16xf32>
        %xor3A_128 = arith.constant 2 : i32
        %xor3A_129 = vector.broadcast %xor3A_128 : i32 to vector<16xi32>
        %xor3A_130 = arith.xori %iota3A, %xor3A_129 : vector<16xi32>
        %broadcast_in_dim3A_131 = vector.shape_cast %xor3A_130 : vector<16xi32> to vector<16x1xi32>
        %gather3A_132 = vector.shape_cast %broadcast_in_dim3A_131 : vector<16x1xi32> to vector<16xi32>
        %gather3A_133 = tpu.dynamic_gather %min3A[%gather3A_132] in [0] : vector<16xf32>, vector<16xi32> -> vector<16xf32>
        %min3A_134 = arith.minimumf %min3A, %gather3A_133 : vector<16xf32>
        %xor3A_135 = arith.constant 4 : i32
        %xor3A_136 = vector.broadcast %xor3A_135 : i32 to vector<16xi32>
        %xor3A_137 = arith.xori %iota3A, %xor3A_136 : vector<16xi32>
        %broadcast_in_dim3A_138 = vector.shape_cast %xor3A_137 : vector<16xi32> to vector<16x1xi32>
        %gather3A_139 = vector.shape_cast %broadcast_in_dim3A_138 : vector<16x1xi32> to vector<16xi32>
        %gather3A_140 = tpu.dynamic_gather %min3A_134[%gather3A_139] in [0] : vector<16xf32>, vector<16xi32> -> vector<16xf32>
        %min3A_141 = arith.minimumf %min3A_134, %gather3A_140 : vector<16xf32>
        %xor3A_142 = arith.constant 8 : i32
        %xor3A_143 = vector.broadcast %xor3A_142 : i32 to vector<16xi32>
        %xor3A_144 = arith.xori %iota3A, %xor3A_143 : vector<16xi32>
        %broadcast_in_dim3A_145 = vector.shape_cast %xor3A_144 : vector<16xi32> to vector<16x1xi32>
        %gather3A_146 = vector.shape_cast %broadcast_in_dim3A_145 : vector<16x1xi32> to vector<16xi32>
        %gather3A_147 = tpu.dynamic_gather %min3A_141[%gather3A_146] in [0] : vector<16xf32>, vector<16xi32> -> vector<16xf32>
        %min3A_148 = arith.minimumf %min3A_141, %gather3A_147 : vector<16xf32>
        %eq3A_149 = arith.cmpf oeq, %scan3A_122#0, %min3A_148 : vector<16xf32>
        %jit3A_150 = arith.constant 4000 : i32
        %broadcast_in_dim3A_151 = vector.broadcast %jit3A_150 : i32 to vector<16xi32>
        %select_n3A_152 = arith.select %eq3A_149, %scan3A_122#1, %broadcast_in_dim3A_151 : vector<16xi1>, vector<16xi32>
        %xor3A_153 = arith.constant 1 : i32
        %xor3A_154 = vector.broadcast %xor3A_153 : i32 to vector<16xi32>
        %xor3A_155 = arith.xori %iota3A, %xor3A_154 : vector<16xi32>
        %broadcast_in_dim3A_156 = vector.shape_cast %xor3A_155 : vector<16xi32> to vector<16x1xi32>
        %gather3A_157 = vector.shape_cast %broadcast_in_dim3A_156 : vector<16x1xi32> to vector<16xi32>
        %gather3A_158 = tpu.dynamic_gather %select_n3A_152[%gather3A_157] in [0] : vector<16xi32>, vector<16xi32> -> vector<16xi32>
        %min3A_159 = arith.minsi %select_n3A_152, %gather3A_158 : vector<16xi32>
        %xor3A_160 = arith.constant 2 : i32
        %xor3A_161 = vector.broadcast %xor3A_160 : i32 to vector<16xi32>
        %xor3A_162 = arith.xori %iota3A, %xor3A_161 : vector<16xi32>
        %broadcast_in_dim3A_163 = vector.shape_cast %xor3A_162 : vector<16xi32> to vector<16x1xi32>
        %gather3A_164 = vector.shape_cast %broadcast_in_dim3A_163 : vector<16x1xi32> to vector<16xi32>
        %gather3A_165 = tpu.dynamic_gather %min3A_159[%gather3A_164] in [0] : vector<16xi32>, vector<16xi32> -> vector<16xi32>
        %min3A_166 = arith.minsi %min3A_159, %gather3A_165 : vector<16xi32>
        %xor3A_167 = arith.constant 4 : i32
        %xor3A_168 = vector.broadcast %xor3A_167 : i32 to vector<16xi32>
        %xor3A_169 = arith.xori %iota3A, %xor3A_168 : vector<16xi32>
        %broadcast_in_dim3A_170 = vector.shape_cast %xor3A_169 : vector<16xi32> to vector<16x1xi32>
        %gather3A_171 = vector.shape_cast %broadcast_in_dim3A_170 : vector<16x1xi32> to vector<16xi32>
        %gather3A_172 = tpu.dynamic_gather %min3A_166[%gather3A_171] in [0] : vector<16xi32>, vector<16xi32> -> vector<16xi32>
        %min3A_173 = arith.minsi %min3A_166, %gather3A_172 : vector<16xi32>
        %xor3A_174 = arith.constant 8 : i32
        %xor3A_175 = vector.broadcast %xor3A_174 : i32 to vector<16xi32>
        %xor3A_176 = arith.xori %iota3A, %xor3A_175 : vector<16xi32>
        %broadcast_in_dim3A_177 = vector.shape_cast %xor3A_176 : vector<16xi32> to vector<16x1xi32>
        %gather3A_178 = vector.shape_cast %broadcast_in_dim3A_177 : vector<16x1xi32> to vector<16xi32>
        %gather3A_179 = tpu.dynamic_gather %min3A_173[%gather3A_178] in [0] : vector<16xi32>, vector<16xi32> -> vector<16xi32>
        %min3A_180 = arith.minsi %min3A_173, %gather3A_179 : vector<16xi32>
        %eq3A_181 = vector.broadcast %while3A_112 : i32 to vector<16xi32>
        %eq3A_182 = arith.cmpi eq, %iota3A, %eq3A_181 : vector<16xi32>
        %get3A_183 = arith.index_cast %mul3A_98 : i32 to index
        %get3A_184 = tpu.vector_load %arg12[%get3A_183] {strides = array<i32>} : memref<288xf32, #tpu.memory_space<vmem>>, vector<16xf32>,
        %get3A_185 = vector.shape_cast %get3A_184 : vector<16xf32> to vector<16xf32>
        %select_n3A_186 = arith.select %eq3A_182, %min3A_148, %get3A_185 : vector<16xi1>, vector<16xf32>
        %swap3A = arith.index_cast %mul3A_98 : i32 to index
        %swap3A_187 = tpu.vector_load %arg12[%swap3A] {strides = array<i32>} : memref<288xf32, #tpu.memory_space<vmem>>, vector<16xf32>,
        %swap3A_188 = vector.shape_cast %swap3A_187 : vector<16xf32> to vector<16xf32>
        %swap3A_189 = vector.shape_cast %select_n3A_186 : vector<16xf32> to vector<16xf32>
        tpu.vector_store %arg12[%swap3A], %swap3A_189 {strides = array<i32>} : memref<288xf32, #tpu.memory_space<vmem>>, vector<16xf32>,
        %get3A_190 = arith.index_cast %mul3A_98 : i32 to index
        %get3A_191 = tpu.vector_load %arg13[%get3A_190] {strides = array<i32>} : memref<288xi32, #tpu.memory_space<vmem>>, vector<16xi32>,
        %get3A_192 = vector.shape_cast %get3A_191 : vector<16xi32> to vector<16xi32>
        %select_n3A_193 = arith.select %eq3A_182, %min3A_180, %get3A_192 : vector<16xi1>, vector<16xi32>
        %swap3A_194 = arith.index_cast %mul3A_98 : i32 to index
        %swap3A_195 = tpu.vector_load %arg13[%swap3A_194] {strides = array<i32>} : memref<288xi32, #tpu.memory_space<vmem>>, vector<16xi32>,
        %swap3A_196 = vector.shape_cast %swap3A_195 : vector<16xi32> to vector<16xi32>
        %swap3A_197 = vector.shape_cast %select_n3A_193 : vector<16xi32> to vector<16xi32>
        tpu.vector_store %arg13[%swap3A_194], %swap3A_197 {strides = array<i32>} : memref<288xi32, #tpu.memory_space<vmem>>, vector<16xi32>,
        %slice3A_198 = vector.extract_strided_slice %min3A_148 {offsets = [0], sizes = [1], strides = [1]} : vector<16xf32> to vector<1xf32>
        %squeeze3A_199 = vector.extract %slice3A_198[0] : f32 from vector<1xf32>
        %slice3A_200 = vector.extract_strided_slice %min3A_180 {offsets = [0], sizes = [1], strides = [1]} : vector<16xi32> to vector<1xi32>
        %squeeze3A_201 = vector.extract %slice3A_200[0] : i32 from vector<1xi32>
        scf.yield %squeeze3A_199, %squeeze3A_201 : f32, i32
      }
      %scan3A_111 = arith.constant 0 : i32
      scf.yield %scan3A_111 : i32
    }
    %scan3A_79 = arith.constant 8 : i32
    %eq3A_80 = arith.constant 1 : i32
    %eq3A_81 = arith.cmpi eq, %select_n3A_30, %eq3A_80 : i32
    %convert_element_type3A = arith.extui %eq3A_81 : i1 to i32
    %cond3A = arith.constant 0 : i32
    %cond3A_82 = arith.cmpi ne, %convert_element_type3A, %cond3A : i32
    scf.if %cond3A_82 {
      %mul3A_88 = arith.constant 256 : i32
      %mul3A_89 = arith.muli %arg1, %mul3A_88 : i32
      "tpu.region"() ({
        %run_scoped3A = tpu.sem_alloc : memref<!tpu.dma_semaphore, #tpu.memory_space<semaphore_mem>>
        %dma_start3A_92 = arith.constant 0 : i32
        %dma_start3A_93 = tpu.memref_slice %arg12[%dma_start3A_92] : memref<288xf32, #tpu.memory_space<vmem>> -> memref<256xf32, #tpu.memory_space<vmem>>
        %dma_start3A_94 = tpu.memref_slice %arg16[%mul3A_89] : memref<4096xf32, #tpu.memory_space<vmem_shared>> -> memref<256xf32, #tpu.memory_space<vmem_shared>>
        %dma_start3A_95 = tpu.memref_slice %arg16[%mul3A_89] : memref<4096xf32, #tpu.memory_space<vmem_shared>> -> memref<256xf32, #tpu.memory_space<vmem_shared>>
        %dma_start3A_96 = arith.constant 0 : i32
        %dma_start3A_97 = tpu.memref_slice %arg12[%dma_start3A_96] : memref<288xf32, #tpu.memory_space<vmem>> -> memref<256xf32, #tpu.memory_space<vmem>>
        tpu.enqueue_dma source(%dma_start3A_97 : memref<256xf32, #tpu.memory_space<vmem>>) target(%dma_start3A_95 : memref<256xf32, #tpu.memory_space<vmem_shared>>) target_semaphore(%run_scoped3A : memref<!tpu.dma_semaphore, #tpu.memory_space<semaphore_mem>>)
        %dma_wait3A_98 = arith.constant 0 : i32
        %dma_wait3A_99 = tpu.memref_slice %arg12[%dma_wait3A_98] : memref<288xf32, #tpu.memory_space<vmem>> -> memref<256xf32, #tpu.memory_space<vmem>>
        %dma_wait3A_100 = tpu.memref_slice %arg16[%mul3A_89] : memref<4096xf32, #tpu.memory_space<vmem_shared>> -> memref<256xf32, #tpu.memory_space<vmem_shared>>
        %dma_wait3A_101 = tpu.memref_slice %arg16[%mul3A_89] : memref<4096xf32, #tpu.memory_space<vmem_shared>> -> memref<256xf32, #tpu.memory_space<vmem_shared>>
        %dma_wait3A_102 = arith.constant 0 : i32
        %dma_wait3A_103 = tpu.memref_slice %arg12[%dma_wait3A_102] : memref<288xf32, #tpu.memory_space<vmem>> -> memref<256xf32, #tpu.memory_space<vmem>>
        tpu.wait_dma2 semaphore(%run_scoped3A : memref<!tpu.dma_semaphore, #tpu.memory_space<semaphore_mem>>) src(%dma_wait3A_103 : memref<256xf32, #tpu.memory_space<vmem>>) dst(%dma_wait3A_101 : memref<256xf32, #tpu.memory_space<vmem_shared>>)
        tpu.yield
      }) : () -> ()
      %mul3A_90 = arith.constant 256 : i32
      %mul3A_91 = arith.muli %arg1, %mul3A_90 : i32
      "tpu.region"() ({
        %run_scoped3A = tpu.sem_alloc : memref<!tpu.dma_semaphore, #tpu.memory_space<semaphore_mem>>
        %dma_start3A_92 = arith.constant 0 : i32
        %dma_start3A_93 = tpu.memref_slice %arg13[%dma_start3A_92] : memref<288xi32, #tpu.memory_space<vmem>> -> memref<256xi32, #tpu.memory_space<vmem>>
        %dma_start3A_94 = tpu.memref_slice %arg17[%mul3A_91] : memref<4096xi32, #tpu.memory_space<vmem_shared>> -> memref<256xi32, #tpu.memory_space<vmem_shared>>
        %dma_start3A_95 = tpu.memref_slice %arg17[%mul3A_91] : memref<4096xi32, #tpu.memory_space<vmem_shared>> -> memref<256xi32, #tpu.memory_space<vmem_shared>>
        %dma_start3A_96 = arith.constant 0 : i32
        %dma_start3A_97 = tpu.memref_slice %arg13[%dma_start3A_96] : memref<288xi32, #tpu.memory_space<vmem>> -> memref<256xi32, #tpu.memory_space<vmem>>
        tpu.enqueue_dma source(%dma_start3A_97 : memref<256xi32, #tpu.memory_space<vmem>>) target(%dma_start3A_95 : memref<256xi32, #tpu.memory_space<vmem_shared>>) target_semaphore(%run_scoped3A : memref<!tpu.dma_semaphore, #tpu.memory_space<semaphore_mem>>)
        %dma_wait3A_98 = arith.constant 0 : i32
        %dma_wait3A_99 = tpu.memref_slice %arg13[%dma_wait3A_98] : memref<288xi32, #tpu.memory_space<vmem>> -> memref<256xi32, #tpu.memory_space<vmem>>
        %dma_wait3A_100 = tpu.memref_slice %arg17[%mul3A_91] : memref<4096xi32, #tpu.memory_space<vmem_shared>> -> memref<256xi32, #tpu.memory_space<vmem_shared>>
        %dma_wait3A_101 = tpu.memref_slice %arg17[%mul3A_91] : memref<4096xi32, #tpu.memory_space<vmem_shared>> -> memref<256xi32, #tpu.memory_space<vmem_shared>>
        %dma_wait3A_102 = arith.constant 0 : i32
        %dma_wait3A_103 = tpu.memref_slice %arg13[%dma_wait3A_102] : memref<288xi32, #tpu.memory_space<vmem>> -> memref<256xi32, #tpu.memory_space<vmem>>
        tpu.wait_dma2 semaphore(%run_scoped3A : memref<!tpu.dma_semaphore, #tpu.memory_space<semaphore_mem>>) src(%dma_wait3A_103 : memref<256xi32, #tpu.memory_space<vmem>>) dst(%dma_wait3A_101 : memref<256xi32, #tpu.memory_space<vmem_shared>>)
        tpu.yield
      }) : () -> ()
    } else {
    }
    %barrier3A = arith.constant 0 : index
    tpu.barrier barrier_id(%barrier3A)
    %eq3A_83 = arith.constant 0 : i32
    %eq3A_84 = arith.cmpi eq, %select_n3A_30, %eq3A_83 : i32
    %convert_element_type3A_85 = arith.extui %eq3A_84 : i1 to i32
    %cond3A_86 = arith.constant 0 : i32
    %cond3A_87 = arith.cmpi ne, %convert_element_type3A_85, %cond3A_86 : i32
    scf.if %cond3A_87 {
      %add3A_88 = arith.constant 1 : i32
      %add3A_89 = arith.addi %arg1, %add3A_88 : i32
      %mul3A_90 = arith.constant 256 : i32
      %mul3A_91 = arith.muli %add3A_89, %mul3A_90 : i32
      "tpu.region"() ({
        %run_scoped3A = tpu.sem_alloc : memref<!tpu.dma_semaphore, #tpu.memory_space<semaphore_mem>>
        %dma_start3A_244 = arith.constant 0 : i32
        %dma_start3A_245 = tpu.memref_slice %arg14[%dma_start3A_244] : memref<288xf32, #tpu.memory_space<vmem>> -> memref<256xf32, #tpu.memory_space<vmem>>
        %dma_start3A_246 = tpu.memref_slice %arg16[%mul3A_91] : memref<4096xf32, #tpu.memory_space<vmem_shared>> -> memref<256xf32, #tpu.memory_space<vmem_shared>>
        %dma_start3A_247 = arith.constant 0 : i32
        %dma_start3A_248 = tpu.memref_slice %arg14[%dma_start3A_247] : memref<288xf32, #tpu.memory_space<vmem>> -> memref<256xf32, #tpu.memory_space<vmem>>
        %dma_start3A_249 = tpu.memref_slice %arg16[%mul3A_91] : memref<4096xf32, #tpu.memory_space<vmem_shared>> -> memref<256xf32, #tpu.memory_space<vmem_shared>>
        tpu.enqueue_dma source(%dma_start3A_249 : memref<256xf32, #tpu.memory_space<vmem_shared>>) target(%dma_start3A_248 : memref<256xf32, #tpu.memory_space<vmem>>) target_semaphore(%run_scoped3A : memref<!tpu.dma_semaphore, #tpu.memory_space<semaphore_mem>>)
        %dma_wait3A_250 = arith.constant 0 : i32
        %dma_wait3A_251 = tpu.memref_slice %arg14[%dma_wait3A_250] : memref<288xf32, #tpu.memory_space<vmem>> -> memref<256xf32, #tpu.memory_space<vmem>>
        %dma_wait3A_252 = tpu.memref_slice %arg16[%mul3A_91] : memref<4096xf32, #tpu.memory_space<vmem_shared>> -> memref<256xf32, #tpu.memory_space<vmem_shared>>
        %dma_wait3A_253 = arith.constant 0 : i32
        %dma_wait3A_254 = tpu.memref_slice %arg14[%dma_wait3A_253] : memref<288xf32, #tpu.memory_space<vmem>> -> memref<256xf32, #tpu.memory_space<vmem>>
        %dma_wait3A_255 = tpu.memref_slice %arg16[%mul3A_91] : memref<4096xf32, #tpu.memory_space<vmem_shared>> -> memref<256xf32, #tpu.memory_space<vmem_shared>>
        tpu.wait_dma2 semaphore(%run_scoped3A : memref<!tpu.dma_semaphore, #tpu.memory_space<semaphore_mem>>) src(%dma_wait3A_255 : memref<256xf32, #tpu.memory_space<vmem_shared>>) dst(%dma_wait3A_254 : memref<256xf32, #tpu.memory_space<vmem>>)
        tpu.yield
      }) : () -> ()
      %add3A_92 = arith.constant 1 : i32
      %add3A_93 = arith.addi %arg1, %add3A_92 : i32
      %mul3A_94 = arith.constant 256 : i32
      %mul3A_95 = arith.muli %add3A_93, %mul3A_94 : i32
      "tpu.region"() ({
        %run_scoped3A = tpu.sem_alloc : memref<!tpu.dma_semaphore, #tpu.memory_space<semaphore_mem>>
        %dma_start3A_244 = arith.constant 0 : i32
        %dma_start3A_245 = tpu.memref_slice %arg15[%dma_start3A_244] : memref<288xi32, #tpu.memory_space<vmem>> -> memref<256xi32, #tpu.memory_space<vmem>>
        %dma_start3A_246 = tpu.memref_slice %arg17[%mul3A_95] : memref<4096xi32, #tpu.memory_space<vmem_shared>> -> memref<256xi32, #tpu.memory_space<vmem_shared>>
        %dma_start3A_247 = arith.constant 0 : i32
        %dma_start3A_248 = tpu.memref_slice %arg15[%dma_start3A_247] : memref<288xi32, #tpu.memory_space<vmem>> -> memref<256xi32, #tpu.memory_space<vmem>>
        %dma_start3A_249 = tpu.memref_slice %arg17[%mul3A_95] : memref<4096xi32, #tpu.memory_space<vmem_shared>> -> memref<256xi32, #tpu.memory_space<vmem_shared>>
        tpu.enqueue_dma source(%dma_start3A_249 : memref<256xi32, #tpu.memory_space<vmem_shared>>) target(%dma_start3A_248 : memref<256xi32, #tpu.memory_space<vmem>>) target_semaphore(%run_scoped3A : memref<!tpu.dma_semaphore, #tpu.memory_space<semaphore_mem>>)
        %dma_wait3A_250 = arith.constant 0 : i32
        %dma_wait3A_251 = tpu.memref_slice %arg15[%dma_wait3A_250] : memref<288xi32, #tpu.memory_space<vmem>> -> memref<256xi32, #tpu.memory_space<vmem>>
        %dma_wait3A_252 = tpu.memref_slice %arg17[%mul3A_95] : memref<4096xi32, #tpu.memory_space<vmem_shared>> -> memref<256xi32, #tpu.memory_space<vmem_shared>>
        %dma_wait3A_253 = arith.constant 0 : i32
        %dma_wait3A_254 = tpu.memref_slice %arg15[%dma_wait3A_253] : memref<288xi32, #tpu.memory_space<vmem>> -> memref<256xi32, #tpu.memory_space<vmem>>
        %dma_wait3A_255 = tpu.memref_slice %arg17[%mul3A_95] : memref<4096xi32, #tpu.memory_space<vmem_shared>> -> memref<256xi32, #tpu.memory_space<vmem_shared>>
        tpu.wait_dma2 semaphore(%run_scoped3A : memref<!tpu.dma_semaphore, #tpu.memory_space<semaphore_mem>>) src(%dma_wait3A_255 : memref<256xi32, #tpu.memory_space<vmem_shared>>) dst(%dma_wait3A_254 : memref<256xi32, #tpu.memory_space<vmem>>)
        tpu.yield
      }) : () -> ()
      %scan3A_96 = arith.constant 0 : i32
      %scan3A_97 = arith.constant 0 : i32
      %scan3A_98 = arith.constant 248 : i32
      %scan3A_99 = arith.addi %scan3A_97, %scan3A_98 : i32
      %scan3A_100 = arith.constant 8 : i32
      %scan3A_101 = scf.for %scan3A_244 = %scan3A_97 to %scan3A_99 step %scan3A_100 iter_args(%scan3A_245 = %scan3A_96) -> (i32)  : i32 {
        %broadcast_in_dim3A_246 = arith.constant 1.000000e+08 : f32
        %broadcast_in_dim3A_247 = vector.broadcast %broadcast_in_dim3A_246 : f32 to vector<16xf32>
        %mul3A_248 = arith.constant 16 : i32
        %mul3A_249 = arith.muli %scan3A_244, %mul3A_248 : i32
        %swap3A_250 = arith.index_cast %mul3A_249 : i32 to index
        %swap3A_251 = tpu.vector_load %arg9[%swap3A_250] {strides = array<i32>} : memref<4032xf32, #tpu.memory_space<vmem>>, vector<16xf32>,
        %swap3A_252 = vector.shape_cast %swap3A_251 : vector<16xf32> to vector<16xf32>
        %swap3A_253 = vector.shape_cast %broadcast_in_dim3A_247 : vector<16xf32> to vector<16xf32>
        tpu.vector_store %arg9[%swap3A_250], %swap3A_253 {strides = array<i32>} : memref<4032xf32, #tpu.memory_space<vmem>>, vector<16xf32>,
        %broadcast_in_dim3A_254 = arith.constant -1 : i32
        %broadcast_in_dim3A_255 = vector.broadcast %broadcast_in_dim3A_254 : i32 to vector<16xi32>
        %mul3A_256 = arith.constant 16 : i32
        %mul3A_257 = arith.muli %scan3A_244, %mul3A_256 : i32
        %swap3A_258 = arith.index_cast %mul3A_257 : i32 to index
        %swap3A_259 = tpu.vector_load %arg10[%swap3A_258] {strides = array<i32>} : memref<4032xi32, #tpu.memory_space<vmem>>, vector<16xi32>,
        %swap3A_260 = vector.shape_cast %swap3A_259 : vector<16xi32> to vector<16xi32>
        %swap3A_261 = vector.shape_cast %broadcast_in_dim3A_255 : vector<16xi32> to vector<16xi32>
        tpu.vector_store %arg10[%swap3A_258], %swap3A_261 {strides = array<i32>} : memref<4032xi32, #tpu.memory_space<vmem>>, vector<16xi32>,
        %scan3A_262 = arith.constant 0 : i32
        %scan3A_263 = arith.constant 1 : i32
        %scan3A_264 = arith.addi %scan3A_244, %scan3A_263 : i32
        %broadcast_in_dim3A_265 = arith.constant 1.000000e+08 : f32
        %broadcast_in_dim3A_266 = vector.broadcast %broadcast_in_dim3A_265 : f32 to vector<16xf32>
        %mul3A_267 = arith.constant 16 : i32
        %mul3A_268 = arith.muli %scan3A_264, %mul3A_267 : i32
        %swap3A_269 = arith.index_cast %mul3A_268 : i32 to index
        %swap3A_270 = tpu.vector_load %arg9[%swap3A_269] {strides = array<i32>} : memref<4032xf32, #tpu.memory_space<vmem>>, vector<16xf32>,
        %swap3A_271 = vector.shape_cast %swap3A_270 : vector<16xf32> to vector<16xf32>
        %swap3A_272 = vector.shape_cast %broadcast_in_dim3A_266 : vector<16xf32> to vector<16xf32>
        tpu.vector_store %arg9[%swap3A_269], %swap3A_272 {strides = array<i32>} : memref<4032xf32, #tpu.memory_space<vmem>>, vector<16xf32>,
        %broadcast_in_dim3A_273 = arith.constant -1 : i32
        %broadcast_in_dim3A_274 = vector.broadcast %broadcast_in_dim3A_273 : i32 to vector<16xi32>
        %mul3A_275 = arith.constant 16 : i32
        %mul3A_276 = arith.muli %scan3A_264, %mul3A_275 : i32
        %swap3A_277 = arith.index_cast %mul3A_276 : i32 to index
        %swap3A_278 = tpu.vector_load %arg10[%swap3A_277] {strides = array<i32>} : memref<4032xi32, #tpu.memory_space<vmem>>, vector<16xi32>,
        %swap3A_279 = vector.shape_cast %swap3A_278 : vector<16xi32> to vector<16xi32>
        %swap3A_280 = vector.shape_cast %broadcast_in_dim3A_274 : vector<16xi32> to vector<16xi32>
        tpu.vector_store %arg10[%swap3A_277], %swap3A_280 {strides = array<i32>} : memref<4032xi32, #tpu.memory_space<vmem>>, vector<16xi32>,
        %scan3A_281 = arith.constant 0 : i32
        %scan3A_282 = arith.constant 2 : i32
        %scan3A_283 = arith.addi %scan3A_244, %scan3A_282 : i32
        %broadcast_in_dim3A_284 = arith.constant 1.000000e+08 : f32
        %broadcast_in_dim3A_285 = vector.broadcast %broadcast_in_dim3A_284 : f32 to vector<16xf32>
        %mul3A_286 = arith.constant 16 : i32
        %mul3A_287 = arith.muli %scan3A_283, %mul3A_286 : i32
        %swap3A_288 = arith.index_cast %mul3A_287 : i32 to index
        %swap3A_289 = tpu.vector_load %arg9[%swap3A_288] {strides = array<i32>} : memref<4032xf32, #tpu.memory_space<vmem>>, vector<16xf32>,
        %swap3A_290 = vector.shape_cast %swap3A_289 : vector<16xf32> to vector<16xf32>
        %swap3A_291 = vector.shape_cast %broadcast_in_dim3A_285 : vector<16xf32> to vector<16xf32>
        tpu.vector_store %arg9[%swap3A_288], %swap3A_291 {strides = array<i32>} : memref<4032xf32, #tpu.memory_space<vmem>>, vector<16xf32>,
        %broadcast_in_dim3A_292 = arith.constant -1 : i32
        %broadcast_in_dim3A_293 = vector.broadcast %broadcast_in_dim3A_292 : i32 to vector<16xi32>
        %mul3A_294 = arith.constant 16 : i32
        %mul3A_295 = arith.muli %scan3A_283, %mul3A_294 : i32
        %swap3A_296 = arith.index_cast %mul3A_295 : i32 to index
        %swap3A_297 = tpu.vector_load %arg10[%swap3A_296] {strides = array<i32>} : memref<4032xi32, #tpu.memory_space<vmem>>, vector<16xi32>,
        %swap3A_298 = vector.shape_cast %swap3A_297 : vector<16xi32> to vector<16xi32>
        %swap3A_299 = vector.shape_cast %broadcast_in_dim3A_293 : vector<16xi32> to vector<16xi32>
        tpu.vector_store %arg10[%swap3A_296], %swap3A_299 {strides = array<i32>} : memref<4032xi32, #tpu.memory_space<vmem>>, vector<16xi32>,
        %scan3A_300 = arith.constant 0 : i32
        %scan3A_301 = arith.constant 3 : i32
        %scan3A_302 = arith.addi %scan3A_244, %scan3A_301 : i32
        %broadcast_in_dim3A_303 = arith.constant 1.000000e+08 : f32
        %broadcast_in_dim3A_304 = vector.broadcast %broadcast_in_dim3A_303 : f32 to vector<16xf32>
        %mul3A_305 = arith.constant 16 : i32
        %mul3A_306 = arith.muli %scan3A_302, %mul3A_305 : i32
        %swap3A_307 = arith.index_cast %mul3A_306 : i32 to index
        %swap3A_308 = tpu.vector_load %arg9[%swap3A_307] {strides = array<i32>} : memref<4032xf32, #tpu.memory_space<vmem>>, vector<16xf32>,
        %swap3A_309 = vector.shape_cast %swap3A_308 : vector<16xf32> to vector<16xf32>
        %swap3A_310 = vector.shape_cast %broadcast_in_dim3A_304 : vector<16xf32> to vector<16xf32>
        tpu.vector_store %arg9[%swap3A_307], %swap3A_310 {strides = array<i32>} : memref<4032xf32, #tpu.memory_space<vmem>>, vector<16xf32>,
        %broadcast_in_dim3A_311 = arith.constant -1 : i32
        %broadcast_in_dim3A_312 = vector.broadcast %broadcast_in_dim3A_311 : i32 to vector<16xi32>
        %mul3A_313 = arith.constant 16 : i32
        %mul3A_314 = arith.muli %scan3A_302, %mul3A_313 : i32
        %swap3A_315 = arith.index_cast %mul3A_314 : i32 to index
        %swap3A_316 = tpu.vector_load %arg10[%swap3A_315] {strides = array<i32>} : memref<4032xi32, #tpu.memory_space<vmem>>, vector<16xi32>,
        %swap3A_317 = vector.shape_cast %swap3A_316 : vector<16xi32> to vector<16xi32>
        %swap3A_318 = vector.shape_cast %broadcast_in_dim3A_312 : vector<16xi32> to vector<16xi32>
        tpu.vector_store %arg10[%swap3A_315], %swap3A_318 {strides = array<i32>} : memref<4032xi32, #tpu.memory_space<vmem>>, vector<16xi32>,
        %scan3A_319 = arith.constant 0 : i32
        %scan3A_320 = arith.constant 4 : i32
        %scan3A_321 = arith.addi %scan3A_244, %scan3A_320 : i32
        %broadcast_in_dim3A_322 = arith.constant 1.000000e+08 : f32
        %broadcast_in_dim3A_323 = vector.broadcast %broadcast_in_dim3A_322 : f32 to vector<16xf32>
        %mul3A_324 = arith.constant 16 : i32
        %mul3A_325 = arith.muli %scan3A_321, %mul3A_324 : i32
        %swap3A_326 = arith.index_cast %mul3A_325 : i32 to index
        %swap3A_327 = tpu.vector_load %arg9[%swap3A_326] {strides = array<i32>} : memref<4032xf32, #tpu.memory_space<vmem>>, vector<16xf32>,
        %swap3A_328 = vector.shape_cast %swap3A_327 : vector<16xf32> to vector<16xf32>
        %swap3A_329 = vector.shape_cast %broadcast_in_dim3A_323 : vector<16xf32> to vector<16xf32>
        tpu.vector_store %arg9[%swap3A_326], %swap3A_329 {strides = array<i32>} : memref<4032xf32, #tpu.memory_space<vmem>>, vector<16xf32>,
        %broadcast_in_dim3A_330 = arith.constant -1 : i32
        %broadcast_in_dim3A_331 = vector.broadcast %broadcast_in_dim3A_330 : i32 to vector<16xi32>
        %mul3A_332 = arith.constant 16 : i32
        %mul3A_333 = arith.muli %scan3A_321, %mul3A_332 : i32
        %swap3A_334 = arith.index_cast %mul3A_333 : i32 to index
        %swap3A_335 = tpu.vector_load %arg10[%swap3A_334] {strides = array<i32>} : memref<4032xi32, #tpu.memory_space<vmem>>, vector<16xi32>,
        %swap3A_336 = vector.shape_cast %swap3A_335 : vector<16xi32> to vector<16xi32>
        %swap3A_337 = vector.shape_cast %broadcast_in_dim3A_331 : vector<16xi32> to vector<16xi32>
        tpu.vector_store %arg10[%swap3A_334], %swap3A_337 {strides = array<i32>} : memref<4032xi32, #tpu.memory_space<vmem>>, vector<16xi32>,
        %scan3A_338 = arith.constant 0 : i32
        %scan3A_339 = arith.constant 5 : i32
        %scan3A_340 = arith.addi %scan3A_244, %scan3A_339 : i32
        %broadcast_in_dim3A_341 = arith.constant 1.000000e+08 : f32
        %broadcast_in_dim3A_342 = vector.broadcast %broadcast_in_dim3A_341 : f32 to vector<16xf32>
        %mul3A_343 = arith.constant 16 : i32
        %mul3A_344 = arith.muli %scan3A_340, %mul3A_343 : i32
        %swap3A_345 = arith.index_cast %mul3A_344 : i32 to index
        %swap3A_346 = tpu.vector_load %arg9[%swap3A_345] {strides = array<i32>} : memref<4032xf32, #tpu.memory_space<vmem>>, vector<16xf32>,
        %swap3A_347 = vector.shape_cast %swap3A_346 : vector<16xf32> to vector<16xf32>
        %swap3A_348 = vector.shape_cast %broadcast_in_dim3A_342 : vector<16xf32> to vector<16xf32>
        tpu.vector_store %arg9[%swap3A_345], %swap3A_348 {strides = array<i32>} : memref<4032xf32, #tpu.memory_space<vmem>>, vector<16xf32>,
        %broadcast_in_dim3A_349 = arith.constant -1 : i32
        %broadcast_in_dim3A_350 = vector.broadcast %broadcast_in_dim3A_349 : i32 to vector<16xi32>
        %mul3A_351 = arith.constant 16 : i32
        %mul3A_352 = arith.muli %scan3A_340, %mul3A_351 : i32
        %swap3A_353 = arith.index_cast %mul3A_352 : i32 to index
        %swap3A_354 = tpu.vector_load %arg10[%swap3A_353] {strides = array<i32>} : memref<4032xi32, #tpu.memory_space<vmem>>, vector<16xi32>,
        %swap3A_355 = vector.shape_cast %swap3A_354 : vector<16xi32> to vector<16xi32>
        %swap3A_356 = vector.shape_cast %broadcast_in_dim3A_350 : vector<16xi32> to vector<16xi32>
        tpu.vector_store %arg10[%swap3A_353], %swap3A_356 {strides = array<i32>} : memref<4032xi32, #tpu.memory_space<vmem>>, vector<16xi32>,
        %scan3A_357 = arith.constant 0 : i32
        %scan3A_358 = arith.constant 6 : i32
        %scan3A_359 = arith.addi %scan3A_244, %scan3A_358 : i32
        %broadcast_in_dim3A_360 = arith.constant 1.000000e+08 : f32
        %broadcast_in_dim3A_361 = vector.broadcast %broadcast_in_dim3A_360 : f32 to vector<16xf32>
        %mul3A_362 = arith.constant 16 : i32
        %mul3A_363 = arith.muli %scan3A_359, %mul3A_362 : i32
        %swap3A_364 = arith.index_cast %mul3A_363 : i32 to index
        %swap3A_365 = tpu.vector_load %arg9[%swap3A_364] {strides = array<i32>} : memref<4032xf32, #tpu.memory_space<vmem>>, vector<16xf32>,
        %swap3A_366 = vector.shape_cast %swap3A_365 : vector<16xf32> to vector<16xf32>
        %swap3A_367 = vector.shape_cast %broadcast_in_dim3A_361 : vector<16xf32> to vector<16xf32>
        tpu.vector_store %arg9[%swap3A_364], %swap3A_367 {strides = array<i32>} : memref<4032xf32, #tpu.memory_space<vmem>>, vector<16xf32>,
        %broadcast_in_dim3A_368 = arith.constant -1 : i32
        %broadcast_in_dim3A_369 = vector.broadcast %broadcast_in_dim3A_368 : i32 to vector<16xi32>
        %mul3A_370 = arith.constant 16 : i32
        %mul3A_371 = arith.muli %scan3A_359, %mul3A_370 : i32
        %swap3A_372 = arith.index_cast %mul3A_371 : i32 to index
        %swap3A_373 = tpu.vector_load %arg10[%swap3A_372] {strides = array<i32>} : memref<4032xi32, #tpu.memory_space<vmem>>, vector<16xi32>,
        %swap3A_374 = vector.shape_cast %swap3A_373 : vector<16xi32> to vector<16xi32>
        %swap3A_375 = vector.shape_cast %broadcast_in_dim3A_369 : vector<16xi32> to vector<16xi32>
        tpu.vector_store %arg10[%swap3A_372], %swap3A_375 {strides = array<i32>} : memref<4032xi32, #tpu.memory_space<vmem>>, vector<16xi32>,
        %scan3A_376 = arith.constant 0 : i32
        %scan3A_377 = arith.constant 7 : i32
        %scan3A_378 = arith.addi %scan3A_244, %scan3A_377 : i32
        %broadcast_in_dim3A_379 = arith.constant 1.000000e+08 : f32
        %broadcast_in_dim3A_380 = vector.broadcast %broadcast_in_dim3A_379 : f32 to vector<16xf32>
        %mul3A_381 = arith.constant 16 : i32
        %mul3A_382 = arith.muli %scan3A_378, %mul3A_381 : i32
        %swap3A_383 = arith.index_cast %mul3A_382 : i32 to index
        %swap3A_384 = tpu.vector_load %arg9[%swap3A_383] {strides = array<i32>} : memref<4032xf32, #tpu.memory_space<vmem>>, vector<16xf32>,
        %swap3A_385 = vector.shape_cast %swap3A_384 : vector<16xf32> to vector<16xf32>
        %swap3A_386 = vector.shape_cast %broadcast_in_dim3A_380 : vector<16xf32> to vector<16xf32>
        tpu.vector_store %arg9[%swap3A_383], %swap3A_386 {strides = array<i32>} : memref<4032xf32, #tpu.memory_space<vmem>>, vector<16xf32>,
        %broadcast_in_dim3A_387 = arith.constant -1 : i32
        %broadcast_in_dim3A_388 = vector.broadcast %broadcast_in_dim3A_387 : i32 to vector<16xi32>
        %mul3A_389 = arith.constant 16 : i32
        %mul3A_390 = arith.muli %scan3A_378, %mul3A_389 : i32
        %swap3A_391 = arith.index_cast %mul3A_390 : i32 to index
        %swap3A_392 = tpu.vector_load %arg10[%swap3A_391] {strides = array<i32>} : memref<4032xi32, #tpu.memory_space<vmem>>, vector<16xi32>,
        %swap3A_393 = vector.shape_cast %swap3A_392 : vector<16xi32> to vector<16xi32>
        %swap3A_394 = vector.shape_cast %broadcast_in_dim3A_388 : vector<16xi32> to vector<16xi32>
        tpu.vector_store %arg10[%swap3A_391], %swap3A_394 {strides = array<i32>} : memref<4032xi32, #tpu.memory_space<vmem>>, vector<16xi32>,
        %scan3A_395 = arith.constant 0 : i32
        scf.yield %scan3A_395 : i32
      }
      %scan3A_102 = arith.constant 248 : i32
      %scan3A_103 = arith.addi %scan3A_97, %scan3A_102 : i32
      %broadcast_in_dim3A = arith.constant 1.000000e+08 : f32
      %broadcast_in_dim3A_104 = vector.broadcast %broadcast_in_dim3A : f32 to vector<16xf32>
      %mul3A_105 = arith.constant 16 : i32
      %mul3A_106 = arith.muli %scan3A_103, %mul3A_105 : i32
      %swap3A = arith.index_cast %mul3A_106 : i32 to index
      %swap3A_107 = tpu.vector_load %arg9[%swap3A] {strides = array<i32>} : memref<4032xf32, #tpu.memory_space<vmem>>, vector<16xf32>,
      %swap3A_108 = vector.shape_cast %swap3A_107 : vector<16xf32> to vector<16xf32>
      %swap3A_109 = vector.shape_cast %broadcast_in_dim3A_104 : vector<16xf32> to vector<16xf32>
      tpu.vector_store %arg9[%swap3A], %swap3A_109 {strides = array<i32>} : memref<4032xf32, #tpu.memory_space<vmem>>, vector<16xf32>,
      %broadcast_in_dim3A_110 = arith.constant -1 : i32
      %broadcast_in_dim3A_111 = vector.broadcast %broadcast_in_dim3A_110 : i32 to vector<16xi32>
      %mul3A_112 = arith.constant 16 : i32
      %mul3A_113 = arith.muli %scan3A_103, %mul3A_112 : i32
      %swap3A_114 = arith.index_cast %mul3A_113 : i32 to index
      %swap3A_115 = tpu.vector_load %arg10[%swap3A_114] {strides = array<i32>} : memref<4032xi32, #tpu.memory_space<vmem>>, vector<16xi32>,
      %swap3A_116 = vector.shape_cast %swap3A_115 : vector<16xi32> to vector<16xi32>
      %swap3A_117 = vector.shape_cast %broadcast_in_dim3A_111 : vector<16xi32> to vector<16xi32>
      tpu.vector_store %arg10[%swap3A_114], %swap3A_117 {strides = array<i32>} : memref<4032xi32, #tpu.memory_space<vmem>>, vector<16xi32>,
      %scan3A_118 = arith.constant 0 : i32
      %scan3A_119 = arith.constant 249 : i32
      %scan3A_120 = arith.addi %scan3A_97, %scan3A_119 : i32
      %broadcast_in_dim3A_121 = arith.constant 1.000000e+08 : f32
      %broadcast_in_dim3A_122 = vector.broadcast %broadcast_in_dim3A_121 : f32 to vector<16xf32>
      %mul3A_123 = arith.constant 16 : i32
      %mul3A_124 = arith.muli %scan3A_120, %mul3A_123 : i32
      %swap3A_125 = arith.index_cast %mul3A_124 : i32 to index
      %swap3A_126 = tpu.vector_load %arg9[%swap3A_125] {strides = array<i32>} : memref<4032xf32, #tpu.memory_space<vmem>>, vector<16xf32>,
      %swap3A_127 = vector.shape_cast %swap3A_126 : vector<16xf32> to vector<16xf32>
      %swap3A_128 = vector.shape_cast %broadcast_in_dim3A_122 : vector<16xf32> to vector<16xf32>
      tpu.vector_store %arg9[%swap3A_125], %swap3A_128 {strides = array<i32>} : memref<4032xf32, #tpu.memory_space<vmem>>, vector<16xf32>,
      %broadcast_in_dim3A_129 = arith.constant -1 : i32
      %broadcast_in_dim3A_130 = vector.broadcast %broadcast_in_dim3A_129 : i32 to vector<16xi32>
      %mul3A_131 = arith.constant 16 : i32
      %mul3A_132 = arith.muli %scan3A_120, %mul3A_131 : i32
      %swap3A_133 = arith.index_cast %mul3A_132 : i32 to index
      %swap3A_134 = tpu.vector_load %arg10[%swap3A_133] {strides = array<i32>} : memref<4032xi32, #tpu.memory_space<vmem>>, vector<16xi32>,
      %swap3A_135 = vector.shape_cast %swap3A_134 : vector<16xi32> to vector<16xi32>
      %swap3A_136 = vector.shape_cast %broadcast_in_dim3A_130 : vector<16xi32> to vector<16xi32>
      tpu.vector_store %arg10[%swap3A_133], %swap3A_136 {strides = array<i32>} : memref<4032xi32, #tpu.memory_space<vmem>>, vector<16xi32>,
      %scan3A_137 = arith.constant 0 : i32
      %scan3A_138 = arith.constant 250 : i32
      %scan3A_139 = arith.addi %scan3A_97, %scan3A_138 : i32
      %broadcast_in_dim3A_140 = arith.constant 1.000000e+08 : f32
      %broadcast_in_dim3A_141 = vector.broadcast %broadcast_in_dim3A_140 : f32 to vector<16xf32>
      %mul3A_142 = arith.constant 16 : i32
      %mul3A_143 = arith.muli %scan3A_139, %mul3A_142 : i32
      %swap3A_144 = arith.index_cast %mul3A_143 : i32 to index
      %swap3A_145 = tpu.vector_load %arg9[%swap3A_144] {strides = array<i32>} : memref<4032xf32, #tpu.memory_space<vmem>>, vector<16xf32>,
      %swap3A_146 = vector.shape_cast %swap3A_145 : vector<16xf32> to vector<16xf32>
      %swap3A_147 = vector.shape_cast %broadcast_in_dim3A_141 : vector<16xf32> to vector<16xf32>
      tpu.vector_store %arg9[%swap3A_144], %swap3A_147 {strides = array<i32>} : memref<4032xf32, #tpu.memory_space<vmem>>, vector<16xf32>,
      %broadcast_in_dim3A_148 = arith.constant -1 : i32
      %broadcast_in_dim3A_149 = vector.broadcast %broadcast_in_dim3A_148 : i32 to vector<16xi32>
      %mul3A_150 = arith.constant 16 : i32
      %mul3A_151 = arith.muli %scan3A_139, %mul3A_150 : i32
      %swap3A_152 = arith.index_cast %mul3A_151 : i32 to index
      %swap3A_153 = tpu.vector_load %arg10[%swap3A_152] {strides = array<i32>} : memref<4032xi32, #tpu.memory_space<vmem>>, vector<16xi32>,
      %swap3A_154 = vector.shape_cast %swap3A_153 : vector<16xi32> to vector<16xi32>
      %swap3A_155 = vector.shape_cast %broadcast_in_dim3A_149 : vector<16xi32> to vector<16xi32>
      tpu.vector_store %arg10[%swap3A_152], %swap3A_155 {strides = array<i32>} : memref<4032xi32, #tpu.memory_space<vmem>>, vector<16xi32>,
      %scan3A_156 = arith.constant 0 : i32
      %scan3A_157 = arith.constant 251 : i32
      %scan3A_158 = arith.addi %scan3A_97, %scan3A_157 : i32
      %broadcast_in_dim3A_159 = arith.constant 1.000000e+08 : f32
      %broadcast_in_dim3A_160 = vector.broadcast %broadcast_in_dim3A_159 : f32 to vector<16xf32>
      %mul3A_161 = arith.constant 16 : i32
      %mul3A_162 = arith.muli %scan3A_158, %mul3A_161 : i32
      %swap3A_163 = arith.index_cast %mul3A_162 : i32 to index
      %swap3A_164 = tpu.vector_load %arg9[%swap3A_163] {strides = array<i32>} : memref<4032xf32, #tpu.memory_space<vmem>>, vector<16xf32>,
      %swap3A_165 = vector.shape_cast %swap3A_164 : vector<16xf32> to vector<16xf32>
      %swap3A_166 = vector.shape_cast %broadcast_in_dim3A_160 : vector<16xf32> to vector<16xf32>
      tpu.vector_store %arg9[%swap3A_163], %swap3A_166 {strides = array<i32>} : memref<4032xf32, #tpu.memory_space<vmem>>, vector<16xf32>,
      %broadcast_in_dim3A_167 = arith.constant -1 : i32
      %broadcast_in_dim3A_168 = vector.broadcast %broadcast_in_dim3A_167 : i32 to vector<16xi32>
      %mul3A_169 = arith.constant 16 : i32
      %mul3A_170 = arith.muli %scan3A_158, %mul3A_169 : i32
      %swap3A_171 = arith.index_cast %mul3A_170 : i32 to index
      %swap3A_172 = tpu.vector_load %arg10[%swap3A_171] {strides = array<i32>} : memref<4032xi32, #tpu.memory_space<vmem>>, vector<16xi32>,
      %swap3A_173 = vector.shape_cast %swap3A_172 : vector<16xi32> to vector<16xi32>
      %swap3A_174 = vector.shape_cast %broadcast_in_dim3A_168 : vector<16xi32> to vector<16xi32>
      tpu.vector_store %arg10[%swap3A_171], %swap3A_174 {strides = array<i32>} : memref<4032xi32, #tpu.memory_space<vmem>>, vector<16xi32>,
      %scan3A_175 = arith.constant 0 : i32
      %scan3A_176 = arith.constant 252 : i32
      %scan3A_177 = arith.constant 0 : i32
      %scan3A_178 = arith.constant 0 : i32
      %scan3A_179 = arith.constant 16 : i32
      %scan3A_180 = arith.addi %scan3A_178, %scan3A_179 : i32
      %scan3A_181 = arith.constant 1 : i32
      %scan3A_182 = scf.for %scan3A_244 = %scan3A_178 to %scan3A_180 step %scan3A_181 iter_args(%scan3A_245 = %scan3A_177) -> (i32)  : i32 {
        %add3A_246 = arith.constant 0 : i32
        %add3A_247 = arith.addi %add3A_246, %scan3A_244 : i32
        %get3A_248 = arith.index_cast %add3A_247 : i32 to index
        %get3A_249 = tpu.vector_load %arg8[%get3A_248] {strides = array<i32>} : memref<48xi32, #tpu.memory_space<vmem>>, vector<16xi32>,
        %get3A_250 = vector.shape_cast %get3A_249 : vector<16xi32> to vector<16xi32>
        %slice3A = vector.extract_strided_slice %get3A_250 {offsets = [0], sizes = [1], strides = [1]} : vector<16xi32> to vector<1xi32>
        %squeeze3A = vector.extract %slice3A[0] : i32 from vector<1xi32>
        %while3A = arith.constant 0 : i32
        %while3A_251 = arith.constant 0 : i32
        %while3A_252 = arith.subi %squeeze3A, %while3A : i32
        %while3A_253 = arith.addi %while3A, %while3A_252 : i32
        %while3A_254 = arith.constant 1 : i32
        %while3A_255 = arith.divsi %while3A_252, %while3A_254 : i32
        %while3A_256 = arith.muli %while3A_255, %while3A_254 : i32
        %while3A_257 = arith.addi %while3A, %while3A_256 : i32
        %while3A_258 = arith.constant 1 : i32
        %while3A_259 = scf.for %while3A_263 = %while3A to %while3A_257 step %while3A_258 iter_args(%while3A_264 = %while3A_251) -> (i32)  : i32 {
          %mul3A_265 = arith.constant 16 : i32
          %mul3A_266 = arith.muli %scan3A_244, %mul3A_265 : i32
          %add3A_267 = arith.addi %mul3A_266, %while3A_263 : i32
          %get3A_268 = arith.index_cast %add3A_267 : i32 to index
          %get3A_269 = tpu.vector_load %arg12[%get3A_268] {strides = array<i32>} : memref<288xf32, #tpu.memory_space<vmem>>, vector<16xf32>,
          %get3A_270 = vector.shape_cast %get3A_269 : vector<16xf32> to vector<16xf32>
          %slice3A_271 = vector.extract_strided_slice %get3A_270 {offsets = [0], sizes = [1], strides = [1]} : vector<16xf32> to vector<1xf32>
          %squeeze3A_272 = vector.extract %slice3A_271[0] : f32 from vector<1xf32>
          %mul3A_273 = arith.constant 16 : i32
          %mul3A_274 = arith.muli %scan3A_244, %mul3A_273 : i32
          %add3A_275 = arith.addi %mul3A_274, %while3A_263 : i32
          %get3A_276 = arith.index_cast %add3A_275 : i32 to index
          %get3A_277 = tpu.vector_load %arg13[%get3A_276] {strides = array<i32>} : memref<288xi32, #tpu.memory_space<vmem>>, vector<16xi32>,
          %get3A_278 = vector.shape_cast %get3A_277 : vector<16xi32> to vector<16xi32>
          %slice3A_279 = vector.extract_strided_slice %get3A_278 {offsets = [0], sizes = [1], strides = [1]} : vector<16xi32> to vector<1xi32>
          %squeeze3A_280 = vector.extract %slice3A_279[0] : i32 from vector<1xi32>
          %jit3A_281 = arith.constant 16 : i32
          %div3A_282 = arith.divsi %squeeze3A_280, %jit3A_281 : i32
          %sign3A_283 = arith.constant 0 : i32
          %sign3A_284 = arith.cmpi sgt, %squeeze3A_280, %sign3A_283 : i32
          %sign3A_285 = arith.extui %sign3A_284 : i1 to i32
          %sign3A_286 = arith.constant 0 : i32
          %sign3A_287 = arith.cmpi slt, %squeeze3A_280, %sign3A_286 : i32
          %sign3A_288 = arith.extui %sign3A_287 : i1 to i32
          %sign3A_289 = arith.subi %sign3A_285, %sign3A_288 : i32
          %sign3A_290 = arith.constant 0 : i32
          %sign3A_291 = arith.cmpi sgt, %jit3A_281, %sign3A_290 : i32
          %sign3A_292 = arith.extui %sign3A_291 : i1 to i32
          %sign3A_293 = arith.constant 0 : i32
          %sign3A_294 = arith.cmpi slt, %jit3A_281, %sign3A_293 : i32
          %sign3A_295 = arith.extui %sign3A_294 : i1 to i32
          %sign3A_296 = arith.subi %sign3A_292, %sign3A_295 : i32
          %ne3A_297 = arith.cmpi ne, %sign3A_289, %sign3A_296 : i32
          %rem3A_298 = arith.remsi %squeeze3A_280, %jit3A_281 : i32
          %ne3A_299 = arith.constant 0 : i32
          %ne3A_300 = arith.cmpi ne, %rem3A_298, %ne3A_299 : i32
          %and3A_301 = arith.andi %ne3A_297, %ne3A_300 : i1
          %sub3A_302 = arith.constant 1 : i32
          %sub3A_303 = arith.subi %div3A_282, %sub3A_302 : i32
          %select_n3A_304 = arith.select %and3A_301, %sub3A_303, %div3A_282 : i32
          %mul3A_305 = arith.constant 16 : i32
          %mul3A_306 = arith.muli %select_n3A_304, %mul3A_305 : i32
          %sub3A_307 = arith.subi %squeeze3A_280, %mul3A_306 : i32
          %get3A_308 = arith.index_cast %mul3A_306 : i32 to index
          %get3A_309 = tpu.vector_load %arg9[%get3A_308] {strides = array<i32>} : memref<4032xf32, #tpu.memory_space<vmem>>, vector<16xf32>,
          %get3A_310 = vector.shape_cast %get3A_309 : vector<16xf32> to vector<16xf32>
          %eq3A_311 = vector.broadcast %sub3A_307 : i32 to vector<16xi32>
          %eq3A_312 = arith.cmpi eq, %iota3A, %eq3A_311 : vector<16xi32>
          %lt3A_313 = vector.broadcast %squeeze3A_272 : f32 to vector<16xf32>
          %lt3A_314 = arith.cmpf olt, %lt3A_313, %get3A_310 : vector<16xf32>
          %and3A_315 = arith.andi %eq3A_312, %lt3A_314 : vector<16xi1>
          %broadcast_in_dim3A_316 = vector.broadcast %squeeze3A_272 : f32 to vector<16xf32>
          %select_n3A_317 = arith.select %and3A_315, %broadcast_in_dim3A_316, %get3A_310 : vector<16xi1>, vector<16xf32>
          %swap3A_318 = arith.index_cast %mul3A_306 : i32 to index
          %swap3A_319 = tpu.vector_load %arg9[%swap3A_318] {strides = array<i32>} : memref<4032xf32, #tpu.memory_space<vmem>>, vector<16xf32>,
          %swap3A_320 = vector.shape_cast %swap3A_319 : vector<16xf32> to vector<16xf32>
          %swap3A_321 = vector.shape_cast %select_n3A_317 : vector<16xf32> to vector<16xf32>
          tpu.vector_store %arg9[%swap3A_318], %swap3A_321 {strides = array<i32>} : memref<4032xf32, #tpu.memory_space<vmem>>, vector<16xf32>,
          %get3A_322 = arith.index_cast %mul3A_306 : i32 to index
          %get3A_323 = tpu.vector_load %arg10[%get3A_322] {strides = array<i32>} : memref<4032xi32, #tpu.memory_space<vmem>>, vector<16xi32>,
          %get3A_324 = vector.shape_cast %get3A_323 : vector<16xi32> to vector<16xi32>
          %broadcast_in_dim3A_325 = vector.broadcast %add3A_247 : i32 to vector<16xi32>
          %select_n3A_326 = arith.select %and3A_315, %broadcast_in_dim3A_325, %get3A_324 : vector<16xi1>, vector<16xi32>
          %swap3A_327 = arith.index_cast %mul3A_306 : i32 to index
          %swap3A_328 = tpu.vector_load %arg10[%swap3A_327] {strides = array<i32>} : memref<4032xi32, #tpu.memory_space<vmem>>, vector<16xi32>,
          %swap3A_329 = vector.shape_cast %swap3A_328 : vector<16xi32> to vector<16xi32>
          %swap3A_330 = vector.shape_cast %select_n3A_326 : vector<16xi32> to vector<16xi32>
          tpu.vector_store %arg10[%swap3A_327], %swap3A_330 {strides = array<i32>} : memref<4032xi32, #tpu.memory_space<vmem>>, vector<16xi32>,
          %while3A_331 = arith.constant 0 : i32
          scf.yield %while3A_331 : i32
        }
        %while3A_260 = arith.constant 1 : i32
        %while3A_261 = scf.for %while3A_263 = %while3A_257 to %while3A_253 step %while3A_260 iter_args(%while3A_264 = %while3A_259) -> (i32)  : i32 {
          %mul3A_265 = arith.constant 16 : i32
          %mul3A_266 = arith.muli %scan3A_244, %mul3A_265 : i32
          %add3A_267 = arith.addi %mul3A_266, %while3A_263 : i32
          %get3A_268 = arith.index_cast %add3A_267 : i32 to index
          %get3A_269 = tpu.vector_load %arg12[%get3A_268] {strides = array<i32>} : memref<288xf32, #tpu.memory_space<vmem>>, vector<16xf32>,
          %get3A_270 = vector.shape_cast %get3A_269 : vector<16xf32> to vector<16xf32>
          %slice3A_271 = vector.extract_strided_slice %get3A_270 {offsets = [0], sizes = [1], strides = [1]} : vector<16xf32> to vector<1xf32>
          %squeeze3A_272 = vector.extract %slice3A_271[0] : f32 from vector<1xf32>
          %mul3A_273 = arith.constant 16 : i32
          %mul3A_274 = arith.muli %scan3A_244, %mul3A_273 : i32
          %add3A_275 = arith.addi %mul3A_274, %while3A_263 : i32
          %get3A_276 = arith.index_cast %add3A_275 : i32 to index
          %get3A_277 = tpu.vector_load %arg13[%get3A_276] {strides = array<i32>} : memref<288xi32, #tpu.memory_space<vmem>>, vector<16xi32>,
          %get3A_278 = vector.shape_cast %get3A_277 : vector<16xi32> to vector<16xi32>
          %slice3A_279 = vector.extract_strided_slice %get3A_278 {offsets = [0], sizes = [1], strides = [1]} : vector<16xi32> to vector<1xi32>
          %squeeze3A_280 = vector.extract %slice3A_279[0] : i32 from vector<1xi32>
          %jit3A_281 = arith.constant 16 : i32
          %div3A_282 = arith.divsi %squeeze3A_280, %jit3A_281 : i32
          %sign3A_283 = arith.constant 0 : i32
          %sign3A_284 = arith.cmpi sgt, %squeeze3A_280, %sign3A_283 : i32
          %sign3A_285 = arith.extui %sign3A_284 : i1 to i32
          %sign3A_286 = arith.constant 0 : i32
          %sign3A_287 = arith.cmpi slt, %squeeze3A_280, %sign3A_286 : i32
          %sign3A_288 = arith.extui %sign3A_287 : i1 to i32
          %sign3A_289 = arith.subi %sign3A_285, %sign3A_288 : i32
          %sign3A_290 = arith.constant 0 : i32
          %sign3A_291 = arith.cmpi sgt, %jit3A_281, %sign3A_290 : i32
          %sign3A_292 = arith.extui %sign3A_291 : i1 to i32
          %sign3A_293 = arith.constant 0 : i32
          %sign3A_294 = arith.cmpi slt, %jit3A_281, %sign3A_293 : i32
          %sign3A_295 = arith.extui %sign3A_294 : i1 to i32
          %sign3A_296 = arith.subi %sign3A_292, %sign3A_295 : i32
          %ne3A_297 = arith.cmpi ne, %sign3A_289, %sign3A_296 : i32
          %rem3A_298 = arith.remsi %squeeze3A_280, %jit3A_281 : i32
          %ne3A_299 = arith.constant 0 : i32
          %ne3A_300 = arith.cmpi ne, %rem3A_298, %ne3A_299 : i32
          %and3A_301 = arith.andi %ne3A_297, %ne3A_300 : i1
          %sub3A_302 = arith.constant 1 : i32
          %sub3A_303 = arith.subi %div3A_282, %sub3A_302 : i32
          %select_n3A_304 = arith.select %and3A_301, %sub3A_303, %div3A_282 : i32
          %mul3A_305 = arith.constant 16 : i32
          %mul3A_306 = arith.muli %select_n3A_304, %mul3A_305 : i32
          %sub3A_307 = arith.subi %squeeze3A_280, %mul3A_306 : i32
          %get3A_308 = arith.index_cast %mul3A_306 : i32 to index
          %get3A_309 = tpu.vector_load %arg9[%get3A_308] {strides = array<i32>} : memref<4032xf32, #tpu.memory_space<vmem>>, vector<16xf32>,
          %get3A_310 = vector.shape_cast %get3A_309 : vector<16xf32> to vector<16xf32>
          %eq3A_311 = vector.broadcast %sub3A_307 : i32 to vector<16xi32>
          %eq3A_312 = arith.cmpi eq, %iota3A, %eq3A_311 : vector<16xi32>
          %lt3A_313 = vector.broadcast %squeeze3A_272 : f32 to vector<16xf32>
          %lt3A_314 = arith.cmpf olt, %lt3A_313, %get3A_310 : vector<16xf32>
          %and3A_315 = arith.andi %eq3A_312, %lt3A_314 : vector<16xi1>
          %broadcast_in_dim3A_316 = vector.broadcast %squeeze3A_272 : f32 to vector<16xf32>
          %select_n3A_317 = arith.select %and3A_315, %broadcast_in_dim3A_316, %get3A_310 : vector<16xi1>, vector<16xf32>
          %swap3A_318 = arith.index_cast %mul3A_306 : i32 to index
          %swap3A_319 = tpu.vector_load %arg9[%swap3A_318] {strides = array<i32>} : memref<4032xf32, #tpu.memory_space<vmem>>, vector<16xf32>,
          %swap3A_320 = vector.shape_cast %swap3A_319 : vector<16xf32> to vector<16xf32>
          %swap3A_321 = vector.shape_cast %select_n3A_317 : vector<16xf32> to vector<16xf32>
          tpu.vector_store %arg9[%swap3A_318], %swap3A_321 {strides = array<i32>} : memref<4032xf32, #tpu.memory_space<vmem>>, vector<16xf32>,
          %get3A_322 = arith.index_cast %mul3A_306 : i32 to index
          %get3A_323 = tpu.vector_load %arg10[%get3A_322] {strides = array<i32>} : memref<4032xi32, #tpu.memory_space<vmem>>, vector<16xi32>,
          %get3A_324 = vector.shape_cast %get3A_323 : vector<16xi32> to vector<16xi32>
          %broadcast_in_dim3A_325 = vector.broadcast %add3A_247 : i32 to vector<16xi32>
          %select_n3A_326 = arith.select %and3A_315, %broadcast_in_dim3A_325, %get3A_324 : vector<16xi1>, vector<16xi32>
          %swap3A_327 = arith.index_cast %mul3A_306 : i32 to index
          %swap3A_328 = tpu.vector_load %arg10[%swap3A_327] {strides = array<i32>} : memref<4032xi32, #tpu.memory_space<vmem>>, vector<16xi32>,
          %swap3A_329 = vector.shape_cast %swap3A_328 : vector<16xi32> to vector<16xi32>
          %swap3A_330 = vector.shape_cast %select_n3A_326 : vector<16xi32> to vector<16xi32>
          tpu.vector_store %arg10[%swap3A_327], %swap3A_330 {strides = array<i32>} : memref<4032xi32, #tpu.memory_space<vmem>>, vector<16xi32>,
          %while3A_331 = arith.constant 0 : i32
          scf.yield %while3A_331 : i32
        }
        %scan3A_262 = arith.constant 0 : i32
        scf.yield %scan3A_262 : i32
      }
      %scan3A_183 = arith.constant 16 : i32
      %scan3A_184 = arith.constant 0 : i32
      %scan3A_185 = arith.constant 0 : i32
      %scan3A_186 = arith.constant 16 : i32
      %scan3A_187 = arith.addi %scan3A_185, %scan3A_186 : i32
      %scan3A_188 = arith.constant 1 : i32
      %scan3A_189 = scf.for %scan3A_244 = %scan3A_185 to %scan3A_187 step %scan3A_188 iter_args(%scan3A_245 = %scan3A_184) -> (i32)  : i32 {
        %add3A_246 = arith.constant 16 : i32
        %add3A_247 = arith.addi %add3A_246, %scan3A_244 : i32
        %get3A_248 = arith.index_cast %add3A_247 : i32 to index
        %get3A_249 = tpu.vector_load %arg8[%get3A_248] {strides = array<i32>} : memref<48xi32, #tpu.memory_space<vmem>>, vector<16xi32>,
        %get3A_250 = vector.shape_cast %get3A_249 : vector<16xi32> to vector<16xi32>
        %slice3A = vector.extract_strided_slice %get3A_250 {offsets = [0], sizes = [1], strides = [1]} : vector<16xi32> to vector<1xi32>
        %squeeze3A = vector.extract %slice3A[0] : i32 from vector<1xi32>
        %while3A = arith.constant 0 : i32
        %while3A_251 = arith.constant 0 : i32
        %while3A_252 = arith.subi %squeeze3A, %while3A : i32
        %while3A_253 = arith.addi %while3A, %while3A_252 : i32
        %while3A_254 = arith.constant 1 : i32
        %while3A_255 = arith.divsi %while3A_252, %while3A_254 : i32
        %while3A_256 = arith.muli %while3A_255, %while3A_254 : i32
        %while3A_257 = arith.addi %while3A, %while3A_256 : i32
        %while3A_258 = arith.constant 1 : i32
        %while3A_259 = scf.for %while3A_263 = %while3A to %while3A_257 step %while3A_258 iter_args(%while3A_264 = %while3A_251) -> (i32)  : i32 {
          %mul3A_265 = arith.constant 16 : i32
          %mul3A_266 = arith.muli %scan3A_244, %mul3A_265 : i32
          %add3A_267 = arith.addi %mul3A_266, %while3A_263 : i32
          %get3A_268 = arith.index_cast %add3A_267 : i32 to index
          %get3A_269 = tpu.vector_load %arg14[%get3A_268] {strides = array<i32>} : memref<288xf32, #tpu.memory_space<vmem>>, vector<16xf32>,
          %get3A_270 = vector.shape_cast %get3A_269 : vector<16xf32> to vector<16xf32>
          %slice3A_271 = vector.extract_strided_slice %get3A_270 {offsets = [0], sizes = [1], strides = [1]} : vector<16xf32> to vector<1xf32>
          %squeeze3A_272 = vector.extract %slice3A_271[0] : f32 from vector<1xf32>
          %mul3A_273 = arith.constant 16 : i32
          %mul3A_274 = arith.muli %scan3A_244, %mul3A_273 : i32
          %add3A_275 = arith.addi %mul3A_274, %while3A_263 : i32
          %get3A_276 = arith.index_cast %add3A_275 : i32 to index
          %get3A_277 = tpu.vector_load %arg15[%get3A_276] {strides = array<i32>} : memref<288xi32, #tpu.memory_space<vmem>>, vector<16xi32>,
          %get3A_278 = vector.shape_cast %get3A_277 : vector<16xi32> to vector<16xi32>
          %slice3A_279 = vector.extract_strided_slice %get3A_278 {offsets = [0], sizes = [1], strides = [1]} : vector<16xi32> to vector<1xi32>
          %squeeze3A_280 = vector.extract %slice3A_279[0] : i32 from vector<1xi32>
          %jit3A_281 = arith.constant 16 : i32
          %div3A_282 = arith.divsi %squeeze3A_280, %jit3A_281 : i32
          %sign3A_283 = arith.constant 0 : i32
          %sign3A_284 = arith.cmpi sgt, %squeeze3A_280, %sign3A_283 : i32
          %sign3A_285 = arith.extui %sign3A_284 : i1 to i32
          %sign3A_286 = arith.constant 0 : i32
          %sign3A_287 = arith.cmpi slt, %squeeze3A_280, %sign3A_286 : i32
          %sign3A_288 = arith.extui %sign3A_287 : i1 to i32
          %sign3A_289 = arith.subi %sign3A_285, %sign3A_288 : i32
          %sign3A_290 = arith.constant 0 : i32
          %sign3A_291 = arith.cmpi sgt, %jit3A_281, %sign3A_290 : i32
          %sign3A_292 = arith.extui %sign3A_291 : i1 to i32
          %sign3A_293 = arith.constant 0 : i32
          %sign3A_294 = arith.cmpi slt, %jit3A_281, %sign3A_293 : i32
          %sign3A_295 = arith.extui %sign3A_294 : i1 to i32
          %sign3A_296 = arith.subi %sign3A_292, %sign3A_295 : i32
          %ne3A_297 = arith.cmpi ne, %sign3A_289, %sign3A_296 : i32
          %rem3A_298 = arith.remsi %squeeze3A_280, %jit3A_281 : i32
          %ne3A_299 = arith.constant 0 : i32
          %ne3A_300 = arith.cmpi ne, %rem3A_298, %ne3A_299 : i32
          %and3A_301 = arith.andi %ne3A_297, %ne3A_300 : i1
          %sub3A_302 = arith.constant 1 : i32
          %sub3A_303 = arith.subi %div3A_282, %sub3A_302 : i32
          %select_n3A_304 = arith.select %and3A_301, %sub3A_303, %div3A_282 : i32
          %mul3A_305 = arith.constant 16 : i32
          %mul3A_306 = arith.muli %select_n3A_304, %mul3A_305 : i32
          %sub3A_307 = arith.subi %squeeze3A_280, %mul3A_306 : i32
          %get3A_308 = arith.index_cast %mul3A_306 : i32 to index
          %get3A_309 = tpu.vector_load %arg9[%get3A_308] {strides = array<i32>} : memref<4032xf32, #tpu.memory_space<vmem>>, vector<16xf32>,
          %get3A_310 = vector.shape_cast %get3A_309 : vector<16xf32> to vector<16xf32>
          %eq3A_311 = vector.broadcast %sub3A_307 : i32 to vector<16xi32>
          %eq3A_312 = arith.cmpi eq, %iota3A, %eq3A_311 : vector<16xi32>
          %lt3A_313 = vector.broadcast %squeeze3A_272 : f32 to vector<16xf32>
          %lt3A_314 = arith.cmpf olt, %lt3A_313, %get3A_310 : vector<16xf32>
          %and3A_315 = arith.andi %eq3A_312, %lt3A_314 : vector<16xi1>
          %broadcast_in_dim3A_316 = vector.broadcast %squeeze3A_272 : f32 to vector<16xf32>
          %select_n3A_317 = arith.select %and3A_315, %broadcast_in_dim3A_316, %get3A_310 : vector<16xi1>, vector<16xf32>
          %swap3A_318 = arith.index_cast %mul3A_306 : i32 to index
          %swap3A_319 = tpu.vector_load %arg9[%swap3A_318] {strides = array<i32>} : memref<4032xf32, #tpu.memory_space<vmem>>, vector<16xf32>,
          %swap3A_320 = vector.shape_cast %swap3A_319 : vector<16xf32> to vector<16xf32>
          %swap3A_321 = vector.shape_cast %select_n3A_317 : vector<16xf32> to vector<16xf32>
          tpu.vector_store %arg9[%swap3A_318], %swap3A_321 {strides = array<i32>} : memref<4032xf32, #tpu.memory_space<vmem>>, vector<16xf32>,
          %get3A_322 = arith.index_cast %mul3A_306 : i32 to index
          %get3A_323 = tpu.vector_load %arg10[%get3A_322] {strides = array<i32>} : memref<4032xi32, #tpu.memory_space<vmem>>, vector<16xi32>,
          %get3A_324 = vector.shape_cast %get3A_323 : vector<16xi32> to vector<16xi32>
          %broadcast_in_dim3A_325 = vector.broadcast %add3A_247 : i32 to vector<16xi32>
          %select_n3A_326 = arith.select %and3A_315, %broadcast_in_dim3A_325, %get3A_324 : vector<16xi1>, vector<16xi32>
          %swap3A_327 = arith.index_cast %mul3A_306 : i32 to index
          %swap3A_328 = tpu.vector_load %arg10[%swap3A_327] {strides = array<i32>} : memref<4032xi32, #tpu.memory_space<vmem>>, vector<16xi32>,
          %swap3A_329 = vector.shape_cast %swap3A_328 : vector<16xi32> to vector<16xi32>
          %swap3A_330 = vector.shape_cast %select_n3A_326 : vector<16xi32> to vector<16xi32>
          tpu.vector_store %arg10[%swap3A_327], %swap3A_330 {strides = array<i32>} : memref<4032xi32, #tpu.memory_space<vmem>>, vector<16xi32>,
          %while3A_331 = arith.constant 0 : i32
          scf.yield %while3A_331 : i32
        }
        %while3A_260 = arith.constant 1 : i32
        %while3A_261 = scf.for %while3A_263 = %while3A_257 to %while3A_253 step %while3A_260 iter_args(%while3A_264 = %while3A_259) -> (i32)  : i32 {
          %mul3A_265 = arith.constant 16 : i32
          %mul3A_266 = arith.muli %scan3A_244, %mul3A_265 : i32
          %add3A_267 = arith.addi %mul3A_266, %while3A_263 : i32
          %get3A_268 = arith.index_cast %add3A_267 : i32 to index
          %get3A_269 = tpu.vector_load %arg14[%get3A_268] {strides = array<i32>} : memref<288xf32, #tpu.memory_space<vmem>>, vector<16xf32>,
          %get3A_270 = vector.shape_cast %get3A_269 : vector<16xf32> to vector<16xf32>
          %slice3A_271 = vector.extract_strided_slice %get3A_270 {offsets = [0], sizes = [1], strides = [1]} : vector<16xf32> to vector<1xf32>
          %squeeze3A_272 = vector.extract %slice3A_271[0] : f32 from vector<1xf32>
          %mul3A_273 = arith.constant 16 : i32
          %mul3A_274 = arith.muli %scan3A_244, %mul3A_273 : i32
          %add3A_275 = arith.addi %mul3A_274, %while3A_263 : i32
          %get3A_276 = arith.index_cast %add3A_275 : i32 to index
          %get3A_277 = tpu.vector_load %arg15[%get3A_276] {strides = array<i32>} : memref<288xi32, #tpu.memory_space<vmem>>, vector<16xi32>,
          %get3A_278 = vector.shape_cast %get3A_277 : vector<16xi32> to vector<16xi32>
          %slice3A_279 = vector.extract_strided_slice %get3A_278 {offsets = [0], sizes = [1], strides = [1]} : vector<16xi32> to vector<1xi32>
          %squeeze3A_280 = vector.extract %slice3A_279[0] : i32 from vector<1xi32>
          %jit3A_281 = arith.constant 16 : i32
          %div3A_282 = arith.divsi %squeeze3A_280, %jit3A_281 : i32
          %sign3A_283 = arith.constant 0 : i32
          %sign3A_284 = arith.cmpi sgt, %squeeze3A_280, %sign3A_283 : i32
          %sign3A_285 = arith.extui %sign3A_284 : i1 to i32
          %sign3A_286 = arith.constant 0 : i32
          %sign3A_287 = arith.cmpi slt, %squeeze3A_280, %sign3A_286 : i32
          %sign3A_288 = arith.extui %sign3A_287 : i1 to i32
          %sign3A_289 = arith.subi %sign3A_285, %sign3A_288 : i32
          %sign3A_290 = arith.constant 0 : i32
          %sign3A_291 = arith.cmpi sgt, %jit3A_281, %sign3A_290 : i32
          %sign3A_292 = arith.extui %sign3A_291 : i1 to i32
          %sign3A_293 = arith.constant 0 : i32
          %sign3A_294 = arith.cmpi slt, %jit3A_281, %sign3A_293 : i32
          %sign3A_295 = arith.extui %sign3A_294 : i1 to i32
          %sign3A_296 = arith.subi %sign3A_292, %sign3A_295 : i32
          %ne3A_297 = arith.cmpi ne, %sign3A_289, %sign3A_296 : i32
          %rem3A_298 = arith.remsi %squeeze3A_280, %jit3A_281 : i32
          %ne3A_299 = arith.constant 0 : i32
          %ne3A_300 = arith.cmpi ne, %rem3A_298, %ne3A_299 : i32
          %and3A_301 = arith.andi %ne3A_297, %ne3A_300 : i1
          %sub3A_302 = arith.constant 1 : i32
          %sub3A_303 = arith.subi %div3A_282, %sub3A_302 : i32
          %select_n3A_304 = arith.select %and3A_301, %sub3A_303, %div3A_282 : i32
          %mul3A_305 = arith.constant 16 : i32
          %mul3A_306 = arith.muli %select_n3A_304, %mul3A_305 : i32
          %sub3A_307 = arith.subi %squeeze3A_280, %mul3A_306 : i32
          %get3A_308 = arith.index_cast %mul3A_306 : i32 to index
          %get3A_309 = tpu.vector_load %arg9[%get3A_308] {strides = array<i32>} : memref<4032xf32, #tpu.memory_space<vmem>>, vector<16xf32>,
          %get3A_310 = vector.shape_cast %get3A_309 : vector<16xf32> to vector<16xf32>
          %eq3A_311 = vector.broadcast %sub3A_307 : i32 to vector<16xi32>
          %eq3A_312 = arith.cmpi eq, %iota3A, %eq3A_311 : vector<16xi32>
          %lt3A_313 = vector.broadcast %squeeze3A_272 : f32 to vector<16xf32>
          %lt3A_314 = arith.cmpf olt, %lt3A_313, %get3A_310 : vector<16xf32>
          %and3A_315 = arith.andi %eq3A_312, %lt3A_314 : vector<16xi1>
          %broadcast_in_dim3A_316 = vector.broadcast %squeeze3A_272 : f32 to vector<16xf32>
          %select_n3A_317 = arith.select %and3A_315, %broadcast_in_dim3A_316, %get3A_310 : vector<16xi1>, vector<16xf32>
          %swap3A_318 = arith.index_cast %mul3A_306 : i32 to index
          %swap3A_319 = tpu.vector_load %arg9[%swap3A_318] {strides = array<i32>} : memref<4032xf32, #tpu.memory_space<vmem>>, vector<16xf32>,
          %swap3A_320 = vector.shape_cast %swap3A_319 : vector<16xf32> to vector<16xf32>
          %swap3A_321 = vector.shape_cast %select_n3A_317 : vector<16xf32> to vector<16xf32>
          tpu.vector_store %arg9[%swap3A_318], %swap3A_321 {strides = array<i32>} : memref<4032xf32, #tpu.memory_space<vmem>>, vector<16xf32>,
          %get3A_322 = arith.index_cast %mul3A_306 : i32 to index
          %get3A_323 = tpu.vector_load %arg10[%get3A_322] {strides = array<i32>} : memref<4032xi32, #tpu.memory_space<vmem>>, vector<16xi32>,
          %get3A_324 = vector.shape_cast %get3A_323 : vector<16xi32> to vector<16xi32>
          %broadcast_in_dim3A_325 = vector.broadcast %add3A_247 : i32 to vector<16xi32>
          %select_n3A_326 = arith.select %and3A_315, %broadcast_in_dim3A_325, %get3A_324 : vector<16xi1>, vector<16xi32>
          %swap3A_327 = arith.index_cast %mul3A_306 : i32 to index
          %swap3A_328 = tpu.vector_load %arg10[%swap3A_327] {strides = array<i32>} : memref<4032xi32, #tpu.memory_space<vmem>>, vector<16xi32>,
          %swap3A_329 = vector.shape_cast %swap3A_328 : vector<16xi32> to vector<16xi32>
          %swap3A_330 = vector.shape_cast %select_n3A_326 : vector<16xi32> to vector<16xi32>
          tpu.vector_store %arg10[%swap3A_327], %swap3A_330 {strides = array<i32>} : memref<4032xi32, #tpu.memory_space<vmem>>, vector<16xi32>,
          %while3A_331 = arith.constant 0 : i32
          scf.yield %while3A_331 : i32
        }
        %scan3A_262 = arith.constant 0 : i32
        scf.yield %scan3A_262 : i32
      }
      %scan3A_190 = arith.constant 16 : i32
      %scan3A_191 = arith.constant 0 : i32
      %scan3A_192 = arith.constant 0 : i32
      %scan3A_193 = arith.constant 248 : i32
      %scan3A_194 = arith.addi %scan3A_192, %scan3A_193 : i32
      %scan3A_195 = arith.constant 8 : i32
      %scan3A_196 = scf.for %scan3A_244 = %scan3A_192 to %scan3A_194 step %scan3A_195 iter_args(%scan3A_245 = %scan3A_191) -> (i32)  : i32 {
        %mul3A_246 = arith.constant 16 : i32
        %mul3A_247 = arith.muli %scan3A_244, %mul3A_246 : i32
        %get3A_248 = arith.index_cast %mul3A_247 : i32 to index
        %get3A_249 = tpu.vector_load %arg10[%get3A_248] {strides = array<i32>} : memref<4032xi32, #tpu.memory_space<vmem>>, vector<16xi32>,
        %get3A_250 = vector.shape_cast %get3A_249 : vector<16xi32> to vector<16xi32>
        %ge3A_251 = arith.constant 0 : i32
        %ge3A_252 = vector.broadcast %ge3A_251 : i32 to vector<16xi32>
        %ge3A_253 = arith.cmpi sge, %get3A_250, %ge3A_252 : vector<16xi32>
        %broadcast_in_dim3A_254 = arith.constant 1 : i32
        %broadcast_in_dim3A_255 = vector.broadcast %broadcast_in_dim3A_254 : i32 to vector<16xi32>
        %broadcast_in_dim3A_256 = arith.constant 0 : i32
        %broadcast_in_dim3A_257 = vector.broadcast %broadcast_in_dim3A_256 : i32 to vector<16xi32>
        %select_n3A_258 = arith.select %ge3A_253, %broadcast_in_dim3A_255, %broadcast_in_dim3A_257 : vector<16xi1>, vector<16xi32>
        %mul3A_259 = arith.constant 16 : i32
        %mul3A_260 = arith.muli %scan3A_244, %mul3A_259 : i32
        %swap3A_261 = arith.index_cast %mul3A_260 : i32 to index
        %swap3A_262 = tpu.vector_load %arg11[%swap3A_261] {strides = array<i32>} : memref<4000xi32, #tpu.memory_space<vmem>>, vector<16xi32>,
        %swap3A_263 = vector.shape_cast %swap3A_262 : vector<16xi32> to vector<16xi32>
        %swap3A_264 = vector.shape_cast %select_n3A_258 : vector<16xi32> to vector<16xi32>
        tpu.vector_store %arg11[%swap3A_261], %swap3A_264 {strides = array<i32>} : memref<4000xi32, #tpu.memory_space<vmem>>, vector<16xi32>,
        %scan3A_265 = arith.constant 0 : i32
        %scan3A_266 = arith.constant 1 : i32
        %scan3A_267 = arith.addi %scan3A_244, %scan3A_266 : i32
        %mul3A_268 = arith.constant 16 : i32
        %mul3A_269 = arith.muli %scan3A_267, %mul3A_268 : i32
        %get3A_270 = arith.index_cast %mul3A_269 : i32 to index
        %get3A_271 = tpu.vector_load %arg10[%get3A_270] {strides = array<i32>} : memref<4032xi32, #tpu.memory_space<vmem>>, vector<16xi32>,
        %get3A_272 = vector.shape_cast %get3A_271 : vector<16xi32> to vector<16xi32>
        %ge3A_273 = arith.constant 0 : i32
        %ge3A_274 = vector.broadcast %ge3A_273 : i32 to vector<16xi32>
        %ge3A_275 = arith.cmpi sge, %get3A_272, %ge3A_274 : vector<16xi32>
        %broadcast_in_dim3A_276 = arith.constant 1 : i32
        %broadcast_in_dim3A_277 = vector.broadcast %broadcast_in_dim3A_276 : i32 to vector<16xi32>
        %broadcast_in_dim3A_278 = arith.constant 0 : i32
        %broadcast_in_dim3A_279 = vector.broadcast %broadcast_in_dim3A_278 : i32 to vector<16xi32>
        %select_n3A_280 = arith.select %ge3A_275, %broadcast_in_dim3A_277, %broadcast_in_dim3A_279 : vector<16xi1>, vector<16xi32>
        %mul3A_281 = arith.constant 16 : i32
        %mul3A_282 = arith.muli %scan3A_267, %mul3A_281 : i32
        %swap3A_283 = arith.index_cast %mul3A_282 : i32 to index
        %swap3A_284 = tpu.vector_load %arg11[%swap3A_283] {strides = array<i32>} : memref<4000xi32, #tpu.memory_space<vmem>>, vector<16xi32>,
        %swap3A_285 = vector.shape_cast %swap3A_284 : vector<16xi32> to vector<16xi32>
        %swap3A_286 = vector.shape_cast %select_n3A_280 : vector<16xi32> to vector<16xi32>
        tpu.vector_store %arg11[%swap3A_283], %swap3A_286 {strides = array<i32>} : memref<4000xi32, #tpu.memory_space<vmem>>, vector<16xi32>,
        %scan3A_287 = arith.constant 0 : i32
        %scan3A_288 = arith.constant 2 : i32
        %scan3A_289 = arith.addi %scan3A_244, %scan3A_288 : i32
        %mul3A_290 = arith.constant 16 : i32
        %mul3A_291 = arith.muli %scan3A_289, %mul3A_290 : i32
        %get3A_292 = arith.index_cast %mul3A_291 : i32 to index
        %get3A_293 = tpu.vector_load %arg10[%get3A_292] {strides = array<i32>} : memref<4032xi32, #tpu.memory_space<vmem>>, vector<16xi32>,
        %get3A_294 = vector.shape_cast %get3A_293 : vector<16xi32> to vector<16xi32>
        %ge3A_295 = arith.constant 0 : i32
        %ge3A_296 = vector.broadcast %ge3A_295 : i32 to vector<16xi32>
        %ge3A_297 = arith.cmpi sge, %get3A_294, %ge3A_296 : vector<16xi32>
        %broadcast_in_dim3A_298 = arith.constant 1 : i32
        %broadcast_in_dim3A_299 = vector.broadcast %broadcast_in_dim3A_298 : i32 to vector<16xi32>
        %broadcast_in_dim3A_300 = arith.constant 0 : i32
        %broadcast_in_dim3A_301 = vector.broadcast %broadcast_in_dim3A_300 : i32 to vector<16xi32>
        %select_n3A_302 = arith.select %ge3A_297, %broadcast_in_dim3A_299, %broadcast_in_dim3A_301 : vector<16xi1>, vector<16xi32>
        %mul3A_303 = arith.constant 16 : i32
        %mul3A_304 = arith.muli %scan3A_289, %mul3A_303 : i32
        %swap3A_305 = arith.index_cast %mul3A_304 : i32 to index
        %swap3A_306 = tpu.vector_load %arg11[%swap3A_305] {strides = array<i32>} : memref<4000xi32, #tpu.memory_space<vmem>>, vector<16xi32>,
        %swap3A_307 = vector.shape_cast %swap3A_306 : vector<16xi32> to vector<16xi32>
        %swap3A_308 = vector.shape_cast %select_n3A_302 : vector<16xi32> to vector<16xi32>
        tpu.vector_store %arg11[%swap3A_305], %swap3A_308 {strides = array<i32>} : memref<4000xi32, #tpu.memory_space<vmem>>, vector<16xi32>,
        %scan3A_309 = arith.constant 0 : i32
        %scan3A_310 = arith.constant 3 : i32
        %scan3A_311 = arith.addi %scan3A_244, %scan3A_310 : i32
        %mul3A_312 = arith.constant 16 : i32
        %mul3A_313 = arith.muli %scan3A_311, %mul3A_312 : i32
        %get3A_314 = arith.index_cast %mul3A_313 : i32 to index
        %get3A_315 = tpu.vector_load %arg10[%get3A_314] {strides = array<i32>} : memref<4032xi32, #tpu.memory_space<vmem>>, vector<16xi32>,
        %get3A_316 = vector.shape_cast %get3A_315 : vector<16xi32> to vector<16xi32>
        %ge3A_317 = arith.constant 0 : i32
        %ge3A_318 = vector.broadcast %ge3A_317 : i32 to vector<16xi32>
        %ge3A_319 = arith.cmpi sge, %get3A_316, %ge3A_318 : vector<16xi32>
        %broadcast_in_dim3A_320 = arith.constant 1 : i32
        %broadcast_in_dim3A_321 = vector.broadcast %broadcast_in_dim3A_320 : i32 to vector<16xi32>
        %broadcast_in_dim3A_322 = arith.constant 0 : i32
        %broadcast_in_dim3A_323 = vector.broadcast %broadcast_in_dim3A_322 : i32 to vector<16xi32>
        %select_n3A_324 = arith.select %ge3A_319, %broadcast_in_dim3A_321, %broadcast_in_dim3A_323 : vector<16xi1>, vector<16xi32>
        %mul3A_325 = arith.constant 16 : i32
        %mul3A_326 = arith.muli %scan3A_311, %mul3A_325 : i32
        %swap3A_327 = arith.index_cast %mul3A_326 : i32 to index
        %swap3A_328 = tpu.vector_load %arg11[%swap3A_327] {strides = array<i32>} : memref<4000xi32, #tpu.memory_space<vmem>>, vector<16xi32>,
        %swap3A_329 = vector.shape_cast %swap3A_328 : vector<16xi32> to vector<16xi32>
        %swap3A_330 = vector.shape_cast %select_n3A_324 : vector<16xi32> to vector<16xi32>
        tpu.vector_store %arg11[%swap3A_327], %swap3A_330 {strides = array<i32>} : memref<4000xi32, #tpu.memory_space<vmem>>, vector<16xi32>,
        %scan3A_331 = arith.constant 0 : i32
        %scan3A_332 = arith.constant 4 : i32
        %scan3A_333 = arith.addi %scan3A_244, %scan3A_332 : i32
        %mul3A_334 = arith.constant 16 : i32
        %mul3A_335 = arith.muli %scan3A_333, %mul3A_334 : i32
        %get3A_336 = arith.index_cast %mul3A_335 : i32 to index
        %get3A_337 = tpu.vector_load %arg10[%get3A_336] {strides = array<i32>} : memref<4032xi32, #tpu.memory_space<vmem>>, vector<16xi32>,
        %get3A_338 = vector.shape_cast %get3A_337 : vector<16xi32> to vector<16xi32>
        %ge3A_339 = arith.constant 0 : i32
        %ge3A_340 = vector.broadcast %ge3A_339 : i32 to vector<16xi32>
        %ge3A_341 = arith.cmpi sge, %get3A_338, %ge3A_340 : vector<16xi32>
        %broadcast_in_dim3A_342 = arith.constant 1 : i32
        %broadcast_in_dim3A_343 = vector.broadcast %broadcast_in_dim3A_342 : i32 to vector<16xi32>
        %broadcast_in_dim3A_344 = arith.constant 0 : i32
        %broadcast_in_dim3A_345 = vector.broadcast %broadcast_in_dim3A_344 : i32 to vector<16xi32>
        %select_n3A_346 = arith.select %ge3A_341, %broadcast_in_dim3A_343, %broadcast_in_dim3A_345 : vector<16xi1>, vector<16xi32>
        %mul3A_347 = arith.constant 16 : i32
        %mul3A_348 = arith.muli %scan3A_333, %mul3A_347 : i32
        %swap3A_349 = arith.index_cast %mul3A_348 : i32 to index
        %swap3A_350 = tpu.vector_load %arg11[%swap3A_349] {strides = array<i32>} : memref<4000xi32, #tpu.memory_space<vmem>>, vector<16xi32>,
        %swap3A_351 = vector.shape_cast %swap3A_350 : vector<16xi32> to vector<16xi32>
        %swap3A_352 = vector.shape_cast %select_n3A_346 : vector<16xi32> to vector<16xi32>
        tpu.vector_store %arg11[%swap3A_349], %swap3A_352 {strides = array<i32>} : memref<4000xi32, #tpu.memory_space<vmem>>, vector<16xi32>,
        %scan3A_353 = arith.constant 0 : i32
        %scan3A_354 = arith.constant 5 : i32
        %scan3A_355 = arith.addi %scan3A_244, %scan3A_354 : i32
        %mul3A_356 = arith.constant 16 : i32
        %mul3A_357 = arith.muli %scan3A_355, %mul3A_356 : i32
        %get3A_358 = arith.index_cast %mul3A_357 : i32 to index
        %get3A_359 = tpu.vector_load %arg10[%get3A_358] {strides = array<i32>} : memref<4032xi32, #tpu.memory_space<vmem>>, vector<16xi32>,
        %get3A_360 = vector.shape_cast %get3A_359 : vector<16xi32> to vector<16xi32>
        %ge3A_361 = arith.constant 0 : i32
        %ge3A_362 = vector.broadcast %ge3A_361 : i32 to vector<16xi32>
        %ge3A_363 = arith.cmpi sge, %get3A_360, %ge3A_362 : vector<16xi32>
        %broadcast_in_dim3A_364 = arith.constant 1 : i32
        %broadcast_in_dim3A_365 = vector.broadcast %broadcast_in_dim3A_364 : i32 to vector<16xi32>
        %broadcast_in_dim3A_366 = arith.constant 0 : i32
        %broadcast_in_dim3A_367 = vector.broadcast %broadcast_in_dim3A_366 : i32 to vector<16xi32>
        %select_n3A_368 = arith.select %ge3A_363, %broadcast_in_dim3A_365, %broadcast_in_dim3A_367 : vector<16xi1>, vector<16xi32>
        %mul3A_369 = arith.constant 16 : i32
        %mul3A_370 = arith.muli %scan3A_355, %mul3A_369 : i32
        %swap3A_371 = arith.index_cast %mul3A_370 : i32 to index
        %swap3A_372 = tpu.vector_load %arg11[%swap3A_371] {strides = array<i32>} : memref<4000xi32, #tpu.memory_space<vmem>>, vector<16xi32>,
        %swap3A_373 = vector.shape_cast %swap3A_372 : vector<16xi32> to vector<16xi32>
        %swap3A_374 = vector.shape_cast %select_n3A_368 : vector<16xi32> to vector<16xi32>
        tpu.vector_store %arg11[%swap3A_371], %swap3A_374 {strides = array<i32>} : memref<4000xi32, #tpu.memory_space<vmem>>, vector<16xi32>,
        %scan3A_375 = arith.constant 0 : i32
        %scan3A_376 = arith.constant 6 : i32
        %scan3A_377 = arith.addi %scan3A_244, %scan3A_376 : i32
        %mul3A_378 = arith.constant 16 : i32
        %mul3A_379 = arith.muli %scan3A_377, %mul3A_378 : i32
        %get3A_380 = arith.index_cast %mul3A_379 : i32 to index
        %get3A_381 = tpu.vector_load %arg10[%get3A_380] {strides = array<i32>} : memref<4032xi32, #tpu.memory_space<vmem>>, vector<16xi32>,
        %get3A_382 = vector.shape_cast %get3A_381 : vector<16xi32> to vector<16xi32>
        %ge3A_383 = arith.constant 0 : i32
        %ge3A_384 = vector.broadcast %ge3A_383 : i32 to vector<16xi32>
        %ge3A_385 = arith.cmpi sge, %get3A_382, %ge3A_384 : vector<16xi32>
        %broadcast_in_dim3A_386 = arith.constant 1 : i32
        %broadcast_in_dim3A_387 = vector.broadcast %broadcast_in_dim3A_386 : i32 to vector<16xi32>
        %broadcast_in_dim3A_388 = arith.constant 0 : i32
        %broadcast_in_dim3A_389 = vector.broadcast %broadcast_in_dim3A_388 : i32 to vector<16xi32>
        %select_n3A_390 = arith.select %ge3A_385, %broadcast_in_dim3A_387, %broadcast_in_dim3A_389 : vector<16xi1>, vector<16xi32>
        %mul3A_391 = arith.constant 16 : i32
        %mul3A_392 = arith.muli %scan3A_377, %mul3A_391 : i32
        %swap3A_393 = arith.index_cast %mul3A_392 : i32 to index
        %swap3A_394 = tpu.vector_load %arg11[%swap3A_393] {strides = array<i32>} : memref<4000xi32, #tpu.memory_space<vmem>>, vector<16xi32>,
        %swap3A_395 = vector.shape_cast %swap3A_394 : vector<16xi32> to vector<16xi32>
        %swap3A_396 = vector.shape_cast %select_n3A_390 : vector<16xi32> to vector<16xi32>
        tpu.vector_store %arg11[%swap3A_393], %swap3A_396 {strides = array<i32>} : memref<4000xi32, #tpu.memory_space<vmem>>, vector<16xi32>,
        %scan3A_397 = arith.constant 0 : i32
        %scan3A_398 = arith.constant 7 : i32
        %scan3A_399 = arith.addi %scan3A_244, %scan3A_398 : i32
        %mul3A_400 = arith.constant 16 : i32
        %mul3A_401 = arith.muli %scan3A_399, %mul3A_400 : i32
        %get3A_402 = arith.index_cast %mul3A_401 : i32 to index
        %get3A_403 = tpu.vector_load %arg10[%get3A_402] {strides = array<i32>} : memref<4032xi32, #tpu.memory_space<vmem>>, vector<16xi32>,
        %get3A_404 = vector.shape_cast %get3A_403 : vector<16xi32> to vector<16xi32>
        %ge3A_405 = arith.constant 0 : i32
        %ge3A_406 = vector.broadcast %ge3A_405 : i32 to vector<16xi32>
        %ge3A_407 = arith.cmpi sge, %get3A_404, %ge3A_406 : vector<16xi32>
        %broadcast_in_dim3A_408 = arith.constant 1 : i32
        %broadcast_in_dim3A_409 = vector.broadcast %broadcast_in_dim3A_408 : i32 to vector<16xi32>
        %broadcast_in_dim3A_410 = arith.constant 0 : i32
        %broadcast_in_dim3A_411 = vector.broadcast %broadcast_in_dim3A_410 : i32 to vector<16xi32>
        %select_n3A_412 = arith.select %ge3A_407, %broadcast_in_dim3A_409, %broadcast_in_dim3A_411 : vector<16xi1>, vector<16xi32>
        %mul3A_413 = arith.constant 16 : i32
        %mul3A_414 = arith.muli %scan3A_399, %mul3A_413 : i32
        %swap3A_415 = arith.index_cast %mul3A_414 : i32 to index
        %swap3A_416 = tpu.vector_load %arg11[%swap3A_415] {strides = array<i32>} : memref<4000xi32, #tpu.memory_space<vmem>>, vector<16xi32>,
        %swap3A_417 = vector.shape_cast %swap3A_416 : vector<16xi32> to vector<16xi32>
        %swap3A_418 = vector.shape_cast %select_n3A_412 : vector<16xi32> to vector<16xi32>
        tpu.vector_store %arg11[%swap3A_415], %swap3A_418 {strides = array<i32>} : memref<4000xi32, #tpu.memory_space<vmem>>, vector<16xi32>,
        %scan3A_419 = arith.constant 0 : i32
        scf.yield %scan3A_419 : i32
      }
      %scan3A_197 = arith.constant 248 : i32
      %scan3A_198 = arith.addi %scan3A_192, %scan3A_197 : i32
      %mul3A_199 = arith.constant 16 : i32
      %mul3A_200 = arith.muli %scan3A_198, %mul3A_199 : i32
      %get3A = arith.index_cast %mul3A_200 : i32 to index
      %get3A_201 = tpu.vector_load %arg10[%get3A] {strides = array<i32>} : memref<4032xi32, #tpu.memory_space<vmem>>, vector<16xi32>,
      %get3A_202 = vector.shape_cast %get3A_201 : vector<16xi32> to vector<16xi32>
      %ge3A = arith.constant 0 : i32
      %ge3A_203 = vector.broadcast %ge3A : i32 to vector<16xi32>
      %ge3A_204 = arith.cmpi sge, %get3A_202, %ge3A_203 : vector<16xi32>
      %broadcast_in_dim3A_205 = arith.constant 1 : i32
      %broadcast_in_dim3A_206 = vector.broadcast %broadcast_in_dim3A_205 : i32 to vector<16xi32>
      %broadcast_in_dim3A_207 = arith.constant 0 : i32
      %broadcast_in_dim3A_208 = vector.broadcast %broadcast_in_dim3A_207 : i32 to vector<16xi32>
      %select_n3A_209 = arith.select %ge3A_204, %broadcast_in_dim3A_206, %broadcast_in_dim3A_208 : vector<16xi1>, vector<16xi32>
      %mul3A_210 = arith.constant 16 : i32
      %mul3A_211 = arith.muli %scan3A_198, %mul3A_210 : i32
      %swap3A_212 = arith.index_cast %mul3A_211 : i32 to index
      %swap3A_213 = tpu.vector_load %arg11[%swap3A_212] {strides = array<i32>} : memref<4000xi32, #tpu.memory_space<vmem>>, vector<16xi32>,
      %swap3A_214 = vector.shape_cast %swap3A_213 : vector<16xi32> to vector<16xi32>
      %swap3A_215 = vector.shape_cast %select_n3A_209 : vector<16xi32> to vector<16xi32>
      tpu.vector_store %arg11[%swap3A_212], %swap3A_215 {strides = array<i32>} : memref<4000xi32, #tpu.memory_space<vmem>>, vector<16xi32>,
      %scan3A_216 = arith.constant 0 : i32
      %scan3A_217 = arith.constant 249 : i32
      %scan3A_218 = arith.addi %scan3A_192, %scan3A_217 : i32
      %mul3A_219 = arith.constant 16 : i32
      %mul3A_220 = arith.muli %scan3A_218, %mul3A_219 : i32
      %get3A_221 = arith.index_cast %mul3A_220 : i32 to index
      %get3A_222 = tpu.vector_load %arg10[%get3A_221] {strides = array<i32>} : memref<4032xi32, #tpu.memory_space<vmem>>, vector<16xi32>,
      %get3A_223 = vector.shape_cast %get3A_222 : vector<16xi32> to vector<16xi32>
      %ge3A_224 = arith.constant 0 : i32
      %ge3A_225 = vector.broadcast %ge3A_224 : i32 to vector<16xi32>
      %ge3A_226 = arith.cmpi sge, %get3A_223, %ge3A_225 : vector<16xi32>
      %broadcast_in_dim3A_227 = arith.constant 1 : i32
      %broadcast_in_dim3A_228 = vector.broadcast %broadcast_in_dim3A_227 : i32 to vector<16xi32>
      %broadcast_in_dim3A_229 = arith.constant 0 : i32
      %broadcast_in_dim3A_230 = vector.broadcast %broadcast_in_dim3A_229 : i32 to vector<16xi32>
      %select_n3A_231 = arith.select %ge3A_226, %broadcast_in_dim3A_228, %broadcast_in_dim3A_230 : vector<16xi1>, vector<16xi32>
      %mul3A_232 = arith.constant 16 : i32
      %mul3A_233 = arith.muli %scan3A_218, %mul3A_232 : i32
      %swap3A_234 = arith.index_cast %mul3A_233 : i32 to index
      %swap3A_235 = tpu.vector_load %arg11[%swap3A_234] {strides = array<i32>} : memref<4000xi32, #tpu.memory_space<vmem>>, vector<16xi32>,
      %swap3A_236 = vector.shape_cast %swap3A_235 : vector<16xi32> to vector<16xi32>
      %swap3A_237 = vector.shape_cast %select_n3A_231 : vector<16xi32> to vector<16xi32>
      tpu.vector_store %arg11[%swap3A_234], %swap3A_237 {strides = array<i32>} : memref<4000xi32, #tpu.memory_space<vmem>>, vector<16xi32>,
      %scan3A_238 = arith.constant 0 : i32
      %scan3A_239 = arith.constant 250 : i32
      %mul3A_240 = arith.constant 4000 : i32
      %mul3A_241 = arith.muli %add3A, %mul3A_240 : i32
      "tpu.region"() ({
        %run_scoped3A = tpu.sem_alloc : memref<!tpu.dma_semaphore, #tpu.memory_space<semaphore_mem>>
        %dma_start3A_244 = arith.constant 0 : i32
        %dma_start3A_245 = tpu.memref_slice %arg10[%dma_start3A_244] : memref<4032xi32, #tpu.memory_space<vmem>> -> memref<4000xi32, #tpu.memory_space<vmem>>
        %dma_start3A_246 = tpu.memref_slice %arg4[%mul3A_241] : memref<64000xi32, #tpu.memory_space<hbm>> -> memref<4000xi32, #tpu.memory_space<hbm>>
        %dma_start3A_247 = tpu.memref_slice %arg4[%mul3A_241] : memref<64000xi32, #tpu.memory_space<hbm>> -> memref<4000xi32, #tpu.memory_space<hbm>>
        %dma_start3A_248 = arith.constant 0 : i32
        %dma_start3A_249 = tpu.memref_slice %arg10[%dma_start3A_248] : memref<4032xi32, #tpu.memory_space<vmem>> -> memref<4000xi32, #tpu.memory_space<vmem>>
        tpu.enqueue_dma source(%dma_start3A_249 : memref<4000xi32, #tpu.memory_space<vmem>>) target(%dma_start3A_247 : memref<4000xi32, #tpu.memory_space<hbm>>) target_semaphore(%run_scoped3A : memref<!tpu.dma_semaphore, #tpu.memory_space<semaphore_mem>>)
        %dma_wait3A_250 = arith.constant 0 : i32
        %dma_wait3A_251 = tpu.memref_slice %arg10[%dma_wait3A_250] : memref<4032xi32, #tpu.memory_space<vmem>> -> memref<4000xi32, #tpu.memory_space<vmem>>
        %dma_wait3A_252 = tpu.memref_slice %arg4[%mul3A_241] : memref<64000xi32, #tpu.memory_space<hbm>> -> memref<4000xi32, #tpu.memory_space<hbm>>
        %dma_wait3A_253 = tpu.memref_slice %arg4[%mul3A_241] : memref<64000xi32, #tpu.memory_space<hbm>> -> memref<4000xi32, #tpu.memory_space<hbm>>
        %dma_wait3A_254 = arith.constant 0 : i32
        %dma_wait3A_255 = tpu.memref_slice %arg10[%dma_wait3A_254] : memref<4032xi32, #tpu.memory_space<vmem>> -> memref<4000xi32, #tpu.memory_space<vmem>>
        tpu.wait_dma2 semaphore(%run_scoped3A : memref<!tpu.dma_semaphore, #tpu.memory_space<semaphore_mem>>) src(%dma_wait3A_255 : memref<4000xi32, #tpu.memory_space<vmem>>) dst(%dma_wait3A_253 : memref<4000xi32, #tpu.memory_space<hbm>>)
        tpu.yield
      }) : () -> ()
      %mul3A_242 = arith.constant 4000 : i32
      %mul3A_243 = arith.muli %add3A, %mul3A_242 : i32
      "tpu.region"() ({
        %run_scoped3A = tpu.sem_alloc : memref<!tpu.dma_semaphore, #tpu.memory_space<semaphore_mem>>
        %dma_start3A_244 = tpu.memref_slice %arg5[%mul3A_243] : memref<64000xi32, #tpu.memory_space<hbm>> -> memref<4000xi32, #tpu.memory_space<hbm>>
        %dma_start3A_245 = tpu.memref_slice %arg5[%mul3A_243] : memref<64000xi32, #tpu.memory_space<hbm>> -> memref<4000xi32, #tpu.memory_space<hbm>>
        tpu.enqueue_dma source(%arg11 : memref<4000xi32, #tpu.memory_space<vmem>>) target(%dma_start3A_245 : memref<4000xi32, #tpu.memory_space<hbm>>) target_semaphore(%run_scoped3A : memref<!tpu.dma_semaphore, #tpu.memory_space<semaphore_mem>>)
        %dma_wait3A_246 = tpu.memref_slice %arg5[%mul3A_243] : memref<64000xi32, #tpu.memory_space<hbm>> -> memref<4000xi32, #tpu.memory_space<hbm>>
        %dma_wait3A_247 = tpu.memref_slice %arg5[%mul3A_243] : memref<64000xi32, #tpu.memory_space<hbm>> -> memref<4000xi32, #tpu.memory_space<hbm>>
        tpu.wait_dma2 semaphore(%run_scoped3A : memref<!tpu.dma_semaphore, #tpu.memory_space<semaphore_mem>>) src(%arg11 : memref<4000xi32, #tpu.memory_space<vmem>>) dst(%dma_wait3A_247 : memref<4000xi32, #tpu.memory_space<hbm>>)
        tpu.yield
      }) : () -> ()
    } else {
    }
    return
  }
}

module attributes {stable_mosaic.version = 14 : i64} {
  func.func @_cost_body(%arg0: i32, %arg1: memref<1x4xf32, #tpu.memory_space<smem>>, %arg2: memref<1x2x4000xf32, #tpu.memory_space<vmem>>, %arg3: memref<1x3x4000xf32, #tpu.memory_space<vmem>>, %arg4: memref<1x72x4000xbf16, #tpu.memory_space<vmem>>, %arg5: memref<1x32x72x1xf32, #tpu.memory_space<vmem>>, %arg6: memref<1x32x4xf32, #tpu.memory_space<vmem>>, %arg7: memref<1x1x32xf32, #tpu.memory_space<vmem>>, %arg8: memref<1x32x4000xf32, #tpu.memory_space<vmem>>, %arg9: memref<1x32x1xi32, #tpu.memory_space<vmem>>, %arg10: memref<32x4000xf32, #tpu.memory_space<vmem>>) attributes {dimension_semantics = [#tpu.dimension_semantics<arbitrary>], iteration_bounds = array<i64: 16>, scalar_prefetch = 0 : i64, scratch_operands = 1 : i64, tpu.core_type = #tpu.core_type<tc>, window_params = [{transform_indices = @transform_0, window_bounds = array<i64: 1, 4>}, {transform_indices = @transform_1, window_bounds = array<i64: 1, 2, 4000>}, {transform_indices = @transform_2, window_bounds = array<i64: 1, 3, 4000>}, {transform_indices = @transform_3, window_bounds = array<i64: 1, 72, 4000>}, {transform_indices = @transform_4, window_bounds = array<i64: 1, 32, 72, 1>}, {transform_indices = @transform_5, window_bounds = array<i64: 1, 32, 4>}, {transform_indices = @transform_6, window_bounds = array<i64: 1, 1, 32>}, {transform_indices = @transform_7, window_bounds = array<i64: 1, 32, 4000>}, {transform_indices = @transform_8, window_bounds = array<i64: 1, 32, 1>}]} {
    %get3A = arith.constant 0 : index
    %get3A_0 = arith.constant 0 : index
    %get3A_1 = memref.load %arg1[%get3A, %get3A_0] : memref<1x4xf32, #tpu.memory_space<smem>>
    %get3A_2 = arith.constant 0 : index
    %get3A_3 = arith.constant 1 : index
    %get3A_4 = memref.load %arg1[%get3A_2, %get3A_3] : memref<1x4xf32, #tpu.memory_space<smem>>
    %get3A_5 = arith.constant 0 : index
    %get3A_6 = arith.constant 2 : index
    %get3A_7 = memref.load %arg1[%get3A_5, %get3A_6] : memref<1x4xf32, #tpu.memory_space<smem>>
    %get3A_8 = arith.constant 0 : index
    %get3A_9 = arith.constant 0 : index
    %get3A_10 = arith.constant 0 : index
    %get3A_11 = vector.load %arg2[%get3A_8, %get3A_9, %get3A_10] : memref<1x2x4000xf32, #tpu.memory_space<vmem>>, vector<1x2x4000xf32>
    %get3A_12 = vector.shape_cast %get3A_11 : vector<1x2x4000xf32> to vector<2x4000xf32>
    %slice3A = vector.extract_strided_slice %get3A_12 {offsets = [0, 0], sizes = [1, 4000], strides = [1, 1]} : vector<2x4000xf32> to vector<1x4000xf32>
    %slice3A_13 = vector.extract_strided_slice %get3A_12 {offsets = [1, 0], sizes = [1, 4000], strides = [1, 1]} : vector<2x4000xf32> to vector<1x4000xf32>
    %max3A = arith.maximumf %slice3A, %slice3A_13 : vector<1x4000xf32>
    %sub3A = arith.subf %slice3A, %max3A : vector<1x4000xf32>
    %exp3A = math.exp %sub3A : vector<1x4000xf32>
    %sub3A_14 = arith.subf %slice3A_13, %max3A : vector<1x4000xf32>
    %exp3A_15 = math.exp %sub3A_14 : vector<1x4000xf32>
    %add3A = arith.addf %exp3A, %exp3A_15 : vector<1x4000xf32>
    %div3A = arith.divf %exp3A_15, %add3A : vector<1x4000xf32>
    %max3A_16 = arith.constant 9.99999993E-9 : f32
    %max3A_17 = vector.broadcast %max3A_16 : f32 to vector<1x4000xf32>
    %max3A_18 = arith.maximumf %div3A, %max3A_17 : vector<1x4000xf32>
    %log3A = math.log %max3A_18 : vector<1x4000xf32>
    %neg3A = arith.constant 0.000000e+00 : f32
    %neg3A_19 = vector.broadcast %neg3A : f32 to vector<1x4000xf32>
    %neg3A_20 = arith.subf %neg3A_19, %log3A : vector<1x4000xf32>
    %mul3A = arith.constant 3.000000e+00 : f32
    %mul3A_21 = vector.broadcast %mul3A : f32 to vector<1x4000xf32>
    %mul3A_22 = arith.mulf %mul3A_21, %neg3A_20 : vector<1x4000xf32>
    %get3A_23 = arith.constant 0 : index
    %get3A_24 = arith.constant 0 : index
    %get3A_25 = arith.constant 0 : index
    %get3A_26 = vector.load %arg3[%get3A_23, %get3A_24, %get3A_25] : memref<1x3x4000xf32, #tpu.memory_space<vmem>>, vector<1x1x4000xf32>
    %get3A_27 = vector.shape_cast %get3A_26 : vector<1x1x4000xf32> to vector<1x4000xf32>
    %get3A_28 = arith.constant 0 : index
    %get3A_29 = arith.constant 1 : index
    %get3A_30 = arith.constant 0 : index
    %get3A_31 = vector.load %arg3[%get3A_28, %get3A_29, %get3A_30] : memref<1x3x4000xf32, #tpu.memory_space<vmem>>, vector<1x1x4000xf32>
    %get3A_32 = vector.shape_cast %get3A_31 : vector<1x1x4000xf32> to vector<1x4000xf32>
    %get3A_33 = arith.constant 0 : index
    %get3A_34 = arith.constant 2 : index
    %get3A_35 = arith.constant 0 : index
    %get3A_36 = vector.load %arg3[%get3A_33, %get3A_34, %get3A_35] : memref<1x3x4000xf32, #tpu.memory_space<vmem>>, vector<1x1x4000xf32>
    %get3A_37 = vector.shape_cast %get3A_36 : vector<1x1x4000xf32> to vector<1x4000xf32>
    %broadcast_in_dim3A = vector.shape_cast %get3A_27 : vector<1x4000xf32> to vector<1x4000xf32>
    %broadcast_in_dim3A_38 = vector.broadcast %broadcast_in_dim3A : vector<1x4000xf32> to vector<8x4000xf32>
    %broadcast_in_dim3A_39 = vector.shape_cast %get3A_32 : vector<1x4000xf32> to vector<1x4000xf32>
    %broadcast_in_dim3A_40 = vector.broadcast %broadcast_in_dim3A_39 : vector<1x4000xf32> to vector<8x4000xf32>
    %broadcast_in_dim3A_41 = vector.shape_cast %get3A_37 : vector<1x4000xf32> to vector<1x4000xf32>
    %broadcast_in_dim3A_42 = vector.broadcast %broadcast_in_dim3A_41 : vector<1x4000xf32> to vector<8x4000xf32>
    %broadcast_in_dim3A_43 = vector.shape_cast %mul3A_22 : vector<1x4000xf32> to vector<1x4000xf32>
    %broadcast_in_dim3A_44 = vector.broadcast %broadcast_in_dim3A_43 : vector<1x4000xf32> to vector<8x4000xf32>
    %get3A_45 = arith.constant 0 : index
    %get3A_46 = arith.constant 0 : index
    %get3A_47 = arith.constant 0 : index
    %get3A_48 = vector.load %arg4[%get3A_45, %get3A_46, %get3A_47] : memref<1x72x4000xbf16, #tpu.memory_space<vmem>>, vector<1x72x4000xbf16>
    %get3A_49 = vector.shape_cast %get3A_48 : vector<1x72x4000xbf16> to vector<72x4000xbf16>
    %get3A_50 = arith.constant 0 : index
    %get3A_51 = arith.constant 0 : index
    %get3A_52 = arith.constant 0 : index
    %get3A_53 = vector.load %arg7[%get3A_50, %get3A_51, %get3A_52] : memref<1x1x32xf32, #tpu.memory_space<vmem>>, vector<1x1x32xf32>
    %get3A_54 = vector.shape_cast %get3A_53 : vector<1x1x32xf32> to vector<1x32xf32>
    %reduce_sum3A = vector.shape_cast %get3A_54 : vector<1x32xf32> to vector<1x1x32xf32>
    %reduce_sum3A_55 = arith.constant dense<0.000000e+00> : vector<1xf32>
    %reduce_sum3A_56 = vector.multi_reduction <add>, %reduce_sum3A, %reduce_sum3A_55 [1, 2] : vector<1x1x32xf32> to vector<1xf32>
    %reduce_sum3A_57 = vector.shape_cast %reduce_sum3A_56 : vector<1xf32> to vector<1x1x1xf32>
    %reduce_sum3A_58 = vector.extract %reduce_sum3A_57[0, 0, 0] : f32 from vector<1x1x1xf32>
    %scan3A = arith.constant 0 : i32
    %scan3A_59 = arith.constant 4 : i32
    %scan3A_60 = arith.addi %scan3A, %scan3A_59 : i32
    %scan3A_61 = arith.constant 1 : i32
    scf.for %scan3A_102 = %scan3A to %scan3A_60 step %scan3A_61  : i32 {
      %mul3A_103 = arith.constant 8 : i32
      %mul3A_104 = arith.muli %scan3A_102, %mul3A_103 : i32
      %add3A_105 = arith.constant 0 : i32
      %add3A_106 = arith.addi %mul3A_104, %add3A_105 : i32
      %get3A_107 = arith.constant 0 : index
      %get3A_108 = arith.index_cast %add3A_106 : i32 to index
      %get3A_109 = arith.constant 0 : index
      %get3A_110 = arith.constant 0 : index
      %get3A_111 = vector.load %arg5[%get3A_107, %get3A_108, %get3A_109, %get3A_110] : memref<1x32x72x1xf32, #tpu.memory_space<vmem>>, vector<1x1x72x1xf32>
      %get3A_112 = vector.shape_cast %get3A_111 : vector<1x1x72x1xf32> to vector<72x1xf32>
      %mul3A_113 = vector.broadcast %get3A_1 : f32 to vector<72x1xf32>
      %mul3A_114 = arith.mulf %get3A_112, %mul3A_113 : vector<72x1xf32>
      %lt3A_115 = arith.constant 0.000000e+00 : f32
      %lt3A_116 = vector.broadcast %lt3A_115 : f32 to vector<72x1xf32>
      %lt3A_117 = arith.cmpf olt, %mul3A_114, %lt3A_116 : vector<72x1xf32>
      %ge3A = vector.broadcast %get3A_4 : f32 to vector<72x1xf32>
      %ge3A_118 = arith.cmpf oge, %mul3A_114, %ge3A : vector<72x1xf32>
      %or3A = arith.ori %lt3A_117, %ge3A_118 : vector<72x1xi1>
      %jit3A_119 = arith.constant 0.000000e+00 : f32
      %jit3A_120 = arith.constant 1.000000e+00 : f32
      %broadcast_in_dim3A_121 = vector.broadcast %jit3A_119 : f32 to vector<72x1xf32>
      %broadcast_in_dim3A_122 = vector.broadcast %jit3A_120 : f32 to vector<72x1xf32>
      %select_n3A_123 = arith.select %or3A, %broadcast_in_dim3A_121, %broadcast_in_dim3A_122 : vector<72x1xi1>, vector<72x1xf32>
      %convert_element_type3A_124 = arith.truncf %get3A_112 : vector<72x1xf32> to vector<72x1xbf16>
      %sub3A_125 = vector.broadcast %convert_element_type3A_124 : vector<72x1xbf16> to vector<72x4000xbf16>
      %sub3A_126 = arith.subf %get3A_49, %sub3A_125 : vector<72x4000xbf16>
      %abs3A = math.absf %sub3A_126 : vector<72x4000xbf16>
      %convert_element_type3A_127 = arith.truncf %select_n3A_123 : vector<72x1xf32> to vector<72x1xbf16>
      %dot_general3A = arith.constant dense<0.000000e+00> : vector<1x4000xf32>
      %dot_general3A_128 = tpu.matmul %convert_element_type3A_127, %abs3A, %dot_general3A {dimension_numbers = #tpu.dot_dimension_numbers<[0], [0], [1], [1], [0, 1, 1, 1], [], []>, transpose_lhs_hint = false} : vector<72x1xbf16>, vector<72x4000xbf16>, vector<1x4000xf32> -> vector<1x4000xf32>
      %reduce_sum3A_129 = vector.shape_cast %select_n3A_123 : vector<72x1xf32> to vector<1x72x1xf32>
      %reduce_sum3A_130 = arith.constant dense<0.000000e+00> : vector<1xf32>
      %reduce_sum3A_131 = vector.multi_reduction <add>, %reduce_sum3A_129, %reduce_sum3A_130 [1, 2] : vector<1x72x1xf32> to vector<1xf32>
      %reduce_sum3A_132 = vector.shape_cast %reduce_sum3A_131 : vector<1xf32> to vector<1x1x1xf32>
      %reduce_sum3A_133 = vector.extract %reduce_sum3A_132[0, 0, 0] : f32 from vector<1x1x1xf32>
      %reshape3A = vector.broadcast %reduce_sum3A_133 : f32 to vector<1x1xf32>
      %add3A_134 = arith.constant 1 : i32
      %add3A_135 = arith.addi %mul3A_104, %add3A_134 : i32
      %get3A_136 = arith.constant 0 : index
      %get3A_137 = arith.index_cast %add3A_135 : i32 to index
      %get3A_138 = arith.constant 0 : index
      %get3A_139 = arith.constant 0 : index
      %get3A_140 = vector.load %arg5[%get3A_136, %get3A_137, %get3A_138, %get3A_139] : memref<1x32x72x1xf32, #tpu.memory_space<vmem>>, vector<1x1x72x1xf32>
      %get3A_141 = vector.shape_cast %get3A_140 : vector<1x1x72x1xf32> to vector<72x1xf32>
      %mul3A_142 = vector.broadcast %get3A_1 : f32 to vector<72x1xf32>
      %mul3A_143 = arith.mulf %get3A_141, %mul3A_142 : vector<72x1xf32>
      %lt3A_144 = arith.constant 0.000000e+00 : f32
      %lt3A_145 = vector.broadcast %lt3A_144 : f32 to vector<72x1xf32>
      %lt3A_146 = arith.cmpf olt, %mul3A_143, %lt3A_145 : vector<72x1xf32>
      %ge3A_147 = vector.broadcast %get3A_4 : f32 to vector<72x1xf32>
      %ge3A_148 = arith.cmpf oge, %mul3A_143, %ge3A_147 : vector<72x1xf32>
      %or3A_149 = arith.ori %lt3A_146, %ge3A_148 : vector<72x1xi1>
      %jit3A_150 = arith.constant 0.000000e+00 : f32
      %jit3A_151 = arith.constant 1.000000e+00 : f32
      %broadcast_in_dim3A_152 = vector.broadcast %jit3A_150 : f32 to vector<72x1xf32>
      %broadcast_in_dim3A_153 = vector.broadcast %jit3A_151 : f32 to vector<72x1xf32>
      %select_n3A_154 = arith.select %or3A_149, %broadcast_in_dim3A_152, %broadcast_in_dim3A_153 : vector<72x1xi1>, vector<72x1xf32>
      %convert_element_type3A_155 = arith.truncf %get3A_141 : vector<72x1xf32> to vector<72x1xbf16>
      %sub3A_156 = vector.broadcast %convert_element_type3A_155 : vector<72x1xbf16> to vector<72x4000xbf16>
      %sub3A_157 = arith.subf %get3A_49, %sub3A_156 : vector<72x4000xbf16>
      %abs3A_158 = math.absf %sub3A_157 : vector<72x4000xbf16>
      %convert_element_type3A_159 = arith.truncf %select_n3A_154 : vector<72x1xf32> to vector<72x1xbf16>
      %dot_general3A_160 = arith.constant dense<0.000000e+00> : vector<1x4000xf32>
      %dot_general3A_161 = tpu.matmul %convert_element_type3A_159, %abs3A_158, %dot_general3A_160 {dimension_numbers = #tpu.dot_dimension_numbers<[0], [0], [1], [1], [0, 1, 1, 1], [], []>, transpose_lhs_hint = false} : vector<72x1xbf16>, vector<72x4000xbf16>, vector<1x4000xf32> -> vector<1x4000xf32>
      %reduce_sum3A_162 = vector.shape_cast %select_n3A_154 : vector<72x1xf32> to vector<1x72x1xf32>
      %reduce_sum3A_163 = arith.constant dense<0.000000e+00> : vector<1xf32>
      %reduce_sum3A_164 = vector.multi_reduction <add>, %reduce_sum3A_162, %reduce_sum3A_163 [1, 2] : vector<1x72x1xf32> to vector<1xf32>
      %reduce_sum3A_165 = vector.shape_cast %reduce_sum3A_164 : vector<1xf32> to vector<1x1x1xf32>
      %reduce_sum3A_166 = vector.extract %reduce_sum3A_165[0, 0, 0] : f32 from vector<1x1x1xf32>
      %reshape3A_167 = vector.broadcast %reduce_sum3A_166 : f32 to vector<1x1xf32>
      %add3A_168 = arith.constant 2 : i32
      %add3A_169 = arith.addi %mul3A_104, %add3A_168 : i32
      %get3A_170 = arith.constant 0 : index
      %get3A_171 = arith.index_cast %add3A_169 : i32 to index
      %get3A_172 = arith.constant 0 : index
      %get3A_173 = arith.constant 0 : index
      %get3A_174 = vector.load %arg5[%get3A_170, %get3A_171, %get3A_172, %get3A_173] : memref<1x32x72x1xf32, #tpu.memory_space<vmem>>, vector<1x1x72x1xf32>
      %get3A_175 = vector.shape_cast %get3A_174 : vector<1x1x72x1xf32> to vector<72x1xf32>
      %mul3A_176 = vector.broadcast %get3A_1 : f32 to vector<72x1xf32>
      %mul3A_177 = arith.mulf %get3A_175, %mul3A_176 : vector<72x1xf32>
      %lt3A_178 = arith.constant 0.000000e+00 : f32
      %lt3A_179 = vector.broadcast %lt3A_178 : f32 to vector<72x1xf32>
      %lt3A_180 = arith.cmpf olt, %mul3A_177, %lt3A_179 : vector<72x1xf32>
      %ge3A_181 = vector.broadcast %get3A_4 : f32 to vector<72x1xf32>
      %ge3A_182 = arith.cmpf oge, %mul3A_177, %ge3A_181 : vector<72x1xf32>
      %or3A_183 = arith.ori %lt3A_180, %ge3A_182 : vector<72x1xi1>
      %jit3A_184 = arith.constant 0.000000e+00 : f32
      %jit3A_185 = arith.constant 1.000000e+00 : f32
      %broadcast_in_dim3A_186 = vector.broadcast %jit3A_184 : f32 to vector<72x1xf32>
      %broadcast_in_dim3A_187 = vector.broadcast %jit3A_185 : f32 to vector<72x1xf32>
      %select_n3A_188 = arith.select %or3A_183, %broadcast_in_dim3A_186, %broadcast_in_dim3A_187 : vector<72x1xi1>, vector<72x1xf32>
      %convert_element_type3A_189 = arith.truncf %get3A_175 : vector<72x1xf32> to vector<72x1xbf16>
      %sub3A_190 = vector.broadcast %convert_element_type3A_189 : vector<72x1xbf16> to vector<72x4000xbf16>
      %sub3A_191 = arith.subf %get3A_49, %sub3A_190 : vector<72x4000xbf16>
      %abs3A_192 = math.absf %sub3A_191 : vector<72x4000xbf16>
      %convert_element_type3A_193 = arith.truncf %select_n3A_188 : vector<72x1xf32> to vector<72x1xbf16>
      %dot_general3A_194 = arith.constant dense<0.000000e+00> : vector<1x4000xf32>
      %dot_general3A_195 = tpu.matmul %convert_element_type3A_193, %abs3A_192, %dot_general3A_194 {dimension_numbers = #tpu.dot_dimension_numbers<[0], [0], [1], [1], [0, 1, 1, 1], [], []>, transpose_lhs_hint = false} : vector<72x1xbf16>, vector<72x4000xbf16>, vector<1x4000xf32> -> vector<1x4000xf32>
      %reduce_sum3A_196 = vector.shape_cast %select_n3A_188 : vector<72x1xf32> to vector<1x72x1xf32>
      %reduce_sum3A_197 = arith.constant dense<0.000000e+00> : vector<1xf32>
      %reduce_sum3A_198 = vector.multi_reduction <add>, %reduce_sum3A_196, %reduce_sum3A_197 [1, 2] : vector<1x72x1xf32> to vector<1xf32>
      %reduce_sum3A_199 = vector.shape_cast %reduce_sum3A_198 : vector<1xf32> to vector<1x1x1xf32>
      %reduce_sum3A_200 = vector.extract %reduce_sum3A_199[0, 0, 0] : f32 from vector<1x1x1xf32>
      %reshape3A_201 = vector.broadcast %reduce_sum3A_200 : f32 to vector<1x1xf32>
      %add3A_202 = arith.constant 3 : i32
      %add3A_203 = arith.addi %mul3A_104, %add3A_202 : i32
      %get3A_204 = arith.constant 0 : index
      %get3A_205 = arith.index_cast %add3A_203 : i32 to index
      %get3A_206 = arith.constant 0 : index
      %get3A_207 = arith.constant 0 : index
      %get3A_208 = vector.load %arg5[%get3A_204, %get3A_205, %get3A_206, %get3A_207] : memref<1x32x72x1xf32, #tpu.memory_space<vmem>>, vector<1x1x72x1xf32>
      %get3A_209 = vector.shape_cast %get3A_208 : vector<1x1x72x1xf32> to vector<72x1xf32>
      %mul3A_210 = vector.broadcast %get3A_1 : f32 to vector<72x1xf32>
      %mul3A_211 = arith.mulf %get3A_209, %mul3A_210 : vector<72x1xf32>
      %lt3A_212 = arith.constant 0.000000e+00 : f32
      %lt3A_213 = vector.broadcast %lt3A_212 : f32 to vector<72x1xf32>
      %lt3A_214 = arith.cmpf olt, %mul3A_211, %lt3A_213 : vector<72x1xf32>
      %ge3A_215 = vector.broadcast %get3A_4 : f32 to vector<72x1xf32>
      %ge3A_216 = arith.cmpf oge, %mul3A_211, %ge3A_215 : vector<72x1xf32>
      %or3A_217 = arith.ori %lt3A_214, %ge3A_216 : vector<72x1xi1>
      %jit3A_218 = arith.constant 0.000000e+00 : f32
      %jit3A_219 = arith.constant 1.000000e+00 : f32
      %broadcast_in_dim3A_220 = vector.broadcast %jit3A_218 : f32 to vector<72x1xf32>
      %broadcast_in_dim3A_221 = vector.broadcast %jit3A_219 : f32 to vector<72x1xf32>
      %select_n3A_222 = arith.select %or3A_217, %broadcast_in_dim3A_220, %broadcast_in_dim3A_221 : vector<72x1xi1>, vector<72x1xf32>
      %convert_element_type3A_223 = arith.truncf %get3A_209 : vector<72x1xf32> to vector<72x1xbf16>
      %sub3A_224 = vector.broadcast %convert_element_type3A_223 : vector<72x1xbf16> to vector<72x4000xbf16>
      %sub3A_225 = arith.subf %get3A_49, %sub3A_224 : vector<72x4000xbf16>
      %abs3A_226 = math.absf %sub3A_225 : vector<72x4000xbf16>
      %convert_element_type3A_227 = arith.truncf %select_n3A_222 : vector<72x1xf32> to vector<72x1xbf16>
      %dot_general3A_228 = arith.constant dense<0.000000e+00> : vector<1x4000xf32>
      %dot_general3A_229 = tpu.matmul %convert_element_type3A_227, %abs3A_226, %dot_general3A_228 {dimension_numbers = #tpu.dot_dimension_numbers<[0], [0], [1], [1], [0, 1, 1, 1], [], []>, transpose_lhs_hint = false} : vector<72x1xbf16>, vector<72x4000xbf16>, vector<1x4000xf32> -> vector<1x4000xf32>
      %reduce_sum3A_230 = vector.shape_cast %select_n3A_222 : vector<72x1xf32> to vector<1x72x1xf32>
      %reduce_sum3A_231 = arith.constant dense<0.000000e+00> : vector<1xf32>
      %reduce_sum3A_232 = vector.multi_reduction <add>, %reduce_sum3A_230, %reduce_sum3A_231 [1, 2] : vector<1x72x1xf32> to vector<1xf32>
      %reduce_sum3A_233 = vector.shape_cast %reduce_sum3A_232 : vector<1xf32> to vector<1x1x1xf32>
      %reduce_sum3A_234 = vector.extract %reduce_sum3A_233[0, 0, 0] : f32 from vector<1x1x1xf32>
      %reshape3A_235 = vector.broadcast %reduce_sum3A_234 : f32 to vector<1x1xf32>
      %add3A_236 = arith.constant 4 : i32
      %add3A_237 = arith.addi %mul3A_104, %add3A_236 : i32
      %get3A_238 = arith.constant 0 : index
      %get3A_239 = arith.index_cast %add3A_237 : i32 to index
      %get3A_240 = arith.constant 0 : index
      %get3A_241 = arith.constant 0 : index
      %get3A_242 = vector.load %arg5[%get3A_238, %get3A_239, %get3A_240, %get3A_241] : memref<1x32x72x1xf32, #tpu.memory_space<vmem>>, vector<1x1x72x1xf32>
      %get3A_243 = vector.shape_cast %get3A_242 : vector<1x1x72x1xf32> to vector<72x1xf32>
      %mul3A_244 = vector.broadcast %get3A_1 : f32 to vector<72x1xf32>
      %mul3A_245 = arith.mulf %get3A_243, %mul3A_244 : vector<72x1xf32>
      %lt3A_246 = arith.constant 0.000000e+00 : f32
      %lt3A_247 = vector.broadcast %lt3A_246 : f32 to vector<72x1xf32>
      %lt3A_248 = arith.cmpf olt, %mul3A_245, %lt3A_247 : vector<72x1xf32>
      %ge3A_249 = vector.broadcast %get3A_4 : f32 to vector<72x1xf32>
      %ge3A_250 = arith.cmpf oge, %mul3A_245, %ge3A_249 : vector<72x1xf32>
      %or3A_251 = arith.ori %lt3A_248, %ge3A_250 : vector<72x1xi1>
      %jit3A_252 = arith.constant 0.000000e+00 : f32
      %jit3A_253 = arith.constant 1.000000e+00 : f32
      %broadcast_in_dim3A_254 = vector.broadcast %jit3A_252 : f32 to vector<72x1xf32>
      %broadcast_in_dim3A_255 = vector.broadcast %jit3A_253 : f32 to vector<72x1xf32>
      %select_n3A_256 = arith.select %or3A_251, %broadcast_in_dim3A_254, %broadcast_in_dim3A_255 : vector<72x1xi1>, vector<72x1xf32>
      %convert_element_type3A_257 = arith.truncf %get3A_243 : vector<72x1xf32> to vector<72x1xbf16>
      %sub3A_258 = vector.broadcast %convert_element_type3A_257 : vector<72x1xbf16> to vector<72x4000xbf16>
      %sub3A_259 = arith.subf %get3A_49, %sub3A_258 : vector<72x4000xbf16>
      %abs3A_260 = math.absf %sub3A_259 : vector<72x4000xbf16>
      %convert_element_type3A_261 = arith.truncf %select_n3A_256 : vector<72x1xf32> to vector<72x1xbf16>
      %dot_general3A_262 = arith.constant dense<0.000000e+00> : vector<1x4000xf32>
      %dot_general3A_263 = tpu.matmul %convert_element_type3A_261, %abs3A_260, %dot_general3A_262 {dimension_numbers = #tpu.dot_dimension_numbers<[0], [0], [1], [1], [0, 1, 1, 1], [], []>, transpose_lhs_hint = false} : vector<72x1xbf16>, vector<72x4000xbf16>, vector<1x4000xf32> -> vector<1x4000xf32>
      %reduce_sum3A_264 = vector.shape_cast %select_n3A_256 : vector<72x1xf32> to vector<1x72x1xf32>
      %reduce_sum3A_265 = arith.constant dense<0.000000e+00> : vector<1xf32>
      %reduce_sum3A_266 = vector.multi_reduction <add>, %reduce_sum3A_264, %reduce_sum3A_265 [1, 2] : vector<1x72x1xf32> to vector<1xf32>
      %reduce_sum3A_267 = vector.shape_cast %reduce_sum3A_266 : vector<1xf32> to vector<1x1x1xf32>
      %reduce_sum3A_268 = vector.extract %reduce_sum3A_267[0, 0, 0] : f32 from vector<1x1x1xf32>
      %reshape3A_269 = vector.broadcast %reduce_sum3A_268 : f32 to vector<1x1xf32>
      %add3A_270 = arith.constant 5 : i32
      %add3A_271 = arith.addi %mul3A_104, %add3A_270 : i32
      %get3A_272 = arith.constant 0 : index
      %get3A_273 = arith.index_cast %add3A_271 : i32 to index
      %get3A_274 = arith.constant 0 : index
      %get3A_275 = arith.constant 0 : index
      %get3A_276 = vector.load %arg5[%get3A_272, %get3A_273, %get3A_274, %get3A_275] : memref<1x32x72x1xf32, #tpu.memory_space<vmem>>, vector<1x1x72x1xf32>
      %get3A_277 = vector.shape_cast %get3A_276 : vector<1x1x72x1xf32> to vector<72x1xf32>
      %mul3A_278 = vector.broadcast %get3A_1 : f32 to vector<72x1xf32>
      %mul3A_279 = arith.mulf %get3A_277, %mul3A_278 : vector<72x1xf32>
      %lt3A_280 = arith.constant 0.000000e+00 : f32
      %lt3A_281 = vector.broadcast %lt3A_280 : f32 to vector<72x1xf32>
      %lt3A_282 = arith.cmpf olt, %mul3A_279, %lt3A_281 : vector<72x1xf32>
      %ge3A_283 = vector.broadcast %get3A_4 : f32 to vector<72x1xf32>
      %ge3A_284 = arith.cmpf oge, %mul3A_279, %ge3A_283 : vector<72x1xf32>
      %or3A_285 = arith.ori %lt3A_282, %ge3A_284 : vector<72x1xi1>
      %jit3A_286 = arith.constant 0.000000e+00 : f32
      %jit3A_287 = arith.constant 1.000000e+00 : f32
      %broadcast_in_dim3A_288 = vector.broadcast %jit3A_286 : f32 to vector<72x1xf32>
      %broadcast_in_dim3A_289 = vector.broadcast %jit3A_287 : f32 to vector<72x1xf32>
      %select_n3A_290 = arith.select %or3A_285, %broadcast_in_dim3A_288, %broadcast_in_dim3A_289 : vector<72x1xi1>, vector<72x1xf32>
      %convert_element_type3A_291 = arith.truncf %get3A_277 : vector<72x1xf32> to vector<72x1xbf16>
      %sub3A_292 = vector.broadcast %convert_element_type3A_291 : vector<72x1xbf16> to vector<72x4000xbf16>
      %sub3A_293 = arith.subf %get3A_49, %sub3A_292 : vector<72x4000xbf16>
      %abs3A_294 = math.absf %sub3A_293 : vector<72x4000xbf16>
      %convert_element_type3A_295 = arith.truncf %select_n3A_290 : vector<72x1xf32> to vector<72x1xbf16>
      %dot_general3A_296 = arith.constant dense<0.000000e+00> : vector<1x4000xf32>
      %dot_general3A_297 = tpu.matmul %convert_element_type3A_295, %abs3A_294, %dot_general3A_296 {dimension_numbers = #tpu.dot_dimension_numbers<[0], [0], [1], [1], [0, 1, 1, 1], [], []>, transpose_lhs_hint = false} : vector<72x1xbf16>, vector<72x4000xbf16>, vector<1x4000xf32> -> vector<1x4000xf32>
      %reduce_sum3A_298 = vector.shape_cast %select_n3A_290 : vector<72x1xf32> to vector<1x72x1xf32>
      %reduce_sum3A_299 = arith.constant dense<0.000000e+00> : vector<1xf32>
      %reduce_sum3A_300 = vector.multi_reduction <add>, %reduce_sum3A_298, %reduce_sum3A_299 [1, 2] : vector<1x72x1xf32> to vector<1xf32>
      %reduce_sum3A_301 = vector.shape_cast %reduce_sum3A_300 : vector<1xf32> to vector<1x1x1xf32>
      %reduce_sum3A_302 = vector.extract %reduce_sum3A_301[0, 0, 0] : f32 from vector<1x1x1xf32>
      %reshape3A_303 = vector.broadcast %reduce_sum3A_302 : f32 to vector<1x1xf32>
      %add3A_304 = arith.constant 6 : i32
      %add3A_305 = arith.addi %mul3A_104, %add3A_304 : i32
      %get3A_306 = arith.constant 0 : index
      %get3A_307 = arith.index_cast %add3A_305 : i32 to index
      %get3A_308 = arith.constant 0 : index
      %get3A_309 = arith.constant 0 : index
      %get3A_310 = vector.load %arg5[%get3A_306, %get3A_307, %get3A_308, %get3A_309] : memref<1x32x72x1xf32, #tpu.memory_space<vmem>>, vector<1x1x72x1xf32>
      %get3A_311 = vector.shape_cast %get3A_310 : vector<1x1x72x1xf32> to vector<72x1xf32>
      %mul3A_312 = vector.broadcast %get3A_1 : f32 to vector<72x1xf32>
      %mul3A_313 = arith.mulf %get3A_311, %mul3A_312 : vector<72x1xf32>
      %lt3A_314 = arith.constant 0.000000e+00 : f32
      %lt3A_315 = vector.broadcast %lt3A_314 : f32 to vector<72x1xf32>
      %lt3A_316 = arith.cmpf olt, %mul3A_313, %lt3A_315 : vector<72x1xf32>
      %ge3A_317 = vector.broadcast %get3A_4 : f32 to vector<72x1xf32>
      %ge3A_318 = arith.cmpf oge, %mul3A_313, %ge3A_317 : vector<72x1xf32>
      %or3A_319 = arith.ori %lt3A_316, %ge3A_318 : vector<72x1xi1>
      %jit3A_320 = arith.constant 0.000000e+00 : f32
      %jit3A_321 = arith.constant 1.000000e+00 : f32
      %broadcast_in_dim3A_322 = vector.broadcast %jit3A_320 : f32 to vector<72x1xf32>
      %broadcast_in_dim3A_323 = vector.broadcast %jit3A_321 : f32 to vector<72x1xf32>
      %select_n3A_324 = arith.select %or3A_319, %broadcast_in_dim3A_322, %broadcast_in_dim3A_323 : vector<72x1xi1>, vector<72x1xf32>
      %convert_element_type3A_325 = arith.truncf %get3A_311 : vector<72x1xf32> to vector<72x1xbf16>
      %sub3A_326 = vector.broadcast %convert_element_type3A_325 : vector<72x1xbf16> to vector<72x4000xbf16>
      %sub3A_327 = arith.subf %get3A_49, %sub3A_326 : vector<72x4000xbf16>
      %abs3A_328 = math.absf %sub3A_327 : vector<72x4000xbf16>
      %convert_element_type3A_329 = arith.truncf %select_n3A_324 : vector<72x1xf32> to vector<72x1xbf16>
      %dot_general3A_330 = arith.constant dense<0.000000e+00> : vector<1x4000xf32>
      %dot_general3A_331 = tpu.matmul %convert_element_type3A_329, %abs3A_328, %dot_general3A_330 {dimension_numbers = #tpu.dot_dimension_numbers<[0], [0], [1], [1], [0, 1, 1, 1], [], []>, transpose_lhs_hint = false} : vector<72x1xbf16>, vector<72x4000xbf16>, vector<1x4000xf32> -> vector<1x4000xf32>
      %reduce_sum3A_332 = vector.shape_cast %select_n3A_324 : vector<72x1xf32> to vector<1x72x1xf32>
      %reduce_sum3A_333 = arith.constant dense<0.000000e+00> : vector<1xf32>
      %reduce_sum3A_334 = vector.multi_reduction <add>, %reduce_sum3A_332, %reduce_sum3A_333 [1, 2] : vector<1x72x1xf32> to vector<1xf32>
      %reduce_sum3A_335 = vector.shape_cast %reduce_sum3A_334 : vector<1xf32> to vector<1x1x1xf32>
      %reduce_sum3A_336 = vector.extract %reduce_sum3A_335[0, 0, 0] : f32 from vector<1x1x1xf32>
      %reshape3A_337 = vector.broadcast %reduce_sum3A_336 : f32 to vector<1x1xf32>
      %add3A_338 = arith.constant 7 : i32
      %add3A_339 = arith.addi %mul3A_104, %add3A_338 : i32
      %get3A_340 = arith.constant 0 : index
      %get3A_341 = arith.index_cast %add3A_339 : i32 to index
      %get3A_342 = arith.constant 0 : index
      %get3A_343 = arith.constant 0 : index
      %get3A_344 = vector.load %arg5[%get3A_340, %get3A_341, %get3A_342, %get3A_343] : memref<1x32x72x1xf32, #tpu.memory_space<vmem>>, vector<1x1x72x1xf32>
      %get3A_345 = vector.shape_cast %get3A_344 : vector<1x1x72x1xf32> to vector<72x1xf32>
      %mul3A_346 = vector.broadcast %get3A_1 : f32 to vector<72x1xf32>
      %mul3A_347 = arith.mulf %get3A_345, %mul3A_346 : vector<72x1xf32>
      %lt3A_348 = arith.constant 0.000000e+00 : f32
      %lt3A_349 = vector.broadcast %lt3A_348 : f32 to vector<72x1xf32>
      %lt3A_350 = arith.cmpf olt, %mul3A_347, %lt3A_349 : vector<72x1xf32>
      %ge3A_351 = vector.broadcast %get3A_4 : f32 to vector<72x1xf32>
      %ge3A_352 = arith.cmpf oge, %mul3A_347, %ge3A_351 : vector<72x1xf32>
      %or3A_353 = arith.ori %lt3A_350, %ge3A_352 : vector<72x1xi1>
      %jit3A_354 = arith.constant 0.000000e+00 : f32
      %jit3A_355 = arith.constant 1.000000e+00 : f32
      %broadcast_in_dim3A_356 = vector.broadcast %jit3A_354 : f32 to vector<72x1xf32>
      %broadcast_in_dim3A_357 = vector.broadcast %jit3A_355 : f32 to vector<72x1xf32>
      %select_n3A_358 = arith.select %or3A_353, %broadcast_in_dim3A_356, %broadcast_in_dim3A_357 : vector<72x1xi1>, vector<72x1xf32>
      %convert_element_type3A_359 = arith.truncf %get3A_345 : vector<72x1xf32> to vector<72x1xbf16>
      %sub3A_360 = vector.broadcast %convert_element_type3A_359 : vector<72x1xbf16> to vector<72x4000xbf16>
      %sub3A_361 = arith.subf %get3A_49, %sub3A_360 : vector<72x4000xbf16>
      %abs3A_362 = math.absf %sub3A_361 : vector<72x4000xbf16>
      %convert_element_type3A_363 = arith.truncf %select_n3A_358 : vector<72x1xf32> to vector<72x1xbf16>
      %dot_general3A_364 = arith.constant dense<0.000000e+00> : vector<1x4000xf32>
      %dot_general3A_365 = tpu.matmul %convert_element_type3A_363, %abs3A_362, %dot_general3A_364 {dimension_numbers = #tpu.dot_dimension_numbers<[0], [0], [1], [1], [0, 1, 1, 1], [], []>, transpose_lhs_hint = false} : vector<72x1xbf16>, vector<72x4000xbf16>, vector<1x4000xf32> -> vector<1x4000xf32>
      %reduce_sum3A_366 = vector.shape_cast %select_n3A_358 : vector<72x1xf32> to vector<1x72x1xf32>
      %reduce_sum3A_367 = arith.constant dense<0.000000e+00> : vector<1xf32>
      %reduce_sum3A_368 = vector.multi_reduction <add>, %reduce_sum3A_366, %reduce_sum3A_367 [1, 2] : vector<1x72x1xf32> to vector<1xf32>
      %reduce_sum3A_369 = vector.shape_cast %reduce_sum3A_368 : vector<1xf32> to vector<1x1x1xf32>
      %reduce_sum3A_370 = vector.extract %reduce_sum3A_369[0, 0, 0] : f32 from vector<1x1x1xf32>
      %reshape3A_371 = vector.broadcast %reduce_sum3A_370 : f32 to vector<1x1xf32>
      %concatenate3A = tpu.concatenate %dot_general3A_128, %dot_general3A_161, %dot_general3A_195, %dot_general3A_229, %dot_general3A_263, %dot_general3A_297, %dot_general3A_331, %dot_general3A_365 in 0 : vector<1x4000xf32>, vector<1x4000xf32>, vector<1x4000xf32>, vector<1x4000xf32>, vector<1x4000xf32>, vector<1x4000xf32>, vector<1x4000xf32>, vector<1x4000xf32> -> vector<8x4000xf32>
      %mul3A_372 = vector.broadcast %get3A_1 : f32 to vector<8x4000xf32>
      %mul3A_373 = arith.mulf %mul3A_372, %concatenate3A : vector<8x4000xf32>
      %concatenate3A_374 = tpu.concatenate %reshape3A, %reshape3A_167, %reshape3A_201, %reshape3A_235, %reshape3A_269, %reshape3A_303, %reshape3A_337, %reshape3A_371 in 0 : vector<1x1xf32>, vector<1x1xf32>, vector<1x1xf32>, vector<1x1xf32>, vector<1x1xf32>, vector<1x1xf32>, vector<1x1xf32>, vector<1x1xf32> -> vector<8x1xf32>
      %mul3A_375 = arith.constant 3.000000e+01 : f32
      %mul3A_376 = vector.broadcast %mul3A_375 : f32 to vector<8x1xf32>
      %mul3A_377 = arith.mulf %mul3A_376, %concatenate3A_374 : vector<8x1xf32>
      %sub3A_378 = vector.broadcast %mul3A_377 : vector<8x1xf32> to vector<8x4000xf32>
      %sub3A_379 = arith.subf %sub3A_378, %mul3A_373 : vector<8x4000xf32>
      %add3A_380 = vector.broadcast %mul3A_377 : vector<8x1xf32> to vector<8x4000xf32>
      %add3A_381 = arith.addf %add3A_380, %mul3A_373 : vector<8x4000xf32>
      %add3A_382 = arith.constant 9.99999971E-10 : f32
      %add3A_383 = vector.broadcast %add3A_382 : f32 to vector<8x4000xf32>
      %add3A_384 = arith.addf %add3A_381, %add3A_383 : vector<8x4000xf32>
      %div3A_385 = arith.divf %sub3A_379, %add3A_384 : vector<8x4000xf32>
      %get3A_386 = arith.constant 0 : index
      %get3A_387 = arith.index_cast %mul3A_104 : i32 to index
      %get3A_388 = arith.constant 3 : index
      %get3A_389 = vector.load %arg6[%get3A_386, %get3A_387, %get3A_388] : memref<1x32x4xf32, #tpu.memory_space<vmem>>, vector<1x8x1xf32>
      %get3A_390 = vector.shape_cast %get3A_389 : vector<1x8x1xf32> to vector<8x1xf32>
      %gt3A = arith.constant 0.000000e+00 : f32
      %gt3A_391 = vector.broadcast %gt3A : f32 to vector<8x1xf32>
      %gt3A_392 = arith.cmpf ogt, %get3A_390, %gt3A_391 : vector<8x1xf32>
      %jit3A_393 = arith.constant 0.000000e+00 : f32
      %broadcast_in_dim3A_394 = vector.shape_cast %gt3A_392 : vector<8x1xi1> to vector<8x1xi1>
      %broadcast_in_dim3A_395 = vector.broadcast %broadcast_in_dim3A_394 : vector<8x1xi1> to vector<8x4000xi1>
      %broadcast_in_dim3A_396 = vector.broadcast %jit3A_393 : f32 to vector<8x4000xf32>
      %select_n3A_397 = arith.select %broadcast_in_dim3A_395, %div3A_385, %broadcast_in_dim3A_396 : vector<8x4000xi1>, vector<8x4000xf32>
      %swap3A_398 = arith.index_cast %mul3A_104 : i32 to index
      %swap3A_399 = arith.constant 0 : index
      %swap3A_400 = vector.load %arg10[%swap3A_398, %swap3A_399] : memref<32x4000xf32, #tpu.memory_space<vmem>>, vector<8x4000xf32>
      tpu.vector_store %arg10[%swap3A_398, %swap3A_399], %select_n3A_397 {strides = array<i32>} : memref<32x4000xf32, #tpu.memory_space<vmem>>, vector<8x4000xf32>,
      %max3A_401 = arith.constant 9.99999993E-9 : f32
      %max3A_402 = vector.broadcast %max3A_401 : f32 to vector<8x4000xf32>
      %max3A_403 = arith.maximumf %div3A_385, %max3A_402 : vector<8x4000xf32>
      %eq3A = arith.constant 9.99999993E-9 : f32
      %eq3A_404 = vector.broadcast %eq3A : f32 to vector<8x4000xf32>
      %eq3A_405 = arith.cmpf oeq, %max3A_403, %eq3A_404 : vector<8x4000xf32>
      %log3A_406 = math.log %max3A_403 : vector<8x4000xf32>
      %neg3A_407 = arith.constant 0.000000e+00 : f32
      %neg3A_408 = vector.broadcast %neg3A_407 : f32 to vector<8x4000xf32>
      %neg3A_409 = arith.subf %neg3A_408, %log3A_406 : vector<8x4000xf32>
      %broadcast_in_dim3A_410 = vector.broadcast %get3A_7 : f32 to vector<8x4000xf32>
      %select_n3A_411 = arith.select %eq3A_405, %broadcast_in_dim3A_410, %neg3A_409 : vector<8x4000xi1>, vector<8x4000xf32>
      %jit3A_412 = arith.constant 0.000000e+00 : f32
      %broadcast_in_dim3A_413 = vector.shape_cast %gt3A_392 : vector<8x1xi1> to vector<8x1xi1>
      %broadcast_in_dim3A_414 = vector.broadcast %broadcast_in_dim3A_413 : vector<8x1xi1> to vector<8x4000xi1>
      %broadcast_in_dim3A_415 = vector.broadcast %jit3A_412 : f32 to vector<8x4000xf32>
      %select_n3A_416 = arith.select %broadcast_in_dim3A_414, %select_n3A_411, %broadcast_in_dim3A_415 : vector<8x4000xi1>, vector<8x4000xf32>
      %mul3A_417 = arith.constant 3.000000e+00 : f32
      %mul3A_418 = vector.broadcast %mul3A_417 : f32 to vector<8x4000xf32>
      %mul3A_419 = arith.mulf %mul3A_418, %select_n3A_416 : vector<8x4000xf32>
      %get3A_420 = arith.constant 0 : index
      %get3A_421 = arith.index_cast %mul3A_104 : i32 to index
      %get3A_422 = arith.constant 0 : index
      %get3A_423 = vector.load %arg6[%get3A_420, %get3A_421, %get3A_422] : memref<1x32x4xf32, #tpu.memory_space<vmem>>, vector<1x8x1xf32>
      %get3A_424 = vector.shape_cast %get3A_423 : vector<1x8x1xf32> to vector<8x1xf32>
      %get3A_425 = arith.constant 0 : index
      %get3A_426 = arith.index_cast %mul3A_104 : i32 to index
      %get3A_427 = arith.constant 1 : index
      %get3A_428 = vector.load %arg6[%get3A_425, %get3A_426, %get3A_427] : memref<1x32x4xf32, #tpu.memory_space<vmem>>, vector<1x8x1xf32>
      %get3A_429 = vector.shape_cast %get3A_428 : vector<1x8x1xf32> to vector<8x1xf32>
      %get3A_430 = arith.constant 0 : index
      %get3A_431 = arith.index_cast %mul3A_104 : i32 to index
      %get3A_432 = arith.constant 2 : index
      %get3A_433 = vector.load %arg6[%get3A_430, %get3A_431, %get3A_432] : memref<1x32x4xf32, #tpu.memory_space<vmem>>, vector<1x8x1xf32>
      %get3A_434 = vector.shape_cast %get3A_433 : vector<1x8x1xf32> to vector<8x1xf32>
      %sub3A_435 = vector.broadcast %get3A_424 : vector<8x1xf32> to vector<8x4000xf32>
      %sub3A_436 = arith.subf %broadcast_in_dim3A_40, %sub3A_435 : vector<8x4000xf32>
      %abs3A_437 = math.absf %sub3A_436 : vector<8x4000xf32>
      %sub3A_438 = vector.broadcast %get3A_429 : vector<8x1xf32> to vector<8x4000xf32>
      %sub3A_439 = arith.subf %broadcast_in_dim3A_38, %sub3A_438 : vector<8x4000xf32>
      %abs3A_440 = math.absf %sub3A_439 : vector<8x4000xf32>
      %sub3A_441 = vector.broadcast %get3A_434 : vector<8x1xf32> to vector<8x4000xf32>
      %sub3A_442 = arith.subf %broadcast_in_dim3A_42, %sub3A_441 : vector<8x4000xf32>
      %abs3A_443 = math.absf %sub3A_442 : vector<8x4000xf32>
      %add3A_444 = arith.addf %abs3A_437, %abs3A_440 : vector<8x4000xf32>
      %add3A_445 = arith.addf %add3A_444, %abs3A_443 : vector<8x4000xf32>
      %mul3A_446 = arith.constant 3.000000e+00 : f32
      %mul3A_447 = vector.broadcast %mul3A_446 : f32 to vector<8x4000xf32>
      %mul3A_448 = arith.mulf %mul3A_447, %add3A_445 : vector<8x4000xf32>
      %add3A_449 = arith.addf %broadcast_in_dim3A_44, %mul3A_448 : vector<8x4000xf32>
      %add3A_450 = arith.addf %add3A_449, %mul3A_419 : vector<8x4000xf32>
      %jit3A_451 = arith.constant 0.000000e+00 : f32
      %jit3A_452 = arith.constant 1.000000e+00 : f32
      %broadcast_in_dim3A_453 = vector.broadcast %jit3A_451 : f32 to vector<8x1xf32>
      %broadcast_in_dim3A_454 = vector.broadcast %jit3A_452 : f32 to vector<8x1xf32>
      %select_n3A_455 = arith.select %gt3A_392, %broadcast_in_dim3A_453, %broadcast_in_dim3A_454 : vector<8x1xi1>, vector<8x1xf32>
      %mul3A_456 = arith.constant 1.000000e+05 : f32
      %mul3A_457 = vector.broadcast %mul3A_456 : f32 to vector<8x1xf32>
      %mul3A_458 = arith.mulf %mul3A_457, %select_n3A_455 : vector<8x1xf32>
      %add3A_459 = vector.broadcast %mul3A_458 : vector<8x1xf32> to vector<8x4000xf32>
      %add3A_460 = arith.addf %add3A_450, %add3A_459 : vector<8x4000xf32>
      %swap3A_461 = arith.constant 0 : index
      %swap3A_462 = arith.index_cast %mul3A_104 : i32 to index
      %swap3A_463 = arith.constant 0 : index
      %swap3A_464 = vector.load %arg8[%swap3A_461, %swap3A_462, %swap3A_463] : memref<1x32x4000xf32, #tpu.memory_space<vmem>>, vector<1x8x4000xf32>
      %swap3A_465 = vector.shape_cast %swap3A_464 : vector<1x8x4000xf32> to vector<8x4000xf32>
      %swap3A_466 = vector.shape_cast %add3A_460 : vector<8x4000xf32> to vector<1x8x4000xf32>
      tpu.vector_store %arg8[%swap3A_461, %swap3A_462, %swap3A_463], %swap3A_466 {strides = array<i32>} : memref<1x32x4000xf32, #tpu.memory_space<vmem>>, vector<1x8x4000xf32>,
    }
    %scan3A_62 = arith.constant 4 : i32
    %iota3A = tpu.iota {dimensions = array<i32: 1>} : vector<32x4000xi32>
    %convert_element_type3A = arith.sitofp %iota3A : vector<32x4000xi32> to vector<32x4000xf32>
    %get3A_63 = arith.constant 0 : index
    %get3A_64 = arith.constant 0 : index
    %get3A_65 = vector.load %arg10[%get3A_63, %get3A_64] : memref<32x4000xf32, #tpu.memory_space<vmem>>, vector<32x4000xf32>
    %reduce_max3A = vector.shape_cast %get3A_65 : vector<32x4000xf32> to vector<1x32x4000xf32>
    %reduce_max3A_66 = arith.constant dense<0xFF800000> : vector<1xf32>
    %reduce_max3A_67 = vector.multi_reduction <maximumf>, %reduce_max3A, %reduce_max3A_66 [1, 2] : vector<1x32x4000xf32> to vector<1xf32>
    %reduce_max3A_68 = vector.shape_cast %reduce_max3A_67 : vector<1xf32> to vector<1x1x1xf32>
    %reduce_max3A_69 = vector.extract %reduce_max3A_68[0, 0, 0] : f32 from vector<1x1x1xf32>
    %lt3A = arith.constant 2.000000e-01 : f32
    %lt3A_70 = arith.cmpf olt, %reduce_max3A_69, %lt3A : f32
    %jit3A = arith.constant 0 : i32
    %jit3A_71 = arith.constant 10 : i32
    %select_n3A = arith.select %lt3A_70, %jit3A, %jit3A_71 : i32
    %broadcast_in_dim3A_72 = arith.constant 0.000000e+00 : f32
    %broadcast_in_dim3A_73 = vector.broadcast %broadcast_in_dim3A_72 : f32 to vector<32x1xf32>
    %while3A = arith.constant 0 : i32
    %while3A_74 = arith.subi %select_n3A, %while3A : i32
    %while3A_75 = arith.addi %while3A, %while3A_74 : i32
    %while3A_76 = arith.constant 1 : i32
    %while3A_77 = arith.divsi %while3A_74, %while3A_76 : i32
    %while3A_78 = arith.muli %while3A_77, %while3A_76 : i32
    %while3A_79 = arith.addi %while3A, %while3A_78 : i32
    %while3A_80 = arith.constant 1 : i32
    %while3A_81 = scf.for %while3A_102 = %while3A to %while3A_79 step %while3A_80 iter_args(%while3A_103 = %broadcast_in_dim3A_73) -> (vector<32x1xf32>)  : i32 {
      %get3A_104 = arith.constant 0 : index
      %get3A_105 = arith.constant 0 : index
      %get3A_106 = vector.load %arg10[%get3A_104, %get3A_105] : memref<32x4000xf32, #tpu.memory_space<vmem>>, vector<32x4000xf32>
      %reduce_max3A_107 = arith.constant dense<0xFF800000> : vector<32xf32>
      %reduce_max3A_108 = vector.multi_reduction <maximumf>, %get3A_106, %reduce_max3A_107 [1] : vector<32x4000xf32> to vector<32xf32>
      %broadcast_in_dim3A_109 = vector.shape_cast %reduce_max3A_108 : vector<32xf32> to vector<32x1xf32>
      %eq3A = vector.broadcast %broadcast_in_dim3A_109 : vector<32x1xf32> to vector<32x4000xf32>
      %eq3A_110 = arith.cmpf oeq, %get3A_106, %eq3A : vector<32x4000xf32>
      %jit3A_111 = arith.constant 1.000000e+09 : f32
      %broadcast_in_dim3A_112 = vector.broadcast %jit3A_111 : f32 to vector<32x4000xf32>
      %select_n3A_113 = arith.select %eq3A_110, %convert_element_type3A, %broadcast_in_dim3A_112 : vector<32x4000xi1>, vector<32x4000xf32>
      %reduce_min3A = arith.constant dense<0x7F800000> : vector<32xf32>
      %reduce_min3A_114 = vector.multi_reduction <minimumf>, %select_n3A_113, %reduce_min3A [1] : vector<32x4000xf32> to vector<32xf32>
      %broadcast_in_dim3A_115 = vector.shape_cast %reduce_min3A_114 : vector<32xf32> to vector<32x1xf32>
      %eq3A_116 = vector.broadcast %broadcast_in_dim3A_115 : vector<32x1xf32> to vector<32x4000xf32>
      %eq3A_117 = arith.cmpf oeq, %convert_element_type3A, %eq3A_116 : vector<32x4000xf32>
      %jit3A_118 = arith.constant 0xFF800000 : f32
      %broadcast_in_dim3A_119 = vector.broadcast %jit3A_118 : f32 to vector<32x4000xf32>
      %select_n3A_120 = arith.select %eq3A_117, %broadcast_in_dim3A_119, %get3A_106 : vector<32x4000xi1>, vector<32x4000xf32>
      %swap3A_121 = arith.constant 0 : index
      %swap3A_122 = arith.constant 0 : index
      %swap3A_123 = vector.load %arg10[%swap3A_121, %swap3A_122] : memref<32x4000xf32, #tpu.memory_space<vmem>>, vector<32x4000xf32>
      tpu.vector_store %arg10[%swap3A_121, %swap3A_122], %select_n3A_120 {strides = array<i32>} : memref<32x4000xf32, #tpu.memory_space<vmem>>, vector<32x4000xf32>,
      %add3A_124 = arith.addf %while3A_103, %broadcast_in_dim3A_109 : vector<32x1xf32>
      scf.yield %add3A_124 : vector<32x1xf32>
    }
    %while3A_82 = arith.constant 1 : i32
    %while3A_83 = scf.for %while3A_102 = %while3A_79 to %while3A_75 step %while3A_82 iter_args(%while3A_103 = %while3A_81) -> (vector<32x1xf32>)  : i32 {
      %get3A_104 = arith.constant 0 : index
      %get3A_105 = arith.constant 0 : index
      %get3A_106 = vector.load %arg10[%get3A_104, %get3A_105] : memref<32x4000xf32, #tpu.memory_space<vmem>>, vector<32x4000xf32>
      %reduce_max3A_107 = arith.constant dense<0xFF800000> : vector<32xf32>
      %reduce_max3A_108 = vector.multi_reduction <maximumf>, %get3A_106, %reduce_max3A_107 [1] : vector<32x4000xf32> to vector<32xf32>
      %broadcast_in_dim3A_109 = vector.shape_cast %reduce_max3A_108 : vector<32xf32> to vector<32x1xf32>
      %eq3A = vector.broadcast %broadcast_in_dim3A_109 : vector<32x1xf32> to vector<32x4000xf32>
      %eq3A_110 = arith.cmpf oeq, %get3A_106, %eq3A : vector<32x4000xf32>
      %jit3A_111 = arith.constant 1.000000e+09 : f32
      %broadcast_in_dim3A_112 = vector.broadcast %jit3A_111 : f32 to vector<32x4000xf32>
      %select_n3A_113 = arith.select %eq3A_110, %convert_element_type3A, %broadcast_in_dim3A_112 : vector<32x4000xi1>, vector<32x4000xf32>
      %reduce_min3A = arith.constant dense<0x7F800000> : vector<32xf32>
      %reduce_min3A_114 = vector.multi_reduction <minimumf>, %select_n3A_113, %reduce_min3A [1] : vector<32x4000xf32> to vector<32xf32>
      %broadcast_in_dim3A_115 = vector.shape_cast %reduce_min3A_114 : vector<32xf32> to vector<32x1xf32>
      %eq3A_116 = vector.broadcast %broadcast_in_dim3A_115 : vector<32x1xf32> to vector<32x4000xf32>
      %eq3A_117 = arith.cmpf oeq, %convert_element_type3A, %eq3A_116 : vector<32x4000xf32>
      %jit3A_118 = arith.constant 0xFF800000 : f32
      %broadcast_in_dim3A_119 = vector.broadcast %jit3A_118 : f32 to vector<32x4000xf32>
      %select_n3A_120 = arith.select %eq3A_117, %broadcast_in_dim3A_119, %get3A_106 : vector<32x4000xi1>, vector<32x4000xf32>
      %swap3A_121 = arith.constant 0 : index
      %swap3A_122 = arith.constant 0 : index
      %swap3A_123 = vector.load %arg10[%swap3A_121, %swap3A_122] : memref<32x4000xf32, #tpu.memory_space<vmem>>, vector<32x4000xf32>
      tpu.vector_store %arg10[%swap3A_121, %swap3A_122], %select_n3A_120 {strides = array<i32>} : memref<32x4000xf32, #tpu.memory_space<vmem>>, vector<32x4000xf32>,
      %add3A_124 = arith.addf %while3A_103, %broadcast_in_dim3A_109 : vector<32x1xf32>
      scf.yield %add3A_124 : vector<32x1xf32>
    }
    %convert_element_type3A_84 = arith.fptosi %while3A_83 : vector<32x1xf32> to vector<32x1xi32>
    %jit3A_85 = arith.constant 1 : i32
    %jit3A_86 = arith.constant 4000 : i32
    %max3A_87 = vector.broadcast %jit3A_85 : i32 to vector<32x1xi32>
    %max3A_88 = arith.maxsi %max3A_87, %convert_element_type3A_84 : vector<32x1xi32>
    %min3A = vector.broadcast %jit3A_86 : i32 to vector<32x1xi32>
    %min3A_89 = arith.minsi %min3A, %max3A_88 : vector<32x1xi32>
    %iota3A_90 = tpu.iota {dimensions = array<i32: 0>} : vector<32x1xi32>
    %convert_element_type3A_91 = arith.sitofp %iota3A_90 : vector<32x1xi32> to vector<32x1xf32>
    %lt3A_92 = vector.broadcast %reduce_sum3A_58 : f32 to vector<32x1xf32>
    %lt3A_93 = arith.cmpf olt, %convert_element_type3A_91, %lt3A_92 : vector<32x1xf32>
    %jit3A_94 = arith.constant 0 : i32
    %broadcast_in_dim3A_95 = vector.broadcast %jit3A_94 : i32 to vector<32x1xi32>
    %select_n3A_96 = arith.select %lt3A_93, %min3A_89, %broadcast_in_dim3A_95 : vector<32x1xi1>, vector<32x1xi32>
    %swap3A = arith.constant 0 : index
    %swap3A_97 = arith.constant 0 : index
    %swap3A_98 = arith.constant 0 : index
    %swap3A_99 = vector.load %arg9[%swap3A, %swap3A_97, %swap3A_98] : memref<1x32x1xi32, #tpu.memory_space<vmem>>, vector<1x32x1xi32>
    %swap3A_100 = vector.shape_cast %swap3A_99 : vector<1x32x1xi32> to vector<32x1xi32>
    %swap3A_101 = vector.shape_cast %select_n3A_96 : vector<32x1xi32> to vector<1x32x1xi32>
    tpu.vector_store %arg9[%swap3A, %swap3A_97, %swap3A_98], %swap3A_101 {strides = array<i32>} : memref<1x32x1xi32, #tpu.memory_space<vmem>>, vector<1x32x1xi32>,
    return
  }
  func.func @transform_0(%arg0: i32) -> (i32, i32) {
    %c0_i32 = arith.constant 0 : i32
    %c0_i32_0 = arith.constant 0 : i32
    %c0_i32_1 = arith.constant 0 : i32
    return %c0_i32, %c0_i32_0 : i32, i32
  }
  func.func @transform_1(%arg0: i32) -> (i32, i32, i32) {
    %c0_i32 = arith.constant 0 : i32
    %c0_i32_0 = arith.constant 0 : i32
    %c0_i32_1 = arith.constant 0 : i32
    return %arg0, %c0_i32, %c0_i32_0 : i32, i32, i32
  }
  func.func @transform_2(%arg0: i32) -> (i32, i32, i32) {
    %c0_i32 = arith.constant 0 : i32
    %c0_i32_0 = arith.constant 0 : i32
    %c0_i32_1 = arith.constant 0 : i32
    return %arg0, %c0_i32, %c0_i32_0 : i32, i32, i32
  }
  func.func @transform_3(%arg0: i32) -> (i32, i32, i32) {
    %c0_i32 = arith.constant 0 : i32
    %c0_i32_0 = arith.constant 0 : i32
    %c0_i32_1 = arith.constant 0 : i32
    return %arg0, %c0_i32, %c0_i32_0 : i32, i32, i32
  }
  func.func @transform_4(%arg0: i32) -> (i32, i32, i32, i32) {
    %c0_i32 = arith.constant 0 : i32
    %c0_i32_0 = arith.constant 0 : i32
    %c0_i32_1 = arith.constant 0 : i32
    %c0_i32_2 = arith.constant 0 : i32
    return %arg0, %c0_i32, %c0_i32_0, %c0_i32_1 : i32, i32, i32, i32
  }
  func.func @transform_5(%arg0: i32) -> (i32, i32, i32) {
    %c0_i32 = arith.constant 0 : i32
    %c0_i32_0 = arith.constant 0 : i32
    %c0_i32_1 = arith.constant 0 : i32
    return %arg0, %c0_i32, %c0_i32_0 : i32, i32, i32
  }
  func.func @transform_6(%arg0: i32) -> (i32, i32, i32) {
    %c0_i32 = arith.constant 0 : i32
    %c0_i32_0 = arith.constant 0 : i32
    %c0_i32_1 = arith.constant 0 : i32
    return %arg0, %c0_i32, %c0_i32_0 : i32, i32, i32
  }
  func.func @transform_7(%arg0: i32) -> (i32, i32, i32) {
    %c0_i32 = arith.constant 0 : i32
    %c0_i32_0 = arith.constant 0 : i32
    %c0_i32_1 = arith.constant 0 : i32
    return %arg0, %c0_i32, %c0_i32_0 : i32, i32, i32
  }
  func.func @transform_8(%arg0: i32) -> (i32, i32, i32) {
    %c0_i32 = arith.constant 0 : i32
    %c0_i32_0 = arith.constant 0 : i32
    %c0_i32_1 = arith.constant 0 : i32
    return %arg0, %c0_i32, %c0_i32_0 : i32, i32, i32
  }
}

</mosaic_0001>

<sc_bundles>
// kernel: _run.4.cloned.1.call-start
scs
__scs_entry_jumppad:
0x0: {  	(pc) =	sbr.rel $0x88, $3  }
0x1: {  	(tag) =	ssettag $0x0;
	lr =	simm.s32 $0x1  }
0x2: {  	[smem:$0x3F9B] =	sst lr;
	_ =	strace $0xD0000000  }
0x3: {  	_ = 	snop  }
0x4: {  	_ = 	snop  }
0x5: {  	_ = 	snop  }
0x6: {  	_ = 	snop  }
0x7: {  	_ = 	snop  }
__scs_overlays_trampoline_lowered:
0x8: {  	[smem:$0x3FAA] =	sst s0  }
0x9: {  	[smem:$0x3FAB] =	sst s1  }
0xa: {  	[smem:$0x3FAC] =	sst s2  }
0xb: {  	[smem:$0x3FAD] =	sst s3  }
0xc: {  	[smem:$0x3FAE] =	sst s4  }
0xd: {  	[smem:$0x3FAF] =	sst s5  }
0xe: {  	[smem:$0x3FB0] =	sst s6  }
0xf: {  	[smem:$0x3FB1] =	sst s7  }
0x10: {  	[smem:$0x3FB2] =	sst s8  }
0x11: {  	[smem:$0x3FB3] =	sst s9;
	s0 =	simm.s32 @!p0 $0x0  }
0x12: {  	s1 =	sld [smem:$0x3F99];
	s0 =	simm.s32 @p0 $0x1  }
0x13: {  	[smem:$0x3FB4] =	sst s0;
	s0 =	simm.s32 @!p1 $0x0  }
0x14: {  	s2 =	sld [smem:$0x3F98];
	s0 =	simm.s32 @p1 $0x1  }
0x15: {  	[smem:$0x3FB5] =	sst s0;
	s0 =	simm.s32 @!p2 $0x0  }
0x16: {  	s3 =	sld [smem:$0x3FDB];
	s0 =	simm.s32 @p2 $0x1  }
0x17: {  	s4 =	simm.s32 $0x1BF5;
	[smem:$0x3FB7] =	sst s0  }
0x18: {  	s0 =	sld [smem:$0x3F9A];
	_ =	swait.ge [sflag:s4], $0x0  }
0x19: {  	s7 =	sld [smem:$0x3F9B]  }
0x1a: {  	s8 =	sadd.s32 $0xFFFFE003, lr  }
0x1b: {  	s9 =	sadd.s32 $0xFFFFFEF7, lr;
	s5 =	simm.s32 $0xFFFFFFFF;
	p2 =	slt.u32 s8, $0xFFFFF086  }
0x1c: {  	p1 =	slt.u32 s9, $0xF7A;
	s5 =	simm.s32 @!p2 $0x0  }
0x1d: {  	s5 =	simm.s32 @p1 $0x1;
	p0 =	seq.s32 s7, s2  }
0x1e: {  	s7 =	smul.u32 @!p0 $0xF7A, s2;
	p2 =	seq.s32 @!p0 s5, $0x0  }
0x1f: {  	s9 =	smul.u32 $0xF7A, s1;
	s8 =	simm.s32 @!p0 $0x1BF5;
	p2 =	por !p2, p0  }
0x20: {  	[sflag:s8] =	ssyncset.s32 @!p0 $0xFFFFF086;
	s6 =	sadd.s32 @!p0 s3, s7;
	s7 =	simm.s32 @!p0 $0x108  }
0x21: {  	s3 =	sadd.s32 s3, s9;
	s6 =	sadd.s32 @!p0 $0x88, s6;
	s7 =	simm.s32 @p2 $0x1082  }
0x22: {  	[simem:s7], [sflag:s8] =	dma.local @!p0 [hbm:s6], $0xF7A  }
0x23: {  	s9 =	sor.u32 $0xD0000000, s2;
	s6 =	simm.s32 $0x108;
	_ =	swait.ge @!p0 [sflag:s8], $0x0  }
0x24: {  	s3 =	sadd.s32 $0x88, s3;
	s6 =	simm.s32 @!p1 $0x1082;
	[sflag:s4] =	ssyncset.s32 $0xFFFFF086  }
0x25: {  	[simem:s6], [sflag:s4] =	dma.local [hbm:s3], $0xF7A  }
0x26: {  	[smem:$0x3F9B] =	sst s1;
	(tag) =	ssettag s2;
	_ =	strace s9  }
0x27: {  	s1 =	sld [smem:$0x3FAB]  }
0x28: {  	s2 =	sld [smem:$0x3FAC]  }
0x29: {  	s4 =	sld [smem:$0x3FAE]  }
0x2a: {  	p0 =	seq.s32 s5, $0x0;
	s5 =	sld [smem:$0x3FAF]  }
0x2b: {  	s6 =	sld [smem:$0x3FB0]  }
0x2c: {  	s7 =	sld [smem:$0x3FB1]  }
0x2d: {  	s3 =	simm.s32 $0x108;
	s8 =	sld [smem:$0x3FB2]  }
0x2e: {  	s3 =	simm.s32 @!p0 $0x1082;
	s9 =	sld [smem:$0x3FB3]  }
0x2f: {  	lr =	sadd.s32 s0, s3;
	s0 =	sld [smem:$0x3FAA]  }
0x30: {  	s3 =	sld [smem:$0x3FAD]  }
0x31: {  	[smem:$0x3FB6] =	sst s10  }
0x32: {  	s10 =	sld [smem:$0x3FB4];
	_ =	sdelay $0x3  }
0x33: {  	p0 =	seq.s32 s10, $0x1;
	s10 =	sld [smem:$0x3FB6];
	_ =	sdelay $0x3  }
0x34: {  	[smem:$0x3FB6] =	sst s10  }
0x35: {  	s10 =	sld [smem:$0x3FB5];
	_ =	sdelay $0x3  }
0x36: {  	p1 =	seq.s32 s10, $0x1;
	s10 =	sld [smem:$0x3FB6];
	_ =	sdelay $0x3  }
0x37: {  	[smem:$0x3FB6] =	sst s10  }
0x38: {  	s10 =	sld [smem:$0x3FB7]  }
0x39: {  	_ = 	snop;
	(pc) =	sbr.ind lr, $3  }
0x3a: {  	_ = 	snop  }
0x3b: {  	_ = 	snop  }
0x3c: {  	p2 =	seq.s32 s10, $0x1;
	s10 =	sld [smem:$0x3FB6]  }
0x3d: {  	_ =	shalt  }
0x3e: {  	_ =	shalt  }
0x3f: {  	_ =	shalt  }
0x40: {  	_ =	shalt  }
0x41: {  	_ =	shalt  }
0x42: {  	_ =	shalt  }
0x43: {  	_ =	shalt  }
0x44: {  	_ =	shalt  }
0x45: {  	_ =	shalt  }
0x46: {  	_ =	shalt  }
0x47: {  	_ =	shalt  }
0x48: {  	_ =	shalt  }
0x49: {  	_ =	shalt  }
0x4a: {  	_ =	shalt  }
0x4b: {  	_ =	shalt  }
0x4c: {  	_ =	shalt  }
0x4d: {  	_ =	shalt  }
0x4e: {  	_ =	shalt  }
0x4f: {  	_ =	shalt  }
0x50: {  	_ =	shalt  }
0x51: {  	_ =	shalt  }
0x52: {  	_ =	shalt  }
0x53: {  	_ =	shalt  }
0x54: {  	_ =	shalt  }
0x55: {  	_ =	shalt  }
0x56: {  	_ =	shalt  }
0x57: {  	_ =	shalt  }
0x58: {  	_ =	shalt  }
0x59: {  	_ =	shalt  }
0x5a: {  	_ =	shalt  }
0x5b: {  	_ =	shalt  }
0x5c: {  	_ =	shalt  }
0x5d: {  	_ =	shalt  }
0x5e: {  	_ =	shalt  }
0x5f: {  	_ =	shalt  }
0x60: {  	_ =	shalt  }
0x61: {  	_ =	shalt  }
0x62: {  	_ =	shalt  }
0x63: {  	_ =	shalt  }
0x64: {  	_ =	shalt  }
0x65: {  	_ =	shalt  }
0x66: {  	_ =	shalt  }
0x67: {  	_ =	shalt  }
0x68: {  	_ =	shalt  }
0x69: {  	_ =	shalt  }
0x6a: {  	_ =	shalt  }
0x6b: {  	_ =	shalt  }
0x6c: {  	_ =	shalt  }
0x6d: {  	_ =	shalt  }
0x6e: {  	_ =	shalt  }
0x6f: {  	_ =	shalt  }
0x70: {  	_ =	shalt  }
0x71: {  	_ =	shalt  }
0x72: {  	_ =	shalt  }
0x73: {  	_ =	shalt  }
0x74: {  	_ =	shalt  }
0x75: {  	_ =	shalt  }
0x76: {  	_ =	shalt  }
0x77: {  	_ =	shalt  }
0x78: {  	_ =	shalt  }
0x79: {  	_ =	shalt  }
0x7a: {  	_ =	shalt  }
0x7b: {  	_ =	shalt  }
0x7c: {  	_ =	shalt  }
0x7d: {  	_ =	shalt  }
0x7e: {  	_ =	shalt  }
0x7f: {  	_ =	shalt  }
0x80: {  	_ =	shalt  }
0x81: {  	_ =	shalt  }
0x82: {  	_ =	shalt  }
0x83: {  	_ =	shalt  }
0x84: {  	_ =	shalt  }
0x85: {  	_ =	shalt  }
0x86: {  	_ =	shalt  }
0x87: {  	_ =	shalt  }
.Lfunc_end0:
.L_simem_size_0:
called_computation_lowered:
.L_overlay_start_0:
0x88: {  	s2 =	sld [smem:$0x3FD9]  }
0x89: {  	s3 =	sld [smem:$0x3FFE];
	_ =	sdelay $0x1  }
0x8a: {  	s1 =	srdreg.scid  }
0x8b: {  	s0 =	sand.u32 $0x1, s1  }
0x8c: {  	s14 =	sshll.u32 s0, $0xA;
	s2 =	sadd.s32 s3, s2  }
0x8d: {  	s2 =	sadd.s32 s2, s14  }
0x8e: {  	[smem:$0x3FC2] =	sst s2  }
0x8f: {  	_ = 	snop  }
0x90: {  	s2 =	sld [smem:$0x3FD0];
	_ =	sdelay $0x2  }
0x91: {  	s15 =	simm.s32 $0xA;
	s4 =	simm.s32 $0x10  }
0x92: {  	[smem:s4], [sflag:s15] =	dma.local [hbm:s2], $0x1  }
0x93: {  	_ =	swait.eq [sflag:s15], $0x1  }
0x94: {  	[sflag:s15] =	ssyncset.done $0x0  }
0x95: {  	s16 =	sld [smem:$0x10];
	[sflag:s15] =	ssyncadd.s32 $0xFFFFFFFF  }
0x96: {  	s17 =	sld [smem:$0x11];
	(tm) =	ssettm $0x1  }
0x97: {  	s18 =	sld [smem:$0x3FFB];
	_ =	sdelay $0x3  }
0x98: {  	_ =	strace s18  }
0x99: {  	s4 =	sld [smem:$0x3FFC];
	_ =	sdelay $0x3  }
0x9a: {  	_ =	strace s4  }
0x9b: {  	s4 =	sld [smem:$0x3FFD];
	_ =	sdelay $0x3  }
0x9c: {  	_ =	strace s4  }
0x9d: {  	_ =	strace $0x8FFFFFFF  }
0x9e: {  	s19 =	sld [smem:$0x3FDB];
	_ =	sdelay $0x1  }
0x9f: {  	s5 =	simm.s32 $_scs_section_size  }
0xa0: {  	s6 =	simm.s32 $_size__tile_overlayer_lowered;
	s7 =	simm.s32 $_tile_overlayer_lowered  }
0xa1: {  	s22 =	simm.s32 $0x1BFF;
	s21 =	sshll.u32 s7, $0x1;
	s4 =	sadd.s32 s5, s19  }
0xa2: {  	s8 =	simm.s32 $0x0;
	s20 =	sshll.u32 s6, $0x1;
	s6 =	sadd.s32 s21, s4  }
0xa3: {  	[timem:s8], [sflag:s22] =	dma.local [hbm:s6], s20  }
0xa4: {  	_ =	swait.ge [sflag:s22], s20  }
0xa5: {  	s5 =	ssub.s32 $0x0, s20;
	[sflag:s22] =	ssyncset.done $0x0  }
0xa6: {  	[sflag:s22] =	ssyncadd.s32 s5;
	_ =	sdelay $0x1  }
0xa7: {  	s23 =	simm.s32 $0x1B8B  }
0xa8: {  	_ =	swait.ge [sflag:s23], $0x1  }
0xa9: {  	[sflag:s23] =	ssyncset.done $0x0  }
0xaa: {  	s25 =	simm.s32 $0x1B8E;
	s24 =	sld [smem:$0x3FFE];
	[sflag:s23] =	ssyncadd.s32 $0xFFFFFFFF  }
0xab: {  	s26 =	simm.s32 $execute0_lowered;
	[smem:$0x3FD2] =	sst s25  }
0xac: {  	s6 =	sshll.u32 s26, $0x1;
	_ =	strace $0x80000046;
	[dreg:$0x1] =	wrdreg $0xFFFFFFFF  }
0xad: {  	s28 =	simm.s32 $_size_execute0_lowered;
	s4 =	sadd.s32 s4, s6;
	[dreg:$0x0] =	wrdreg $0x0  }
0xae: {  	s6 =	sshll.u32 s28, $0x1;
	[dreg:$0x2] =	wrdreg s4  }
0xaf: {  	[dreg:$0x3] =	wrdreg s6  }
0xb0: {  	[dreg:$0x4] =	wrdreg $0xC0  }
0xb1: {  	_ =	task [dreg:s8], $0x5FFFF  }
0xb2: {  	[dreg:$0x1] =	wrdreg $0xFFFFFFFF  }
0xb3: {  	[dreg:$0x0] =	wrdreg $0x60  }
0xb4: {  	[dreg:$0x2] =	wrdreg s24  }
0xb5: {  	[dreg:$0x3] =	wrdreg s16  }
0xb6: {  	[dreg:$0x4] =	wrdreg s17  }
0xb7: {  	[dreg:$0x5] =	wrdreg $0x136800  }
0xb8: {  	[dreg:$0x6] =	wrdreg $0x137800  }
0xb9: {  	[dreg:$0x7] =	wrdreg $0x9  }
0xba: {  	_ =	task.clear_ibuf [dreg:s8], $0x8FFFF;
	_ =	strace $0x90000046  }
0xbb: {  	s29 =	simm.s32 $0x9;
	_ =	strace $0x80000048  }
0xbc: {  	_ =	swait.ge [sflag:s29], $0x1  }
0xbd: {  	[sflag:s29] =	ssyncadd.s32 $0xFFFFFFFF  }
0xbe: {  	_ =	strace $0x90000048  }
0xbf: {  	_ =	sfence  }
0xc0: {  	s30 =	sld [smem:$0x0];
	_ =	sdelay $0x2  }
0xc1: {  	s31 =	sshll.u32 s1, $0xD;
	s1 =	sshrl.u32 s1, $0x2  }
0xc2: {  	s3 =	sand.u32 $0x4000, s31;
	s1 =	sadd.s32 s1, s30  }
0xc3: {  	s0 =	sor.u32 s3, s0;
	s1 =	sshll.u32 s1, $0x11  }
0xc4: {  	s0 =	sor.u32 s1, s0  }
0xc5: {  	s0 =	sadd.s32 $0x8F2B, s0  }
0xc6: {  	[sflag:s0] =	ssyncadd.remote.s32 $0x1  }
0xc7: {  	_ =	sfence.sel $0xFFFF  }
0xc8: {  	[dreg:$0x0] =	wrdreg $0xFFFFFFFF;
	(pc) =	sbr.abs _section_cstart, $3  }
0xc9: {  	[dreg:$0x1] =	wrdreg $0xFFFFFFFF  }
0xca: {  	_ =	task.clear_ibuf [dreg:s8], $0x2FFFF;
	_ =	strace $0x9FFFFFFF  }
0xcb: {  	(tm) =	ssettm $0x7FFFFFFF  }
tec
execute0_lowered:
.L_overlay_start_1:
0x0: {  	(tag) =	ssettag $0x1  }
0x1: {  	s1 =	rddreg [dreg:$0x0]  }
0x2: {  	s3 =	rddreg [dreg:$0x1]  }
0x3: {  	s11 =	rddreg [dreg:$0x2]  }
0x4: {  	s8 =	rddreg [dreg:$0x3]  }
0x5: {  	s9 =	rddreg [dreg:$0x4]  }
0x6: {  	s0 =	srdreg.scid;
	s2 =	stileid.u32  }
0x7: {  	s20 =	simm.s32 $0x0;
	s4 =	sand.u32 $0x1, s0;
	s6 =	sshrl.u32 s2, $0x1  }
0x8: {  	[smem:$0x7FF] =	sst s20;
	s21 =	sand.u32 $0x1, s2;
	s10 =	sshll.u32 s2, $0x8  }
0x9: {  	s5 =	sshll.u32 s4, $0x3;
	_ =	strace $0x80000047;
	s7 =	sshll.u32 s21, $0xD  }
0xa: {  	v0 =	vimm.s32 $0xEFCDAB89;
	v1 =	vimm.s32 $0x67452301;
	v2 =	vimm.s32 $0xDCFE98BA;
	s4 =	ssub.s32 $0x2, s4;
	s25 =	sshll.u32 s21, $0x4;
	s2 =	sadd.s32 s10, s8  }
0xb: {  	v3 =	vimm.s32 $0x54761032;
	v4 =	vimm.s32 $0xBA98FEDC;
	v5 =	vimm.s32 $0x32107654;
	s26 =	sadd.s32 s10, s9;
	s10 =	sadd.s32 $0x100, s10;
	s5 =	sor.u32 s6, s5  }
0xc: {  	v6 =	vimm.s32 $0xFEDCBA98;
	v7 =	vimm.s32 $0x76543210;
	s22 =	sshrl.u32 s4, $0x1;
	s16 =	sor.u32 $0x10000, s25;
	[dreg:$0x9] =	wrdreg s2  }
0xd: {  	v0 =	vunpack.c.l.s4.s8 v0;
	v1 =	vunpack.c.l.s4.s8 v1;
	v2 =	vunpack.c.l.s4.s8 v2;
	s18 =	sor.u32 $0x10008, s25;
	[dreg:$0xa] =	wrdreg s26;
	s28 =	sadd.s32 s10, s8  }
0xe: {  	v3 =	vunpack.c.l.s4.s8 v3;
	v4 =	vunpack.c.l.s4.s8 v4;
	v5 =	vunpack.c.l.s4.s8 v5;
	s29 =	sadd.s32 s10, s9;
	s6 =	sshll.u32 s5, $0xE;
	s12 =	smul.u32 $0x1F4, s5  }
0xf: {  	v6 =	vunpack.c.l.s4.s8 v6;
	v7 =	vunpack.c.l.s4.s8 v7;
	v0 =	vunpack.c.0.s8.s32 v0;
	s5 =	sshll.u32 s5, $0x2;
	s13 =	ssub.s32 s4, s22;
	[dreg:$0xb] =	wrdreg s28  }
0x10: {  	v1 =	vunpack.c.0.s8.s32 v1;
	v2 =	vunpack.c.0.s8.s32 v2;
	v3 =	vunpack.c.0.s8.s32 v3;
	[dreg:$0xc] =	wrdreg s29;
	s6 =	sor.u32 s7, s6;
	s3 =	sadd.s32 s3, s5  }
0x11: {  	v4 =	vunpack.c.0.s8.s32 v4;
	v5 =	vunpack.c.0.s8.s32 v5;
	v8 =	vmov s16;
	s31 =	smax.u32 s13, $0x1;
	s6 =	sadd.s32 s6, s1;
	[dreg:$0x6] =	wrdreg s3  }
.Ltmp0:
0x12: {  	v9 =	vmov s18;
	v1 =	vcombine.low v1, v0;
	v2 =	vcombine.low v3, v2;
	s30 =	sadd.s32 s11, s12;
	[dreg:$0xf] =	wrdreg s31;
	(pc) =	sbr.rel .LBB2_1-.Ltmp0, $4  }
0x13: {  	v3 =	vcombine.low v5, v4;
	v4 =	vunpack.c.0.s8.s32 v6;
	v0 =	vlaneseq.u32;
	s23 =	sadd.s32 $0x1400, s6;
	[dreg:$0xe] =	wrdreg s30  }
0x14: {  	v5 =	vunpack.c.0.s8.s32 v7;
	v6 =	vimm.s32 $0xFFFFFFFF;
	v7 =	vimm.s32 $0x0;
	s1 =	sadd.s32 s12, s1;
	s24 =	sadd.s32 $0x2400, s6;
	[dreg:$0x7] =	wrdreg s23  }
0x15: {  	s14 =	simm.s32 $0x3;
	s1 =	sadd.s32 $0x41400, s1;
	v1 =	vand.u32 $0xF, v1;
	v2 =	vand.u32 $0xF, v2;
	v4 =	vand.u32 $0xF, v4;
	[dreg:$0x8] =	wrdreg s24  }
0x16: {  	p0 =	seq.s32 s21, $0x0;
	v3 =	vand.u32 $0xF, v3;
	[dreg:$0xd] =	wrdreg s1;
	v4 =	vcombine.low v4, v5;
	v5 =	vimm.f32 $1.000000000e+08;
	s24 =	simm.s32 $0x0  }
.LBB2_16:
0x17: {  	s0 =	rddreg [dreg:$0x9];
	s1 =	simm.s32 $0x13080  }
0x18: {  	[spmem:s0] =	stream.linear.scatter [tilespmem:s1], [sflag:$0x3], $0x100, $0x38;
	[tilespmem:$0x13880] =	vst v63  }
0x19: {  	_ =	swait.ge [sflag:s14], $0x100  }
0x1a: {  	[sflag:s14] =	ssyncset.done $0x0  }
0x1b: {  	s31 =	simm.s32 $0x13200;
	s30 =	rddreg [dreg:$0xa];
	[sflag:s14] =	ssyncadd.s32 $0xFFFFFF00  }
0x1c: {  	[spmem:s30] =	stream.linear.scatter [tilespmem:s31], [sflag:$0x3], $0x100, $0x38;
	[tilespmem:$0x13880] =	vst v63  }
0x1d: {  	_ =	swait.ge [sflag:s14], $0x100  }
0x1e: {  	[sflag:s14] =	ssyncset.done $0x0  }
0x1f: {  	[sflag:s14] =	ssyncadd.s32 $0xFFFFFF00  }
0x20: {  	[bflag:$0x0] =	sbarrier.arrive $0xFFFF  }
.LBB2_40:
0x21: {  	s24 =	sadd.s32 $0x1, s24;
	s0 =	rddreg [dreg:$0xf]  }
0x22: {  	p1 =	sne.s32 s24, s0  }
.Ltmp1:
0x23: {  	_ = 	snop;
	(pc) =	sbr.rel @!p1 .LBB2_41-.Ltmp1, $1  }
0x24: {  	_ =	sdelay $0x3  }
.LBB2_1:
0x25: {  	s0 =	simm.s32 $0x0;
	s1 =	rddreg [dreg:$0x6];
	s2 =	simm.s32 $0x10000  }
0x26: {  	[tilespmem:s2], [sflag:$0x3] =	stream.linear.gather [hbm4b:s1+s0], $0x20, $0x38;
	[tilespmem:$0x13880] =	vst v63  }
0x27: {  	_ =	swait.ge [sflag:s14], $0x20  }
0x28: {  	[sflag:s14] =	ssyncset.done $0x0  }
0x29: {  	s28 =	rddreg [dreg:$0x7];
	[sflag:s14] =	ssyncadd.s32 $0xFFFFFFE0  }
0x2a: {  	[tilespmem:s0], [sflag:$0x1] =	stream.linear.gather [hbm4b:s28+s0], $0x8000, $0x38;
	[tilespmem:$0x13880] =	vst v63  }
.Ltmp2:
0x2b: {  	s29 =	simm.s32 $0x1;
	(pc) =	sbr.rel .LBB2_2-.Ltmp2, $4  }
0x2c: {  	_ =	swait.ge [sflag:s29], $0x8000  }
0x2d: {  	s31 =	simm.s32 $0x8000;
	[sflag:s29] =	ssyncset.done $0x0  }
0x2e: {  	s25 =	simm.s32 $0x0;
	s30 =	rddreg [dreg:$0x8];
	[sflag:s29] =	ssyncadd.s32 $0xFFFF8000  }
0x2f: {  	[tilespmem:s31], [sflag:$0x2] =	stream.linear.gather [hbm4b:s30+s0], $0x8000, $0x38;
	[tilespmem:$0x13880] =	vst v63  }
.LBB2_7:
0x30: {  	s25 =	sadd.s32 $0x1, s25  }
0x31: {  	p1 =	sne.s32 s25, $0x8  }
.Ltmp3:
0x32: {  	_ = 	snop;
	(pc) =	sbr.rel @!p1 .LBB2_8-.Ltmp3, $1  }
0x33: {  	_ =	sdelay $0x3  }
.LBB2_2:
0x34: {  	_ =	sdelay $0x3  }
0x35: {  	v10 =	vld.idx.msk [tilespmem:v8+s25+$0x0 ss:$0x1], $0xffff;
	_ =	sdelay $0x4  }
0x36: {  	(v2sf) =	vpush v10, $0x0;
	_ =	sdelay $0xe  }
0x37: {  	s26 =	spop (v2sf)  }
0x38: {  	p1 =	slt.s32 s26, $0x1  }
.Ltmp4:
0x39: {  	_ = 	snop;
	(pc) =	sbr.rel @p1 .LBB2_7-.Ltmp4, $1  }
0x3a: {  	_ =	sdelay $0x3  }
0x3b: {  	s28 =	sshll.u32 s25, $0x4;
	s0 =	sshll.u32 s25, $0x7;
	s29 =	simm.s32 $0x0  }
0x3c: {  	s16 =	simm.f32 $-Inf;
	s18 =	simm.s32 $0xFFFFFFFF;
	s30 =	simm.s32 $0x0;
	v10 =	vmov s0  }
.LBB2_4:
0x3d: {  	s19 =	simm.s32 $0x90;
	s20 =	simm.s32 $0x80  }
0x3e: {  	s22 =	simm.s32 $0x70;
	s23 =	simm.s32 $0x400;
	s31 =	simm.s32 $0x480  }
0x3f: {  	s0 =	simm.s32 $0x60;
	s13 =	simm.s32 $0x40;
	s6 =	simm.s32 $0x0  }
0x40: {  	v12 =	vmov s16;
	s16 =	simm.s32 $0x30;
	s17 =	sand.u32 $0x7C00, s29;
	s15 =	sand.u32 $0x60, s6  }
0x41: {  	v13 =	vmov s18;
	v22 =	vimm.f32 $+Inf;
	s7 =	simm.s32 $0x10;
	s23 =	sand.u32 $0xFC00, s23;
	s8 =	sor.u32 s15, s17  }
0x42: {  	v23 =	vimm.s32 $0xFA0;
	s21 =	sand.u32 $0x70, s19;
	v11 =	vor.u32 s19, v0;
	v18 =	vor.u32 s0, v0;
	s4 =	sand.u32 $0xFC00, s31;
	s18 =	sor.u32 s15, s23;
	v24 =	vld.idx.msk [tilespmem:v10+s8+$0x0 ss:$0x1], $0xffff  }
0x43: {  	s1 =	simm.s32 $0x50;
	v16 =	vor.u32 s22, v0;
	v14 =	vor.u32 s20, v0;
	s2 =	sand.u32 $0x70, s7;
	v26 =	vor.u32 s16, v0;
	s5 =	sor.u32 s21, s4;
	v17 =	vld.idx.msk [tilespmem:v10+s18+$0x0 ss:$0x1], $0xffff  }
0x44: {  	s9 =	simm.s32 $0x20;
	s3 =	simm.s32 $0x100;
	v20 =	vor.u32 s13, v0;
	v19 =	vor.u32 s1, v0;
	v25 =	vor.u32 s6, v0;
	s8 =	sor.u32 s2, s17;
	v15 =	vld.idx.msk [tilespmem:v10+s5+$0x0 ss:$0x1], $0xffff  }
0x45: {  	v27 =	vor.u32 s7, v0;
	v28 =	vor.u32 s9, v0;
	s9 =	sand.u32 $0x60, s9;
	s10 =	sand.u32 $0xFC00, s3;
	vm6 =	vgt.s32 v11, v13;
	v29 =	vld.idx.msk [tilespmem:v10+s8+$0x0 ss:$0x1], $0xffff  }
0x46: {  	s12 =	simm.s32 $0x380;
	vm0 =	vgt.s32 v18, v13;
	vm12 =	vgt.s32 v16, v13;
	vm9 =	vgt.s32 v14, v13;
	s6 =	sor.u32 s9, s10  }
0x47: {  	vm8 =	vgt.s32 v26, v13;
	vm7 =	vgt.s32 v20, v13;
	vm10 =	vgt.s32 v19, v13;
	s15 =	sand.u32 $0x70, s16;
	s16 =	sand.u32 $0x70, s22;
	v30 =	vld.idx.msk [tilespmem:v10+s6+$0x0 ss:$0x1], $0xffff;
	s6 =	sand.u32 $0xFC00, s12  }
0x48: {  	s11 =	simm.s32 $0x180;
	vm1 =	vgt.s32 v25, v13;
	vm2 =	vgt.s32 v27, v13;
	vm4 =	vgt.s32 v28, v13;
	s6 =	sor.u32 s16, s6  }
0x49: {  	s7 =	sand.u32 $0xFC00, s11;
	v21 =	vld.idx.msk [tilespmem:v10+s6+$0x0 ss:$0x1], $0xffff;
	vm3 =	veq.f32 v24, v12;
	vm5 =	vgt.f32 v24, v12;
	vm14 =	vgt.f32 v17, v12  }
0x4a: {  	s7 =	sor.u32 s15, s7;
	vm11 =	vgt.f32 v15, v12;
	vm1 =	vmand vm1, vm3;
	vm3 =	veq.f32 v29, v12  }
0x4b: {  	s17 =	simm.s32 $0x200;
	v31 =	vld.idx.msk [tilespmem:v10+s7+$0x0 ss:$0x1], $0xffff;
	vm15 =	veq.f32 v17, v12;
	vm1 =	vmor vm5, vm1;
	vm2 =	vmand vm2, vm3  }
0x4c: {  	s18 =	sand.u32 $0x60, s13;
	s19 =	sand.u32 $0xFC00, s17;
	vm3 =	vgt.f32 v29, v12;
	vm5 =	veq.f32 v15, v12;
	v24 =	vnsel vm1, $0x7F800000, v24  }
0x4d: {  	s20 =	simm.s32 $0x280;
	s6 =	sor.u32 s18, s19;
	vm1 =	veq.f32 v30, v12;
	vm2 =	vmor vm3, vm2;
	vm3 =	vlt.f32 v24, v22  }
0x4e: {  	s1 =	sand.u32 $0x70, s1;
	s21 =	sand.u32 $0xFC00, s20;
	v32 =	vld.idx.msk [tilespmem:v10+s6+$0x0 ss:$0x1], $0xffff;
	vm1 =	vmand vm4, vm1;
	vm4 =	vgt.f32 v21, v12;
	v22 =	vsel vm3, v24, v22  }
0x4f: {  	s1 =	sor.u32 s1, s21;
	v24 =	vsel vm3, v25, v23;
	vm3 =	vgt.f32 v30, v12;
	v25 =	vnsel vm2, $0x7F800000, v29  }
0x50: {  	s22 =	simm.s32 $0x300;
	vm2 =	veq.f32 v31, v12;
	v23 =	vld.idx.msk [tilespmem:v10+s1+$0x0 ss:$0x1], $0xffff;
	vm1 =	vmor vm3, vm1;
	vm3 =	vlt.f32 v25, v22  }
0x51: {  	s0 =	sand.u32 $0x60, s0;
	s23 =	sand.u32 $0xFC00, s22;
	vm2 =	vmand vm8, vm2;
	vm8 =	veq.f32 v21, v12;
	v25 =	vsel vm3, v25, v22  }
0x52: {  	s0 =	sor.u32 s0, s23;
	v24 =	vsel vm3, v27, v24;
	vm3 =	vgt.f32 v31, v12;
	v27 =	vnsel vm1, $0x7F800000, v30  }
0x53: {  	vm1 =	veq.f32 v32, v12;
	v22 =	vld.idx.msk [tilespmem:v10+s0+$0x0 ss:$0x1], $0xffff;
	vm2 =	vmor vm3, vm2;
	vm3 =	vlt.f32 v27, v25  }
0x54: {  	vm1 =	vmand vm7, vm1;
	v25 =	vsel vm3, v27, v25;
	v24 =	vsel vm3, v28, v24  }
0x55: {  	vm3 =	vgt.f32 v32, v12;
	v27 =	vnsel vm2, $0x7F800000, v31;
	vm2 =	veq.f32 v23, v12  }
0x56: {  	vm1 =	vmor vm3, vm1;
	vm3 =	vlt.f32 v27, v25;
	vm2 =	vmand vm10, vm2  }
0x57: {  	v25 =	vsel vm3, v27, v25;
	v24 =	vsel vm3, v26, v24;
	vm3 =	vgt.f32 v23, v12  }
0x58: {  	v26 =	vnsel vm1, $0x7F800000, v32;
	vm1 =	veq.f32 v22, v12;
	vm2 =	vmor vm3, vm2  }
0x59: {  	s31 =	simm.s32 $0x0;
	s1 =	simm.s32 $0x0;
	s0 =	simm.s32 $0x130;
	vm10 =	vgt.f32 v22, v12;
	vm1 =	vmand vm0, vm1;
	vm0 =	vlt.f32 v26, v25  }
.LBB2_5:
0x5a: {  	v25 =	vsel vm0, v26, v25  }
0x5b: {  	v20 =	vsel vm0, v20, v24;
	v23 =	vnsel vm2, $0x7F800000, v23;
	vm1 =	vmor vm10, vm1  }
0x5c: {  	vm2 =	vmand vm12, vm8;
	v32 =	vimm.s32 $0x0;
	v48 =	vimm.s32 $0x0  }
0x5d: {  	v49 =	vimm.s32 $0x0;
	v33 =	vimm.s32 $0x0;
	v51 =	vimm.s32 $0x0  }
0x5e: {  	s3 =	sadd.s32 $0xFFFFFFA0, s0;
	v52 =	vimm.s32 $0x0;
	v35 =	vimm.s32 $0x0;
	v54 =	vimm.s32 $0x0  }
0x5f: {  	v55 =	vimm.s32 $0x0;
	vm0 =	vlt.f32 v23, v25;
	v26 =	vor.u32 s3, v0  }
0x60: {  	v23 =	vsel vm0, v23, v25;
	v19 =	vsel vm0, v19, v20;
	v20 =	vnsel vm1, $0x7F800000, v22  }
0x61: {  	vm1 =	vmor vm4, vm2;
	vm2 =	vmand vm9, vm15;
	vm0 =	vlt.f32 v20, v23  }
0x62: {  	s1 =	sadd.s32 $0x500, s1;
	s12 =	sadd.s32 $0xFFFFFF70, s0;
	v20 =	vsel vm0, v20, v23;
	v18 =	vsel vm0, v18, v19;
	v19 =	vnsel vm1, $0x7F800000, v21  }
0x63: {  	s20 =	sadd.s32 $0xFFFFFFE0, s0;
	s10 =	sadd.s32 $0x380, s1;
	v27 =	vor.u32 s12, v0;
	vm1 =	vmor vm14, vm2;
	vm0 =	vlt.f32 v19, v20  }
0x64: {  	s17 =	sand.u32 $0x70, s20;
	s10 =	sand.u32 $0xFC00, s10;
	vm2 =	vmand vm6, vm5;
	v17 =	vnsel vm1, $0x7F800000, v17;
	v19 =	vsel vm0, v19, v20  }
0x65: {  	s4 =	sadd.s32 $0x180, s1;
	s10 =	sor.u32 s17, s10;
	vm1 =	vmor vm11, vm2;
	v16 =	vsel vm0, v16, v18;
	vm0 =	vlt.f32 v17, v19  }
0x66: {  	s18 =	sadd.s32 $0xFFFFFFF0, s0;
	s4 =	sand.u32 $0xFC00, s4;
	v21 =	vld.idx.msk [tilespmem:v10+s10+$0x0 ss:$0x1], $0xffff;
	s10 =	sand.u32 $0x70, s3;
	v18 =	vsel vm0, v17, v19;
	v14 =	vsel vm0, v14, v16;
	v16 =	vnsel vm1, $0x7F800000, v15  }
0x67: {  	s15 =	sand.u32 $0x60, s12;
	s17 =	sand.u32 $0x7C00, s1;
	s4 =	sor.u32 s10, s4;
	v20 =	vimm.s32 $0x0;
	v19 =	vor.u32 s0, v0;
	vm0 =	vlt.f32 v16, v18  }
0x68: {  	s19 =	sadd.s32 $0xFFFFFF80, s0;
	s23 =	sadd.s32 $0xFFFFFF90, s0;
	v31 =	vld.idx.msk [tilespmem:v10+s4+$0x0 ss:$0x1], $0xffff;
	vm1 =	vgt.s32 v19, v13;
	v25 =	vsel vm0, v11, v14;
	v14 =	vor.u32 s18, v0;
	s18 =	sor.u32 s15, s17  }
0x69: {  	s6 =	sand.u32 $0x70, s0;
	s16 =	sadd.s32 $0xFFFFFFD0, s0;
	s22 =	sadd.s32 $0xFFFFFFB0, s0;
	v28 =	vor.u32 s19, v0;
	v29 =	vor.u32 s23, v0;
	v20 =	vsel vm1, $0xFFFFFFFF, v20;
	v50 =	vld.idx.msk [tilespmem:v10+s18+$0x0 ss:$0x1], $0xffff  }
0x6a: {  	s8 =	sadd.s32 $0x480, s1;
	s2 =	sand.u32 $0x60, s22;
	vm9 =	vgt.s32 v27, v13;
	vm4 =	vgt.s32 v28, v13;
	[tilespmem:$0x1FF90] =	vst v20;
	v20 =	vor.u32 s22, v0;
	s22 =	sand.u32 $0x70, s19  }
0x6b: {  	s21 =	sadd.s32 $0xFFFFFFC0, s0;
	s8 =	sand.u32 $0xFC00, s8;
	vm2 =	vgt.s32 v29, v13;
	v24 =	vsel vm0, v16, v18;
	v18 =	vor.u32 s16, v0;
	s3 =	sor.u32 s22, s17  }
0x6c: {  	s13 =	sadd.s32 $0x100, s1;
	s6 =	sor.u32 s6, s8;
	v16 =	vor.u32 s20, v0;
	v11 =	vmovc v19;
	v19 =	vor.u32 s21, v0;
	vm0 =	vgt.s32 v18, v13;
	v34 =	vld.idx.msk [tilespmem:v10+s3+$0x0 ss:$0x1], $0xffff  }
0x6d: {  	v15 =	vld.idx.msk [tilespmem:v10+s6+$0x0 ss:$0x1], $0xffff;
	s6 =	sand.u32 $0x70, s21;
	s20 =	sand.u32 $0x60, s23;
	s21 =	sand.u32 $0xFC00, s13;
	vm6 =	vgt.f32 v31, v12;
	v32 =	vsel vm0, $0xFFFFFFFF, v32;
	vm0 =	vgt.s32 v16, v13  }
0x6e: {  	s23 =	sor.u32 s20, s21;
	vm11 =	veq.f32 v31, v12;
	[tilespmem:$0x1FFE0] =	vst v32;
	v32 =	vsel vm0, $0xFFFFFFFF, v48;
	vm5 =	veq.f32 v50, v12  }
0x6f: {  	s11 =	sadd.s32 $0x280, s1;
	v53 =	vld.idx.msk [tilespmem:v10+s23+$0x0 ss:$0x1], $0xffff;
	vm0 =	vgt.s32 v14, v13;
	vm12 =	vgt.f32 v50, v12;
	vm5 =	vmand vm9, vm5  }
0x70: {  	s11 =	sand.u32 $0xFC00, s11;
	[tilespmem:$0x1FF50] =	vst v32;
	v32 =	vsel vm0, $0xFFFFFFFF, v49;
	vm0 =	vgt.s32 v26, v13;
	vm5 =	vmor vm12, vm5  }
0x71: {  	s6 =	sor.u32 s6, s11;
	[tilespmem:$0x1FF60] =	vst v32;
	v33 =	vsel vm0, $0xFFFFFFFF, v33;
	vm12 =	veq.f32 v34, v12;
	v32 =	vnsel vm5, $0x7F800000, v50  }
0x72: {  	v23 =	vld.idx.msk [tilespmem:v10+s6+$0x0 ss:$0x1], $0xffff;
	vm0 =	vgt.s32 v20, v13;
	vm4 =	vmand vm4, vm12;
	vm12 =	vlt.f32 v32, v24  }
0x73: {  	[tilespmem:$0x1FF70] =	vst v33;
	v33 =	vsel vm0, $0xFFFFFFFF, v51;
	vm0 =	vgt.s32 v19, v13;
	v25 =	vsel vm12, v27, v25;
	v27 =	vld [tilespmem:$0x1FF50]  }
0x74: {  	[tilespmem:$0x1FFA0] =	vst v33;
	v33 =	vsel vm0, $0xFFFFFFFF, v52;
	vm0 =	veq.f32 v15, v12;
	vm9 =	vgt.f32 v53, v12;
	v58 =	vld [tilespmem:$0x1FF70]  }
0x75: {  	vm13 =	veq.f32 v53, v12;
	v35 =	vsel vm0, $0xFFFFFFFF, v35;
	vm0 =	vgt.f32 v21, v12  }
0x76: {  	vm2 =	vmand vm2, vm13;
	[tilespmem:$0x1FF80] =	vst v35;
	v35 =	vsel vm0, $0xFFFFFFFF, v54;
	vm5 =	vgt.f32 v34, v12  }
0x77: {  	vm0 =	vgt.f32 v23, v12;
	vm2 =	vmor vm9, vm2;
	vm4 =	vmor vm5, vm4  }
0x78: {  	v24 =	vsel vm12, v32, v24;
	vm12 =	vnez.u8 v27;
	v27 =	vnsel vm4, $0x7F800000, v34  }
0x79: {  	s9 =	sadd.s32 $0x300, s1;
	[tilespmem:$0x1FFB0] =	vst v35;
	v35 =	vsel vm0, $0xFFFFFFFF, v55;
	vm5 =	vnez.u8 v58;
	vm4 =	vlt.f32 v27, v24  }
0x7a: {  	s5 =	sadd.s32 $0x200, s1;
	s9 =	sand.u32 $0xFC00, s9;
	s8 =	sand.u32 $0x60, s16;
	vm5 =	vmand vm5, vm11;
	v24 =	vsel vm4, v27, v24;
	v27 =	vnsel vm2, $0x7F800000, v53  }
0x7b: {  	s5 =	sand.u32 $0xFC00, s5;
	s8 =	sor.u32 s8, s9;
	v25 =	vsel vm4, v28, v25;
	vm4 =	vmor vm6, vm5;
	vm2 =	vlt.f32 v27, v24  }
0x7c: {  	v22 =	vld.idx.msk [tilespmem:v10+s8+$0x0 ss:$0x1], $0xffff;
	s16 =	sor.u32 s2, s5;
	v24 =	vsel vm2, v27, v24;
	v27 =	vsel vm2, v29, v25;
	v25 =	vnsel vm4, $0x7F800000, v31  }
0x7d: {  	v30 =	vld.idx.msk [tilespmem:v10+s16+$0x0 ss:$0x1], $0xffff;
	[tilespmem:$0x1FFD0] =	vst v35;
	vm2 =	vlt.f32 v25, v24  }
0x7e: {  	v25 =	vsel vm2, v25, v24;
	v24 =	vsel vm2, v26, v27;
	v27 =	vld [tilespmem:$0x1FFD0]  }
0x7f: {  	v61 =	vld [tilespmem:$0x1FFA0]  }
0x80: {  	[tilespmem:$0x1FFC0] =	vst v33  }
0x81: {  	s7 =	sadd.s32 $0x400, s1;
	v63 =	vld [tilespmem:$0x1FFC0]  }
0x82: {  	v56 =	vimm.s32 $0x0;
	s7 =	sand.u32 $0xFC00, s7  }
0x83: {  	s7 =	sor.u32 s15, s7;
	vm7 =	vgt.f32 v15, v12;
	vm3 =	veq.f32 v30, v12;
	vm2 =	vnez.u8 v27;
	v27 =	vld [tilespmem:$0x1FFE0]  }
0x84: {  	v17 =	vld.idx.msk [tilespmem:v10+s7+$0x0 ss:$0x1], $0xffff;
	vm0 =	veq.f32 v22, v12;
	vm11 =	vmmov vm7;
	vm7 =	vnez.u8 v61  }
0x85: {  	v60 =	vld [tilespmem:$0x1FF90];
	v35 =	vsel vm0, $0xFFFFFFFF, v56;
	vm0 =	vgt.f32 v30, v12;
	vm3 =	vmand vm7, vm3  }
0x86: {  	vm1 =	veq.f32 v23, v12;
	v57 =	vld [tilespmem:$0x1FF60];
	vm0 =	vmor vm0, vm3;
	vm3 =	vnez.u8 v63  }
0x87: {  	v59 =	vld [tilespmem:$0x1FF80];
	[tilespmem:$0x1FFF0] =	vst v35;
	vm1 =	vmand vm3, vm1  }
0x88: {  	s31 =	sadd.s32 $0xA, s31;
	vm2 =	vmor vm2, vm1;
	vm1 =	vnez.u8 v27;
	v27 =	vld [tilespmem:$0x1FFF0]  }
0x89: {  	p1 =	slt.u32 s31, $0xF0;
	v62 =	vld [tilespmem:$0x1FFB0]  }
.Ltmp5:
0x8a: {  	_ = 	snop;
	(pc) =	sbr.rel @p1 .LBB2_5-.Ltmp5, $4  }
0x8b: {  	vm8 =	veq.f32 v21, v12;
	vm10 =	vgt.f32 v22, v12;
	vm14 =	vgt.f32 v17, v12  }
0x8c: {  	vm15 =	veq.f32 v17, v12;
	vm9 =	vnez.u8 v57;
	vm5 =	vnez.u8 v59  }
0x8d: {  	vm6 =	vnez.u8 v60;
	v26 =	vnsel vm0, $0x7F800000, v30;
	vm3 =	vnez.u8 v27  }
0x8e: {  	s0 =	sadd.s32 $0xA0, s0;
	vm4 =	vnez.u8 v62;
	vm0 =	vlt.f32 v26, v25;
	vm1 =	vmand vm1, vm3  }
0x8f: {  	v12 =	vsel vm0, v26, v25;
	v13 =	vnsel vm2, $0x7F800000, v23  }
0x90: {  	vm1 =	vmor vm10, vm1;
	vm2 =	vlt.f32 v13, v12  }
0x91: {  	vm3 =	vmand vm12, vm8;
	v52 =	vnsel vm1, $0x7F800000, v22;
	v12 =	vsel vm2, v13, v12  }
0x92: {  	vm3 =	vmor vm4, vm3;
	vm1 =	vlt.f32 v52, v12  }
0x93: {  	vm13 =	vmand vm9, vm15;
	v53 =	vnsel vm3, $0x7F800000, v21;
	v12 =	vsel vm1, v52, v12  }
0x94: {  	vm4 =	vmor vm14, vm13;
	vm3 =	vlt.f32 v53, v12  }
0x95: {  	vm5 =	vmand vm6, vm5;
	v54 =	vnsel vm4, $0x7F800000, v17;
	v12 =	vsel vm3, v53, v12  }
0x96: {  	vm5 =	vmor vm11, vm5;
	vm4 =	vlt.f32 v54, v12  }
0x97: {  	v55 =	vnsel vm5, $0x7F800000, v15;
	v12 =	vsel vm4, v54, v12  }
0x98: {  	vm5 =	vlt.f32 v55, v12  }
0x99: {  	v12 =	vsel vm5, v55, v12  }
0x9a: {  	v13 =	vperm.xlane v12, v1;
	_ =	sdelay $0x1  }
0x9b: {  	v13 =	vmin.f32 v12, v13  }
0x9c: {  	v56 =	vperm.xlane v13, v2;
	_ =	sdelay $0x1  }
0x9d: {  	v13 =	vmin.f32 v13, v56  }
0x9e: {  	v15 =	vperm.xlane v13, v3  }
0x9f: {  	v57 =	vsel vm0, v20, v24  }
0xa0: {  	v17 =	vsel vm2, v19, v57;
	v13 =	vmin.f32 v13, v15  }
0xa1: {  	v58 =	vsel vm1, v18, v17;
	v59 =	vperm.xlane v13, v4  }
0xa2: {  	v15 =	vsel vm3, v16, v58  }
0xa3: {  	v14 =	vsel vm4, v14, v15;
	v13 =	vmin.f32 v13, v59  }
0xa4: {  	v11 =	vsel vm5, v11, v14;
	vm14 =	veq.f32 v12, v13  }
0xa5: {  	v11 =	vnsel vm14, $0xFA0, v11  }
0xa6: {  	v60 =	vperm.xlane v11, v1;
	_ =	sdelay $0x1  }
0xa7: {  	vm0 =	vlt.s32 v11, v60  }
0xa8: {  	v11 =	vsel vm0, v11, v60  }
0xa9: {  	v12 =	vperm.xlane v11, v2;
	_ =	sdelay $0x1  }
0xaa: {  	vm0 =	vlt.s32 v11, v12  }
0xab: {  	v11 =	vsel vm0, v11, v12  }
0xac: {  	v12 =	vperm.xlane v11, v3;
	_ =	sdelay $0x1  }
0xad: {  	vm0 =	vlt.s32 v11, v12  }
0xae: {  	v11 =	vsel vm0, v11, v12  }
0xaf: {  	v12 =	vperm.xlane v11, v4;
	_ =	sdelay $0x1  }
0xb0: {  	vm0 =	vlt.s32 v11, v12  }
0xb1: {  	(v2sf) =	vpush v13, $0x0;
	v11 =	vsel vm0, v11, v12  }
0xb2: {  	(v2sf) =	vpush v11, $0x0;
	_ =	sdelay $0x7  }
0xb3: {  	v61 =	vld [tilespmem:s28+$0x13080]  }
0xb4: {  	v62 =	vld [tilespmem:s28+$0x13200];
	v63 =	vmov s30;
	s30 =	sadd.s32 $0x1, s30  }
0xb5: {  	p1 =	sne.s32 s30, s26  }
.Ltmp6:
0xb6: {  	_ = 	snop;
	(pc) =	sbr.rel @p1 .LBB2_4-.Ltmp6, $4  }
.Ltmp7:
0xb7: {  	vm15 =	veq.s32 v63, v0;
	(pc) =	sbr.rel @!p1 .LBB2_7-.Ltmp7, $4  }
0xb8: {  	v12 =	vsel vm15, v13, v61  }
0xb9: {  	s16 =	spop (v2sf);
	[tilespmem:s28+$0x13080] =	vst v12;
	v11 =	vsel vm15, v11, v62  }
0xba: {  	[tilespmem:s28+$0x13200] =	vst v11;
	s18 =	spop (v2sf)  }
0xbb: {  	_ = 	snop  }
.LBB2_8:
.Ltmp8:
0xbc: {  	(pc) =	sbr.rel .LBB2_9-.Ltmp8, $4  }
0xbd: {  	s0 =	simm.s32 $0x2  }
0xbe: {  	_ =	swait.ge [sflag:s0], $0x8000  }
0xbf: {  	[sflag:s0] =	ssyncset.done $0x0  }
0xc0: {  	s25 =	simm.s32 $0x0;
	[sflag:s0] =	ssyncadd.s32 $0xFFFF8000  }
.LBB2_14:
0xc1: {  	s25 =	sadd.s32 $0x1, s25  }
0xc2: {  	p1 =	sne.s32 s25, $0x8  }
.Ltmp9:
0xc3: {  	_ = 	snop;
	(pc) =	sbr.rel @!p1 .LBB2_15-.Ltmp9, $1  }
0xc4: {  	_ =	sdelay $0x3  }
.LBB2_9:
0xc5: {  	_ =	sdelay $0x3  }
0xc6: {  	v10 =	vld.idx.msk [tilespmem:v9+s25+$0x0 ss:$0x1], $0xffff;
	_ =	sdelay $0x4  }
0xc7: {  	(v2sf) =	vpush v10, $0x0;
	_ =	sdelay $0xe  }
0xc8: {  	s26 =	spop (v2sf)  }
0xc9: {  	p1 =	slt.s32 s26, $0x1  }
.Ltmp10:
0xca: {  	_ = 	snop;
	(pc) =	sbr.rel @p1 .LBB2_14-.Ltmp10, $1  }
0xcb: {  	_ =	sdelay $0x3  }
0xcc: {  	s28 =	sshll.u32 s25, $0x4;
	s0 =	sshll.u32 s25, $0x7;
	s29 =	simm.s32 $0x0  }
0xcd: {  	s16 =	simm.f32 $-Inf;
	s18 =	simm.s32 $0xFFFFFFFF;
	s30 =	simm.s32 $0x0;
	v10 =	vmov s0  }
.LBB2_11:
0xce: {  	s3 =	simm.s32 $0x90;
	s4 =	simm.s32 $0x80;
	s6 =	simm.s32 $0x480  }
0xcf: {  	s7 =	simm.s32 $0x70;
	s8 =	simm.s32 $0x400;
	s1 =	simm.s32 $0x50  }
0xd0: {  	s0 =	simm.s32 $0x60;
	s9 =	simm.s32 $0x0;
	s10 =	sand.u32 $0x7C00, s29  }
0xd1: {  	s13 =	simm.s32 $0x40;
	s12 =	sand.u32 $0x60, s9;
	s20 =	sor.u32 $0x8000, s10  }
0xd2: {  	v12 =	vmov s16;
	v13 =	vmov s18;
	v22 =	vimm.f32 $+Inf;
	s21 =	simm.s32 $0x10;
	s8 =	sand.u32 $0xFC00, s8;
	s15 =	sor.u32 s12, s20  }
0xd3: {  	v23 =	vimm.s32 $0xFA0;
	s22 =	simm.s32 $0x30;
	v11 =	vor.u32 s3, v0;
	v18 =	vor.u32 s0, v0;
	s23 =	sand.u32 $0x70, s21;
	s8 =	sor.u32 s12, s8;
	v24 =	vld.idx.msk [tilespmem:v10+s15+$0x0 ss:$0x1], $0xffff  }
0xd4: {  	s5 =	sand.u32 $0x70, s3;
	v16 =	vor.u32 s7, v0;
	v14 =	vor.u32 s4, v0;
	s6 =	sand.u32 $0xFC00, s6;
	v26 =	vor.u32 s22, v0;
	s3 =	sor.u32 s23, s20;
	v17 =	vld.idx.msk [tilespmem:v10+s8+$0x8000 ss:$0x1], $0xffff  }
0xd5: {  	s11 =	simm.s32 $0x20;
	v20 =	vor.u32 s13, v0;
	v19 =	vor.u32 s1, v0;
	v25 =	vor.u32 s9, v0;
	s6 =	sor.u32 s5, s6;
	v29 =	vld.idx.msk [tilespmem:v10+s3+$0x0 ss:$0x1], $0xffff  }
0xd6: {  	s2 =	simm.s32 $0x100;
	v27 =	vor.u32 s21, v0;
	v28 =	vor.u32 s11, v0;
	vm6 =	vgt.s32 v11, v13;
	v15 =	vld.idx.msk [tilespmem:v10+s6+$0x8000 ss:$0x1], $0xffff  }
0xd7: {  	s9 =	sand.u32 $0xFC00, s2;
	vm0 =	vgt.s32 v18, v13;
	vm12 =	vgt.s32 v16, v13;
	vm9 =	vgt.s32 v14, v13;
	s12 =	simm.s32 $0x380;
	s8 =	sand.u32 $0x60, s11  }
0xd8: {  	s16 =	sand.u32 $0x70, s7;
	vm8 =	vgt.s32 v26, v13;
	vm7 =	vgt.s32 v20, v13;
	vm10 =	vgt.s32 v19, v13;
	s3 =	sand.u32 $0xFC00, s12;
	s10 =	sor.u32 s8, s9  }
0xd9: {  	vm1 =	vgt.s32 v25, v13;
	vm2 =	vgt.s32 v27, v13;
	vm4 =	vgt.s32 v28, v13;
	s11 =	simm.s32 $0x180;
	s3 =	sor.u32 s16, s3;
	v30 =	vld.idx.msk [tilespmem:v10+s10+$0x8000 ss:$0x1], $0xffff  }
0xda: {  	s15 =	sand.u32 $0x70, s22;
	s4 =	sand.u32 $0xFC00, s11;
	v21 =	vld.idx.msk [tilespmem:v10+s3+$0x8000 ss:$0x1], $0xffff;
	vm3 =	veq.f32 v24, v12;
	vm5 =	vgt.f32 v24, v12;
	vm14 =	vgt.f32 v17, v12  }
0xdb: {  	s4 =	sor.u32 s15, s4;
	vm11 =	vgt.f32 v15, v12;
	vm1 =	vmand vm1, vm3;
	vm3 =	veq.f32 v29, v12  }
0xdc: {  	s17 =	simm.s32 $0x200;
	v31 =	vld.idx.msk [tilespmem:v10+s4+$0x8000 ss:$0x1], $0xffff;
	vm15 =	veq.f32 v17, v12;
	vm1 =	vmor vm5, vm1;
	vm2 =	vmand vm2, vm3  }
0xdd: {  	s18 =	sand.u32 $0x60, s13;
	s19 =	sand.u32 $0xFC00, s17;
	vm3 =	vgt.f32 v29, v12;
	vm5 =	veq.f32 v15, v12;
	v24 =	vnsel vm1, $0x7F800000, v24  }
0xde: {  	s20 =	simm.s32 $0x280;
	s3 =	sor.u32 s18, s19;
	vm1 =	veq.f32 v30, v12;
	vm2 =	vmor vm3, vm2;
	vm3 =	vlt.f32 v24, v22  }
0xdf: {  	s1 =	sand.u32 $0x70, s1;
	s21 =	sand.u32 $0xFC00, s20;
	v32 =	vld.idx.msk [tilespmem:v10+s3+$0x8000 ss:$0x1], $0xffff;
	vm1 =	vmand vm4, vm1;
	vm4 =	vgt.f32 v21, v12;
	v22 =	vsel vm3, v24, v22  }
0xe0: {  	s1 =	sor.u32 s1, s21;
	v24 =	vsel vm3, v25, v23;
	vm3 =	vgt.f32 v30, v12;
	v25 =	vnsel vm2, $0x7F800000, v29  }
0xe1: {  	s22 =	simm.s32 $0x300;
	vm2 =	veq.f32 v31, v12;
	v23 =	vld.idx.msk [tilespmem:v10+s1+$0x8000 ss:$0x1], $0xffff;
	vm1 =	vmor vm3, vm1;
	vm3 =	vlt.f32 v25, v22  }
0xe2: {  	s0 =	sand.u32 $0x60, s0;
	s23 =	sand.u32 $0xFC00, s22;
	vm2 =	vmand vm8, vm2;
	vm8 =	veq.f32 v21, v12;
	v25 =	vsel vm3, v25, v22  }
0xe3: {  	s0 =	sor.u32 s0, s23;
	v24 =	vsel vm3, v27, v24;
	vm3 =	vgt.f32 v31, v12;
	v27 =	vnsel vm1, $0x7F800000, v30  }
0xe4: {  	vm1 =	veq.f32 v32, v12;
	v22 =	vld.idx.msk [tilespmem:v10+s0+$0x8000 ss:$0x1], $0xffff;
	vm2 =	vmor vm3, vm2;
	vm3 =	vlt.f32 v27, v25  }
0xe5: {  	vm1 =	vmand vm7, vm1;
	v25 =	vsel vm3, v27, v25;
	v24 =	vsel vm3, v28, v24  }
0xe6: {  	vm3 =	vgt.f32 v32, v12;
	v27 =	vnsel vm2, $0x7F800000, v31;
	vm2 =	veq.f32 v23, v12  }
0xe7: {  	vm1 =	vmor vm3, vm1;
	vm3 =	vlt.f32 v27, v25;
	vm2 =	vmand vm10, vm2  }
0xe8: {  	v25 =	vsel vm3, v27, v25;
	v24 =	vsel vm3, v26, v24;
	vm3 =	vgt.f32 v23, v12  }
0xe9: {  	v26 =	vnsel vm1, $0x7F800000, v32;
	vm1 =	veq.f32 v22, v12;
	vm2 =	vmor vm3, vm2  }
0xea: {  	s31 =	simm.s32 $0x0;
	s1 =	simm.s32 $0x130;
	s0 =	simm.s32 $0x500;
	vm10 =	vgt.f32 v22, v12;
	vm1 =	vmand vm0, vm1;
	vm0 =	vlt.f32 v26, v25  }
.LBB2_12:
0xeb: {  	v25 =	vsel vm0, v26, v25  }
0xec: {  	v20 =	vsel vm0, v20, v24;
	v23 =	vnsel vm2, $0x7F800000, v23;
	vm1 =	vmor vm10, vm1  }
0xed: {  	vm2 =	vmand vm12, vm8;
	v32 =	vimm.s32 $0x0;
	v48 =	vimm.s32 $0x0  }
0xee: {  	v49 =	vimm.s32 $0x0;
	v33 =	vimm.s32 $0x0;
	v51 =	vimm.s32 $0x0  }
0xef: {  	v52 =	vimm.s32 $0x0;
	v35 =	vimm.s32 $0x0;
	vm0 =	vlt.f32 v23, v25  }
0xf0: {  	v23 =	vsel vm0, v23, v25;
	v19 =	vsel vm0, v19, v20;
	v20 =	vnsel vm1, $0x7F800000, v22  }
0xf1: {  	s18 =	sadd.s32 $0xFFFFFFF0, s1;
	vm1 =	vmor vm4, vm2;
	vm2 =	vmand vm9, vm15;
	vm0 =	vlt.f32 v20, v23  }
0xf2: {  	s3 =	sand.u32 $0x70, s1;
	s4 =	sadd.s32 $0x480, s0;
	s22 =	sadd.s32 $0xFFFFFFE0, s1;
	v20 =	vsel vm0, v20, v23;
	v18 =	vsel vm0, v18, v19;
	v19 =	vnsel vm1, $0x7F800000, v21  }
0xf3: {  	s5 =	sadd.s32 $0x380, s0;
	s16 =	sadd.s32 $0xFFFFFFD0, s1;
	s10 =	sadd.s32 $0xFFFFFFA0, s1;
	v54 =	vimm.s32 $0x0;
	vm1 =	vmor vm14, vm2;
	vm0 =	vlt.f32 v19, v20  }
0xf4: {  	s11 =	sadd.s32 $0x180, s0;
	s12 =	sadd.s32 $0xFFFFFF70, s1;
	s20 =	sadd.s32 $0xFFFFFF80, s1;
	vm2 =	vmand vm6, vm5;
	v17 =	vnsel vm1, $0x7F800000, v17;
	v19 =	vsel vm0, v19, v20  }
0xf5: {  	s15 =	sand.u32 $0x7C00, s0;
	s2 =	sand.u32 $0x70, s22;
	s5 =	sand.u32 $0xFC00, s5;
	vm1 =	vmor vm11, vm2;
	v16 =	vsel vm0, v16, v18;
	vm0 =	vlt.f32 v17, v19  }
0xf6: {  	s4 =	sand.u32 $0xFC00, s4;
	s17 =	sand.u32 $0x60, s12;
	s2 =	sor.u32 s2, s5;
	v18 =	vsel vm0, v17, v19;
	v14 =	vsel vm0, v14, v16;
	v16 =	vnsel vm1, $0x7F800000, v15  }
0xf7: {  	v55 =	vimm.s32 $0x0;
	s11 =	sand.u32 $0xFC00, s11;
	v26 =	vor.u32 s10, v0;
	s3 =	sor.u32 s3, s4;
	v21 =	vld.idx.msk [tilespmem:v10+s2+$0x8000 ss:$0x1], $0xffff;
	s2 =	sand.u32 $0x70, s10;
	vm0 =	vlt.f32 v16, v18  }
0xf8: {  	v27 =	vor.u32 s12, v0;
	s4 =	sand.u32 $0x60, s16;
	s2 =	sor.u32 s2, s11;
	v24 =	vsel vm0, v16, v18;
	v18 =	vor.u32 s16, v0;
	s16 =	sor.u32 $0x8000, s15  }
0xf9: {  	s21 =	sadd.s32 $0xFFFFFF90, s1;
	v28 =	vor.u32 s20, v0;
	v31 =	vld.idx.msk [tilespmem:v10+s2+$0x8000 ss:$0x1], $0xffff;
	v25 =	vsel vm0, v11, v14;
	v14 =	vor.u32 s18, v0;
	s18 =	sor.u32 s17, s16  }
0xfa: {  	v29 =	vor.u32 s21, v0;
	vm9 =	vgt.s32 v27, v13;
	v19 =	vor.u32 s1, v0;
	v50 =	vld.idx.msk [tilespmem:v10+s18+$0x0 ss:$0x1], $0xffff  }
0xfb: {  	v20 =	vimm.s32 $0x0;
	vm1 =	vgt.s32 v19, v13;
	v16 =	vor.u32 s22, v0;
	s22 =	sand.u32 $0x70, s20  }
0xfc: {  	s19 =	sadd.s32 $0xFFFFFFC0, s1;
	s23 =	sadd.s32 $0xFFFFFFB0, s1;
	vm4 =	vgt.s32 v28, v13;
	vm2 =	vgt.s32 v29, v13;
	v20 =	vsel vm1, $0xFFFFFFFF, v20;
	s2 =	sor.u32 s22, s16  }
0xfd: {  	s6 =	sadd.s32 $0x400, s0;
	s13 =	sadd.s32 $0x100, s0;
	v11 =	vmovc v19;
	v19 =	vor.u32 s19, v0;
	[tilespmem:$0x1FEE0] =	vst v20;
	v20 =	vor.u32 s23, v0;
	vm0 =	vgt.s32 v18, v13;
	v34 =	vld.idx.msk [tilespmem:v10+s2+$0x0 ss:$0x1], $0xffff  }
0xfe: {  	v15 =	vld.idx.msk [tilespmem:v10+s3+$0x8000 ss:$0x1], $0xffff;
	s3 =	sand.u32 $0x70, s19;
	s19 =	sand.u32 $0x60, s21;
	s21 =	sand.u32 $0xFC00, s13;
	vm6 =	vgt.f32 v31, v12;
	v32 =	vsel vm0, $0xFFFFFFFF, v32;
	vm0 =	vgt.s32 v16, v13  }
0xff: {  	s6 =	sand.u32 $0xFC00, s6;
	s5 =	sand.u32 $0x60, s23;
	s23 =	sor.u32 s19, s21;
	vm11 =	veq.f32 v31, v12;
	[tilespmem:$0x1FF30] =	vst v32;
	v32 =	vsel vm0, $0xFFFFFFFF, v48;
	vm5 =	veq.f32 v50, v12  }
0x100: {  	s9 =	sadd.s32 $0x280, s0;
	s6 =	sor.u32 s17, s6;
	v53 =	vld.idx.msk [tilespmem:v10+s23+$0x8000 ss:$0x1], $0xffff;
	vm0 =	vgt.s32 v14, v13;
	vm12 =	vgt.f32 v50, v12;
	vm5 =	vmand vm9, vm5  }
0x101: {  	v17 =	vld.idx.msk [tilespmem:v10+s6+$0x8000 ss:$0x1], $0xffff;
	s6 =	sand.u32 $0xFC00, s9;
	[tilespmem:$0x1FEA0] =	vst v32;
	v32 =	vsel vm0, $0xFFFFFFFF, v49;
	vm0 =	vgt.s32 v26, v13;
	vm5 =	vmor vm12, vm5  }
0x102: {  	s3 =	sor.u32 s3, s6;
	[tilespmem:$0x1FEB0] =	vst v32;
	v33 =	vsel vm0, $0xFFFFFFFF, v33;
	vm12 =	veq.f32 v34, v12;
	v32 =	vnsel vm5, $0x7F800000, v50  }
0x103: {  	v23 =	vld.idx.msk [tilespmem:v10+s3+$0x8000 ss:$0x1], $0xffff;
	vm0 =	vgt.s32 v20, v13;
	vm4 =	vmand vm4, vm12;
	vm12 =	vlt.f32 v32, v24  }
0x104: {  	[tilespmem:$0x1FEC0] =	vst v33;
	v33 =	vsel vm0, $0xFFFFFFFF, v51;
	vm0 =	vgt.s32 v19, v13;
	v25 =	vsel vm12, v27, v25;
	v27 =	vld [tilespmem:$0x1FEA0]  }
0x105: {  	[tilespmem:$0x1FEF0] =	vst v33;
	v33 =	vsel vm0, $0xFFFFFFFF, v52;
	vm0 =	veq.f32 v15, v12;
	vm7 =	veq.f32 v53, v12;
	v58 =	vld [tilespmem:$0x1FEC0]  }
0x106: {  	v35 =	vsel vm0, $0xFFFFFFFF, v35;
	vm0 =	vgt.f32 v21, v12;
	vm9 =	vgt.f32 v53, v12  }
0x107: {  	vm2 =	vmand vm2, vm7;
	[tilespmem:$0x1FED0] =	vst v35;
	v35 =	vsel vm0, $0xFFFFFFFF, v54;
	vm5 =	vgt.f32 v34, v12  }
0x108: {  	vm0 =	vgt.f32 v23, v12;
	vm2 =	vmor vm9, vm2;
	vm4 =	vmor vm5, vm4  }
0x109: {  	v24 =	vsel vm12, v32, v24;
	vm12 =	vnez.u8 v27;
	v27 =	vnsel vm4, $0x7F800000, v34  }
0x10a: {  	s7 =	sadd.s32 $0x300, s0;
	[tilespmem:$0x1FF00] =	vst v35;
	v35 =	vsel vm0, $0xFFFFFFFF, v55;
	vm5 =	vnez.u8 v58;
	vm4 =	vlt.f32 v27, v24  }
0x10b: {  	s8 =	sadd.s32 $0x200, s0;
	s7 =	sand.u32 $0xFC00, s7;
	vm5 =	vmand vm5, vm11;
	v24 =	vsel vm4, v27, v24;
	v27 =	vnsel vm2, $0x7F800000, v53  }
0x10c: {  	s4 =	sor.u32 s4, s7;
	s9 =	sand.u32 $0xFC00, s8;
	v25 =	vsel vm4, v28, v25;
	vm4 =	vmor vm6, vm5;
	vm2 =	vlt.f32 v27, v24  }
0x10d: {  	v22 =	vld.idx.msk [tilespmem:v10+s4+$0x8000 ss:$0x1], $0xffff;
	s5 =	sor.u32 s5, s9;
	v24 =	vsel vm2, v27, v24;
	v27 =	vsel vm2, v29, v25;
	v25 =	vnsel vm4, $0x7F800000, v31  }
0x10e: {  	v30 =	vld.idx.msk [tilespmem:v10+s5+$0x8000 ss:$0x1], $0xffff;
	[tilespmem:$0x1FF20] =	vst v35;
	vm2 =	vlt.f32 v25, v24  }
0x10f: {  	v25 =	vsel vm2, v25, v24;
	v24 =	vsel vm2, v26, v27;
	v27 =	vld [tilespmem:$0x1FF20]  }
0x110: {  	v61 =	vld [tilespmem:$0x1FEF0]  }
0x111: {  	[tilespmem:$0x1FF10] =	vst v33  }
0x112: {  	v63 =	vld [tilespmem:$0x1FF10];
	_ =	sdelay $0x1  }
0x113: {  	v56 =	vimm.s32 $0x0;
	vm2 =	vnez.u8 v27;
	v27 =	vld [tilespmem:$0x1FF30]  }
0x114: {  	vm3 =	veq.f32 v30, v12;
	vm0 =	veq.f32 v22, v12;
	vm7 =	vnez.u8 v61  }
0x115: {  	v60 =	vld [tilespmem:$0x1FEE0];
	v35 =	vsel vm0, $0xFFFFFFFF, v56;
	vm0 =	vgt.f32 v30, v12;
	vm3 =	vmand vm7, vm3  }
0x116: {  	vm1 =	veq.f32 v23, v12;
	v57 =	vld [tilespmem:$0x1FEB0];
	vm0 =	vmor vm0, vm3;
	vm3 =	vnez.u8 v63  }
0x117: {  	v59 =	vld [tilespmem:$0x1FED0];
	[tilespmem:$0x1FF40] =	vst v35;
	vm1 =	vmand vm3, vm1  }
0x118: {  	s31 =	sadd.s32 $0xA, s31;
	vm2 =	vmor vm2, vm1;
	vm1 =	vnez.u8 v27;
	v27 =	vld [tilespmem:$0x1FF40]  }
0x119: {  	p1 =	slt.u32 s31, $0xF0;
	v62 =	vld [tilespmem:$0x1FF00]  }
.Ltmp11:
0x11a: {  	vm8 =	veq.f32 v21, v12;
	vm10 =	vgt.f32 v22, v12;
	(pc) =	sbr.rel @p1 .LBB2_12-.Ltmp11, $4  }
0x11b: {  	vm14 =	vgt.f32 v17, v12;
	vm13 =	vgt.f32 v15, v12;
	vm15 =	veq.f32 v17, v12  }
0x11c: {  	vm9 =	vnez.u8 v57;
	vm11 =	vmmov vm13;
	vm5 =	vnez.u8 v59  }
0x11d: {  	vm6 =	vnez.u8 v60;
	v26 =	vnsel vm0, $0x7F800000, v30;
	vm3 =	vnez.u8 v27  }
0x11e: {  	s0 =	sadd.s32 $0x500, s0;
	s1 =	sadd.s32 $0xA0, s1;
	vm4 =	vnez.u8 v62;
	vm0 =	vlt.f32 v26, v25;
	vm1 =	vmand vm1, vm3  }
0x11f: {  	v12 =	vsel vm0, v26, v25;
	v13 =	vnsel vm2, $0x7F800000, v23  }
0x120: {  	vm1 =	vmor vm10, vm1;
	vm2 =	vlt.f32 v13, v12  }
0x121: {  	vm3 =	vmand vm12, vm8;
	v52 =	vnsel vm1, $0x7F800000, v22;
	v12 =	vsel vm2, v13, v12  }
0x122: {  	vm3 =	vmor vm4, vm3;
	vm1 =	vlt.f32 v52, v12  }
0x123: {  	vm13 =	vmand vm9, vm15;
	v53 =	vnsel vm3, $0x7F800000, v21;
	v12 =	vsel vm1, v52, v12  }
0x124: {  	vm4 =	vmor vm14, vm13;
	vm3 =	vlt.f32 v53, v12  }
0x125: {  	vm5 =	vmand vm6, vm5;
	v54 =	vnsel vm4, $0x7F800000, v17;
	v12 =	vsel vm3, v53, v12  }
0x126: {  	vm5 =	vmor vm11, vm5;
	vm4 =	vlt.f32 v54, v12  }
0x127: {  	v55 =	vnsel vm5, $0x7F800000, v15;
	v12 =	vsel vm4, v54, v12  }
0x128: {  	vm5 =	vlt.f32 v55, v12  }
0x129: {  	v12 =	vsel vm5, v55, v12  }
0x12a: {  	v13 =	vperm.xlane v12, v1;
	_ =	sdelay $0x1  }
0x12b: {  	v13 =	vmin.f32 v12, v13  }
0x12c: {  	v56 =	vperm.xlane v13, v2;
	_ =	sdelay $0x1  }
0x12d: {  	v13 =	vmin.f32 v13, v56  }
0x12e: {  	v15 =	vperm.xlane v13, v3  }
0x12f: {  	v57 =	vsel vm0, v20, v24  }
0x130: {  	v17 =	vsel vm2, v19, v57;
	v13 =	vmin.f32 v13, v15  }
0x131: {  	v58 =	vsel vm1, v18, v17;
	v59 =	vperm.xlane v13, v4  }
0x132: {  	v15 =	vsel vm3, v16, v58  }
0x133: {  	v14 =	vsel vm4, v14, v15;
	v13 =	vmin.f32 v13, v59  }
0x134: {  	v11 =	vsel vm5, v11, v14;
	vm14 =	veq.f32 v12, v13  }
0x135: {  	v11 =	vnsel vm14, $0xFA0, v11  }
0x136: {  	v60 =	vperm.xlane v11, v1;
	_ =	sdelay $0x1  }
0x137: {  	vm0 =	vlt.s32 v11, v60  }
0x138: {  	v11 =	vsel vm0, v11, v60  }
0x139: {  	v12 =	vperm.xlane v11, v2;
	_ =	sdelay $0x1  }
0x13a: {  	vm0 =	vlt.s32 v11, v12  }
0x13b: {  	v11 =	vsel vm0, v11, v12  }
0x13c: {  	v12 =	vperm.xlane v11, v3;
	_ =	sdelay $0x1  }
0x13d: {  	vm0 =	vlt.s32 v11, v12  }
0x13e: {  	v11 =	vsel vm0, v11, v12  }
0x13f: {  	v12 =	vperm.xlane v11, v4;
	_ =	sdelay $0x1  }
0x140: {  	vm0 =	vlt.s32 v11, v12  }
0x141: {  	(v2sf) =	vpush v13, $0x0;
	v11 =	vsel vm0, v11, v12  }
0x142: {  	(v2sf) =	vpush v11, $0x0;
	_ =	sdelay $0x7  }
0x143: {  	v61 =	vld [tilespmem:s28+$0x13100]  }
0x144: {  	v62 =	vld [tilespmem:s28+$0x13280];
	v63 =	vmov s30;
	s30 =	sadd.s32 $0x1, s30  }
0x145: {  	p1 =	sne.s32 s30, s26  }
.Ltmp12:
0x146: {  	_ = 	snop;
	(pc) =	sbr.rel @p1 .LBB2_11-.Ltmp12, $4  }
.Ltmp13:
0x147: {  	vm15 =	veq.s32 v63, v0;
	(pc) =	sbr.rel @!p1 .LBB2_14-.Ltmp13, $4  }
0x148: {  	v12 =	vsel vm15, v13, v61  }
0x149: {  	s16 =	spop (v2sf);
	[tilespmem:s28+$0x13100] =	vst v12;
	v11 =	vsel vm15, v11, v62  }
0x14a: {  	[tilespmem:s28+$0x13280] =	vst v11;
	s18 =	spop (v2sf)  }
0x14b: {  	_ = 	snop  }
.LBB2_15:
.Ltmp14:
0x14c: {  	(pc) =	sbr.rel @!p0 .LBB2_16-.Ltmp14, $1  }
0x14d: {  	_ =	sdelay $0x3  }
0x14e: {  	[bflag:$0x0] =	sbarrier.arrive $0xFFFF  }
0x14f: {  	s1 =	simm.s32 $0x13380;
	s0 =	rddreg [dreg:$0xb]  }
0x150: {  	[tilespmem:s1], [sflag:$0x3] =	stream.linear.gather [spmem:s0], $0x100, $0x38;
	[tilespmem:$0x13880] =	vst v63  }
0x151: {  	_ =	swait.ge [sflag:s14], $0x100  }
0x152: {  	[sflag:s14] =	ssyncset.done $0x0  }
0x153: {  	s30 =	simm.s32 $0x13500;
	s29 =	rddreg [dreg:$0xc];
	[sflag:s14] =	ssyncadd.s32 $0xFFFFFF00  }
0x154: {  	[tilespmem:s30], [sflag:$0x3] =	stream.linear.gather [spmem:s29], $0x100, $0x38;
	[tilespmem:$0x13880] =	vst v63  }
0x155: {  	_ =	swait.ge [sflag:s14], $0x100  }
0x156: {  	[sflag:s14] =	ssyncset.done $0x0  }
0x157: {  	s31 =	simm.s32 $0x100C0;
	[sflag:s14] =	ssyncadd.s32 $0xFFFFFF00  }
0x158: {  	s0 =	simm.s32 $0x110C0;
	[tilespmem:s31+$0xFFFFFFC0] =	vst v5  }
0x159: {  	[tilespmem:s0+$0xFFFFFFC0] =	vst v6  }
0x15a: {  	[tilespmem:s31+$0xFFFFFFD0] =	vst v5  }
0x15b: {  	[tilespmem:s0+$0xFFFFFFD0] =	vst v6  }
0x15c: {  	[tilespmem:s31+$0xFFFFFFE0] =	vst v5  }
0x15d: {  	[tilespmem:s0+$0xFFFFFFE0] =	vst v6  }
0x15e: {  	[tilespmem:s31+$0xFFFFFFF0] =	vst v5  }
0x15f: {  	[tilespmem:s0+$0xFFFFFFF0] =	vst v6  }
0x160: {  	[tilespmem:s31+$0x0] =	vst v5  }
0x161: {  	[tilespmem:s0+$0x0] =	vst v6  }
0x162: {  	[tilespmem:s31+$0x10] =	vst v5  }
0x163: {  	[tilespmem:s0+$0x10] =	vst v6  }
0x164: {  	[tilespmem:s31+$0x20] =	vst v5  }
0x165: {  	[tilespmem:s0+$0x20] =	vst v6  }
0x166: {  	[tilespmem:s31+$0x30] =	vst v5  }
0x167: {  	s13 =	simm.s32 $0x10140;
	s1 =	simm.s32 $0x0;
	[tilespmem:s0+$0x30] =	vst v6  }
.LBB2_18:
0x168: {  	[tilespmem:s13+$0xFFFFFFC0] =	vst v5;
	s0 =	sadd.s32 $0x80, s0  }
0x169: {  	[tilespmem:s0+$0xFFFFFFC0] =	vst v6  }
0x16a: {  	[tilespmem:s13+$0xFFFFFFD0] =	vst v5  }
0x16b: {  	[tilespmem:s0+$0xFFFFFFD0] =	vst v6  }
0x16c: {  	[tilespmem:s13+$0xFFFFFFE0] =	vst v5  }
0x16d: {  	[tilespmem:s0+$0xFFFFFFE0] =	vst v6  }
0x16e: {  	[tilespmem:s13+$0xFFFFFFF0] =	vst v5  }
0x16f: {  	[tilespmem:s0+$0xFFFFFFF0] =	vst v6  }
0x170: {  	[tilespmem:s13+$0x0] =	vst v5  }
0x171: {  	s1 =	sadd.s32 $0x8, s1;
	[tilespmem:s0+$0x0] =	vst v6  }
0x172: {  	p1 =	slt.u32 s1, $0xF0;
	[tilespmem:s13+$0x10] =	vst v5  }
.Ltmp15:
0x173: {  	[tilespmem:s0+$0x10] =	vst v6;
	(pc) =	sbr.rel @p1 .LBB2_18-.Ltmp15, $4  }
0x174: {  	[tilespmem:s13+$0x20] =	vst v5  }
0x175: {  	[tilespmem:s0+$0x20] =	vst v6  }
0x176: {  	[tilespmem:s13+$0x30] =	vst v5  }
0x177: {  	s13 =	sadd.s32 $0x80, s13;
	[tilespmem:s0+$0x30] =	vst v6  }
0x178: {  	[tilespmem:$0x11000] =	vst v5  }
0x179: {  	[tilespmem:$0x12000] =	vst v6  }
0x17a: {  	[tilespmem:$0x11010] =	vst v5  }
.Ltmp16:
0x17b: {  	[tilespmem:$0x12010] =	vst v6;
	(pc) =	sbr.rel .LBB2_20-.Ltmp16, $4  }
0x17c: {  	[tilespmem:$0x11020] =	vst v5  }
0x17d: {  	[tilespmem:$0x12020] =	vst v6  }
0x17e: {  	[tilespmem:$0x11030] =	vst v5  }
0x17f: {  	[tilespmem:$0x12030] =	vst v6;
	s0 =	simm.s32 $0x0;
	s1 =	simm.s32 $0x13080;
	s25 =	simm.s32 $0x13200  }
.LBB2_22:
0x180: {  	s26 =	smov.u32 s1  }
.LBB2_26:
0x181: {  	(v2sf) =	vpush v11, $0x0;
	_ =	sdelay $0xe  }
0x182: {  	s2 =	spop (v2sf)  }
0x183: {  	s3 =	sand.u32 $0xF, s2  }
0x184: {  	s4 =	sshra.s32 s2, $0x1F;
	p2 =	slt.s32 s2, $0x1;
	p3 =	sne.s32 s3, $0x0  }
0x185: {  	s5 =	sadd.s32 @p1 $0x1, s26;
	s31 =	sshrl.u32 s4, $0x1C;
	p2 =	por !p2, !p3  }
0x186: {  	s4 =	simm.s32 $0x1;
	s3 =	sadd.s32 s31, s2;
	p2 =	por !p2, !p2  }
0x187: {  	s6 =	smov.u32 s1;
	s3 =	sshrl.u32 s3, $0x4;
	s4 =	simm.s32 @!p2 $0x0  }
0x188: {  	s6 =	smov.u32 @p1 s5;
	s3 =	ssub.s32 s3, s4  }
0x189: {  	v11 =	vld.msk [tilespmem:s6+$0x0 ss:$0x0], $0xffff;
	s3 =	sshll.u32 s3, $0x4  }
0x18a: {  	v12 =	vld [tilespmem:s3+$0x10080];
	_ =	sdelay $0x1  }
0x18b: {  	v13 =	vld [tilespmem:s3+$0x11080]  }
0x18c: {  	s2 =	ssub.s32 s2, s3  }
0x18d: {  	v14 =	vmov s2  }
0x18e: {  	vm0 =	veq.s32 v14, v0;
	vm1 =	vlt.f32 v11, v12  }
0x18f: {  	vm0 =	vmand vm1, vm0  }
0x190: {  	v10 =	vsel vm0, v10, v13  }
0x191: {  	v11 =	vsel vm0, v11, v12;
	[tilespmem:s3+$0x11080] =	vst v10  }
0x192: {  	[tilespmem:s3+$0x10080] =	vst v11  }
.LBB2_27:
0x193: {  	s0 =	sadd.s32 $0x1, s0  }
0x194: {  	p1 =	sne.s32 s0, $0x10  }
.Ltmp17:
0x195: {  	_ = 	snop;
	(pc) =	sbr.rel @!p1 .LBB2_28-.Ltmp17, $2  }
0x196: {  	_ =	sdelay $0x2  }
0x197: {  	s1 =	sadd.s32 $0x10, s1;
	s25 =	sadd.s32 $0x10, s25  }
.LBB2_20:
0x198: {  	v10 =	vld [tilespmem:s0+$0x10000];
	_ =	sdelay $0x4  }
0x199: {  	(v2sf) =	vpush v10, $0x0;
	_ =	sdelay $0xe  }
0x19a: {  	s13 =	spop (v2sf)  }
0x19b: {  	p1 =	slt.s32 s13, $0x1  }
.Ltmp18:
0x19c: {  	_ = 	snop;
	(pc) =	sbr.rel @p1 .LBB2_27-.Ltmp18, $1  }
0x19d: {  	_ =	sdelay $0x3  }
0x19e: {  	p2 =	sne.s32 s13, $0x1  }
.Ltmp19:
0x19f: {  	v11 =	vld [tilespmem:s25+$0x0];
	(pc) =	sbr.rel @!p2 .LBB2_22-.Ltmp19, $2  }
0x1a0: {  	_ =	sdelay $0x2  }
0x1a1: {  	v10 =	vmov s0;
	s13 =	sadd.s32 $0xFFFFFFFF, s13;
	p1 =	por $0x0, $0x0  }
0x1a2: {  	(v2sf) =	vpush v11, $0x0;
	_ =	sdelay $0xe  }
0x1a3: {  	s2 =	spop (v2sf)  }
0x1a4: {  	s3 =	sand.u32 $0xF, s2  }
0x1a5: {  	s4 =	sshra.s32 s2, $0x1F;
	p1 =	slt.s32 s2, $0x1;
	p2 =	sne.s32 s3, $0x0  }
0x1a6: {  	s31 =	sshrl.u32 s4, $0x1C;
	p1 =	por !p1, !p2  }
0x1a7: {  	s4 =	simm.s32 $0x1;
	s3 =	sadd.s32 s31, s2;
	p1 =	por !p1, !p1  }
0x1a8: {  	s3 =	sshrl.u32 s3, $0x4;
	s4 =	simm.s32 @!p1 $0x0  }
0x1a9: {  	s3 =	ssub.s32 s3, s4  }
0x1aa: {  	v11 =	vld.msk [tilespmem:s1+$0x0 ss:$0x0], $0xffff;
	s3 =	sshll.u32 s3, $0x4  }
0x1ab: {  	v12 =	vld [tilespmem:s3+$0x10080];
	_ =	sdelay $0x1  }
0x1ac: {  	v13 =	vld [tilespmem:s3+$0x11080]  }
0x1ad: {  	s2 =	ssub.s32 s2, s3  }
0x1ae: {  	v14 =	vmov s2  }
0x1af: {  	vm0 =	veq.s32 v14, v0;
	vm1 =	vlt.f32 v11, v12  }
0x1b0: {  	vm0 =	vmand vm1, vm0  }
0x1b1: {  	v13 =	vsel vm0, v10, v13  }
0x1b2: {  	v11 =	vsel vm0, v11, v12;
	[tilespmem:s3+$0x11080] =	vst v13  }
0x1b3: {  	s18 =	sadd.s32 $0x1, s25;
	p2 =	sne.s32 s13, $0x1;
	[tilespmem:s3+$0x10080] =	vst v11  }
.Ltmp20:
0x1b4: {  	v11 =	vld [tilespmem:s18+$0x0];
	(pc) =	sbr.rel @!p2 .LBB2_24-.Ltmp20, $2  }
0x1b5: {  	_ =	sdelay $0x2  }
0x1b6: {  	s19 =	sadd.s32 $0xFFFFFFFF, s13;
	s26 =	smov.u32 s1;
	p1 =	por $0x1, $0x1  }
.LBB2_25:
0x1b7: {  	p2 =	sne.s32 s19, $0x1;
	_ =	sdelay $0x3  }
0x1b8: {  	(v2sf) =	vpush v11, $0x0;
	_ =	sdelay $0xe  }
0x1b9: {  	s2 =	spop (v2sf)  }
0x1ba: {  	s3 =	sand.u32 $0xF, s2  }
0x1bb: {  	s4 =	sshra.s32 s2, $0x1F;
	p3 =	slt.s32 s2, $0x1;
	p4 =	sne.s32 s3, $0x0  }
0x1bc: {  	s3 =	sshrl.u32 s4, $0x1C;
	p3 =	por !p3, !p4  }
0x1bd: {  	s4 =	simm.s32 $0x1;
	s3 =	sadd.s32 s3, s2;
	p3 =	por !p3, !p3  }
0x1be: {  	s3 =	sshrl.u32 s3, $0x4;
	s4 =	simm.s32 @!p3 $0x0  }
0x1bf: {  	s26 =	sadd.s32 $0x1, s26;
	s3 =	ssub.s32 s3, s4  }
0x1c0: {  	s3 =	sshll.u32 s3, $0x4;
	v11 =	vld.msk [tilespmem:s26+$0x0 ss:$0x0], $0xffff  }
0x1c1: {  	v12 =	vld [tilespmem:s3+$0x10080];
	_ =	sdelay $0x1  }
0x1c2: {  	v13 =	vld [tilespmem:s3+$0x11080]  }
0x1c3: {  	s2 =	ssub.s32 s2, s3  }
0x1c4: {  	v14 =	vmov s2  }
0x1c5: {  	vm0 =	veq.s32 v14, v0;
	vm1 =	vlt.f32 v11, v12  }
.Ltmp21:
0x1c6: {  	vm0 =	vmand vm1, vm0;
	(pc) =	sbr.rel @p2 .LBB2_25-.Ltmp21, $4  }
0x1c7: {  	v11 =	vsel vm0, v11, v12;
	v12 =	vsel vm0, v10, v13  }
0x1c8: {  	[tilespmem:s3+$0x11080] =	vst v12  }
0x1c9: {  	s18 =	sadd.s32 $0x1, s18;
	[tilespmem:s3+$0x10080] =	vst v11  }
0x1ca: {  	s19 =	sadd.s32 $0xFFFFFFFF, s19;
	v11 =	vld [tilespmem:s18+$0x0]  }
.Ltmp22:
0x1cb: {  	_ = 	snop;
	(pc) =	sbr.rel .LBB2_26-.Ltmp22, $1  }
0x1cc: {  	_ =	sdelay $0x3  }
.LBB2_24:
.Ltmp23:
0x1cd: {  	(pc) =	sbr.rel .LBB2_26-.Ltmp23, $2  }
0x1ce: {  	_ =	sdelay $0x2  }
0x1cf: {  	s26 =	smov.u32 s1  }
.LBB2_28:
.Ltmp24:
0x1d0: {  	(pc) =	sbr.rel .LBB2_29-.Ltmp24, $2  }
0x1d1: {  	_ =	sdelay $0x2  }
0x1d2: {  	s0 =	simm.s32 $0x0;
	s1 =	simm.s32 $0x13380;
	s25 =	simm.s32 $0x13500  }
.LBB2_31:
0x1d3: {  	s26 =	smov.u32 s1  }
.LBB2_35:
0x1d4: {  	(v2sf) =	vpush v11, $0x0;
	_ =	sdelay $0xe  }
0x1d5: {  	s2 =	spop (v2sf)  }
0x1d6: {  	s3 =	sand.u32 $0xF, s2  }
0x1d7: {  	s4 =	sshra.s32 s2, $0x1F;
	p2 =	slt.s32 s2, $0x1;
	p3 =	sne.s32 s3, $0x0  }
0x1d8: {  	s5 =	sadd.s32 @p1 $0x1, s26;
	s31 =	sshrl.u32 s4, $0x1C;
	p2 =	por !p2, !p3  }
0x1d9: {  	s4 =	simm.s32 $0x1;
	s3 =	sadd.s32 s31, s2;
	p2 =	por !p2, !p2  }
0x1da: {  	s6 =	smov.u32 s1;
	s3 =	sshrl.u32 s3, $0x4;
	s4 =	simm.s32 @!p2 $0x0  }
0x1db: {  	s6 =	smov.u32 @p1 s5;
	s3 =	ssub.s32 s3, s4  }
0x1dc: {  	v11 =	vld.msk [tilespmem:s6+$0x0 ss:$0x0], $0xffff;
	s3 =	sshll.u32 s3, $0x4  }
0x1dd: {  	v12 =	vld [tilespmem:s3+$0x10080];
	_ =	sdelay $0x1  }
0x1de: {  	v13 =	vld [tilespmem:s3+$0x11080]  }
0x1df: {  	s2 =	ssub.s32 s2, s3  }
0x1e0: {  	v14 =	vmov s2  }
0x1e1: {  	vm0 =	veq.s32 v14, v0;
	vm1 =	vlt.f32 v11, v12  }
0x1e2: {  	vm0 =	vmand vm1, vm0  }
0x1e3: {  	v10 =	vsel vm0, v10, v13  }
0x1e4: {  	v11 =	vsel vm0, v11, v12;
	[tilespmem:s3+$0x11080] =	vst v10  }
0x1e5: {  	[tilespmem:s3+$0x10080] =	vst v11  }
.LBB2_36:
0x1e6: {  	s0 =	sadd.s32 $0x1, s0  }
0x1e7: {  	p1 =	sne.s32 s0, $0x10  }
.Ltmp25:
0x1e8: {  	_ = 	snop;
	(pc) =	sbr.rel @!p1 .LBB2_37-.Ltmp25, $2  }
0x1e9: {  	_ =	sdelay $0x2  }
0x1ea: {  	s1 =	sadd.s32 $0x10, s1;
	s25 =	sadd.s32 $0x10, s25  }
.LBB2_29:
0x1eb: {  	v10 =	vld [tilespmem:s0+$0x10010];
	_ =	sdelay $0x4  }
0x1ec: {  	(v2sf) =	vpush v10, $0x0;
	_ =	sdelay $0xe  }
0x1ed: {  	s13 =	spop (v2sf)  }
0x1ee: {  	p1 =	slt.s32 s13, $0x1  }
.Ltmp26:
0x1ef: {  	_ = 	snop;
	(pc) =	sbr.rel @p1 .LBB2_36-.Ltmp26, $1  }
0x1f0: {  	_ =	sdelay $0x3  }
0x1f1: {  	p2 =	sne.s32 s13, $0x1  }
.Ltmp27:
0x1f2: {  	v11 =	vld [tilespmem:s25+$0x0];
	(pc) =	sbr.rel @!p2 .LBB2_31-.Ltmp27, $3  }
0x1f3: {  	_ =	sdelay $0x1  }
0x1f4: {  	s2 =	sor.u32 $0x10, s0  }
0x1f5: {  	s13 =	sadd.s32 $0xFFFFFFFF, s13;
	p1 =	por $0x0, $0x0;
	v10 =	vmov s2  }
0x1f6: {  	(v2sf) =	vpush v11, $0x0;
	_ =	sdelay $0xe  }
0x1f7: {  	s2 =	spop (v2sf)  }
0x1f8: {  	s3 =	sand.u32 $0xF, s2  }
0x1f9: {  	s4 =	sshra.s32 s2, $0x1F;
	p1 =	slt.s32 s2, $0x1;
	p2 =	sne.s32 s3, $0x0  }
0x1fa: {  	s31 =	sshrl.u32 s4, $0x1C;
	p1 =	por !p1, !p2  }
0x1fb: {  	s4 =	simm.s32 $0x1;
	s3 =	sadd.s32 s31, s2;
	p1 =	por !p1, !p1  }
0x1fc: {  	s3 =	sshrl.u32 s3, $0x4;
	s4 =	simm.s32 @!p1 $0x0  }
0x1fd: {  	s3 =	ssub.s32 s3, s4  }
0x1fe: {  	v11 =	vld.msk [tilespmem:s1+$0x0 ss:$0x0], $0xffff;
	s3 =	sshll.u32 s3, $0x4  }
0x1ff: {  	v12 =	vld [tilespmem:s3+$0x10080];
	_ =	sdelay $0x1  }
0x200: {  	v13 =	vld [tilespmem:s3+$0x11080]  }
0x201: {  	s2 =	ssub.s32 s2, s3  }
0x202: {  	v14 =	vmov s2  }
0x203: {  	vm0 =	veq.s32 v14, v0;
	vm1 =	vlt.f32 v11, v12  }
0x204: {  	vm0 =	vmand vm1, vm0  }
0x205: {  	v13 =	vsel vm0, v10, v13  }
0x206: {  	v11 =	vsel vm0, v11, v12;
	[tilespmem:s3+$0x11080] =	vst v13  }
0x207: {  	s18 =	sadd.s32 $0x1, s25;
	p2 =	sne.s32 s13, $0x1;
	[tilespmem:s3+$0x10080] =	vst v11  }
.Ltmp28:
0x208: {  	v11 =	vld [tilespmem:s18+$0x0];
	(pc) =	sbr.rel @!p2 .LBB2_33-.Ltmp28, $2  }
0x209: {  	_ =	sdelay $0x2  }
0x20a: {  	s19 =	sadd.s32 $0xFFFFFFFF, s13;
	s26 =	smov.u32 s1;
	p1 =	por $0x1, $0x1  }
.LBB2_34:
0x20b: {  	p2 =	sne.s32 s19, $0x1;
	_ =	sdelay $0x3  }
0x20c: {  	(v2sf) =	vpush v11, $0x0;
	_ =	sdelay $0xe  }
0x20d: {  	s2 =	spop (v2sf)  }
0x20e: {  	s3 =	sand.u32 $0xF, s2  }
0x20f: {  	s4 =	sshra.s32 s2, $0x1F;
	p3 =	slt.s32 s2, $0x1;
	p4 =	sne.s32 s3, $0x0  }
0x210: {  	s3 =	sshrl.u32 s4, $0x1C;
	p3 =	por !p3, !p4  }
0x211: {  	s4 =	simm.s32 $0x1;
	s3 =	sadd.s32 s3, s2;
	p3 =	por !p3, !p3  }
0x212: {  	s3 =	sshrl.u32 s3, $0x4;
	s4 =	simm.s32 @!p3 $0x0  }
0x213: {  	s26 =	sadd.s32 $0x1, s26;
	s3 =	ssub.s32 s3, s4  }
0x214: {  	s3 =	sshll.u32 s3, $0x4;
	v11 =	vld.msk [tilespmem:s26+$0x0 ss:$0x0], $0xffff  }
0x215: {  	v12 =	vld [tilespmem:s3+$0x10080];
	_ =	sdelay $0x1  }
0x216: {  	v13 =	vld [tilespmem:s3+$0x11080]  }
0x217: {  	s2 =	ssub.s32 s2, s3  }
0x218: {  	v14 =	vmov s2  }
0x219: {  	vm0 =	veq.s32 v14, v0;
	vm1 =	vlt.f32 v11, v12  }
.Ltmp29:
0x21a: {  	vm0 =	vmand vm1, vm0;
	(pc) =	sbr.rel @p2 .LBB2_34-.Ltmp29, $4  }
0x21b: {  	v11 =	vsel vm0, v11, v12;
	v12 =	vsel vm0, v10, v13  }
0x21c: {  	[tilespmem:s3+$0x11080] =	vst v12  }
0x21d: {  	s18 =	sadd.s32 $0x1, s18;
	[tilespmem:s3+$0x10080] =	vst v11  }
0x21e: {  	s19 =	sadd.s32 $0xFFFFFFFF, s19;
	v11 =	vld [tilespmem:s18+$0x0]  }
.Ltmp30:
0x21f: {  	_ = 	snop;
	(pc) =	sbr.rel .LBB2_35-.Ltmp30, $1  }
0x220: {  	_ =	sdelay $0x3  }
.LBB2_33:
.Ltmp31:
0x221: {  	(pc) =	sbr.rel .LBB2_35-.Ltmp31, $2  }
0x222: {  	_ =	sdelay $0x2  }
0x223: {  	s26 =	smov.u32 s1  }
.LBB2_37:
0x224: {  	s1 =	simm.s32 $0x110C0  }
0x225: {  	v10 =	vld [tilespmem:s1+$0xFFFFFFC0];
	_ =	sdelay $0x4  }
0x226: {  	vm0 =	vgt.s32 v10, $0xFFFFFFFF  }
0x227: {  	s0 =	simm.s32 $0x120C0;
	v10 =	vsel vm0, $0x1, v7  }
0x228: {  	[tilespmem:s0+$0xFFFFFFC0] =	vst v10  }
0x229: {  	v10 =	vld [tilespmem:s1+$0xFFFFFFD0];
	_ =	sdelay $0x4  }
0x22a: {  	vm9 =	vgt.s32 v10, $0xFFFFFFFF  }
0x22b: {  	v10 =	vsel vm9, $0x1, v7  }
0x22c: {  	[tilespmem:s0+$0xFFFFFFD0] =	vst v10  }
0x22d: {  	v10 =	vld [tilespmem:s1+$0xFFFFFFE0];
	_ =	sdelay $0x4  }
0x22e: {  	vm10 =	vgt.s32 v10, $0xFFFFFFFF  }
0x22f: {  	v10 =	vsel vm10, $0x1, v7  }
0x230: {  	[tilespmem:s0+$0xFFFFFFE0] =	vst v10  }
0x231: {  	v10 =	vld [tilespmem:s1+$0xFFFFFFF0];
	_ =	sdelay $0x4  }
0x232: {  	vm11 =	vgt.s32 v10, $0xFFFFFFFF  }
0x233: {  	v10 =	vsel vm11, $0x1, v7  }
0x234: {  	[tilespmem:s0+$0xFFFFFFF0] =	vst v10  }
0x235: {  	v10 =	vld [tilespmem:s1+$0x0];
	_ =	sdelay $0x4  }
0x236: {  	vm12 =	vgt.s32 v10, $0xFFFFFFFF  }
0x237: {  	v10 =	vsel vm12, $0x1, v7  }
0x238: {  	[tilespmem:s0+$0x0] =	vst v10  }
0x239: {  	v10 =	vld [tilespmem:s1+$0x10];
	_ =	sdelay $0x4  }
0x23a: {  	vm13 =	vgt.s32 v10, $0xFFFFFFFF  }
0x23b: {  	v10 =	vsel vm13, $0x1, v7  }
0x23c: {  	[tilespmem:s0+$0x10] =	vst v10  }
0x23d: {  	v10 =	vld [tilespmem:s1+$0x20];
	_ =	sdelay $0x4  }
0x23e: {  	vm14 =	vgt.s32 v10, $0xFFFFFFFF  }
0x23f: {  	v10 =	vsel vm14, $0x1, v7  }
0x240: {  	[tilespmem:s0+$0x20] =	vst v10  }
0x241: {  	v10 =	vld [tilespmem:s1+$0x30];
	_ =	sdelay $0x4  }
0x242: {  	vm15 =	vgt.s32 v10, $0xFFFFFFFF  }
0x243: {  	v10 =	vsel vm15, $0x1, v7  }
0x244: {  	s25 =	simm.s32 $0x11140;
	s1 =	simm.s32 $0x0;
	[tilespmem:s0+$0x30] =	vst v10  }
.LBB2_38:
0x245: {  	v10 =	vld [tilespmem:s25+$0xFFFFFFC0];
	s1 =	sadd.s32 $0x8, s1  }
0x246: {  	p1 =	slt.u32 s1, $0xF0;
	_ =	sdelay $0x3  }
0x247: {  	vm0 =	vgt.s32 v10, $0xFFFFFFFF  }
0x248: {  	s0 =	sadd.s32 $0x80, s0;
	v10 =	vsel vm0, $0x1, v7  }
0x249: {  	[tilespmem:s0+$0xFFFFFFC0] =	vst v10  }
0x24a: {  	v10 =	vld [tilespmem:s25+$0xFFFFFFD0];
	_ =	sdelay $0x4  }
0x24b: {  	vm0 =	vgt.s32 v10, $0xFFFFFFFF  }
0x24c: {  	v10 =	vsel vm0, $0x1, v7  }
0x24d: {  	[tilespmem:s0+$0xFFFFFFD0] =	vst v10  }
0x24e: {  	v10 =	vld [tilespmem:s25+$0xFFFFFFE0];
	_ =	sdelay $0x4  }
0x24f: {  	vm0 =	vgt.s32 v10, $0xFFFFFFFF  }
0x250: {  	v10 =	vsel vm0, $0x1, v7  }
0x251: {  	[tilespmem:s0+$0xFFFFFFE0] =	vst v10  }
0x252: {  	v10 =	vld [tilespmem:s25+$0xFFFFFFF0];
	_ =	sdelay $0x4  }
0x253: {  	vm0 =	vgt.s32 v10, $0xFFFFFFFF  }
0x254: {  	v10 =	vsel vm0, $0x1, v7  }
0x255: {  	[tilespmem:s0+$0xFFFFFFF0] =	vst v10  }
0x256: {  	v10 =	vld [tilespmem:s25+$0x0];
	_ =	sdelay $0x4  }
0x257: {  	vm0 =	vgt.s32 v10, $0xFFFFFFFF  }
0x258: {  	v10 =	vsel vm0, $0x1, v7  }
0x259: {  	[tilespmem:s0+$0x0] =	vst v10  }
0x25a: {  	v10 =	vld [tilespmem:s25+$0x10];
	_ =	sdelay $0x4  }
0x25b: {  	vm0 =	vgt.s32 v10, $0xFFFFFFFF  }
0x25c: {  	v10 =	vsel vm0, $0x1, v7  }
0x25d: {  	[tilespmem:s0+$0x10] =	vst v10  }
0x25e: {  	v10 =	vld [tilespmem:s25+$0x20];
	_ =	sdelay $0x4  }
0x25f: {  	vm0 =	vgt.s32 v10, $0xFFFFFFFF  }
0x260: {  	v10 =	vsel vm0, $0x1, v7  }
0x261: {  	[tilespmem:s0+$0x20] =	vst v10  }
0x262: {  	v10 =	vld [tilespmem:s25+$0x30];
	_ =	sdelay $0x2  }
.Ltmp32:
0x263: {  	(pc) =	sbr.rel @p1 .LBB2_38-.Ltmp32, $4  }
0x264: {  	_ = 	snop  }
0x265: {  	vm0 =	vgt.s32 v10, $0xFFFFFFFF  }
0x266: {  	v10 =	vsel vm0, $0x1, v7  }
0x267: {  	s25 =	sadd.s32 $0x80, s25;
	[tilespmem:s0+$0x30] =	vst v10  }
0x268: {  	v10 =	vld [tilespmem:$0x12000]  }
0x269: {  	v11 =	vld [tilespmem:$0x12010];
	_ =	sdelay $0x3  }
0x26a: {  	vm0 =	vgt.s32 v10, $0xFFFFFFFF  }
0x26b: {  	vm15 =	vgt.s32 v11, $0xFFFFFFFF;
	v10 =	vsel vm0, $0x1, v7  }
0x26c: {  	[tilespmem:$0x13000] =	vst v10;
	v10 =	vsel vm15, $0x1, v7  }
0x26d: {  	s0 =	simm.s32 $0x0;
	s1 =	rddreg [dreg:$0xd];
	s2 =	simm.s32 $0x11080;
	[tilespmem:$0x13010] =	vst v10  }
0x26e: {  	[hbm4b:s1+s0] =	stream.linear.scatter [tilespmem:s2], [sflag:$0x3], $0xFA0, $0x38;
	[tilespmem:$0x13880] =	vst v63  }
0x26f: {  	_ =	swait.ge [sflag:s14], $0xFA0  }
0x270: {  	s31 =	simm.s32 $0x12080;
	[sflag:s14] =	ssyncset.done $0x0  }
.Ltmp33:
0x271: {  	s30 =	rddreg [dreg:$0xe];
	[sflag:s14] =	ssyncadd.s32 $0xFFFFF060;
	(pc) =	sbr.rel .LBB2_40-.Ltmp33, $4  }
0x272: {  	[hbm4b:s30+s0] =	stream.linear.scatter [tilespmem:s31], [sflag:$0x3], $0xFA0, $0x38;
	[tilespmem:$0x13880] =	vst v63  }
0x273: {  	_ =	swait.ge [sflag:s14], $0xFA0  }
0x274: {  	[sflag:s14] =	ssyncset.done $0x0  }
0x275: {  	[sflag:s14] =	ssyncadd.s32 $0xFFFFF060  }
.LBB2_41:
0x276: {  	_ =	sfence.sel $0x180000  }
0x277: {  	[bflag:$0x0] =	sbarrier.arrive $0xFFFF  }
0x278: {  	_ =	strace $0x90000047  }
0x279: {  	s0 =	stileid.u32;
	[bflag:$0x2] =	sbarrier.arrive $0xFFFF  }
0x27a: {  	p0 =	sne.s32 s0, $0x0;
	s0 =	rddreg [dreg:$0x5]  }
0x27b: {  	s0 =	sadd.s32 @!p0 $0x100000, s0  }
0x27c: {  	[sflag:s0] =	ssyncadd.tile.s32 @!p0 $0x1;
	_ =	shalt  }
.Lfunc_end2:
_tile_overlayer_lowered:
.L_overlay_start_2:
0x27d: {  	(tag) =	ssettag $0x2  }
0x27e: {  	s0 =	rddreg [dreg:$0x0];
	s2 =	stileid.u32  }
0x27f: {  	s1 =	rddreg [dreg:$0x1];
	p0 =	sne.s32 s2, $0x0  }
0x280: {  	s3 =	rddreg [dreg:$0x2];
	[bflag:$0x3] =	sbarrier.arrive $0xFFFF;
	s2 =	simm.s32 @!p0 $0x1C03  }
0x281: {  	[timem:s3], [sflag:s2] =	dma.local @!p0 [hbm:s0], s1  }
0x282: {  	s0 =	simm.s32 @!p0 $0x3  }
0x283: {  	_ =	swait.ge @!p0 [sflag:s0], s1  }
0x284: {  	s1 =	ssub.s32 @!p0 $0x0, s1;
	[sflag:s0] =	ssyncset.done @!p0 $0x0  }
0x285: {  	[sflag:s0] =	ssyncadd.s32 @!p0 s1  }
0x286: {  	[bflag:$0x3] =	sbarrier.arrive $0xFFFF  }
0x287: {  	_ =	shalt  }

</sc_bundles>
